<compile_context>
chip_gen: v7x
topology: tpu7x:2x2x1
jax: 0.10.2.dev20260603
libtpu: 0.0.44.dev20260713+nightly
codegen_flags: <defaults>
</compile_context>

<pallas_src>
import functools

import jax
import jax.numpy as jnp
import numpy as np
from jax import lax
from jax.experimental import pallas as pl
from jax.experimental.pallas import tpu as pltpu
from jax.experimental.pallas import tpu_sc as plsc

N, M, P, CH, HW, K, OUT = 2, 2048, 8192, 32, 256, 4, 3
NM = N * M
BM = 256
MB = M // BM
BMC = 512
NPLANES = 3
NCORNERS = 4 * NPLANES
DPT = 128

_SINP = np.array([c * 4 + f for f in range(4) for c in range(3)],
                 dtype=np.int32)

_FBIG = np.zeros((80, 16), dtype=np.float32)
for _k in range(5):
    for _f in range(4):
        for _c in range(3):
            _FBIG[_k * 16 + _f * 3 + _c, _k * 3 + _c] = float(2.0 ** _f)

_BCEXP = np.zeros((NCORNERS * DPT, 64), dtype=np.float32)
for _j in range(NCORNERS):
    for _t in range(4):
        for _ch in range(CH):
            _BCEXP[_j * DPT + _t * CH + _ch, _t * 16 + _j] = 1.0



def _stage_a_body(c8_ref, ptst_ref, dist_ref, idxp_ref, idxt_ref, cw_ref):
    n = pl.program_id(0)
    c8 = c8_ref[...]
    ptst = ptst_ref[0]
    csq = c8[:, 3:4]
    psq = ptst[4:5, :]
    dot = lax.dot_general(c8[:, :3], ptst[:3, :], (((1,), (0,)), ((), ())),
                          preferred_element_type=jnp.float32)
    d2 = csq + psq - 2.0 * dot
    iota = lax.broadcasted_iota(jnp.int32, (BM, P), 1)

    dist_cols, idx_cols = [], []
    for _ in range(K):
        mval = jnp.min(d2, axis=1, keepdims=True)
        idxk = jnp.min(jnp.where(d2 == mval, iota, P), axis=1,
                       keepdims=True)
        d2 = jnp.where(iota == idxk, jnp.float32(jnp.inf), d2)
        dist_cols.append(mval)
        idx_cols.append(idxk)
    zf = jnp.zeros((BM, 8 - K), jnp.float32)
    zi = jnp.zeros((BM, 8 - K), jnp.int32)
    dist_ref[...] = jnp.concatenate(dist_cols + [zf], axis=1)
    idxp_ref[...] = jnp.concatenate(idx_cols + [zi], axis=1) + n * P

    cr = c8[:, :3].astype(jnp.bfloat16).astype(jnp.float32)
    ci_cols = []
    cwt_cols = [[] for _ in range(4)]
    for p_i, (ux, vy) in enumerate(((0, 1), (0, 2), (2, 1))):
        x = (cr[:, ux:ux + 1] + 1.0) * (0.5 * HW) - 0.5
        y = (cr[:, vy:vy + 1] + 1.0) * (0.5 * HW) - 0.5
        x0 = jnp.floor(x)
        y0 = jnp.floor(y)
        wx1 = x - x0
        wy1 = y - y0
        base = (n * NPLANES + p_i) * (HW * (HW // 4))
        for dx, dy, wgt in ((0, 0, (1.0 - wx1) * (1.0 - wy1)),
                            (1, 0, wx1 * (1.0 - wy1)),
                            (0, 1, (1.0 - wx1) * wy1),
                            (1, 1, wx1 * wy1)):
            xi = x0 + dx
            yi = y0 + dy
            valid = ((xi >= 0) & (xi < HW) & (yi >= 0) & (yi < HW))
            xc = jnp.clip(xi, 0, HW - 1).astype(jnp.int32)
            yc = jnp.clip(yi, 0, HW - 1).astype(jnp.int32)
            ci_cols.append(base + yc * (HW // 4) + (xc >> 2))
            sub = xc & 3
            w = wgt * valid.astype(jnp.float32) * (1.0 / 3.0)
            for t in range(4):
                cwt_cols[t].append(w * (sub == t).astype(jnp.float32))
    zi = jnp.zeros((BM, 16 - NCORNERS), jnp.int32)
    zf = jnp.zeros((BM, 16 - NCORNERS), jnp.float32)
    idxt_ref[...] = jnp.concatenate(ci_cols + [zi], axis=1)
    cw_ref[...] = jnp.concatenate(
        [col for t in range(4) for col in (cwt_cols[t] + [zf[:, :1]] * 4)],
        axis=1)


def _stage_a(c8, ptst8):
    return pl.pallas_call(
        _stage_a_body,
        grid=(N, MB),
        in_specs=[
            pl.BlockSpec((BM, 8), lambda n, mb: (n * MB + mb, 0)),
            pl.BlockSpec((1, 8, P), lambda n, mb: (n, 0, 0)),
        ],
        out_specs=[
            pl.BlockSpec((BM, 8), lambda n, mb: (n * MB + mb, 0)),
            pl.BlockSpec((BM, 8), lambda n, mb: (n * MB + mb, 0)),
            pl.BlockSpec((BM, 16), lambda n, mb: (n * MB + mb, 0)),
            pl.BlockSpec((BM, 64), lambda n, mb: (n * MB + mb, 0)),
        ],
        out_shape=[
            jax.ShapeDtypeStruct((NM, 8), jnp.float32),
            jax.ShapeDtypeStruct((NM, 8), jnp.int32),
            jax.ShapeDtypeStruct((NM, 16), jnp.int32),
            jax.ShapeDtypeStruct((NM, 64), jnp.float32),
        ],
    )(c8, ptst8)



def _sc_gather(table_pts, table_tex, idxp_t, idxt_t):
    info = plsc.get_sparse_core_info()
    nw = info.num_cores * info.num_subcores
    chunk = NM // nw
    mesh = plsc.VectorSubcoreMesh(core_axis_name="c", subcore_axis_name="s")

    @functools.partial(
        pl.kernel, mesh=mesh,
        out_type=[
            jax.ShapeDtypeStruct((K, NM, DPT), jnp.float32),
            jax.ShapeDtypeStruct((NCORNERS, NM, DPT), jnp.float32),
        ],
        scratch_types=[
            pltpu.VMEM((K, chunk), jnp.int32),
            pltpu.VMEM((NCORNERS, chunk), jnp.int32),
            pltpu.VMEM((4, chunk, DPT), jnp.float32),
            pltpu.SemaphoreType.DMA,
        ],
    )
    def run(tp_hbm, tt_hbm, ip_hbm, it_hbm, pf_hbm, to_hbm,
            ipv, itv, buf, sem):
        wid = lax.axis_index("s") * info.num_cores + lax.axis_index("c")
        base = wid * chunk
        for s in range(K):
            pltpu.sync_copy(ip_hbm.at[s, pl.ds(base, chunk)], ipv.at[s])
        for s in range(NCORNERS):
            pltpu.sync_copy(it_hbm.at[s, pl.ds(base, chunk)], itv.at[s])
        for table, idxv, outh, rows in (
                (tp_hbm, ipv, pf_hbm, (0, 1, 2, 3)),
                (tt_hbm, itv, to_hbm, (0, 1, 2, 3)),
                (tt_hbm, itv, to_hbm, (4, 5, 6, 7)),
                (tt_hbm, itv, to_hbm, (8, 9, 10, 11))):
            cps = [pltpu.async_copy(table.at[idxv.at[r]], buf.at[j], sem)
                   for j, r in enumerate(rows)]
            for cp in cps:
                cp.wait()
            for j, r in enumerate(rows):
                pltpu.sync_copy(buf.at[j], outh.at[r, pl.ds(base, chunk)])

    return run(table_pts, table_tex, idxp_t, idxt_t)



def _lin(x, w, b):
    return lax.dot_general(x, w, (((1,), (1,)), ((), ())),
                           preferred_element_type=jnp.float32) + b


def _sincos_packed(vs, freq):
    vpack = jnp.concatenate(vs, axis=1)
    vpack = jnp.pad(vpack, ((0, 0), (0, 1)))
    xs = lax.dot_general(vpack, freq, (((1,), (1,)), ((), ())),
                         precision=lax.Precision.HIGHEST,
                         preferred_element_type=jnp.float32)
    return jnp.sin(xs), jnp.cos(xs)


def _dot(x, w):
    return lax.dot_general(x, w, (((1,), (1,)), ((), ())),
                           preferred_element_type=jnp.float32)


def _stage_c_body(c8_ref, d8_ref, dist_ref, cw_ref, inv_ref, pf_ref, tex_ref,
                  bc_ref, fq_ref,
                  w1e_ref, w1s_ref, w1c_ref, w1r_ref, b1_ref, w2_ref, b2_ref,
                  fw1t_ref, fw1s_ref, fb1_ref, fw2_ref, fb2_ref, fw3_ref,
                  fb3_ref, dw_ref, db_ref,
                  rw1f_ref, rw1s_ref, rw1c_ref, rw1d_ref, rb1_ref,
                  rw2_ref, rb2_ref, dens_ref, rgb_ref):
    c = c8_ref[...][:, :3]
    inside = (c > -1.0) & (c < 1.0)
    sel = jnp.min(jnp.where(inside, 1.0, 0.0), axis=1, keepdims=True)
    freq = fq_ref[...]

    cwx = lax.dot_general(cw_ref[...], bc_ref[...],
                          (((1,), (1,)), ((), ())),
                          precision=lax.Precision.HIGHEST,
                          preferred_element_type=jnp.float32)
    tex128 = cwx[:, 0:DPT] * tex_ref[0]
    for j in range(1, NCORNERS):
        tex128 = tex128 + cwx[:, j * DPT:(j + 1) * DPT] * tex_ref[j]
    tex = (tex128[:, 0:CH] + tex128[:, CH:2 * CH] +
           tex128[:, 2 * CH:3 * CH] + tex128[:, 3 * CH:4 * CH])

    dist = dist_ref[...]
    d = d8_ref[...][:, :3]
    dn = d / jnp.maximum(
        jnp.sqrt(jnp.sum(d * d, axis=1, keepdims=True)), 1e-12)
    rels = []
    for k in range(K):
        pos = pf_ref[k][:, 32:35]
        rel = c - pos
        nrm = jnp.sqrt(jnp.sum(rel * rel, axis=1, keepdims=True))
        rels.append(rel / jnp.maximum(nrm, 1e-12))
    sn_all, cs_all = _sincos_packed(rels + [dn], freq)

    sp = jnp.zeros((BMC, 32), jnp.float32)
    for k in range(K):
        emb = pf_ref[k][:, :32]
        sn = sn_all[:, k * 16:(k + 1) * 16]
        cs = cs_all[:, k * 16:(k + 1) * 16]
        h = jnp.maximum(
            _dot(emb, w1e_ref[...]) + _dot(sn, w1s_ref[...]) +
            _dot(cs, w1c_ref[...]) + _dot(rels[k], w1r_ref[...]) +
            b1_ref[...], 0.0)
        pq = _lin(h, w2_ref[...], b2_ref[...])
        wk = (1.0 / dist[:, k:k + 1]) / inv_ref[0, :, k:k + 1]
        sp = sp + pq * wk

    f1 = jnp.maximum(
        _dot(tex, fw1t_ref[...]) + _dot(sp, fw1s_ref[...]) + fb1_ref[...],
        0.0)
    f2 = jnp.maximum(_lin(f1, fw2_ref[...], fb2_ref[...]), 0.0)
    feat = _lin(f2, fw3_ref[...], fb3_ref[...])

    raw = jax.nn.softplus(10.0 * _lin(feat, dw_ref[...], db_ref[...])) / 10.0
    dens_ref[...] = 1.0 - jnp.exp(-(raw * sel))

    r1 = jnp.maximum(
        _dot(feat, rw1f_ref[...]) + _dot(sn_all[:, 64:80], rw1s_ref[...]) +
        _dot(cs_all[:, 64:80], rw1c_ref[...]) + _dot(dn, rw1d_ref[...]) +
        rb1_ref[...], 0.0)
    rgb = _lin(r1, rw2_ref[...], rb2_ref[...])
    rgb_ref[...] = jax.nn.sigmoid(rgb) * (1.0 + 2 * 0.001) - 0.001


def _stage_c(c8, d8, dist8, cw16, invsum, pf_rows, tex_rows, weights):
    nblk = NM // BMC

    def _row(i):
        return (i, 0)

    wspecs = [pl.BlockSpec(w.shape, lambda i, nd=w.ndim: (0,) * nd)
              for w in weights]
    return pl.pallas_call(
        _stage_c_body,
        grid=(nblk,),
        in_specs=[
            pl.BlockSpec((BMC, 8), _row),
            pl.BlockSpec((BMC, 8), _row),
            pl.BlockSpec((BMC, 8), _row),
            pl.BlockSpec((BMC, 64), _row),
            pl.BlockSpec((1, 1, 128), lambda i: (i * BMC // M, 0, 0)),
            pl.BlockSpec((K, BMC, DPT), lambda i: (0, i, 0)),
            pl.BlockSpec((NCORNERS, BMC, DPT), lambda i: (0, i, 0)),
        ] + wspecs,
        out_specs=[
            pl.BlockSpec((BMC, 8), _row),
            pl.BlockSpec((BMC, 8), _row),
        ],
        out_shape=[
            jax.ShapeDtypeStruct((NM, 8), jnp.float32),
            jax.ShapeDtypeStruct((NM, 8), jnp.float32),
        ],
    )(c8, d8, dist8, cw16, invsum, pf_rows, tex_rows, *weights)



def kernel(coordinates, directions, points_position, tex_tplanes, pq_emb,
           pq_w1, pq_b1, pq_w2, pq_b2, f_w1, f_b1, f_w2, f_b2, f_w3, f_b3,
           d_w, d_b, r_w1, r_b1, r_w2, r_b2):
    csq = jnp.sum(coordinates ** 2, -1, keepdims=True)
    psq = jnp.sum(points_position ** 2, -1)
    c8 = jnp.concatenate(
        [coordinates.reshape(NM, 3), csq.reshape(NM, 1),
         jnp.zeros((NM, 4), jnp.float32)], axis=1)
    d8 = jnp.pad(directions.reshape(NM, 3), ((0, 0), (0, 5)))
    ptst8 = jnp.concatenate(
        [points_position.transpose(0, 2, 1), jnp.zeros((N, 1, P), jnp.float32),
         psq[:, None, :], jnp.zeros((N, 3, P), jnp.float32)], axis=1)

    dist8, idxp8, idxt16, cw16 = _stage_a(c8, ptst8)
    w_full = 1.0 / dist8[:, :K].reshape(N, M, K)
    invsum = jnp.pad(jnp.sum(w_full, axis=1),
                     ((0, 0), (0, 128 - K))).reshape(N, 1, 128)

    table_pts = jnp.concatenate(
        [jnp.broadcast_to(pq_emb[None], (N, P, 32)), points_position,
         jnp.zeros((N, P, DPT - 35), jnp.float32)], axis=2).reshape(N * P, DPT)
    table_tex = tex_tplanes.transpose(0, 1, 3, 4, 2).reshape(
        N * NPLANES * HW * (HW // 4), 4 * CH)
    idxp_t = idxp8.T[:K]
    idxt_t = idxt16.T[:NCORNERS]

    pf_rows, tex_rows = _sc_gather(table_pts, table_tex, idxp_t, idxt_t)

    weights = (
        jnp.asarray(_BCEXP), jnp.asarray(_FBIG),
        jnp.pad(pq_w1[:, :32], ((0, 0), (0, 0))),
        jnp.pad(pq_w1[:, 32:44][:, _SINP], ((0, 0), (0, 4))),
        jnp.pad(pq_w1[:, 44:56][:, _SINP], ((0, 0), (0, 4))),
        pq_w1[:, 56:59], pq_b1.reshape(1, 64),
        pq_w2, pq_b2.reshape(1, 32),
        f_w1[:, :32], f_w1[:, 32:64], f_b1.reshape(1, 128),
        f_w2, f_b2.reshape(1, 128),
        f_w3, f_b3.reshape(1, 128),
        jnp.pad(d_w, ((0, 7), (0, 0))), jnp.pad(d_b.reshape(1, 1), ((0, 0), (0, 7))),
        r_w1[:, :128],
        jnp.pad(r_w1[:, 128:140][:, _SINP], ((0, 0), (0, 4))),
        jnp.pad(r_w1[:, 140:152][:, _SINP], ((0, 0), (0, 4))),
        r_w1[:, 152:155], r_b1.reshape(1, 64),
        jnp.pad(r_w2, ((0, 8 - OUT), (0, 0))),
        jnp.pad(r_b2.reshape(1, OUT), ((0, 0), (0, 8 - OUT))),
    )
    dens8, rgb8 = _stage_c(c8, d8, dist8, cw16, invsum, pf_rows, tex_rows,
                           weights)

    densities = dens8[:, :1].reshape(N, M, 1)
    rgb = rgb8[:, :OUT].reshape(N, M, OUT)
    dist = dist8[:, :K].reshape(N, M, K)
    return densities, rgb, dist

# --- scband reference (transcript-rebuilt; emitter-appended) ---
"""Pipeline reference for scband-points-decoder-61392262529386 (READ-ONLY COPY).

The authoritative reference and input builder live on the scoring server;
editing this copy changes nothing except your own understanding.
"""

import jax, jax.numpy as jnp
import numpy as np

N, M, P, CH, HW, K, OUT = 2, 2048, 8192, 32, 256, 4, 3


def harmonic(x, n=4):
    freqs = 2.0 ** jnp.arange(n, dtype=jnp.float32)
    xf = (x[..., None] * freqs).reshape(x.shape[:-1] + (x.shape[-1] * n,))
    return jnp.concatenate([jnp.sin(xf), jnp.cos(xf), x], axis=-1)


def grid_sample_bilinear(im, grid):
    # im: [B, C, H, W], grid: [B, Mg, 2] in [-1, 1]; align_corners=False, zero padding
    B, C, H, W = im.shape
    x = (grid[..., 0] + 1.0) * 0.5 * W - 0.5
    y = (grid[..., 1] + 1.0) * 0.5 * H - 0.5
    x0 = jnp.floor(x)
    y0 = jnp.floor(y)

    def gather(xi, yi):
        xv = xi.astype(jnp.int32)
        yv = yi.astype(jnp.int32)
        valid = ((xv >= 0) & (xv < W) & (yv >= 0) & (yv < H)).astype(im.dtype)
        xc = jnp.clip(xv, 0, W - 1)
        yc = jnp.clip(yv, 0, H - 1)
        vals = jax.vmap(lambda imb, yb, xb: imb[:, yb, xb])(im, yc, xc)  # [B, C, Mg]
        return vals * valid[:, None, :]

    wx1 = x - x0
    wx0 = 1.0 - wx1
    wy1 = y - y0
    wy0 = 1.0 - wy1
    out = (gather(x0, y0) * (wx0 * wy0)[:, None, :]
           + gather(x0 + 1.0, y0) * (wx1 * wy0)[:, None, :]
           + gather(x0, y0 + 1.0) * (wx0 * wy1)[:, None, :]
           + gather(x0 + 1.0, y0 + 1.0) * (wx1 * wy1)[:, None, :])
    return out  # [B, C, Mg]


def sample_from_planes_mean(coords, tplanes):
    n, n_planes, c, h, w = tplanes.shape
    _, m, _ = coords.shape
    tri = jnp.array([[[1, 0, 0], [0, 1, 0], [0, 0, 1]],
                     [[1, 0, 0], [0, 0, 1], [0, 1, 0]],
                     [[0, 0, 1], [0, 1, 0], [1, 0, 0]]], dtype=jnp.float32)
    inv = jnp.linalg.inv(tri)
    co = jnp.broadcast_to(coords[:, None], (n, n_planes, m, 3)).reshape(n * n_planes, m, 3)
    ip = jnp.broadcast_to(inv[None], (n, n_planes, 3, 3)).reshape(n * n_planes, 3, 3)
    proj = jnp.einsum('bmc,bcd->bmd', co, ip)[..., :2]
    feats = grid_sample_bilinear(tplanes.reshape(n * n_planes, c, h, w), proj)
    feats = feats.transpose(0, 2, 1).reshape(n, n_planes, m, c)
    return feats.mean(axis=1)


def _forward(coordinates, directions, points_position, tex_tplanes,
             pq_emb, pq_w1, pq_b1, pq_w2, pq_b2,
             f_w1, f_b1, f_w2, f_b2, f_w3, f_b3,
             d_w, d_b, r_w1, r_b1, r_w2, r_b2):
    selector = jnp.all((coordinates > -1.0) & (coordinates < 1.0), axis=-1)
    tex = sample_from_planes_mean(coordinates, tex_tplanes)  # [N, M, CH]
    # brute-force KNN (squared L2, sorted ascending like pytorch3d knn_points)
    d2 = (jnp.sum(coordinates ** 2, -1, keepdims=True)
          + jnp.sum(points_position ** 2, -1)[:, None, :]
          - 2.0 * jnp.einsum('nmc,npc->nmp', coordinates, points_position))
    neg, idx = jax.lax.top_k(-d2, K)
    dist = -neg  # [N, M, K]
    nn = jnp.take_along_axis(points_position[:, None, :, :], idx[..., None], axis=2)  # [N, M, K, 3]
    pf = jnp.take(pq_emb, idx, axis=0)  # [N, M, K, 32]
    rel = coordinates[:, :, None, :] - nn
    rel = rel / jnp.clip(jnp.linalg.norm(rel, axis=-1, keepdims=True), 1e-12, None)
    pf = jnp.concatenate([pf, harmonic(rel)], axis=-1)
    pf = jax.nn.relu(pf @ pq_w1.T + pq_b1) @ pq_w2.T + pq_b2  # [N, M, K, 32]
    w = 1.0 / dist
    w = w / jnp.sum(w, axis=1, keepdims=True)
    sp = jnp.sum(pf * w[..., None], axis=2)  # [N, M, 32]
    feat = jnp.concatenate([tex, sp], axis=-1)
    feat = jax.nn.relu(feat @ f_w1.T + f_b1)
    feat = jax.nn.relu(feat @ f_w2.T + f_b2)
    feat = feat @ f_w3.T + f_b3
    raw = (jax.nn.softplus(10.0 * (feat @ d_w.T + d_b)) / 10.0) * selector[..., None]
    densities = 1.0 - jnp.exp(-raw)
    rays = directions / jnp.clip(jnp.linalg.norm(directions, axis=-1, keepdims=True), 1e-12, None)
    rgb = jax.nn.relu(jnp.concatenate([feat, harmonic(rays)], axis=-1) @ r_w1.T + r_b1) @ r_w2.T + r_b2
    rgb = jnp.concatenate([jax.nn.sigmoid(rgb[..., :3]) * (1.0 + 2 * 0.001) - 0.001, rgb[..., 3:]], axis=-1)
    return densities, rgb, dist


def setup_inputs(seed: int = 0):
    key = jax.random.key(seed)
    ks = [jax.random.fold_in(key, i) for i in range(25)]

    def w(k, shape):
        return jax.random.normal(k, shape, dtype=jnp.float32) * 0.05

    return {
        'coordinates': jax.random.uniform(ks[0], (N, M, 3), dtype=jnp.float32),
        'directions': jax.random.normal(ks[1], (N, M, 3), dtype=jnp.float32),
        'points_position': jax.random.uniform(ks[2], (N, P, 3), dtype=jnp.float32),
        'tex_tplanes': jax.random.normal(ks[3], (N, 3, CH, HW, HW), dtype=jnp.float32),
        'pq_emb': w(ks[4], (P, 32)),
        'pq_w1': w(ks[5], (64, 59)), 'pq_b1': w(ks[6], (64,)),
        'pq_w2': w(ks[7], (32, 64)), 'pq_b2': w(ks[8], (32,)),
        'f_w1': w(ks[9], (128, 64)), 'f_b1': w(ks[10], (128,)),
        'f_w2': w(ks[11], (128, 128)), 'f_b2': w(ks[12], (128,)),
        'f_w3': w(ks[13], (128, 128)), 'f_b3': w(ks[14], (128,)),
        'd_w': w(ks[15], (1, 128)), 'd_b': w(ks[16], (1,)),
        'r_w1': w(ks[17], (64, 155)), 'r_b1': w(ks[18], (64,)),
        'r_w2': w(ks[19], (OUT, 64)), 'r_b2': w(ks[20], (OUT,)),
    }


def reference(coordinates, directions, points_position, tex_tplanes,
              pq_emb, pq_w1, pq_b1, pq_w2, pq_b2,
              f_w1, f_b1, f_w2, f_b2, f_w3, f_b3,
              d_w, d_b, r_w1, r_b1, r_w2, r_b2):
    return _forward(coordinates, directions, points_position, tex_tplanes,
                    pq_emb, pq_w1, pq_b1, pq_w2, pq_b2,
                    f_w1, f_b1, f_w2, f_b2, f_w3, f_b3,
                    d_w, d_b, r_w1, r_b1, r_w2, r_b2)

if __name__ == "__main__":
    import jax
    _d = setup_inputs()
    print(jax.jit(kernel)(*tuple(_d.values())))

</pallas_src>

<mosaic_0001>
#map = affine_map<(d0, d1) -> (0, 0)>
#map1 = affine_map<(d0, d1) -> (0, 0, 0)>
module attributes {stable_mosaic.version = 14 : i64} {
  func.func @run(%arg0: i32, %arg1: i32, %arg2: memref<16384x128xf32, #tpu.memory_space<hbm>>, %arg3: memref<98304x128xf32, #tpu.memory_space<hbm>>, %arg4: memref<4x4096xi32, #tpu.memory_space<hbm>>, %arg5: memref<12x4096xi32, #tpu.memory_space<hbm>>, %arg6: memref<4x4096x128xf32, #tpu.memory_space<hbm>>, %arg7: memref<12x4096x128xf32, #tpu.memory_space<hbm>>, %arg8: memref<4x128xi32, #tpu.memory_space<vmem>>, %arg9: memref<12x128xi32, #tpu.memory_space<vmem>>, %arg10: memref<4x128x128xf32, #tpu.memory_space<vmem>>, %arg11: memref<!tpu.dma_semaphore, #tpu.memory_space<semaphore_mem>>) attributes {dimension_semantics = [#tpu.dimension_semantics<core_parallel>, #tpu.dimension_semantics<subcore_parallel>], iteration_bounds = array<i64: 2, 16>, scalar_prefetch = 0 : i64, scratch_operands = 4 : i64, tpu.core_type = #tpu.core_type<sc_vector_subcore>, window_params = [{transform_indices = #map}, {transform_indices = #map}, {transform_indices = #map}, {transform_indices = #map}, {transform_indices = #map1}, {transform_indices = #map1}]} {
    %mul3A = arith.constant 2 : i32
    %mul3A_0 = arith.muli %arg1, %mul3A : i32
    %add3A = arith.addi %mul3A_0, %arg0 : i32
    %mul3A_1 = arith.constant 128 : i32
    %mul3A_2 = arith.muli %add3A, %mul3A_1 : i32
    %run_scoped3A = arith.constant 0 : i32
    %run_scoped3A_3 = arith.constant 0 : i32
    "tpu.region"() ({
      %run_scoped3A_448 = tpu.sem_alloc : memref<!tpu.dma_semaphore, #tpu.memory_space<semaphore_mem>>
      %dma_start3A_449 = arith.constant 0 : i32
      %dma_start3A_450 = tpu.memref_slice %arg8[%run_scoped3A_3, %dma_start3A_449] : memref<4x128xi32, #tpu.memory_space<vmem>> -> memref<1x128xi32, #tpu.memory_space<vmem>>
      %dma_start3A_451 = tpu.memref_squeeze %dma_start3A_450 : memref<1x128xi32, #tpu.memory_space<vmem>> -> memref<128xi32, #tpu.memory_space<vmem>>
      %dma_start3A_452 = tpu.memref_slice %arg4[%run_scoped3A, %mul3A_2] : memref<4x4096xi32, #tpu.memory_space<hbm>> -> memref<1x128xi32, #tpu.memory_space<hbm>>
      %dma_start3A_453 = tpu.memref_squeeze %dma_start3A_452 : memref<1x128xi32, #tpu.memory_space<hbm>> -> memref<128xi32, #tpu.memory_space<hbm>>
      %dma_start3A_454 = arith.constant 0 : i32
      %dma_start3A_455 = tpu.memref_slice %arg8[%run_scoped3A_3, %dma_start3A_454] : memref<4x128xi32, #tpu.memory_space<vmem>> -> memref<1x128xi32, #tpu.memory_space<vmem>>
      %dma_start3A_456 = tpu.memref_squeeze %dma_start3A_455 : memref<1x128xi32, #tpu.memory_space<vmem>> -> memref<128xi32, #tpu.memory_space<vmem>>
      %dma_start3A_457 = tpu.memref_slice %arg4[%run_scoped3A, %mul3A_2] : memref<4x4096xi32, #tpu.memory_space<hbm>> -> memref<1x128xi32, #tpu.memory_space<hbm>>
      %dma_start3A_458 = tpu.memref_squeeze %dma_start3A_457 : memref<1x128xi32, #tpu.memory_space<hbm>> -> memref<128xi32, #tpu.memory_space<hbm>>
      tpu.enqueue_dma source(%dma_start3A_458 : memref<128xi32, #tpu.memory_space<hbm>>) target(%dma_start3A_456 : memref<128xi32, #tpu.memory_space<vmem>>) target_semaphore(%run_scoped3A_448 : memref<!tpu.dma_semaphore, #tpu.memory_space<semaphore_mem>>)
      %dma_wait3A_459 = arith.constant 0 : i32
      %dma_wait3A_460 = tpu.memref_slice %arg8[%run_scoped3A_3, %dma_wait3A_459] : memref<4x128xi32, #tpu.memory_space<vmem>> -> memref<1x128xi32, #tpu.memory_space<vmem>>
      %dma_wait3A_461 = tpu.memref_squeeze %dma_wait3A_460 : memref<1x128xi32, #tpu.memory_space<vmem>> -> memref<128xi32, #tpu.memory_space<vmem>>
      %dma_wait3A_462 = tpu.memref_slice %arg4[%run_scoped3A, %mul3A_2] : memref<4x4096xi32, #tpu.memory_space<hbm>> -> memref<1x128xi32, #tpu.memory_space<hbm>>
      %dma_wait3A_463 = tpu.memref_squeeze %dma_wait3A_462 : memref<1x128xi32, #tpu.memory_space<hbm>> -> memref<128xi32, #tpu.memory_space<hbm>>
      %dma_wait3A_464 = arith.constant 0 : i32
      %dma_wait3A_465 = tpu.memref_slice %arg8[%run_scoped3A_3, %dma_wait3A_464] : memref<4x128xi32, #tpu.memory_space<vmem>> -> memref<1x128xi32, #tpu.memory_space<vmem>>
      %dma_wait3A_466 = tpu.memref_squeeze %dma_wait3A_465 : memref<1x128xi32, #tpu.memory_space<vmem>> -> memref<128xi32, #tpu.memory_space<vmem>>
      %dma_wait3A_467 = tpu.memref_slice %arg4[%run_scoped3A, %mul3A_2] : memref<4x4096xi32, #tpu.memory_space<hbm>> -> memref<1x128xi32, #tpu.memory_space<hbm>>
      %dma_wait3A_468 = tpu.memref_squeeze %dma_wait3A_467 : memref<1x128xi32, #tpu.memory_space<hbm>> -> memref<128xi32, #tpu.memory_space<hbm>>
      tpu.wait_dma2 semaphore(%run_scoped3A_448 : memref<!tpu.dma_semaphore, #tpu.memory_space<semaphore_mem>>) src(%dma_wait3A_468 : memref<128xi32, #tpu.memory_space<hbm>>) dst(%dma_wait3A_466 : memref<128xi32, #tpu.memory_space<vmem>>)
      tpu.yield
    }) : () -> ()
    %run_scoped3A_4 = arith.constant 1 : i32
    %run_scoped3A_5 = arith.constant 1 : i32
    "tpu.region"() ({
      %run_scoped3A_448 = tpu.sem_alloc : memref<!tpu.dma_semaphore, #tpu.memory_space<semaphore_mem>>
      %dma_start3A_449 = arith.constant 0 : i32
      %dma_start3A_450 = tpu.memref_slice %arg8[%run_scoped3A_5, %dma_start3A_449] : memref<4x128xi32, #tpu.memory_space<vmem>> -> memref<1x128xi32, #tpu.memory_space<vmem>>
      %dma_start3A_451 = tpu.memref_squeeze %dma_start3A_450 : memref<1x128xi32, #tpu.memory_space<vmem>> -> memref<128xi32, #tpu.memory_space<vmem>>
      %dma_start3A_452 = tpu.memref_slice %arg4[%run_scoped3A_4, %mul3A_2] : memref<4x4096xi32, #tpu.memory_space<hbm>> -> memref<1x128xi32, #tpu.memory_space<hbm>>
      %dma_start3A_453 = tpu.memref_squeeze %dma_start3A_452 : memref<1x128xi32, #tpu.memory_space<hbm>> -> memref<128xi32, #tpu.memory_space<hbm>>
      %dma_start3A_454 = arith.constant 0 : i32
      %dma_start3A_455 = tpu.memref_slice %arg8[%run_scoped3A_5, %dma_start3A_454] : memref<4x128xi32, #tpu.memory_space<vmem>> -> memref<1x128xi32, #tpu.memory_space<vmem>>
      %dma_start3A_456 = tpu.memref_squeeze %dma_start3A_455 : memref<1x128xi32, #tpu.memory_space<vmem>> -> memref<128xi32, #tpu.memory_space<vmem>>
      %dma_start3A_457 = tpu.memref_slice %arg4[%run_scoped3A_4, %mul3A_2] : memref<4x4096xi32, #tpu.memory_space<hbm>> -> memref<1x128xi32, #tpu.memory_space<hbm>>
      %dma_start3A_458 = tpu.memref_squeeze %dma_start3A_457 : memref<1x128xi32, #tpu.memory_space<hbm>> -> memref<128xi32, #tpu.memory_space<hbm>>
      tpu.enqueue_dma source(%dma_start3A_458 : memref<128xi32, #tpu.memory_space<hbm>>) target(%dma_start3A_456 : memref<128xi32, #tpu.memory_space<vmem>>) target_semaphore(%run_scoped3A_448 : memref<!tpu.dma_semaphore, #tpu.memory_space<semaphore_mem>>)
      %dma_wait3A_459 = arith.constant 0 : i32
      %dma_wait3A_460 = tpu.memref_slice %arg8[%run_scoped3A_5, %dma_wait3A_459] : memref<4x128xi32, #tpu.memory_space<vmem>> -> memref<1x128xi32, #tpu.memory_space<vmem>>
      %dma_wait3A_461 = tpu.memref_squeeze %dma_wait3A_460 : memref<1x128xi32, #tpu.memory_space<vmem>> -> memref<128xi32, #tpu.memory_space<vmem>>
      %dma_wait3A_462 = tpu.memref_slice %arg4[%run_scoped3A_4, %mul3A_2] : memref<4x4096xi32, #tpu.memory_space<hbm>> -> memref<1x128xi32, #tpu.memory_space<hbm>>
      %dma_wait3A_463 = tpu.memref_squeeze %dma_wait3A_462 : memref<1x128xi32, #tpu.memory_space<hbm>> -> memref<128xi32, #tpu.memory_space<hbm>>
      %dma_wait3A_464 = arith.constant 0 : i32
      %dma_wait3A_465 = tpu.memref_slice %arg8[%run_scoped3A_5, %dma_wait3A_464] : memref<4x128xi32, #tpu.memory_space<vmem>> -> memref<1x128xi32, #tpu.memory_space<vmem>>
      %dma_wait3A_466 = tpu.memref_squeeze %dma_wait3A_465 : memref<1x128xi32, #tpu.memory_space<vmem>> -> memref<128xi32, #tpu.memory_space<vmem>>
      %dma_wait3A_467 = tpu.memref_slice %arg4[%run_scoped3A_4, %mul3A_2] : memref<4x4096xi32, #tpu.memory_space<hbm>> -> memref<1x128xi32, #tpu.memory_space<hbm>>
      %dma_wait3A_468 = tpu.memref_squeeze %dma_wait3A_467 : memref<1x128xi32, #tpu.memory_space<hbm>> -> memref<128xi32, #tpu.memory_space<hbm>>
      tpu.wait_dma2 semaphore(%run_scoped3A_448 : memref<!tpu.dma_semaphore, #tpu.memory_space<semaphore_mem>>) src(%dma_wait3A_468 : memref<128xi32, #tpu.memory_space<hbm>>) dst(%dma_wait3A_466 : memref<128xi32, #tpu.memory_space<vmem>>)
      tpu.yield
    }) : () -> ()
    %run_scoped3A_6 = arith.constant 2 : i32
    %run_scoped3A_7 = arith.constant 2 : i32
    "tpu.region"() ({
      %run_scoped3A_448 = tpu.sem_alloc : memref<!tpu.dma_semaphore, #tpu.memory_space<semaphore_mem>>
      %dma_start3A_449 = arith.constant 0 : i32
      %dma_start3A_450 = tpu.memref_slice %arg8[%run_scoped3A_7, %dma_start3A_449] : memref<4x128xi32, #tpu.memory_space<vmem>> -> memref<1x128xi32, #tpu.memory_space<vmem>>
      %dma_start3A_451 = tpu.memref_squeeze %dma_start3A_450 : memref<1x128xi32, #tpu.memory_space<vmem>> -> memref<128xi32, #tpu.memory_space<vmem>>
      %dma_start3A_452 = tpu.memref_slice %arg4[%run_scoped3A_6, %mul3A_2] : memref<4x4096xi32, #tpu.memory_space<hbm>> -> memref<1x128xi32, #tpu.memory_space<hbm>>
      %dma_start3A_453 = tpu.memref_squeeze %dma_start3A_452 : memref<1x128xi32, #tpu.memory_space<hbm>> -> memref<128xi32, #tpu.memory_space<hbm>>
      %dma_start3A_454 = arith.constant 0 : i32
      %dma_start3A_455 = tpu.memref_slice %arg8[%run_scoped3A_7, %dma_start3A_454] : memref<4x128xi32, #tpu.memory_space<vmem>> -> memref<1x128xi32, #tpu.memory_space<vmem>>
      %dma_start3A_456 = tpu.memref_squeeze %dma_start3A_455 : memref<1x128xi32, #tpu.memory_space<vmem>> -> memref<128xi32, #tpu.memory_space<vmem>>
      %dma_start3A_457 = tpu.memref_slice %arg4[%run_scoped3A_6, %mul3A_2] : memref<4x4096xi32, #tpu.memory_space<hbm>> -> memref<1x128xi32, #tpu.memory_space<hbm>>
      %dma_start3A_458 = tpu.memref_squeeze %dma_start3A_457 : memref<1x128xi32, #tpu.memory_space<hbm>> -> memref<128xi32, #tpu.memory_space<hbm>>
      tpu.enqueue_dma source(%dma_start3A_458 : memref<128xi32, #tpu.memory_space<hbm>>) target(%dma_start3A_456 : memref<128xi32, #tpu.memory_space<vmem>>) target_semaphore(%run_scoped3A_448 : memref<!tpu.dma_semaphore, #tpu.memory_space<semaphore_mem>>)
      %dma_wait3A_459 = arith.constant 0 : i32
      %dma_wait3A_460 = tpu.memref_slice %arg8[%run_scoped3A_7, %dma_wait3A_459] : memref<4x128xi32, #tpu.memory_space<vmem>> -> memref<1x128xi32, #tpu.memory_space<vmem>>
      %dma_wait3A_461 = tpu.memref_squeeze %dma_wait3A_460 : memref<1x128xi32, #tpu.memory_space<vmem>> -> memref<128xi32, #tpu.memory_space<vmem>>
      %dma_wait3A_462 = tpu.memref_slice %arg4[%run_scoped3A_6, %mul3A_2] : memref<4x4096xi32, #tpu.memory_space<hbm>> -> memref<1x128xi32, #tpu.memory_space<hbm>>
      %dma_wait3A_463 = tpu.memref_squeeze %dma_wait3A_462 : memref<1x128xi32, #tpu.memory_space<hbm>> -> memref<128xi32, #tpu.memory_space<hbm>>
      %dma_wait3A_464 = arith.constant 0 : i32
      %dma_wait3A_465 = tpu.memref_slice %arg8[%run_scoped3A_7, %dma_wait3A_464] : memref<4x128xi32, #tpu.memory_space<vmem>> -> memref<1x128xi32, #tpu.memory_space<vmem>>
      %dma_wait3A_466 = tpu.memref_squeeze %dma_wait3A_465 : memref<1x128xi32, #tpu.memory_space<vmem>> -> memref<128xi32, #tpu.memory_space<vmem>>
      %dma_wait3A_467 = tpu.memref_slice %arg4[%run_scoped3A_6, %mul3A_2] : memref<4x4096xi32, #tpu.memory_space<hbm>> -> memref<1x128xi32, #tpu.memory_space<hbm>>
      %dma_wait3A_468 = tpu.memref_squeeze %dma_wait3A_467 : memref<1x128xi32, #tpu.memory_space<hbm>> -> memref<128xi32, #tpu.memory_space<hbm>>
      tpu.wait_dma2 semaphore(%run_scoped3A_448 : memref<!tpu.dma_semaphore, #tpu.memory_space<semaphore_mem>>) src(%dma_wait3A_468 : memref<128xi32, #tpu.memory_space<hbm>>) dst(%dma_wait3A_466 : memref<128xi32, #tpu.memory_space<vmem>>)
      tpu.yield
    }) : () -> ()
    %run_scoped3A_8 = arith.constant 3 : i32
    %run_scoped3A_9 = arith.constant 3 : i32
    "tpu.region"() ({
      %run_scoped3A_448 = tpu.sem_alloc : memref<!tpu.dma_semaphore, #tpu.memory_space<semaphore_mem>>
      %dma_start3A_449 = arith.constant 0 : i32
      %dma_start3A_450 = tpu.memref_slice %arg8[%run_scoped3A_9, %dma_start3A_449] : memref<4x128xi32, #tpu.memory_space<vmem>> -> memref<1x128xi32, #tpu.memory_space<vmem>>
      %dma_start3A_451 = tpu.memref_squeeze %dma_start3A_450 : memref<1x128xi32, #tpu.memory_space<vmem>> -> memref<128xi32, #tpu.memory_space<vmem>>
      %dma_start3A_452 = tpu.memref_slice %arg4[%run_scoped3A_8, %mul3A_2] : memref<4x4096xi32, #tpu.memory_space<hbm>> -> memref<1x128xi32, #tpu.memory_space<hbm>>
      %dma_start3A_453 = tpu.memref_squeeze %dma_start3A_452 : memref<1x128xi32, #tpu.memory_space<hbm>> -> memref<128xi32, #tpu.memory_space<hbm>>
      %dma_start3A_454 = arith.constant 0 : i32
      %dma_start3A_455 = tpu.memref_slice %arg8[%run_scoped3A_9, %dma_start3A_454] : memref<4x128xi32, #tpu.memory_space<vmem>> -> memref<1x128xi32, #tpu.memory_space<vmem>>
      %dma_start3A_456 = tpu.memref_squeeze %dma_start3A_455 : memref<1x128xi32, #tpu.memory_space<vmem>> -> memref<128xi32, #tpu.memory_space<vmem>>
      %dma_start3A_457 = tpu.memref_slice %arg4[%run_scoped3A_8, %mul3A_2] : memref<4x4096xi32, #tpu.memory_space<hbm>> -> memref<1x128xi32, #tpu.memory_space<hbm>>
      %dma_start3A_458 = tpu.memref_squeeze %dma_start3A_457 : memref<1x128xi32, #tpu.memory_space<hbm>> -> memref<128xi32, #tpu.memory_space<hbm>>
      tpu.enqueue_dma source(%dma_start3A_458 : memref<128xi32, #tpu.memory_space<hbm>>) target(%dma_start3A_456 : memref<128xi32, #tpu.memory_space<vmem>>) target_semaphore(%run_scoped3A_448 : memref<!tpu.dma_semaphore, #tpu.memory_space<semaphore_mem>>)
      %dma_wait3A_459 = arith.constant 0 : i32
      %dma_wait3A_460 = tpu.memref_slice %arg8[%run_scoped3A_9, %dma_wait3A_459] : memref<4x128xi32, #tpu.memory_space<vmem>> -> memref<1x128xi32, #tpu.memory_space<vmem>>
      %dma_wait3A_461 = tpu.memref_squeeze %dma_wait3A_460 : memref<1x128xi32, #tpu.memory_space<vmem>> -> memref<128xi32, #tpu.memory_space<vmem>>
      %dma_wait3A_462 = tpu.memref_slice %arg4[%run_scoped3A_8, %mul3A_2] : memref<4x4096xi32, #tpu.memory_space<hbm>> -> memref<1x128xi32, #tpu.memory_space<hbm>>
      %dma_wait3A_463 = tpu.memref_squeeze %dma_wait3A_462 : memref<1x128xi32, #tpu.memory_space<hbm>> -> memref<128xi32, #tpu.memory_space<hbm>>
      %dma_wait3A_464 = arith.constant 0 : i32
      %dma_wait3A_465 = tpu.memref_slice %arg8[%run_scoped3A_9, %dma_wait3A_464] : memref<4x128xi32, #tpu.memory_space<vmem>> -> memref<1x128xi32, #tpu.memory_space<vmem>>
      %dma_wait3A_466 = tpu.memref_squeeze %dma_wait3A_465 : memref<1x128xi32, #tpu.memory_space<vmem>> -> memref<128xi32, #tpu.memory_space<vmem>>
      %dma_wait3A_467 = tpu.memref_slice %arg4[%run_scoped3A_8, %mul3A_2] : memref<4x4096xi32, #tpu.memory_space<hbm>> -> memref<1x128xi32, #tpu.memory_space<hbm>>
      %dma_wait3A_468 = tpu.memref_squeeze %dma_wait3A_467 : memref<1x128xi32, #tpu.memory_space<hbm>> -> memref<128xi32, #tpu.memory_space<hbm>>
      tpu.wait_dma2 semaphore(%run_scoped3A_448 : memref<!tpu.dma_semaphore, #tpu.memory_space<semaphore_mem>>) src(%dma_wait3A_468 : memref<128xi32, #tpu.memory_space<hbm>>) dst(%dma_wait3A_466 : memref<128xi32, #tpu.memory_space<vmem>>)
      tpu.yield
    }) : () -> ()
    %run_scoped3A_10 = arith.constant 0 : i32
    %run_scoped3A_11 = arith.constant 0 : i32
    "tpu.region"() ({
      %run_scoped3A_448 = tpu.sem_alloc : memref<!tpu.dma_semaphore, #tpu.memory_space<semaphore_mem>>
      %dma_start3A_449 = arith.constant 0 : i32
      %dma_start3A_450 = tpu.memref_slice %arg9[%run_scoped3A_11, %dma_start3A_449] : memref<12x128xi32, #tpu.memory_space<vmem>> -> memref<1x128xi32, #tpu.memory_space<vmem>>
      %dma_start3A_451 = tpu.memref_squeeze %dma_start3A_450 : memref<1x128xi32, #tpu.memory_space<vmem>> -> memref<128xi32, #tpu.memory_space<vmem>>
      %dma_start3A_452 = tpu.memref_slice %arg5[%run_scoped3A_10, %mul3A_2] : memref<12x4096xi32, #tpu.memory_space<hbm>> -> memref<1x128xi32, #tpu.memory_space<hbm>>
      %dma_start3A_453 = tpu.memref_squeeze %dma_start3A_452 : memref<1x128xi32, #tpu.memory_space<hbm>> -> memref<128xi32, #tpu.memory_space<hbm>>
      %dma_start3A_454 = arith.constant 0 : i32
      %dma_start3A_455 = tpu.memref_slice %arg9[%run_scoped3A_11, %dma_start3A_454] : memref<12x128xi32, #tpu.memory_space<vmem>> -> memref<1x128xi32, #tpu.memory_space<vmem>>
      %dma_start3A_456 = tpu.memref_squeeze %dma_start3A_455 : memref<1x128xi32, #tpu.memory_space<vmem>> -> memref<128xi32, #tpu.memory_space<vmem>>
      %dma_start3A_457 = tpu.memref_slice %arg5[%run_scoped3A_10, %mul3A_2] : memref<12x4096xi32, #tpu.memory_space<hbm>> -> memref<1x128xi32, #tpu.memory_space<hbm>>
      %dma_start3A_458 = tpu.memref_squeeze %dma_start3A_457 : memref<1x128xi32, #tpu.memory_space<hbm>> -> memref<128xi32, #tpu.memory_space<hbm>>
      tpu.enqueue_dma source(%dma_start3A_458 : memref<128xi32, #tpu.memory_space<hbm>>) target(%dma_start3A_456 : memref<128xi32, #tpu.memory_space<vmem>>) target_semaphore(%run_scoped3A_448 : memref<!tpu.dma_semaphore, #tpu.memory_space<semaphore_mem>>)
      %dma_wait3A_459 = arith.constant 0 : i32
      %dma_wait3A_460 = tpu.memref_slice %arg9[%run_scoped3A_11, %dma_wait3A_459] : memref<12x128xi32, #tpu.memory_space<vmem>> -> memref<1x128xi32, #tpu.memory_space<vmem>>
      %dma_wait3A_461 = tpu.memref_squeeze %dma_wait3A_460 : memref<1x128xi32, #tpu.memory_space<vmem>> -> memref<128xi32, #tpu.memory_space<vmem>>
      %dma_wait3A_462 = tpu.memref_slice %arg5[%run_scoped3A_10, %mul3A_2] : memref<12x4096xi32, #tpu.memory_space<hbm>> -> memref<1x128xi32, #tpu.memory_space<hbm>>
      %dma_wait3A_463 = tpu.memref_squeeze %dma_wait3A_462 : memref<1x128xi32, #tpu.memory_space<hbm>> -> memref<128xi32, #tpu.memory_space<hbm>>
      %dma_wait3A_464 = arith.constant 0 : i32
      %dma_wait3A_465 = tpu.memref_slice %arg9[%run_scoped3A_11, %dma_wait3A_464] : memref<12x128xi32, #tpu.memory_space<vmem>> -> memref<1x128xi32, #tpu.memory_space<vmem>>
      %dma_wait3A_466 = tpu.memref_squeeze %dma_wait3A_465 : memref<1x128xi32, #tpu.memory_space<vmem>> -> memref<128xi32, #tpu.memory_space<vmem>>
      %dma_wait3A_467 = tpu.memref_slice %arg5[%run_scoped3A_10, %mul3A_2] : memref<12x4096xi32, #tpu.memory_space<hbm>> -> memref<1x128xi32, #tpu.memory_space<hbm>>
      %dma_wait3A_468 = tpu.memref_squeeze %dma_wait3A_467 : memref<1x128xi32, #tpu.memory_space<hbm>> -> memref<128xi32, #tpu.memory_space<hbm>>
      tpu.wait_dma2 semaphore(%run_scoped3A_448 : memref<!tpu.dma_semaphore, #tpu.memory_space<semaphore_mem>>) src(%dma_wait3A_468 : memref<128xi32, #tpu.memory_space<hbm>>) dst(%dma_wait3A_466 : memref<128xi32, #tpu.memory_space<vmem>>)
      tpu.yield
    }) : () -> ()
    %run_scoped3A_12 = arith.constant 1 : i32
    %run_scoped3A_13 = arith.constant 1 : i32
    "tpu.region"() ({
      %run_scoped3A_448 = tpu.sem_alloc : memref<!tpu.dma_semaphore, #tpu.memory_space<semaphore_mem>>
      %dma_start3A_449 = arith.constant 0 : i32
      %dma_start3A_450 = tpu.memref_slice %arg9[%run_scoped3A_13, %dma_start3A_449] : memref<12x128xi32, #tpu.memory_space<vmem>> -> memref<1x128xi32, #tpu.memory_space<vmem>>
      %dma_start3A_451 = tpu.memref_squeeze %dma_start3A_450 : memref<1x128xi32, #tpu.memory_space<vmem>> -> memref<128xi32, #tpu.memory_space<vmem>>
      %dma_start3A_452 = tpu.memref_slice %arg5[%run_scoped3A_12, %mul3A_2] : memref<12x4096xi32, #tpu.memory_space<hbm>> -> memref<1x128xi32, #tpu.memory_space<hbm>>
      %dma_start3A_453 = tpu.memref_squeeze %dma_start3A_452 : memref<1x128xi32, #tpu.memory_space<hbm>> -> memref<128xi32, #tpu.memory_space<hbm>>
      %dma_start3A_454 = arith.constant 0 : i32
      %dma_start3A_455 = tpu.memref_slice %arg9[%run_scoped3A_13, %dma_start3A_454] : memref<12x128xi32, #tpu.memory_space<vmem>> -> memref<1x128xi32, #tpu.memory_space<vmem>>
      %dma_start3A_456 = tpu.memref_squeeze %dma_start3A_455 : memref<1x128xi32, #tpu.memory_space<vmem>> -> memref<128xi32, #tpu.memory_space<vmem>>
      %dma_start3A_457 = tpu.memref_slice %arg5[%run_scoped3A_12, %mul3A_2] : memref<12x4096xi32, #tpu.memory_space<hbm>> -> memref<1x128xi32, #tpu.memory_space<hbm>>
      %dma_start3A_458 = tpu.memref_squeeze %dma_start3A_457 : memref<1x128xi32, #tpu.memory_space<hbm>> -> memref<128xi32, #tpu.memory_space<hbm>>
      tpu.enqueue_dma source(%dma_start3A_458 : memref<128xi32, #tpu.memory_space<hbm>>) target(%dma_start3A_456 : memref<128xi32, #tpu.memory_space<vmem>>) target_semaphore(%run_scoped3A_448 : memref<!tpu.dma_semaphore, #tpu.memory_space<semaphore_mem>>)
      %dma_wait3A_459 = arith.constant 0 : i32
      %dma_wait3A_460 = tpu.memref_slice %arg9[%run_scoped3A_13, %dma_wait3A_459] : memref<12x128xi32, #tpu.memory_space<vmem>> -> memref<1x128xi32, #tpu.memory_space<vmem>>
      %dma_wait3A_461 = tpu.memref_squeeze %dma_wait3A_460 : memref<1x128xi32, #tpu.memory_space<vmem>> -> memref<128xi32, #tpu.memory_space<vmem>>
      %dma_wait3A_462 = tpu.memref_slice %arg5[%run_scoped3A_12, %mul3A_2] : memref<12x4096xi32, #tpu.memory_space<hbm>> -> memref<1x128xi32, #tpu.memory_space<hbm>>
      %dma_wait3A_463 = tpu.memref_squeeze %dma_wait3A_462 : memref<1x128xi32, #tpu.memory_space<hbm>> -> memref<128xi32, #tpu.memory_space<hbm>>
      %dma_wait3A_464 = arith.constant 0 : i32
      %dma_wait3A_465 = tpu.memref_slice %arg9[%run_scoped3A_13, %dma_wait3A_464] : memref<12x128xi32, #tpu.memory_space<vmem>> -> memref<1x128xi32, #tpu.memory_space<vmem>>
      %dma_wait3A_466 = tpu.memref_squeeze %dma_wait3A_465 : memref<1x128xi32, #tpu.memory_space<vmem>> -> memref<128xi32, #tpu.memory_space<vmem>>
      %dma_wait3A_467 = tpu.memref_slice %arg5[%run_scoped3A_12, %mul3A_2] : memref<12x4096xi32, #tpu.memory_space<hbm>> -> memref<1x128xi32, #tpu.memory_space<hbm>>
      %dma_wait3A_468 = tpu.memref_squeeze %dma_wait3A_467 : memref<1x128xi32, #tpu.memory_space<hbm>> -> memref<128xi32, #tpu.memory_space<hbm>>
      tpu.wait_dma2 semaphore(%run_scoped3A_448 : memref<!tpu.dma_semaphore, #tpu.memory_space<semaphore_mem>>) src(%dma_wait3A_468 : memref<128xi32, #tpu.memory_space<hbm>>) dst(%dma_wait3A_466 : memref<128xi32, #tpu.memory_space<vmem>>)
      tpu.yield
    }) : () -> ()
    %run_scoped3A_14 = arith.constant 2 : i32
    %run_scoped3A_15 = arith.constant 2 : i32
    "tpu.region"() ({
      %run_scoped3A_448 = tpu.sem_alloc : memref<!tpu.dma_semaphore, #tpu.memory_space<semaphore_mem>>
      %dma_start3A_449 = arith.constant 0 : i32
      %dma_start3A_450 = tpu.memref_slice %arg9[%run_scoped3A_15, %dma_start3A_449] : memref<12x128xi32, #tpu.memory_space<vmem>> -> memref<1x128xi32, #tpu.memory_space<vmem>>
      %dma_start3A_451 = tpu.memref_squeeze %dma_start3A_450 : memref<1x128xi32, #tpu.memory_space<vmem>> -> memref<128xi32, #tpu.memory_space<vmem>>
      %dma_start3A_452 = tpu.memref_slice %arg5[%run_scoped3A_14, %mul3A_2] : memref<12x4096xi32, #tpu.memory_space<hbm>> -> memref<1x128xi32, #tpu.memory_space<hbm>>
      %dma_start3A_453 = tpu.memref_squeeze %dma_start3A_452 : memref<1x128xi32, #tpu.memory_space<hbm>> -> memref<128xi32, #tpu.memory_space<hbm>>
      %dma_start3A_454 = arith.constant 0 : i32
      %dma_start3A_455 = tpu.memref_slice %arg9[%run_scoped3A_15, %dma_start3A_454] : memref<12x128xi32, #tpu.memory_space<vmem>> -> memref<1x128xi32, #tpu.memory_space<vmem>>
      %dma_start3A_456 = tpu.memref_squeeze %dma_start3A_455 : memref<1x128xi32, #tpu.memory_space<vmem>> -> memref<128xi32, #tpu.memory_space<vmem>>
      %dma_start3A_457 = tpu.memref_slice %arg5[%run_scoped3A_14, %mul3A_2] : memref<12x4096xi32, #tpu.memory_space<hbm>> -> memref<1x128xi32, #tpu.memory_space<hbm>>
      %dma_start3A_458 = tpu.memref_squeeze %dma_start3A_457 : memref<1x128xi32, #tpu.memory_space<hbm>> -> memref<128xi32, #tpu.memory_space<hbm>>
      tpu.enqueue_dma source(%dma_start3A_458 : memref<128xi32, #tpu.memory_space<hbm>>) target(%dma_start3A_456 : memref<128xi32, #tpu.memory_space<vmem>>) target_semaphore(%run_scoped3A_448 : memref<!tpu.dma_semaphore, #tpu.memory_space<semaphore_mem>>)
      %dma_wait3A_459 = arith.constant 0 : i32
      %dma_wait3A_460 = tpu.memref_slice %arg9[%run_scoped3A_15, %dma_wait3A_459] : memref<12x128xi32, #tpu.memory_space<vmem>> -> memref<1x128xi32, #tpu.memory_space<vmem>>
      %dma_wait3A_461 = tpu.memref_squeeze %dma_wait3A_460 : memref<1x128xi32, #tpu.memory_space<vmem>> -> memref<128xi32, #tpu.memory_space<vmem>>
      %dma_wait3A_462 = tpu.memref_slice %arg5[%run_scoped3A_14, %mul3A_2] : memref<12x4096xi32, #tpu.memory_space<hbm>> -> memref<1x128xi32, #tpu.memory_space<hbm>>
      %dma_wait3A_463 = tpu.memref_squeeze %dma_wait3A_462 : memref<1x128xi32, #tpu.memory_space<hbm>> -> memref<128xi32, #tpu.memory_space<hbm>>
      %dma_wait3A_464 = arith.constant 0 : i32
      %dma_wait3A_465 = tpu.memref_slice %arg9[%run_scoped3A_15, %dma_wait3A_464] : memref<12x128xi32, #tpu.memory_space<vmem>> -> memref<1x128xi32, #tpu.memory_space<vmem>>
      %dma_wait3A_466 = tpu.memref_squeeze %dma_wait3A_465 : memref<1x128xi32, #tpu.memory_space<vmem>> -> memref<128xi32, #tpu.memory_space<vmem>>
      %dma_wait3A_467 = tpu.memref_slice %arg5[%run_scoped3A_14, %mul3A_2] : memref<12x4096xi32, #tpu.memory_space<hbm>> -> memref<1x128xi32, #tpu.memory_space<hbm>>
      %dma_wait3A_468 = tpu.memref_squeeze %dma_wait3A_467 : memref<1x128xi32, #tpu.memory_space<hbm>> -> memref<128xi32, #tpu.memory_space<hbm>>
      tpu.wait_dma2 semaphore(%run_scoped3A_448 : memref<!tpu.dma_semaphore, #tpu.memory_space<semaphore_mem>>) src(%dma_wait3A_468 : memref<128xi32, #tpu.memory_space<hbm>>) dst(%dma_wait3A_466 : memref<128xi32, #tpu.memory_space<vmem>>)
      tpu.yield
    }) : () -> ()
    %run_scoped3A_16 = arith.constant 3 : i32
    %run_scoped3A_17 = arith.constant 3 : i32
    "tpu.region"() ({
      %run_scoped3A_448 = tpu.sem_alloc : memref<!tpu.dma_semaphore, #tpu.memory_space<semaphore_mem>>
      %dma_start3A_449 = arith.constant 0 : i32
      %dma_start3A_450 = tpu.memref_slice %arg9[%run_scoped3A_17, %dma_start3A_449] : memref<12x128xi32, #tpu.memory_space<vmem>> -> memref<1x128xi32, #tpu.memory_space<vmem>>
      %dma_start3A_451 = tpu.memref_squeeze %dma_start3A_450 : memref<1x128xi32, #tpu.memory_space<vmem>> -> memref<128xi32, #tpu.memory_space<vmem>>
      %dma_start3A_452 = tpu.memref_slice %arg5[%run_scoped3A_16, %mul3A_2] : memref<12x4096xi32, #tpu.memory_space<hbm>> -> memref<1x128xi32, #tpu.memory_space<hbm>>
      %dma_start3A_453 = tpu.memref_squeeze %dma_start3A_452 : memref<1x128xi32, #tpu.memory_space<hbm>> -> memref<128xi32, #tpu.memory_space<hbm>>
      %dma_start3A_454 = arith.constant 0 : i32
      %dma_start3A_455 = tpu.memref_slice %arg9[%run_scoped3A_17, %dma_start3A_454] : memref<12x128xi32, #tpu.memory_space<vmem>> -> memref<1x128xi32, #tpu.memory_space<vmem>>
      %dma_start3A_456 = tpu.memref_squeeze %dma_start3A_455 : memref<1x128xi32, #tpu.memory_space<vmem>> -> memref<128xi32, #tpu.memory_space<vmem>>
      %dma_start3A_457 = tpu.memref_slice %arg5[%run_scoped3A_16, %mul3A_2] : memref<12x4096xi32, #tpu.memory_space<hbm>> -> memref<1x128xi32, #tpu.memory_space<hbm>>
      %dma_start3A_458 = tpu.memref_squeeze %dma_start3A_457 : memref<1x128xi32, #tpu.memory_space<hbm>> -> memref<128xi32, #tpu.memory_space<hbm>>
      tpu.enqueue_dma source(%dma_start3A_458 : memref<128xi32, #tpu.memory_space<hbm>>) target(%dma_start3A_456 : memref<128xi32, #tpu.memory_space<vmem>>) target_semaphore(%run_scoped3A_448 : memref<!tpu.dma_semaphore, #tpu.memory_space<semaphore_mem>>)
      %dma_wait3A_459 = arith.constant 0 : i32
      %dma_wait3A_460 = tpu.memref_slice %arg9[%run_scoped3A_17, %dma_wait3A_459] : memref<12x128xi32, #tpu.memory_space<vmem>> -> memref<1x128xi32, #tpu.memory_space<vmem>>
      %dma_wait3A_461 = tpu.memref_squeeze %dma_wait3A_460 : memref<1x128xi32, #tpu.memory_space<vmem>> -> memref<128xi32, #tpu.memory_space<vmem>>
      %dma_wait3A_462 = tpu.memref_slice %arg5[%run_scoped3A_16, %mul3A_2] : memref<12x4096xi32, #tpu.memory_space<hbm>> -> memref<1x128xi32, #tpu.memory_space<hbm>>
      %dma_wait3A_463 = tpu.memref_squeeze %dma_wait3A_462 : memref<1x128xi32, #tpu.memory_space<hbm>> -> memref<128xi32, #tpu.memory_space<hbm>>
      %dma_wait3A_464 = arith.constant 0 : i32
      %dma_wait3A_465 = tpu.memref_slice %arg9[%run_scoped3A_17, %dma_wait3A_464] : memref<12x128xi32, #tpu.memory_space<vmem>> -> memref<1x128xi32, #tpu.memory_space<vmem>>
      %dma_wait3A_466 = tpu.memref_squeeze %dma_wait3A_465 : memref<1x128xi32, #tpu.memory_space<vmem>> -> memref<128xi32, #tpu.memory_space<vmem>>
      %dma_wait3A_467 = tpu.memref_slice %arg5[%run_scoped3A_16, %mul3A_2] : memref<12x4096xi32, #tpu.memory_space<hbm>> -> memref<1x128xi32, #tpu.memory_space<hbm>>
      %dma_wait3A_468 = tpu.memref_squeeze %dma_wait3A_467 : memref<1x128xi32, #tpu.memory_space<hbm>> -> memref<128xi32, #tpu.memory_space<hbm>>
      tpu.wait_dma2 semaphore(%run_scoped3A_448 : memref<!tpu.dma_semaphore, #tpu.memory_space<semaphore_mem>>) src(%dma_wait3A_468 : memref<128xi32, #tpu.memory_space<hbm>>) dst(%dma_wait3A_466 : memref<128xi32, #tpu.memory_space<vmem>>)
      tpu.yield
    }) : () -> ()
    %run_scoped3A_18 = arith.constant 4 : i32
    %run_scoped3A_19 = arith.constant 4 : i32
    "tpu.region"() ({
      %run_scoped3A_448 = tpu.sem_alloc : memref<!tpu.dma_semaphore, #tpu.memory_space<semaphore_mem>>
      %dma_start3A_449 = arith.constant 0 : i32
      %dma_start3A_450 = tpu.memref_slice %arg9[%run_scoped3A_19, %dma_start3A_449] : memref<12x128xi32, #tpu.memory_space<vmem>> -> memref<1x128xi32, #tpu.memory_space<vmem>>
      %dma_start3A_451 = tpu.memref_squeeze %dma_start3A_450 : memref<1x128xi32, #tpu.memory_space<vmem>> -> memref<128xi32, #tpu.memory_space<vmem>>
      %dma_start3A_452 = tpu.memref_slice %arg5[%run_scoped3A_18, %mul3A_2] : memref<12x4096xi32, #tpu.memory_space<hbm>> -> memref<1x128xi32, #tpu.memory_space<hbm>>
      %dma_start3A_453 = tpu.memref_squeeze %dma_start3A_452 : memref<1x128xi32, #tpu.memory_space<hbm>> -> memref<128xi32, #tpu.memory_space<hbm>>
      %dma_start3A_454 = arith.constant 0 : i32
      %dma_start3A_455 = tpu.memref_slice %arg9[%run_scoped3A_19, %dma_start3A_454] : memref<12x128xi32, #tpu.memory_space<vmem>> -> memref<1x128xi32, #tpu.memory_space<vmem>>
      %dma_start3A_456 = tpu.memref_squeeze %dma_start3A_455 : memref<1x128xi32, #tpu.memory_space<vmem>> -> memref<128xi32, #tpu.memory_space<vmem>>
      %dma_start3A_457 = tpu.memref_slice %arg5[%run_scoped3A_18, %mul3A_2] : memref<12x4096xi32, #tpu.memory_space<hbm>> -> memref<1x128xi32, #tpu.memory_space<hbm>>
      %dma_start3A_458 = tpu.memref_squeeze %dma_start3A_457 : memref<1x128xi32, #tpu.memory_space<hbm>> -> memref<128xi32, #tpu.memory_space<hbm>>
      tpu.enqueue_dma source(%dma_start3A_458 : memref<128xi32, #tpu.memory_space<hbm>>) target(%dma_start3A_456 : memref<128xi32, #tpu.memory_space<vmem>>) target_semaphore(%run_scoped3A_448 : memref<!tpu.dma_semaphore, #tpu.memory_space<semaphore_mem>>)
      %dma_wait3A_459 = arith.constant 0 : i32
      %dma_wait3A_460 = tpu.memref_slice %arg9[%run_scoped3A_19, %dma_wait3A_459] : memref<12x128xi32, #tpu.memory_space<vmem>> -> memref<1x128xi32, #tpu.memory_space<vmem>>
      %dma_wait3A_461 = tpu.memref_squeeze %dma_wait3A_460 : memref<1x128xi32, #tpu.memory_space<vmem>> -> memref<128xi32, #tpu.memory_space<vmem>>
      %dma_wait3A_462 = tpu.memref_slice %arg5[%run_scoped3A_18, %mul3A_2] : memref<12x4096xi32, #tpu.memory_space<hbm>> -> memref<1x128xi32, #tpu.memory_space<hbm>>
      %dma_wait3A_463 = tpu.memref_squeeze %dma_wait3A_462 : memref<1x128xi32, #tpu.memory_space<hbm>> -> memref<128xi32, #tpu.memory_space<hbm>>
      %dma_wait3A_464 = arith.constant 0 : i32
      %dma_wait3A_465 = tpu.memref_slice %arg9[%run_scoped3A_19, %dma_wait3A_464] : memref<12x128xi32, #tpu.memory_space<vmem>> -> memref<1x128xi32, #tpu.memory_space<vmem>>
      %dma_wait3A_466 = tpu.memref_squeeze %dma_wait3A_465 : memref<1x128xi32, #tpu.memory_space<vmem>> -> memref<128xi32, #tpu.memory_space<vmem>>
      %dma_wait3A_467 = tpu.memref_slice %arg5[%run_scoped3A_18, %mul3A_2] : memref<12x4096xi32, #tpu.memory_space<hbm>> -> memref<1x128xi32, #tpu.memory_space<hbm>>
      %dma_wait3A_468 = tpu.memref_squeeze %dma_wait3A_467 : memref<1x128xi32, #tpu.memory_space<hbm>> -> memref<128xi32, #tpu.memory_space<hbm>>
      tpu.wait_dma2 semaphore(%run_scoped3A_448 : memref<!tpu.dma_semaphore, #tpu.memory_space<semaphore_mem>>) src(%dma_wait3A_468 : memref<128xi32, #tpu.memory_space<hbm>>) dst(%dma_wait3A_466 : memref<128xi32, #tpu.memory_space<vmem>>)
      tpu.yield
    }) : () -> ()
    %run_scoped3A_20 = arith.constant 5 : i32
    %run_scoped3A_21 = arith.constant 5 : i32
    "tpu.region"() ({
      %run_scoped3A_448 = tpu.sem_alloc : memref<!tpu.dma_semaphore, #tpu.memory_space<semaphore_mem>>
      %dma_start3A_449 = arith.constant 0 : i32
      %dma_start3A_450 = tpu.memref_slice %arg9[%run_scoped3A_21, %dma_start3A_449] : memref<12x128xi32, #tpu.memory_space<vmem>> -> memref<1x128xi32, #tpu.memory_space<vmem>>
      %dma_start3A_451 = tpu.memref_squeeze %dma_start3A_450 : memref<1x128xi32, #tpu.memory_space<vmem>> -> memref<128xi32, #tpu.memory_space<vmem>>
      %dma_start3A_452 = tpu.memref_slice %arg5[%run_scoped3A_20, %mul3A_2] : memref<12x4096xi32, #tpu.memory_space<hbm>> -> memref<1x128xi32, #tpu.memory_space<hbm>>
      %dma_start3A_453 = tpu.memref_squeeze %dma_start3A_452 : memref<1x128xi32, #tpu.memory_space<hbm>> -> memref<128xi32, #tpu.memory_space<hbm>>
      %dma_start3A_454 = arith.constant 0 : i32
      %dma_start3A_455 = tpu.memref_slice %arg9[%run_scoped3A_21, %dma_start3A_454] : memref<12x128xi32, #tpu.memory_space<vmem>> -> memref<1x128xi32, #tpu.memory_space<vmem>>
      %dma_start3A_456 = tpu.memref_squeeze %dma_start3A_455 : memref<1x128xi32, #tpu.memory_space<vmem>> -> memref<128xi32, #tpu.memory_space<vmem>>
      %dma_start3A_457 = tpu.memref_slice %arg5[%run_scoped3A_20, %mul3A_2] : memref<12x4096xi32, #tpu.memory_space<hbm>> -> memref<1x128xi32, #tpu.memory_space<hbm>>
      %dma_start3A_458 = tpu.memref_squeeze %dma_start3A_457 : memref<1x128xi32, #tpu.memory_space<hbm>> -> memref<128xi32, #tpu.memory_space<hbm>>
      tpu.enqueue_dma source(%dma_start3A_458 : memref<128xi32, #tpu.memory_space<hbm>>) target(%dma_start3A_456 : memref<128xi32, #tpu.memory_space<vmem>>) target_semaphore(%run_scoped3A_448 : memref<!tpu.dma_semaphore, #tpu.memory_space<semaphore_mem>>)
      %dma_wait3A_459 = arith.constant 0 : i32
      %dma_wait3A_460 = tpu.memref_slice %arg9[%run_scoped3A_21, %dma_wait3A_459] : memref<12x128xi32, #tpu.memory_space<vmem>> -> memref<1x128xi32, #tpu.memory_space<vmem>>
      %dma_wait3A_461 = tpu.memref_squeeze %dma_wait3A_460 : memref<1x128xi32, #tpu.memory_space<vmem>> -> memref<128xi32, #tpu.memory_space<vmem>>
      %dma_wait3A_462 = tpu.memref_slice %arg5[%run_scoped3A_20, %mul3A_2] : memref<12x4096xi32, #tpu.memory_space<hbm>> -> memref<1x128xi32, #tpu.memory_space<hbm>>
      %dma_wait3A_463 = tpu.memref_squeeze %dma_wait3A_462 : memref<1x128xi32, #tpu.memory_space<hbm>> -> memref<128xi32, #tpu.memory_space<hbm>>
      %dma_wait3A_464 = arith.constant 0 : i32
      %dma_wait3A_465 = tpu.memref_slice %arg9[%run_scoped3A_21, %dma_wait3A_464] : memref<12x128xi32, #tpu.memory_space<vmem>> -> memref<1x128xi32, #tpu.memory_space<vmem>>
      %dma_wait3A_466 = tpu.memref_squeeze %dma_wait3A_465 : memref<1x128xi32, #tpu.memory_space<vmem>> -> memref<128xi32, #tpu.memory_space<vmem>>
      %dma_wait3A_467 = tpu.memref_slice %arg5[%run_scoped3A_20, %mul3A_2] : memref<12x4096xi32, #tpu.memory_space<hbm>> -> memref<1x128xi32, #tpu.memory_space<hbm>>
      %dma_wait3A_468 = tpu.memref_squeeze %dma_wait3A_467 : memref<1x128xi32, #tpu.memory_space<hbm>> -> memref<128xi32, #tpu.memory_space<hbm>>
      tpu.wait_dma2 semaphore(%run_scoped3A_448 : memref<!tpu.dma_semaphore, #tpu.memory_space<semaphore_mem>>) src(%dma_wait3A_468 : memref<128xi32, #tpu.memory_space<hbm>>) dst(%dma_wait3A_466 : memref<128xi32, #tpu.memory_space<vmem>>)
      tpu.yield
    }) : () -> ()
    %run_scoped3A_22 = arith.constant 6 : i32
    %run_scoped3A_23 = arith.constant 6 : i32
    "tpu.region"() ({
      %run_scoped3A_448 = tpu.sem_alloc : memref<!tpu.dma_semaphore, #tpu.memory_space<semaphore_mem>>
      %dma_start3A_449 = arith.constant 0 : i32
      %dma_start3A_450 = tpu.memref_slice %arg9[%run_scoped3A_23, %dma_start3A_449] : memref<12x128xi32, #tpu.memory_space<vmem>> -> memref<1x128xi32, #tpu.memory_space<vmem>>
      %dma_start3A_451 = tpu.memref_squeeze %dma_start3A_450 : memref<1x128xi32, #tpu.memory_space<vmem>> -> memref<128xi32, #tpu.memory_space<vmem>>
      %dma_start3A_452 = tpu.memref_slice %arg5[%run_scoped3A_22, %mul3A_2] : memref<12x4096xi32, #tpu.memory_space<hbm>> -> memref<1x128xi32, #tpu.memory_space<hbm>>
      %dma_start3A_453 = tpu.memref_squeeze %dma_start3A_452 : memref<1x128xi32, #tpu.memory_space<hbm>> -> memref<128xi32, #tpu.memory_space<hbm>>
      %dma_start3A_454 = arith.constant 0 : i32
      %dma_start3A_455 = tpu.memref_slice %arg9[%run_scoped3A_23, %dma_start3A_454] : memref<12x128xi32, #tpu.memory_space<vmem>> -> memref<1x128xi32, #tpu.memory_space<vmem>>
      %dma_start3A_456 = tpu.memref_squeeze %dma_start3A_455 : memref<1x128xi32, #tpu.memory_space<vmem>> -> memref<128xi32, #tpu.memory_space<vmem>>
      %dma_start3A_457 = tpu.memref_slice %arg5[%run_scoped3A_22, %mul3A_2] : memref<12x4096xi32, #tpu.memory_space<hbm>> -> memref<1x128xi32, #tpu.memory_space<hbm>>
      %dma_start3A_458 = tpu.memref_squeeze %dma_start3A_457 : memref<1x128xi32, #tpu.memory_space<hbm>> -> memref<128xi32, #tpu.memory_space<hbm>>
      tpu.enqueue_dma source(%dma_start3A_458 : memref<128xi32, #tpu.memory_space<hbm>>) target(%dma_start3A_456 : memref<128xi32, #tpu.memory_space<vmem>>) target_semaphore(%run_scoped3A_448 : memref<!tpu.dma_semaphore, #tpu.memory_space<semaphore_mem>>)
      %dma_wait3A_459 = arith.constant 0 : i32
      %dma_wait3A_460 = tpu.memref_slice %arg9[%run_scoped3A_23, %dma_wait3A_459] : memref<12x128xi32, #tpu.memory_space<vmem>> -> memref<1x128xi32, #tpu.memory_space<vmem>>
      %dma_wait3A_461 = tpu.memref_squeeze %dma_wait3A_460 : memref<1x128xi32, #tpu.memory_space<vmem>> -> memref<128xi32, #tpu.memory_space<vmem>>
      %dma_wait3A_462 = tpu.memref_slice %arg5[%run_scoped3A_22, %mul3A_2] : memref<12x4096xi32, #tpu.memory_space<hbm>> -> memref<1x128xi32, #tpu.memory_space<hbm>>
      %dma_wait3A_463 = tpu.memref_squeeze %dma_wait3A_462 : memref<1x128xi32, #tpu.memory_space<hbm>> -> memref<128xi32, #tpu.memory_space<hbm>>
      %dma_wait3A_464 = arith.constant 0 : i32
      %dma_wait3A_465 = tpu.memref_slice %arg9[%run_scoped3A_23, %dma_wait3A_464] : memref<12x128xi32, #tpu.memory_space<vmem>> -> memref<1x128xi32, #tpu.memory_space<vmem>>
      %dma_wait3A_466 = tpu.memref_squeeze %dma_wait3A_465 : memref<1x128xi32, #tpu.memory_space<vmem>> -> memref<128xi32, #tpu.memory_space<vmem>>
      %dma_wait3A_467 = tpu.memref_slice %arg5[%run_scoped3A_22, %mul3A_2] : memref<12x4096xi32, #tpu.memory_space<hbm>> -> memref<1x128xi32, #tpu.memory_space<hbm>>
      %dma_wait3A_468 = tpu.memref_squeeze %dma_wait3A_467 : memref<1x128xi32, #tpu.memory_space<hbm>> -> memref<128xi32, #tpu.memory_space<hbm>>
      tpu.wait_dma2 semaphore(%run_scoped3A_448 : memref<!tpu.dma_semaphore, #tpu.memory_space<semaphore_mem>>) src(%dma_wait3A_468 : memref<128xi32, #tpu.memory_space<hbm>>) dst(%dma_wait3A_466 : memref<128xi32, #tpu.memory_space<vmem>>)
      tpu.yield
    }) : () -> ()
    %run_scoped3A_24 = arith.constant 7 : i32
    %run_scoped3A_25 = arith.constant 7 : i32
    "tpu.region"() ({
      %run_scoped3A_448 = tpu.sem_alloc : memref<!tpu.dma_semaphore, #tpu.memory_space<semaphore_mem>>
      %dma_start3A_449 = arith.constant 0 : i32
      %dma_start3A_450 = tpu.memref_slice %arg9[%run_scoped3A_25, %dma_start3A_449] : memref<12x128xi32, #tpu.memory_space<vmem>> -> memref<1x128xi32, #tpu.memory_space<vmem>>
      %dma_start3A_451 = tpu.memref_squeeze %dma_start3A_450 : memref<1x128xi32, #tpu.memory_space<vmem>> -> memref<128xi32, #tpu.memory_space<vmem>>
      %dma_start3A_452 = tpu.memref_slice %arg5[%run_scoped3A_24, %mul3A_2] : memref<12x4096xi32, #tpu.memory_space<hbm>> -> memref<1x128xi32, #tpu.memory_space<hbm>>
      %dma_start3A_453 = tpu.memref_squeeze %dma_start3A_452 : memref<1x128xi32, #tpu.memory_space<hbm>> -> memref<128xi32, #tpu.memory_space<hbm>>
      %dma_start3A_454 = arith.constant 0 : i32
      %dma_start3A_455 = tpu.memref_slice %arg9[%run_scoped3A_25, %dma_start3A_454] : memref<12x128xi32, #tpu.memory_space<vmem>> -> memref<1x128xi32, #tpu.memory_space<vmem>>
      %dma_start3A_456 = tpu.memref_squeeze %dma_start3A_455 : memref<1x128xi32, #tpu.memory_space<vmem>> -> memref<128xi32, #tpu.memory_space<vmem>>
      %dma_start3A_457 = tpu.memref_slice %arg5[%run_scoped3A_24, %mul3A_2] : memref<12x4096xi32, #tpu.memory_space<hbm>> -> memref<1x128xi32, #tpu.memory_space<hbm>>
      %dma_start3A_458 = tpu.memref_squeeze %dma_start3A_457 : memref<1x128xi32, #tpu.memory_space<hbm>> -> memref<128xi32, #tpu.memory_space<hbm>>
      tpu.enqueue_dma source(%dma_start3A_458 : memref<128xi32, #tpu.memory_space<hbm>>) target(%dma_start3A_456 : memref<128xi32, #tpu.memory_space<vmem>>) target_semaphore(%run_scoped3A_448 : memref<!tpu.dma_semaphore, #tpu.memory_space<semaphore_mem>>)
      %dma_wait3A_459 = arith.constant 0 : i32
      %dma_wait3A_460 = tpu.memref_slice %arg9[%run_scoped3A_25, %dma_wait3A_459] : memref<12x128xi32, #tpu.memory_space<vmem>> -> memref<1x128xi32, #tpu.memory_space<vmem>>
      %dma_wait3A_461 = tpu.memref_squeeze %dma_wait3A_460 : memref<1x128xi32, #tpu.memory_space<vmem>> -> memref<128xi32, #tpu.memory_space<vmem>>
      %dma_wait3A_462 = tpu.memref_slice %arg5[%run_scoped3A_24, %mul3A_2] : memref<12x4096xi32, #tpu.memory_space<hbm>> -> memref<1x128xi32, #tpu.memory_space<hbm>>
      %dma_wait3A_463 = tpu.memref_squeeze %dma_wait3A_462 : memref<1x128xi32, #tpu.memory_space<hbm>> -> memref<128xi32, #tpu.memory_space<hbm>>
      %dma_wait3A_464 = arith.constant 0 : i32
      %dma_wait3A_465 = tpu.memref_slice %arg9[%run_scoped3A_25, %dma_wait3A_464] : memref<12x128xi32, #tpu.memory_space<vmem>> -> memref<1x128xi32, #tpu.memory_space<vmem>>
      %dma_wait3A_466 = tpu.memref_squeeze %dma_wait3A_465 : memref<1x128xi32, #tpu.memory_space<vmem>> -> memref<128xi32, #tpu.memory_space<vmem>>
      %dma_wait3A_467 = tpu.memref_slice %arg5[%run_scoped3A_24, %mul3A_2] : memref<12x4096xi32, #tpu.memory_space<hbm>> -> memref<1x128xi32, #tpu.memory_space<hbm>>
      %dma_wait3A_468 = tpu.memref_squeeze %dma_wait3A_467 : memref<1x128xi32, #tpu.memory_space<hbm>> -> memref<128xi32, #tpu.memory_space<hbm>>
      tpu.wait_dma2 semaphore(%run_scoped3A_448 : memref<!tpu.dma_semaphore, #tpu.memory_space<semaphore_mem>>) src(%dma_wait3A_468 : memref<128xi32, #tpu.memory_space<hbm>>) dst(%dma_wait3A_466 : memref<128xi32, #tpu.memory_space<vmem>>)
      tpu.yield
    }) : () -> ()
    %run_scoped3A_26 = arith.constant 8 : i32
    %run_scoped3A_27 = arith.constant 8 : i32
    "tpu.region"() ({
      %run_scoped3A_448 = tpu.sem_alloc : memref<!tpu.dma_semaphore, #tpu.memory_space<semaphore_mem>>
      %dma_start3A_449 = arith.constant 0 : i32
      %dma_start3A_450 = tpu.memref_slice %arg9[%run_scoped3A_27, %dma_start3A_449] : memref<12x128xi32, #tpu.memory_space<vmem>> -> memref<1x128xi32, #tpu.memory_space<vmem>>
      %dma_start3A_451 = tpu.memref_squeeze %dma_start3A_450 : memref<1x128xi32, #tpu.memory_space<vmem>> -> memref<128xi32, #tpu.memory_space<vmem>>
      %dma_start3A_452 = tpu.memref_slice %arg5[%run_scoped3A_26, %mul3A_2] : memref<12x4096xi32, #tpu.memory_space<hbm>> -> memref<1x128xi32, #tpu.memory_space<hbm>>
      %dma_start3A_453 = tpu.memref_squeeze %dma_start3A_452 : memref<1x128xi32, #tpu.memory_space<hbm>> -> memref<128xi32, #tpu.memory_space<hbm>>
      %dma_start3A_454 = arith.constant 0 : i32
      %dma_start3A_455 = tpu.memref_slice %arg9[%run_scoped3A_27, %dma_start3A_454] : memref<12x128xi32, #tpu.memory_space<vmem>> -> memref<1x128xi32, #tpu.memory_space<vmem>>
      %dma_start3A_456 = tpu.memref_squeeze %dma_start3A_455 : memref<1x128xi32, #tpu.memory_space<vmem>> -> memref<128xi32, #tpu.memory_space<vmem>>
      %dma_start3A_457 = tpu.memref_slice %arg5[%run_scoped3A_26, %mul3A_2] : memref<12x4096xi32, #tpu.memory_space<hbm>> -> memref<1x128xi32, #tpu.memory_space<hbm>>
      %dma_start3A_458 = tpu.memref_squeeze %dma_start3A_457 : memref<1x128xi32, #tpu.memory_space<hbm>> -> memref<128xi32, #tpu.memory_space<hbm>>
      tpu.enqueue_dma source(%dma_start3A_458 : memref<128xi32, #tpu.memory_space<hbm>>) target(%dma_start3A_456 : memref<128xi32, #tpu.memory_space<vmem>>) target_semaphore(%run_scoped3A_448 : memref<!tpu.dma_semaphore, #tpu.memory_space<semaphore_mem>>)
      %dma_wait3A_459 = arith.constant 0 : i32
      %dma_wait3A_460 = tpu.memref_slice %arg9[%run_scoped3A_27, %dma_wait3A_459] : memref<12x128xi32, #tpu.memory_space<vmem>> -> memref<1x128xi32, #tpu.memory_space<vmem>>
      %dma_wait3A_461 = tpu.memref_squeeze %dma_wait3A_460 : memref<1x128xi32, #tpu.memory_space<vmem>> -> memref<128xi32, #tpu.memory_space<vmem>>
      %dma_wait3A_462 = tpu.memref_slice %arg5[%run_scoped3A_26, %mul3A_2] : memref<12x4096xi32, #tpu.memory_space<hbm>> -> memref<1x128xi32, #tpu.memory_space<hbm>>
      %dma_wait3A_463 = tpu.memref_squeeze %dma_wait3A_462 : memref<1x128xi32, #tpu.memory_space<hbm>> -> memref<128xi32, #tpu.memory_space<hbm>>
      %dma_wait3A_464 = arith.constant 0 : i32
      %dma_wait3A_465 = tpu.memref_slice %arg9[%run_scoped3A_27, %dma_wait3A_464] : memref<12x128xi32, #tpu.memory_space<vmem>> -> memref<1x128xi32, #tpu.memory_space<vmem>>
      %dma_wait3A_466 = tpu.memref_squeeze %dma_wait3A_465 : memref<1x128xi32, #tpu.memory_space<vmem>> -> memref<128xi32, #tpu.memory_space<vmem>>
      %dma_wait3A_467 = tpu.memref_slice %arg5[%run_scoped3A_26, %mul3A_2] : memref<12x4096xi32, #tpu.memory_space<hbm>> -> memref<1x128xi32, #tpu.memory_space<hbm>>
      %dma_wait3A_468 = tpu.memref_squeeze %dma_wait3A_467 : memref<1x128xi32, #tpu.memory_space<hbm>> -> memref<128xi32, #tpu.memory_space<hbm>>
      tpu.wait_dma2 semaphore(%run_scoped3A_448 : memref<!tpu.dma_semaphore, #tpu.memory_space<semaphore_mem>>) src(%dma_wait3A_468 : memref<128xi32, #tpu.memory_space<hbm>>) dst(%dma_wait3A_466 : memref<128xi32, #tpu.memory_space<vmem>>)
      tpu.yield
    }) : () -> ()
    %run_scoped3A_28 = arith.constant 9 : i32
    %run_scoped3A_29 = arith.constant 9 : i32
    "tpu.region"() ({
      %run_scoped3A_448 = tpu.sem_alloc : memref<!tpu.dma_semaphore, #tpu.memory_space<semaphore_mem>>
      %dma_start3A_449 = arith.constant 0 : i32
      %dma_start3A_450 = tpu.memref_slice %arg9[%run_scoped3A_29, %dma_start3A_449] : memref<12x128xi32, #tpu.memory_space<vmem>> -> memref<1x128xi32, #tpu.memory_space<vmem>>
      %dma_start3A_451 = tpu.memref_squeeze %dma_start3A_450 : memref<1x128xi32, #tpu.memory_space<vmem>> -> memref<128xi32, #tpu.memory_space<vmem>>
      %dma_start3A_452 = tpu.memref_slice %arg5[%run_scoped3A_28, %mul3A_2] : memref<12x4096xi32, #tpu.memory_space<hbm>> -> memref<1x128xi32, #tpu.memory_space<hbm>>
      %dma_start3A_453 = tpu.memref_squeeze %dma_start3A_452 : memref<1x128xi32, #tpu.memory_space<hbm>> -> memref<128xi32, #tpu.memory_space<hbm>>
      %dma_start3A_454 = arith.constant 0 : i32
      %dma_start3A_455 = tpu.memref_slice %arg9[%run_scoped3A_29, %dma_start3A_454] : memref<12x128xi32, #tpu.memory_space<vmem>> -> memref<1x128xi32, #tpu.memory_space<vmem>>
      %dma_start3A_456 = tpu.memref_squeeze %dma_start3A_455 : memref<1x128xi32, #tpu.memory_space<vmem>> -> memref<128xi32, #tpu.memory_space<vmem>>
      %dma_start3A_457 = tpu.memref_slice %arg5[%run_scoped3A_28, %mul3A_2] : memref<12x4096xi32, #tpu.memory_space<hbm>> -> memref<1x128xi32, #tpu.memory_space<hbm>>
      %dma_start3A_458 = tpu.memref_squeeze %dma_start3A_457 : memref<1x128xi32, #tpu.memory_space<hbm>> -> memref<128xi32, #tpu.memory_space<hbm>>
      tpu.enqueue_dma source(%dma_start3A_458 : memref<128xi32, #tpu.memory_space<hbm>>) target(%dma_start3A_456 : memref<128xi32, #tpu.memory_space<vmem>>) target_semaphore(%run_scoped3A_448 : memref<!tpu.dma_semaphore, #tpu.memory_space<semaphore_mem>>)
      %dma_wait3A_459 = arith.constant 0 : i32
      %dma_wait3A_460 = tpu.memref_slice %arg9[%run_scoped3A_29, %dma_wait3A_459] : memref<12x128xi32, #tpu.memory_space<vmem>> -> memref<1x128xi32, #tpu.memory_space<vmem>>
      %dma_wait3A_461 = tpu.memref_squeeze %dma_wait3A_460 : memref<1x128xi32, #tpu.memory_space<vmem>> -> memref<128xi32, #tpu.memory_space<vmem>>
      %dma_wait3A_462 = tpu.memref_slice %arg5[%run_scoped3A_28, %mul3A_2] : memref<12x4096xi32, #tpu.memory_space<hbm>> -> memref<1x128xi32, #tpu.memory_space<hbm>>
      %dma_wait3A_463 = tpu.memref_squeeze %dma_wait3A_462 : memref<1x128xi32, #tpu.memory_space<hbm>> -> memref<128xi32, #tpu.memory_space<hbm>>
      %dma_wait3A_464 = arith.constant 0 : i32
      %dma_wait3A_465 = tpu.memref_slice %arg9[%run_scoped3A_29, %dma_wait3A_464] : memref<12x128xi32, #tpu.memory_space<vmem>> -> memref<1x128xi32, #tpu.memory_space<vmem>>
      %dma_wait3A_466 = tpu.memref_squeeze %dma_wait3A_465 : memref<1x128xi32, #tpu.memory_space<vmem>> -> memref<128xi32, #tpu.memory_space<vmem>>
      %dma_wait3A_467 = tpu.memref_slice %arg5[%run_scoped3A_28, %mul3A_2] : memref<12x4096xi32, #tpu.memory_space<hbm>> -> memref<1x128xi32, #tpu.memory_space<hbm>>
      %dma_wait3A_468 = tpu.memref_squeeze %dma_wait3A_467 : memref<1x128xi32, #tpu.memory_space<hbm>> -> memref<128xi32, #tpu.memory_space<hbm>>
      tpu.wait_dma2 semaphore(%run_scoped3A_448 : memref<!tpu.dma_semaphore, #tpu.memory_space<semaphore_mem>>) src(%dma_wait3A_468 : memref<128xi32, #tpu.memory_space<hbm>>) dst(%dma_wait3A_466 : memref<128xi32, #tpu.memory_space<vmem>>)
      tpu.yield
    }) : () -> ()
    %run_scoped3A_30 = arith.constant 10 : i32
    %run_scoped3A_31 = arith.constant 10 : i32
    "tpu.region"() ({
      %run_scoped3A_448 = tpu.sem_alloc : memref<!tpu.dma_semaphore, #tpu.memory_space<semaphore_mem>>
      %dma_start3A_449 = arith.constant 0 : i32
      %dma_start3A_450 = tpu.memref_slice %arg9[%run_scoped3A_31, %dma_start3A_449] : memref<12x128xi32, #tpu.memory_space<vmem>> -> memref<1x128xi32, #tpu.memory_space<vmem>>
      %dma_start3A_451 = tpu.memref_squeeze %dma_start3A_450 : memref<1x128xi32, #tpu.memory_space<vmem>> -> memref<128xi32, #tpu.memory_space<vmem>>
      %dma_start3A_452 = tpu.memref_slice %arg5[%run_scoped3A_30, %mul3A_2] : memref<12x4096xi32, #tpu.memory_space<hbm>> -> memref<1x128xi32, #tpu.memory_space<hbm>>
      %dma_start3A_453 = tpu.memref_squeeze %dma_start3A_452 : memref<1x128xi32, #tpu.memory_space<hbm>> -> memref<128xi32, #tpu.memory_space<hbm>>
      %dma_start3A_454 = arith.constant 0 : i32
      %dma_start3A_455 = tpu.memref_slice %arg9[%run_scoped3A_31, %dma_start3A_454] : memref<12x128xi32, #tpu.memory_space<vmem>> -> memref<1x128xi32, #tpu.memory_space<vmem>>
      %dma_start3A_456 = tpu.memref_squeeze %dma_start3A_455 : memref<1x128xi32, #tpu.memory_space<vmem>> -> memref<128xi32, #tpu.memory_space<vmem>>
      %dma_start3A_457 = tpu.memref_slice %arg5[%run_scoped3A_30, %mul3A_2] : memref<12x4096xi32, #tpu.memory_space<hbm>> -> memref<1x128xi32, #tpu.memory_space<hbm>>
      %dma_start3A_458 = tpu.memref_squeeze %dma_start3A_457 : memref<1x128xi32, #tpu.memory_space<hbm>> -> memref<128xi32, #tpu.memory_space<hbm>>
      tpu.enqueue_dma source(%dma_start3A_458 : memref<128xi32, #tpu.memory_space<hbm>>) target(%dma_start3A_456 : memref<128xi32, #tpu.memory_space<vmem>>) target_semaphore(%run_scoped3A_448 : memref<!tpu.dma_semaphore, #tpu.memory_space<semaphore_mem>>)
      %dma_wait3A_459 = arith.constant 0 : i32
      %dma_wait3A_460 = tpu.memref_slice %arg9[%run_scoped3A_31, %dma_wait3A_459] : memref<12x128xi32, #tpu.memory_space<vmem>> -> memref<1x128xi32, #tpu.memory_space<vmem>>
      %dma_wait3A_461 = tpu.memref_squeeze %dma_wait3A_460 : memref<1x128xi32, #tpu.memory_space<vmem>> -> memref<128xi32, #tpu.memory_space<vmem>>
      %dma_wait3A_462 = tpu.memref_slice %arg5[%run_scoped3A_30, %mul3A_2] : memref<12x4096xi32, #tpu.memory_space<hbm>> -> memref<1x128xi32, #tpu.memory_space<hbm>>
      %dma_wait3A_463 = tpu.memref_squeeze %dma_wait3A_462 : memref<1x128xi32, #tpu.memory_space<hbm>> -> memref<128xi32, #tpu.memory_space<hbm>>
      %dma_wait3A_464 = arith.constant 0 : i32
      %dma_wait3A_465 = tpu.memref_slice %arg9[%run_scoped3A_31, %dma_wait3A_464] : memref<12x128xi32, #tpu.memory_space<vmem>> -> memref<1x128xi32, #tpu.memory_space<vmem>>
      %dma_wait3A_466 = tpu.memref_squeeze %dma_wait3A_465 : memref<1x128xi32, #tpu.memory_space<vmem>> -> memref<128xi32, #tpu.memory_space<vmem>>
      %dma_wait3A_467 = tpu.memref_slice %arg5[%run_scoped3A_30, %mul3A_2] : memref<12x4096xi32, #tpu.memory_space<hbm>> -> memref<1x128xi32, #tpu.memory_space<hbm>>
      %dma_wait3A_468 = tpu.memref_squeeze %dma_wait3A_467 : memref<1x128xi32, #tpu.memory_space<hbm>> -> memref<128xi32, #tpu.memory_space<hbm>>
      tpu.wait_dma2 semaphore(%run_scoped3A_448 : memref<!tpu.dma_semaphore, #tpu.memory_space<semaphore_mem>>) src(%dma_wait3A_468 : memref<128xi32, #tpu.memory_space<hbm>>) dst(%dma_wait3A_466 : memref<128xi32, #tpu.memory_space<vmem>>)
      tpu.yield
    }) : () -> ()
    %run_scoped3A_32 = arith.constant 11 : i32
    %run_scoped3A_33 = arith.constant 11 : i32
    "tpu.region"() ({
      %run_scoped3A_448 = tpu.sem_alloc : memref<!tpu.dma_semaphore, #tpu.memory_space<semaphore_mem>>
      %dma_start3A_449 = arith.constant 0 : i32
      %dma_start3A_450 = tpu.memref_slice %arg9[%run_scoped3A_33, %dma_start3A_449] : memref<12x128xi32, #tpu.memory_space<vmem>> -> memref<1x128xi32, #tpu.memory_space<vmem>>
      %dma_start3A_451 = tpu.memref_squeeze %dma_start3A_450 : memref<1x128xi32, #tpu.memory_space<vmem>> -> memref<128xi32, #tpu.memory_space<vmem>>
      %dma_start3A_452 = tpu.memref_slice %arg5[%run_scoped3A_32, %mul3A_2] : memref<12x4096xi32, #tpu.memory_space<hbm>> -> memref<1x128xi32, #tpu.memory_space<hbm>>
      %dma_start3A_453 = tpu.memref_squeeze %dma_start3A_452 : memref<1x128xi32, #tpu.memory_space<hbm>> -> memref<128xi32, #tpu.memory_space<hbm>>
      %dma_start3A_454 = arith.constant 0 : i32
      %dma_start3A_455 = tpu.memref_slice %arg9[%run_scoped3A_33, %dma_start3A_454] : memref<12x128xi32, #tpu.memory_space<vmem>> -> memref<1x128xi32, #tpu.memory_space<vmem>>
      %dma_start3A_456 = tpu.memref_squeeze %dma_start3A_455 : memref<1x128xi32, #tpu.memory_space<vmem>> -> memref<128xi32, #tpu.memory_space<vmem>>
      %dma_start3A_457 = tpu.memref_slice %arg5[%run_scoped3A_32, %mul3A_2] : memref<12x4096xi32, #tpu.memory_space<hbm>> -> memref<1x128xi32, #tpu.memory_space<hbm>>
      %dma_start3A_458 = tpu.memref_squeeze %dma_start3A_457 : memref<1x128xi32, #tpu.memory_space<hbm>> -> memref<128xi32, #tpu.memory_space<hbm>>
      tpu.enqueue_dma source(%dma_start3A_458 : memref<128xi32, #tpu.memory_space<hbm>>) target(%dma_start3A_456 : memref<128xi32, #tpu.memory_space<vmem>>) target_semaphore(%run_scoped3A_448 : memref<!tpu.dma_semaphore, #tpu.memory_space<semaphore_mem>>)
      %dma_wait3A_459 = arith.constant 0 : i32
      %dma_wait3A_460 = tpu.memref_slice %arg9[%run_scoped3A_33, %dma_wait3A_459] : memref<12x128xi32, #tpu.memory_space<vmem>> -> memref<1x128xi32, #tpu.memory_space<vmem>>
      %dma_wait3A_461 = tpu.memref_squeeze %dma_wait3A_460 : memref<1x128xi32, #tpu.memory_space<vmem>> -> memref<128xi32, #tpu.memory_space<vmem>>
      %dma_wait3A_462 = tpu.memref_slice %arg5[%run_scoped3A_32, %mul3A_2] : memref<12x4096xi32, #tpu.memory_space<hbm>> -> memref<1x128xi32, #tpu.memory_space<hbm>>
      %dma_wait3A_463 = tpu.memref_squeeze %dma_wait3A_462 : memref<1x128xi32, #tpu.memory_space<hbm>> -> memref<128xi32, #tpu.memory_space<hbm>>
      %dma_wait3A_464 = arith.constant 0 : i32
      %dma_wait3A_465 = tpu.memref_slice %arg9[%run_scoped3A_33, %dma_wait3A_464] : memref<12x128xi32, #tpu.memory_space<vmem>> -> memref<1x128xi32, #tpu.memory_space<vmem>>
      %dma_wait3A_466 = tpu.memref_squeeze %dma_wait3A_465 : memref<1x128xi32, #tpu.memory_space<vmem>> -> memref<128xi32, #tpu.memory_space<vmem>>
      %dma_wait3A_467 = tpu.memref_slice %arg5[%run_scoped3A_32, %mul3A_2] : memref<12x4096xi32, #tpu.memory_space<hbm>> -> memref<1x128xi32, #tpu.memory_space<hbm>>
      %dma_wait3A_468 = tpu.memref_squeeze %dma_wait3A_467 : memref<1x128xi32, #tpu.memory_space<hbm>> -> memref<128xi32, #tpu.memory_space<hbm>>
      tpu.wait_dma2 semaphore(%run_scoped3A_448 : memref<!tpu.dma_semaphore, #tpu.memory_space<semaphore_mem>>) src(%dma_wait3A_468 : memref<128xi32, #tpu.memory_space<hbm>>) dst(%dma_wait3A_466 : memref<128xi32, #tpu.memory_space<vmem>>)
      tpu.yield
    }) : () -> ()
    %dma_start3A = arith.constant 0 : i32
    %dma_start3A_34 = arith.constant 0 : i32
    %dma_start3A_35 = arith.constant 0 : i32
    %dma_start3A_36 = arith.constant 0 : i32
    %dma_start3A_37 = tpu.memref_slice %arg10[%dma_start3A_34, %dma_start3A_35, %dma_start3A_36] : memref<4x128x128xf32, #tpu.memory_space<vmem>> -> memref<1x128x128xf32, #tpu.memory_space<vmem>>
    %dma_start3A_38 = tpu.memref_squeeze %dma_start3A_37 : memref<1x128x128xf32, #tpu.memory_space<vmem>> -> memref<128x128xf32, #tpu.memory_space<vmem>>
    %dma_start3A_39 = arith.constant 0 : i32
    %dma_start3A_40 = tpu.memref_slice %arg8[%dma_start3A, %dma_start3A_39] : memref<4x128xi32, #tpu.memory_space<vmem>> -> memref<1x128xi32, #tpu.memory_space<vmem>>
    %dma_start3A_41 = tpu.memref_squeeze %dma_start3A_40 : memref<1x128xi32, #tpu.memory_space<vmem>> -> memref<128xi32, #tpu.memory_space<vmem>>
    %dma_start3A_42 = arith.constant 0 : i32
    %dma_start3A_43 = arith.constant 0 : i32
    %dma_start3A_44 = tpu.memref_slice %arg2[%dma_start3A_42, %dma_start3A_43] : memref<16384x128xf32, #tpu.memory_space<hbm>> -> memref<16384x128xf32, #tpu.memory_space<hbm>>
    tpu.enqueue_indirect_dma source(%dma_start3A_44 : memref<16384x128xf32, #tpu.memory_space<hbm>>) target(%dma_start3A_38 : memref<128x128xf32, #tpu.memory_space<vmem>>) offsets(%dma_start3A_41 : memref<128xi32, #tpu.memory_space<vmem>>) semaphore(%arg11 : memref<!tpu.dma_semaphore, #tpu.memory_space<semaphore_mem>>)
    %dma_start3A_45 = arith.constant 1 : i32
    %dma_start3A_46 = arith.constant 1 : i32
    %dma_start3A_47 = arith.constant 0 : i32
    %dma_start3A_48 = arith.constant 0 : i32
    %dma_start3A_49 = tpu.memref_slice %arg10[%dma_start3A_46, %dma_start3A_47, %dma_start3A_48] : memref<4x128x128xf32, #tpu.memory_space<vmem>> -> memref<1x128x128xf32, #tpu.memory_space<vmem>>
    %dma_start3A_50 = tpu.memref_squeeze %dma_start3A_49 : memref<1x128x128xf32, #tpu.memory_space<vmem>> -> memref<128x128xf32, #tpu.memory_space<vmem>>
    %dma_start3A_51 = arith.constant 0 : i32
    %dma_start3A_52 = tpu.memref_slice %arg8[%dma_start3A_45, %dma_start3A_51] : memref<4x128xi32, #tpu.memory_space<vmem>> -> memref<1x128xi32, #tpu.memory_space<vmem>>
    %dma_start3A_53 = tpu.memref_squeeze %dma_start3A_52 : memref<1x128xi32, #tpu.memory_space<vmem>> -> memref<128xi32, #tpu.memory_space<vmem>>
    %dma_start3A_54 = arith.constant 0 : i32
    %dma_start3A_55 = arith.constant 0 : i32
    %dma_start3A_56 = tpu.memref_slice %arg2[%dma_start3A_54, %dma_start3A_55] : memref<16384x128xf32, #tpu.memory_space<hbm>> -> memref<16384x128xf32, #tpu.memory_space<hbm>>
    tpu.enqueue_indirect_dma source(%dma_start3A_56 : memref<16384x128xf32, #tpu.memory_space<hbm>>) target(%dma_start3A_50 : memref<128x128xf32, #tpu.memory_space<vmem>>) offsets(%dma_start3A_53 : memref<128xi32, #tpu.memory_space<vmem>>) semaphore(%arg11 : memref<!tpu.dma_semaphore, #tpu.memory_space<semaphore_mem>>)
    %dma_start3A_57 = arith.constant 2 : i32
    %dma_start3A_58 = arith.constant 2 : i32
    %dma_start3A_59 = arith.constant 0 : i32
    %dma_start3A_60 = arith.constant 0 : i32
    %dma_start3A_61 = tpu.memref_slice %arg10[%dma_start3A_58, %dma_start3A_59, %dma_start3A_60] : memref<4x128x128xf32, #tpu.memory_space<vmem>> -> memref<1x128x128xf32, #tpu.memory_space<vmem>>
    %dma_start3A_62 = tpu.memref_squeeze %dma_start3A_61 : memref<1x128x128xf32, #tpu.memory_space<vmem>> -> memref<128x128xf32, #tpu.memory_space<vmem>>
    %dma_start3A_63 = arith.constant 0 : i32
    %dma_start3A_64 = tpu.memref_slice %arg8[%dma_start3A_57, %dma_start3A_63] : memref<4x128xi32, #tpu.memory_space<vmem>> -> memref<1x128xi32, #tpu.memory_space<vmem>>
    %dma_start3A_65 = tpu.memref_squeeze %dma_start3A_64 : memref<1x128xi32, #tpu.memory_space<vmem>> -> memref<128xi32, #tpu.memory_space<vmem>>
    %dma_start3A_66 = arith.constant 0 : i32
    %dma_start3A_67 = arith.constant 0 : i32
    %dma_start3A_68 = tpu.memref_slice %arg2[%dma_start3A_66, %dma_start3A_67] : memref<16384x128xf32, #tpu.memory_space<hbm>> -> memref<16384x128xf32, #tpu.memory_space<hbm>>
    tpu.enqueue_indirect_dma source(%dma_start3A_68 : memref<16384x128xf32, #tpu.memory_space<hbm>>) target(%dma_start3A_62 : memref<128x128xf32, #tpu.memory_space<vmem>>) offsets(%dma_start3A_65 : memref<128xi32, #tpu.memory_space<vmem>>) semaphore(%arg11 : memref<!tpu.dma_semaphore, #tpu.memory_space<semaphore_mem>>)
    %dma_start3A_69 = arith.constant 3 : i32
    %dma_start3A_70 = arith.constant 3 : i32
    %dma_start3A_71 = arith.constant 0 : i32
    %dma_start3A_72 = arith.constant 0 : i32
    %dma_start3A_73 = tpu.memref_slice %arg10[%dma_start3A_70, %dma_start3A_71, %dma_start3A_72] : memref<4x128x128xf32, #tpu.memory_space<vmem>> -> memref<1x128x128xf32, #tpu.memory_space<vmem>>
    %dma_start3A_74 = tpu.memref_squeeze %dma_start3A_73 : memref<1x128x128xf32, #tpu.memory_space<vmem>> -> memref<128x128xf32, #tpu.memory_space<vmem>>
    %dma_start3A_75 = arith.constant 0 : i32
    %dma_start3A_76 = tpu.memref_slice %arg8[%dma_start3A_69, %dma_start3A_75] : memref<4x128xi32, #tpu.memory_space<vmem>> -> memref<1x128xi32, #tpu.memory_space<vmem>>
    %dma_start3A_77 = tpu.memref_squeeze %dma_start3A_76 : memref<1x128xi32, #tpu.memory_space<vmem>> -> memref<128xi32, #tpu.memory_space<vmem>>
    %dma_start3A_78 = arith.constant 0 : i32
    %dma_start3A_79 = arith.constant 0 : i32
    %dma_start3A_80 = tpu.memref_slice %arg2[%dma_start3A_78, %dma_start3A_79] : memref<16384x128xf32, #tpu.memory_space<hbm>> -> memref<16384x128xf32, #tpu.memory_space<hbm>>
    tpu.enqueue_indirect_dma source(%dma_start3A_80 : memref<16384x128xf32, #tpu.memory_space<hbm>>) target(%dma_start3A_74 : memref<128x128xf32, #tpu.memory_space<vmem>>) offsets(%dma_start3A_77 : memref<128xi32, #tpu.memory_space<vmem>>) semaphore(%arg11 : memref<!tpu.dma_semaphore, #tpu.memory_space<semaphore_mem>>)
    %dma_wait3A = arith.constant 0 : i32
    %dma_wait3A_81 = arith.constant 0 : i32
    %dma_wait3A_82 = arith.constant 0 : i32
    %dma_wait3A_83 = arith.constant 0 : i32
    %dma_wait3A_84 = tpu.memref_slice %arg10[%dma_wait3A_81, %dma_wait3A_82, %dma_wait3A_83] : memref<4x128x128xf32, #tpu.memory_space<vmem>> -> memref<1x128x128xf32, #tpu.memory_space<vmem>>
    %dma_wait3A_85 = tpu.memref_squeeze %dma_wait3A_84 : memref<1x128x128xf32, #tpu.memory_space<vmem>> -> memref<128x128xf32, #tpu.memory_space<vmem>>
    %dma_wait3A_86 = arith.constant 0 : i32
    %dma_wait3A_87 = tpu.memref_slice %arg8[%dma_wait3A, %dma_wait3A_86] : memref<4x128xi32, #tpu.memory_space<vmem>> -> memref<1x128xi32, #tpu.memory_space<vmem>>
    %dma_wait3A_88 = tpu.memref_squeeze %dma_wait3A_87 : memref<1x128xi32, #tpu.memory_space<vmem>> -> memref<128xi32, #tpu.memory_space<vmem>>
    %dma_wait3A_89 = arith.constant 0 : i32
    %dma_wait3A_90 = arith.constant 0 : i32
    %dma_wait3A_91 = tpu.memref_slice %arg2[%dma_wait3A_89, %dma_wait3A_90] : memref<16384x128xf32, #tpu.memory_space<hbm>> -> memref<16384x128xf32, #tpu.memory_space<hbm>>
    tpu.wait_indirect_dma semaphore(%arg11 : memref<!tpu.dma_semaphore, #tpu.memory_space<semaphore_mem>>) src(%dma_wait3A_91 : memref<16384x128xf32, #tpu.memory_space<hbm>>) dst(%dma_wait3A_85 : memref<128x128xf32, #tpu.memory_space<vmem>>)
    %dma_wait3A_92 = arith.constant 1 : i32
    %dma_wait3A_93 = arith.constant 1 : i32
    %dma_wait3A_94 = arith.constant 0 : i32
    %dma_wait3A_95 = arith.constant 0 : i32
    %dma_wait3A_96 = tpu.memref_slice %arg10[%dma_wait3A_93, %dma_wait3A_94, %dma_wait3A_95] : memref<4x128x128xf32, #tpu.memory_space<vmem>> -> memref<1x128x128xf32, #tpu.memory_space<vmem>>
    %dma_wait3A_97 = tpu.memref_squeeze %dma_wait3A_96 : memref<1x128x128xf32, #tpu.memory_space<vmem>> -> memref<128x128xf32, #tpu.memory_space<vmem>>
    %dma_wait3A_98 = arith.constant 0 : i32
    %dma_wait3A_99 = tpu.memref_slice %arg8[%dma_wait3A_92, %dma_wait3A_98] : memref<4x128xi32, #tpu.memory_space<vmem>> -> memref<1x128xi32, #tpu.memory_space<vmem>>
    %dma_wait3A_100 = tpu.memref_squeeze %dma_wait3A_99 : memref<1x128xi32, #tpu.memory_space<vmem>> -> memref<128xi32, #tpu.memory_space<vmem>>
    %dma_wait3A_101 = arith.constant 0 : i32
    %dma_wait3A_102 = arith.constant 0 : i32
    %dma_wait3A_103 = tpu.memref_slice %arg2[%dma_wait3A_101, %dma_wait3A_102] : memref<16384x128xf32, #tpu.memory_space<hbm>> -> memref<16384x128xf32, #tpu.memory_space<hbm>>
    tpu.wait_indirect_dma semaphore(%arg11 : memref<!tpu.dma_semaphore, #tpu.memory_space<semaphore_mem>>) src(%dma_wait3A_103 : memref<16384x128xf32, #tpu.memory_space<hbm>>) dst(%dma_wait3A_97 : memref<128x128xf32, #tpu.memory_space<vmem>>)
    %dma_wait3A_104 = arith.constant 2 : i32
    %dma_wait3A_105 = arith.constant 2 : i32
    %dma_wait3A_106 = arith.constant 0 : i32
    %dma_wait3A_107 = arith.constant 0 : i32
    %dma_wait3A_108 = tpu.memref_slice %arg10[%dma_wait3A_105, %dma_wait3A_106, %dma_wait3A_107] : memref<4x128x128xf32, #tpu.memory_space<vmem>> -> memref<1x128x128xf32, #tpu.memory_space<vmem>>
    %dma_wait3A_109 = tpu.memref_squeeze %dma_wait3A_108 : memref<1x128x128xf32, #tpu.memory_space<vmem>> -> memref<128x128xf32, #tpu.memory_space<vmem>>
    %dma_wait3A_110 = arith.constant 0 : i32
    %dma_wait3A_111 = tpu.memref_slice %arg8[%dma_wait3A_104, %dma_wait3A_110] : memref<4x128xi32, #tpu.memory_space<vmem>> -> memref<1x128xi32, #tpu.memory_space<vmem>>
    %dma_wait3A_112 = tpu.memref_squeeze %dma_wait3A_111 : memref<1x128xi32, #tpu.memory_space<vmem>> -> memref<128xi32, #tpu.memory_space<vmem>>
    %dma_wait3A_113 = arith.constant 0 : i32
    %dma_wait3A_114 = arith.constant 0 : i32
    %dma_wait3A_115 = tpu.memref_slice %arg2[%dma_wait3A_113, %dma_wait3A_114] : memref<16384x128xf32, #tpu.memory_space<hbm>> -> memref<16384x128xf32, #tpu.memory_space<hbm>>
    tpu.wait_indirect_dma semaphore(%arg11 : memref<!tpu.dma_semaphore, #tpu.memory_space<semaphore_mem>>) src(%dma_wait3A_115 : memref<16384x128xf32, #tpu.memory_space<hbm>>) dst(%dma_wait3A_109 : memref<128x128xf32, #tpu.memory_space<vmem>>)
    %dma_wait3A_116 = arith.constant 3 : i32
    %dma_wait3A_117 = arith.constant 3 : i32
    %dma_wait3A_118 = arith.constant 0 : i32
    %dma_wait3A_119 = arith.constant 0 : i32
    %dma_wait3A_120 = tpu.memref_slice %arg10[%dma_wait3A_117, %dma_wait3A_118, %dma_wait3A_119] : memref<4x128x128xf32, #tpu.memory_space<vmem>> -> memref<1x128x128xf32, #tpu.memory_space<vmem>>
    %dma_wait3A_121 = tpu.memref_squeeze %dma_wait3A_120 : memref<1x128x128xf32, #tpu.memory_space<vmem>> -> memref<128x128xf32, #tpu.memory_space<vmem>>
    %dma_wait3A_122 = arith.constant 0 : i32
    %dma_wait3A_123 = tpu.memref_slice %arg8[%dma_wait3A_116, %dma_wait3A_122] : memref<4x128xi32, #tpu.memory_space<vmem>> -> memref<1x128xi32, #tpu.memory_space<vmem>>
    %dma_wait3A_124 = tpu.memref_squeeze %dma_wait3A_123 : memref<1x128xi32, #tpu.memory_space<vmem>> -> memref<128xi32, #tpu.memory_space<vmem>>
    %dma_wait3A_125 = arith.constant 0 : i32
    %dma_wait3A_126 = arith.constant 0 : i32
    %dma_wait3A_127 = tpu.memref_slice %arg2[%dma_wait3A_125, %dma_wait3A_126] : memref<16384x128xf32, #tpu.memory_space<hbm>> -> memref<16384x128xf32, #tpu.memory_space<hbm>>
    tpu.wait_indirect_dma semaphore(%arg11 : memref<!tpu.dma_semaphore, #tpu.memory_space<semaphore_mem>>) src(%dma_wait3A_127 : memref<16384x128xf32, #tpu.memory_space<hbm>>) dst(%dma_wait3A_121 : memref<128x128xf32, #tpu.memory_space<vmem>>)
    %run_scoped3A_128 = arith.constant 0 : i32
    %run_scoped3A_129 = arith.constant 0 : i32
    "tpu.region"() ({
      %run_scoped3A_448 = tpu.sem_alloc : memref<!tpu.dma_semaphore, #tpu.memory_space<semaphore_mem>>
      %dma_start3A_449 = arith.constant 0 : i32
      %dma_start3A_450 = arith.constant 0 : i32
      %dma_start3A_451 = tpu.memref_slice %arg10[%run_scoped3A_128, %dma_start3A_449, %dma_start3A_450] : memref<4x128x128xf32, #tpu.memory_space<vmem>> -> memref<1x128x128xf32, #tpu.memory_space<vmem>>
      %dma_start3A_452 = tpu.memref_squeeze %dma_start3A_451 : memref<1x128x128xf32, #tpu.memory_space<vmem>> -> memref<128x128xf32, #tpu.memory_space<vmem>>
      %dma_start3A_453 = arith.constant 0 : i32
      %dma_start3A_454 = tpu.memref_slice %arg6[%run_scoped3A_129, %mul3A_2, %dma_start3A_453] : memref<4x4096x128xf32, #tpu.memory_space<hbm>> -> memref<1x128x128xf32, #tpu.memory_space<hbm>>
      %dma_start3A_455 = tpu.memref_squeeze %dma_start3A_454 : memref<1x128x128xf32, #tpu.memory_space<hbm>> -> memref<128x128xf32, #tpu.memory_space<hbm>>
      %dma_start3A_456 = arith.constant 0 : i32
      %dma_start3A_457 = tpu.memref_slice %arg6[%run_scoped3A_129, %mul3A_2, %dma_start3A_456] : memref<4x4096x128xf32, #tpu.memory_space<hbm>> -> memref<1x128x128xf32, #tpu.memory_space<hbm>>
      %dma_start3A_458 = tpu.memref_squeeze %dma_start3A_457 : memref<1x128x128xf32, #tpu.memory_space<hbm>> -> memref<128x128xf32, #tpu.memory_space<hbm>>
      %dma_start3A_459 = arith.constant 0 : i32
      %dma_start3A_460 = arith.constant 0 : i32
      %dma_start3A_461 = tpu.memref_slice %arg10[%run_scoped3A_128, %dma_start3A_459, %dma_start3A_460] : memref<4x128x128xf32, #tpu.memory_space<vmem>> -> memref<1x128x128xf32, #tpu.memory_space<vmem>>
      %dma_start3A_462 = tpu.memref_squeeze %dma_start3A_461 : memref<1x128x128xf32, #tpu.memory_space<vmem>> -> memref<128x128xf32, #tpu.memory_space<vmem>>
      tpu.enqueue_dma source(%dma_start3A_462 : memref<128x128xf32, #tpu.memory_space<vmem>>) target(%dma_start3A_458 : memref<128x128xf32, #tpu.memory_space<hbm>>) target_semaphore(%run_scoped3A_448 : memref<!tpu.dma_semaphore, #tpu.memory_space<semaphore_mem>>)
      %dma_wait3A_463 = arith.constant 0 : i32
      %dma_wait3A_464 = arith.constant 0 : i32
      %dma_wait3A_465 = tpu.memref_slice %arg10[%run_scoped3A_128, %dma_wait3A_463, %dma_wait3A_464] : memref<4x128x128xf32, #tpu.memory_space<vmem>> -> memref<1x128x128xf32, #tpu.memory_space<vmem>>
      %dma_wait3A_466 = tpu.memref_squeeze %dma_wait3A_465 : memref<1x128x128xf32, #tpu.memory_space<vmem>> -> memref<128x128xf32, #tpu.memory_space<vmem>>
      %dma_wait3A_467 = arith.constant 0 : i32
      %dma_wait3A_468 = tpu.memref_slice %arg6[%run_scoped3A_129, %mul3A_2, %dma_wait3A_467] : memref<4x4096x128xf32, #tpu.memory_space<hbm>> -> memref<1x128x128xf32, #tpu.memory_space<hbm>>
      %dma_wait3A_469 = tpu.memref_squeeze %dma_wait3A_468 : memref<1x128x128xf32, #tpu.memory_space<hbm>> -> memref<128x128xf32, #tpu.memory_space<hbm>>
      %dma_wait3A_470 = arith.constant 0 : i32
      %dma_wait3A_471 = tpu.memref_slice %arg6[%run_scoped3A_129, %mul3A_2, %dma_wait3A_470] : memref<4x4096x128xf32, #tpu.memory_space<hbm>> -> memref<1x128x128xf32, #tpu.memory_space<hbm>>
      %dma_wait3A_472 = tpu.memref_squeeze %dma_wait3A_471 : memref<1x128x128xf32, #tpu.memory_space<hbm>> -> memref<128x128xf32, #tpu.memory_space<hbm>>
      %dma_wait3A_473 = arith.constant 0 : i32
      %dma_wait3A_474 = arith.constant 0 : i32
      %dma_wait3A_475 = tpu.memref_slice %arg10[%run_scoped3A_128, %dma_wait3A_473, %dma_wait3A_474] : memref<4x128x128xf32, #tpu.memory_space<vmem>> -> memref<1x128x128xf32, #tpu.memory_space<vmem>>
      %dma_wait3A_476 = tpu.memref_squeeze %dma_wait3A_475 : memref<1x128x128xf32, #tpu.memory_space<vmem>> -> memref<128x128xf32, #tpu.memory_space<vmem>>
      tpu.wait_dma2 semaphore(%run_scoped3A_448 : memref<!tpu.dma_semaphore, #tpu.memory_space<semaphore_mem>>) src(%dma_wait3A_476 : memref<128x128xf32, #tpu.memory_space<vmem>>) dst(%dma_wait3A_472 : memref<128x128xf32, #tpu.memory_space<hbm>>)
      tpu.yield
    }) : () -> ()
    %run_scoped3A_130 = arith.constant 1 : i32
    %run_scoped3A_131 = arith.constant 1 : i32
    "tpu.region"() ({
      %run_scoped3A_448 = tpu.sem_alloc : memref<!tpu.dma_semaphore, #tpu.memory_space<semaphore_mem>>
      %dma_start3A_449 = arith.constant 0 : i32
      %dma_start3A_450 = arith.constant 0 : i32
      %dma_start3A_451 = tpu.memref_slice %arg10[%run_scoped3A_130, %dma_start3A_449, %dma_start3A_450] : memref<4x128x128xf32, #tpu.memory_space<vmem>> -> memref<1x128x128xf32, #tpu.memory_space<vmem>>
      %dma_start3A_452 = tpu.memref_squeeze %dma_start3A_451 : memref<1x128x128xf32, #tpu.memory_space<vmem>> -> memref<128x128xf32, #tpu.memory_space<vmem>>
      %dma_start3A_453 = arith.constant 0 : i32
      %dma_start3A_454 = tpu.memref_slice %arg6[%run_scoped3A_131, %mul3A_2, %dma_start3A_453] : memref<4x4096x128xf32, #tpu.memory_space<hbm>> -> memref<1x128x128xf32, #tpu.memory_space<hbm>>
      %dma_start3A_455 = tpu.memref_squeeze %dma_start3A_454 : memref<1x128x128xf32, #tpu.memory_space<hbm>> -> memref<128x128xf32, #tpu.memory_space<hbm>>
      %dma_start3A_456 = arith.constant 0 : i32
      %dma_start3A_457 = tpu.memref_slice %arg6[%run_scoped3A_131, %mul3A_2, %dma_start3A_456] : memref<4x4096x128xf32, #tpu.memory_space<hbm>> -> memref<1x128x128xf32, #tpu.memory_space<hbm>>
      %dma_start3A_458 = tpu.memref_squeeze %dma_start3A_457 : memref<1x128x128xf32, #tpu.memory_space<hbm>> -> memref<128x128xf32, #tpu.memory_space<hbm>>
      %dma_start3A_459 = arith.constant 0 : i32
      %dma_start3A_460 = arith.constant 0 : i32
      %dma_start3A_461 = tpu.memref_slice %arg10[%run_scoped3A_130, %dma_start3A_459, %dma_start3A_460] : memref<4x128x128xf32, #tpu.memory_space<vmem>> -> memref<1x128x128xf32, #tpu.memory_space<vmem>>
      %dma_start3A_462 = tpu.memref_squeeze %dma_start3A_461 : memref<1x128x128xf32, #tpu.memory_space<vmem>> -> memref<128x128xf32, #tpu.memory_space<vmem>>
      tpu.enqueue_dma source(%dma_start3A_462 : memref<128x128xf32, #tpu.memory_space<vmem>>) target(%dma_start3A_458 : memref<128x128xf32, #tpu.memory_space<hbm>>) target_semaphore(%run_scoped3A_448 : memref<!tpu.dma_semaphore, #tpu.memory_space<semaphore_mem>>)
      %dma_wait3A_463 = arith.constant 0 : i32
      %dma_wait3A_464 = arith.constant 0 : i32
      %dma_wait3A_465 = tpu.memref_slice %arg10[%run_scoped3A_130, %dma_wait3A_463, %dma_wait3A_464] : memref<4x128x128xf32, #tpu.memory_space<vmem>> -> memref<1x128x128xf32, #tpu.memory_space<vmem>>
      %dma_wait3A_466 = tpu.memref_squeeze %dma_wait3A_465 : memref<1x128x128xf32, #tpu.memory_space<vmem>> -> memref<128x128xf32, #tpu.memory_space<vmem>>
      %dma_wait3A_467 = arith.constant 0 : i32
      %dma_wait3A_468 = tpu.memref_slice %arg6[%run_scoped3A_131, %mul3A_2, %dma_wait3A_467] : memref<4x4096x128xf32, #tpu.memory_space<hbm>> -> memref<1x128x128xf32, #tpu.memory_space<hbm>>
      %dma_wait3A_469 = tpu.memref_squeeze %dma_wait3A_468 : memref<1x128x128xf32, #tpu.memory_space<hbm>> -> memref<128x128xf32, #tpu.memory_space<hbm>>
      %dma_wait3A_470 = arith.constant 0 : i32
      %dma_wait3A_471 = tpu.memref_slice %arg6[%run_scoped3A_131, %mul3A_2, %dma_wait3A_470] : memref<4x4096x128xf32, #tpu.memory_space<hbm>> -> memref<1x128x128xf32, #tpu.memory_space<hbm>>
      %dma_wait3A_472 = tpu.memref_squeeze %dma_wait3A_471 : memref<1x128x128xf32, #tpu.memory_space<hbm>> -> memref<128x128xf32, #tpu.memory_space<hbm>>
      %dma_wait3A_473 = arith.constant 0 : i32
      %dma_wait3A_474 = arith.constant 0 : i32
      %dma_wait3A_475 = tpu.memref_slice %arg10[%run_scoped3A_130, %dma_wait3A_473, %dma_wait3A_474] : memref<4x128x128xf32, #tpu.memory_space<vmem>> -> memref<1x128x128xf32, #tpu.memory_space<vmem>>
      %dma_wait3A_476 = tpu.memref_squeeze %dma_wait3A_475 : memref<1x128x128xf32, #tpu.memory_space<vmem>> -> memref<128x128xf32, #tpu.memory_space<vmem>>
      tpu.wait_dma2 semaphore(%run_scoped3A_448 : memref<!tpu.dma_semaphore, #tpu.memory_space<semaphore_mem>>) src(%dma_wait3A_476 : memref<128x128xf32, #tpu.memory_space<vmem>>) dst(%dma_wait3A_472 : memref<128x128xf32, #tpu.memory_space<hbm>>)
      tpu.yield
    }) : () -> ()
    %run_scoped3A_132 = arith.constant 2 : i32
    %run_scoped3A_133 = arith.constant 2 : i32
    "tpu.region"() ({
      %run_scoped3A_448 = tpu.sem_alloc : memref<!tpu.dma_semaphore, #tpu.memory_space<semaphore_mem>>
      %dma_start3A_449 = arith.constant 0 : i32
      %dma_start3A_450 = arith.constant 0 : i32
      %dma_start3A_451 = tpu.memref_slice %arg10[%run_scoped3A_132, %dma_start3A_449, %dma_start3A_450] : memref<4x128x128xf32, #tpu.memory_space<vmem>> -> memref<1x128x128xf32, #tpu.memory_space<vmem>>
      %dma_start3A_452 = tpu.memref_squeeze %dma_start3A_451 : memref<1x128x128xf32, #tpu.memory_space<vmem>> -> memref<128x128xf32, #tpu.memory_space<vmem>>
      %dma_start3A_453 = arith.constant 0 : i32
      %dma_start3A_454 = tpu.memref_slice %arg6[%run_scoped3A_133, %mul3A_2, %dma_start3A_453] : memref<4x4096x128xf32, #tpu.memory_space<hbm>> -> memref<1x128x128xf32, #tpu.memory_space<hbm>>
      %dma_start3A_455 = tpu.memref_squeeze %dma_start3A_454 : memref<1x128x128xf32, #tpu.memory_space<hbm>> -> memref<128x128xf32, #tpu.memory_space<hbm>>
      %dma_start3A_456 = arith.constant 0 : i32
      %dma_start3A_457 = tpu.memref_slice %arg6[%run_scoped3A_133, %mul3A_2, %dma_start3A_456] : memref<4x4096x128xf32, #tpu.memory_space<hbm>> -> memref<1x128x128xf32, #tpu.memory_space<hbm>>
      %dma_start3A_458 = tpu.memref_squeeze %dma_start3A_457 : memref<1x128x128xf32, #tpu.memory_space<hbm>> -> memref<128x128xf32, #tpu.memory_space<hbm>>
      %dma_start3A_459 = arith.constant 0 : i32
      %dma_start3A_460 = arith.constant 0 : i32
      %dma_start3A_461 = tpu.memref_slice %arg10[%run_scoped3A_132, %dma_start3A_459, %dma_start3A_460] : memref<4x128x128xf32, #tpu.memory_space<vmem>> -> memref<1x128x128xf32, #tpu.memory_space<vmem>>
      %dma_start3A_462 = tpu.memref_squeeze %dma_start3A_461 : memref<1x128x128xf32, #tpu.memory_space<vmem>> -> memref<128x128xf32, #tpu.memory_space<vmem>>
      tpu.enqueue_dma source(%dma_start3A_462 : memref<128x128xf32, #tpu.memory_space<vmem>>) target(%dma_start3A_458 : memref<128x128xf32, #tpu.memory_space<hbm>>) target_semaphore(%run_scoped3A_448 : memref<!tpu.dma_semaphore, #tpu.memory_space<semaphore_mem>>)
      %dma_wait3A_463 = arith.constant 0 : i32
      %dma_wait3A_464 = arith.constant 0 : i32
      %dma_wait3A_465 = tpu.memref_slice %arg10[%run_scoped3A_132, %dma_wait3A_463, %dma_wait3A_464] : memref<4x128x128xf32, #tpu.memory_space<vmem>> -> memref<1x128x128xf32, #tpu.memory_space<vmem>>
      %dma_wait3A_466 = tpu.memref_squeeze %dma_wait3A_465 : memref<1x128x128xf32, #tpu.memory_space<vmem>> -> memref<128x128xf32, #tpu.memory_space<vmem>>
      %dma_wait3A_467 = arith.constant 0 : i32
      %dma_wait3A_468 = tpu.memref_slice %arg6[%run_scoped3A_133, %mul3A_2, %dma_wait3A_467] : memref<4x4096x128xf32, #tpu.memory_space<hbm>> -> memref<1x128x128xf32, #tpu.memory_space<hbm>>
      %dma_wait3A_469 = tpu.memref_squeeze %dma_wait3A_468 : memref<1x128x128xf32, #tpu.memory_space<hbm>> -> memref<128x128xf32, #tpu.memory_space<hbm>>
      %dma_wait3A_470 = arith.constant 0 : i32
      %dma_wait3A_471 = tpu.memref_slice %arg6[%run_scoped3A_133, %mul3A_2, %dma_wait3A_470] : memref<4x4096x128xf32, #tpu.memory_space<hbm>> -> memref<1x128x128xf32, #tpu.memory_space<hbm>>
      %dma_wait3A_472 = tpu.memref_squeeze %dma_wait3A_471 : memref<1x128x128xf32, #tpu.memory_space<hbm>> -> memref<128x128xf32, #tpu.memory_space<hbm>>
      %dma_wait3A_473 = arith.constant 0 : i32
      %dma_wait3A_474 = arith.constant 0 : i32
      %dma_wait3A_475 = tpu.memref_slice %arg10[%run_scoped3A_132, %dma_wait3A_473, %dma_wait3A_474] : memref<4x128x128xf32, #tpu.memory_space<vmem>> -> memref<1x128x128xf32, #tpu.memory_space<vmem>>
      %dma_wait3A_476 = tpu.memref_squeeze %dma_wait3A_475 : memref<1x128x128xf32, #tpu.memory_space<vmem>> -> memref<128x128xf32, #tpu.memory_space<vmem>>
      tpu.wait_dma2 semaphore(%run_scoped3A_448 : memref<!tpu.dma_semaphore, #tpu.memory_space<semaphore_mem>>) src(%dma_wait3A_476 : memref<128x128xf32, #tpu.memory_space<vmem>>) dst(%dma_wait3A_472 : memref<128x128xf32, #tpu.memory_space<hbm>>)
      tpu.yield
    }) : () -> ()
    %run_scoped3A_134 = arith.constant 3 : i32
    %run_scoped3A_135 = arith.constant 3 : i32
    "tpu.region"() ({
      %run_scoped3A_448 = tpu.sem_alloc : memref<!tpu.dma_semaphore, #tpu.memory_space<semaphore_mem>>
      %dma_start3A_449 = arith.constant 0 : i32
      %dma_start3A_450 = arith.constant 0 : i32
      %dma_start3A_451 = tpu.memref_slice %arg10[%run_scoped3A_134, %dma_start3A_449, %dma_start3A_450] : memref<4x128x128xf32, #tpu.memory_space<vmem>> -> memref<1x128x128xf32, #tpu.memory_space<vmem>>
      %dma_start3A_452 = tpu.memref_squeeze %dma_start3A_451 : memref<1x128x128xf32, #tpu.memory_space<vmem>> -> memref<128x128xf32, #tpu.memory_space<vmem>>
      %dma_start3A_453 = arith.constant 0 : i32
      %dma_start3A_454 = tpu.memref_slice %arg6[%run_scoped3A_135, %mul3A_2, %dma_start3A_453] : memref<4x4096x128xf32, #tpu.memory_space<hbm>> -> memref<1x128x128xf32, #tpu.memory_space<hbm>>
      %dma_start3A_455 = tpu.memref_squeeze %dma_start3A_454 : memref<1x128x128xf32, #tpu.memory_space<hbm>> -> memref<128x128xf32, #tpu.memory_space<hbm>>
      %dma_start3A_456 = arith.constant 0 : i32
      %dma_start3A_457 = tpu.memref_slice %arg6[%run_scoped3A_135, %mul3A_2, %dma_start3A_456] : memref<4x4096x128xf32, #tpu.memory_space<hbm>> -> memref<1x128x128xf32, #tpu.memory_space<hbm>>
      %dma_start3A_458 = tpu.memref_squeeze %dma_start3A_457 : memref<1x128x128xf32, #tpu.memory_space<hbm>> -> memref<128x128xf32, #tpu.memory_space<hbm>>
      %dma_start3A_459 = arith.constant 0 : i32
      %dma_start3A_460 = arith.constant 0 : i32
      %dma_start3A_461 = tpu.memref_slice %arg10[%run_scoped3A_134, %dma_start3A_459, %dma_start3A_460] : memref<4x128x128xf32, #tpu.memory_space<vmem>> -> memref<1x128x128xf32, #tpu.memory_space<vmem>>
      %dma_start3A_462 = tpu.memref_squeeze %dma_start3A_461 : memref<1x128x128xf32, #tpu.memory_space<vmem>> -> memref<128x128xf32, #tpu.memory_space<vmem>>
      tpu.enqueue_dma source(%dma_start3A_462 : memref<128x128xf32, #tpu.memory_space<vmem>>) target(%dma_start3A_458 : memref<128x128xf32, #tpu.memory_space<hbm>>) target_semaphore(%run_scoped3A_448 : memref<!tpu.dma_semaphore, #tpu.memory_space<semaphore_mem>>)
      %dma_wait3A_463 = arith.constant 0 : i32
      %dma_wait3A_464 = arith.constant 0 : i32
      %dma_wait3A_465 = tpu.memref_slice %arg10[%run_scoped3A_134, %dma_wait3A_463, %dma_wait3A_464] : memref<4x128x128xf32, #tpu.memory_space<vmem>> -> memref<1x128x128xf32, #tpu.memory_space<vmem>>
      %dma_wait3A_466 = tpu.memref_squeeze %dma_wait3A_465 : memref<1x128x128xf32, #tpu.memory_space<vmem>> -> memref<128x128xf32, #tpu.memory_space<vmem>>
      %dma_wait3A_467 = arith.constant 0 : i32
      %dma_wait3A_468 = tpu.memref_slice %arg6[%run_scoped3A_135, %mul3A_2, %dma_wait3A_467] : memref<4x4096x128xf32, #tpu.memory_space<hbm>> -> memref<1x128x128xf32, #tpu.memory_space<hbm>>
      %dma_wait3A_469 = tpu.memref_squeeze %dma_wait3A_468 : memref<1x128x128xf32, #tpu.memory_space<hbm>> -> memref<128x128xf32, #tpu.memory_space<hbm>>
      %dma_wait3A_470 = arith.constant 0 : i32
      %dma_wait3A_471 = tpu.memref_slice %arg6[%run_scoped3A_135, %mul3A_2, %dma_wait3A_470] : memref<4x4096x128xf32, #tpu.memory_space<hbm>> -> memref<1x128x128xf32, #tpu.memory_space<hbm>>
      %dma_wait3A_472 = tpu.memref_squeeze %dma_wait3A_471 : memref<1x128x128xf32, #tpu.memory_space<hbm>> -> memref<128x128xf32, #tpu.memory_space<hbm>>
      %dma_wait3A_473 = arith.constant 0 : i32
      %dma_wait3A_474 = arith.constant 0 : i32
      %dma_wait3A_475 = tpu.memref_slice %arg10[%run_scoped3A_134, %dma_wait3A_473, %dma_wait3A_474] : memref<4x128x128xf32, #tpu.memory_space<vmem>> -> memref<1x128x128xf32, #tpu.memory_space<vmem>>
      %dma_wait3A_476 = tpu.memref_squeeze %dma_wait3A_475 : memref<1x128x128xf32, #tpu.memory_space<vmem>> -> memref<128x128xf32, #tpu.memory_space<vmem>>
      tpu.wait_dma2 semaphore(%run_scoped3A_448 : memref<!tpu.dma_semaphore, #tpu.memory_space<semaphore_mem>>) src(%dma_wait3A_476 : memref<128x128xf32, #tpu.memory_space<vmem>>) dst(%dma_wait3A_472 : memref<128x128xf32, #tpu.memory_space<hbm>>)
      tpu.yield
    }) : () -> ()
    %dma_start3A_136 = arith.constant 0 : i32
    %dma_start3A_137 = arith.constant 0 : i32
    %dma_start3A_138 = arith.constant 0 : i32
    %dma_start3A_139 = arith.constant 0 : i32
    %dma_start3A_140 = tpu.memref_slice %arg10[%dma_start3A_137, %dma_start3A_138, %dma_start3A_139] : memref<4x128x128xf32, #tpu.memory_space<vmem>> -> memref<1x128x128xf32, #tpu.memory_space<vmem>>
    %dma_start3A_141 = tpu.memref_squeeze %dma_start3A_140 : memref<1x128x128xf32, #tpu.memory_space<vmem>> -> memref<128x128xf32, #tpu.memory_space<vmem>>
    %dma_start3A_142 = arith.constant 0 : i32
    %dma_start3A_143 = tpu.memref_slice %arg9[%dma_start3A_136, %dma_start3A_142] : memref<12x128xi32, #tpu.memory_space<vmem>> -> memref<1x128xi32, #tpu.memory_space<vmem>>
    %dma_start3A_144 = tpu.memref_squeeze %dma_start3A_143 : memref<1x128xi32, #tpu.memory_space<vmem>> -> memref<128xi32, #tpu.memory_space<vmem>>
    %dma_start3A_145 = arith.constant 0 : i32
    %dma_start3A_146 = arith.constant 0 : i32
    %dma_start3A_147 = tpu.memref_slice %arg3[%dma_start3A_145, %dma_start3A_146] : memref<98304x128xf32, #tpu.memory_space<hbm>> -> memref<98304x128xf32, #tpu.memory_space<hbm>>
    tpu.enqueue_indirect_dma source(%dma_start3A_147 : memref<98304x128xf32, #tpu.memory_space<hbm>>) target(%dma_start3A_141 : memref<128x128xf32, #tpu.memory_space<vmem>>) offsets(%dma_start3A_144 : memref<128xi32, #tpu.memory_space<vmem>>) semaphore(%arg11 : memref<!tpu.dma_semaphore, #tpu.memory_space<semaphore_mem>>)
    %dma_start3A_148 = arith.constant 1 : i32
    %dma_start3A_149 = arith.constant 1 : i32
    %dma_start3A_150 = arith.constant 0 : i32
    %dma_start3A_151 = arith.constant 0 : i32
    %dma_start3A_152 = tpu.memref_slice %arg10[%dma_start3A_149, %dma_start3A_150, %dma_start3A_151] : memref<4x128x128xf32, #tpu.memory_space<vmem>> -> memref<1x128x128xf32, #tpu.memory_space<vmem>>
    %dma_start3A_153 = tpu.memref_squeeze %dma_start3A_152 : memref<1x128x128xf32, #tpu.memory_space<vmem>> -> memref<128x128xf32, #tpu.memory_space<vmem>>
    %dma_start3A_154 = arith.constant 0 : i32
    %dma_start3A_155 = tpu.memref_slice %arg9[%dma_start3A_148, %dma_start3A_154] : memref<12x128xi32, #tpu.memory_space<vmem>> -> memref<1x128xi32, #tpu.memory_space<vmem>>
    %dma_start3A_156 = tpu.memref_squeeze %dma_start3A_155 : memref<1x128xi32, #tpu.memory_space<vmem>> -> memref<128xi32, #tpu.memory_space<vmem>>
    %dma_start3A_157 = arith.constant 0 : i32
    %dma_start3A_158 = arith.constant 0 : i32
    %dma_start3A_159 = tpu.memref_slice %arg3[%dma_start3A_157, %dma_start3A_158] : memref<98304x128xf32, #tpu.memory_space<hbm>> -> memref<98304x128xf32, #tpu.memory_space<hbm>>
    tpu.enqueue_indirect_dma source(%dma_start3A_159 : memref<98304x128xf32, #tpu.memory_space<hbm>>) target(%dma_start3A_153 : memref<128x128xf32, #tpu.memory_space<vmem>>) offsets(%dma_start3A_156 : memref<128xi32, #tpu.memory_space<vmem>>) semaphore(%arg11 : memref<!tpu.dma_semaphore, #tpu.memory_space<semaphore_mem>>)
    %dma_start3A_160 = arith.constant 2 : i32
    %dma_start3A_161 = arith.constant 2 : i32
    %dma_start3A_162 = arith.constant 0 : i32
    %dma_start3A_163 = arith.constant 0 : i32
    %dma_start3A_164 = tpu.memref_slice %arg10[%dma_start3A_161, %dma_start3A_162, %dma_start3A_163] : memref<4x128x128xf32, #tpu.memory_space<vmem>> -> memref<1x128x128xf32, #tpu.memory_space<vmem>>
    %dma_start3A_165 = tpu.memref_squeeze %dma_start3A_164 : memref<1x128x128xf32, #tpu.memory_space<vmem>> -> memref<128x128xf32, #tpu.memory_space<vmem>>
    %dma_start3A_166 = arith.constant 0 : i32
    %dma_start3A_167 = tpu.memref_slice %arg9[%dma_start3A_160, %dma_start3A_166] : memref<12x128xi32, #tpu.memory_space<vmem>> -> memref<1x128xi32, #tpu.memory_space<vmem>>
    %dma_start3A_168 = tpu.memref_squeeze %dma_start3A_167 : memref<1x128xi32, #tpu.memory_space<vmem>> -> memref<128xi32, #tpu.memory_space<vmem>>
    %dma_start3A_169 = arith.constant 0 : i32
    %dma_start3A_170 = arith.constant 0 : i32
    %dma_start3A_171 = tpu.memref_slice %arg3[%dma_start3A_169, %dma_start3A_170] : memref<98304x128xf32, #tpu.memory_space<hbm>> -> memref<98304x128xf32, #tpu.memory_space<hbm>>
    tpu.enqueue_indirect_dma source(%dma_start3A_171 : memref<98304x128xf32, #tpu.memory_space<hbm>>) target(%dma_start3A_165 : memref<128x128xf32, #tpu.memory_space<vmem>>) offsets(%dma_start3A_168 : memref<128xi32, #tpu.memory_space<vmem>>) semaphore(%arg11 : memref<!tpu.dma_semaphore, #tpu.memory_space<semaphore_mem>>)
    %dma_start3A_172 = arith.constant 3 : i32
    %dma_start3A_173 = arith.constant 3 : i32
    %dma_start3A_174 = arith.constant 0 : i32
    %dma_start3A_175 = arith.constant 0 : i32
    %dma_start3A_176 = tpu.memref_slice %arg10[%dma_start3A_173, %dma_start3A_174, %dma_start3A_175] : memref<4x128x128xf32, #tpu.memory_space<vmem>> -> memref<1x128x128xf32, #tpu.memory_space<vmem>>
    %dma_start3A_177 = tpu.memref_squeeze %dma_start3A_176 : memref<1x128x128xf32, #tpu.memory_space<vmem>> -> memref<128x128xf32, #tpu.memory_space<vmem>>
    %dma_start3A_178 = arith.constant 0 : i32
    %dma_start3A_179 = tpu.memref_slice %arg9[%dma_start3A_172, %dma_start3A_178] : memref<12x128xi32, #tpu.memory_space<vmem>> -> memref<1x128xi32, #tpu.memory_space<vmem>>
    %dma_start3A_180 = tpu.memref_squeeze %dma_start3A_179 : memref<1x128xi32, #tpu.memory_space<vmem>> -> memref<128xi32, #tpu.memory_space<vmem>>
    %dma_start3A_181 = arith.constant 0 : i32
    %dma_start3A_182 = arith.constant 0 : i32
    %dma_start3A_183 = tpu.memref_slice %arg3[%dma_start3A_181, %dma_start3A_182] : memref<98304x128xf32, #tpu.memory_space<hbm>> -> memref<98304x128xf32, #tpu.memory_space<hbm>>
    tpu.enqueue_indirect_dma source(%dma_start3A_183 : memref<98304x128xf32, #tpu.memory_space<hbm>>) target(%dma_start3A_177 : memref<128x128xf32, #tpu.memory_space<vmem>>) offsets(%dma_start3A_180 : memref<128xi32, #tpu.memory_space<vmem>>) semaphore(%arg11 : memref<!tpu.dma_semaphore, #tpu.memory_space<semaphore_mem>>)
    %dma_wait3A_184 = arith.constant 0 : i32
    %dma_wait3A_185 = arith.constant 0 : i32
    %dma_wait3A_186 = arith.constant 0 : i32
    %dma_wait3A_187 = arith.constant 0 : i32
    %dma_wait3A_188 = tpu.memref_slice %arg10[%dma_wait3A_185, %dma_wait3A_186, %dma_wait3A_187] : memref<4x128x128xf32, #tpu.memory_space<vmem>> -> memref<1x128x128xf32, #tpu.memory_space<vmem>>
    %dma_wait3A_189 = tpu.memref_squeeze %dma_wait3A_188 : memref<1x128x128xf32, #tpu.memory_space<vmem>> -> memref<128x128xf32, #tpu.memory_space<vmem>>
    %dma_wait3A_190 = arith.constant 0 : i32
    %dma_wait3A_191 = tpu.memref_slice %arg9[%dma_wait3A_184, %dma_wait3A_190] : memref<12x128xi32, #tpu.memory_space<vmem>> -> memref<1x128xi32, #tpu.memory_space<vmem>>
    %dma_wait3A_192 = tpu.memref_squeeze %dma_wait3A_191 : memref<1x128xi32, #tpu.memory_space<vmem>> -> memref<128xi32, #tpu.memory_space<vmem>>
    %dma_wait3A_193 = arith.constant 0 : i32
    %dma_wait3A_194 = arith.constant 0 : i32
    %dma_wait3A_195 = tpu.memref_slice %arg3[%dma_wait3A_193, %dma_wait3A_194] : memref<98304x128xf32, #tpu.memory_space<hbm>> -> memref<98304x128xf32, #tpu.memory_space<hbm>>
    tpu.wait_indirect_dma semaphore(%arg11 : memref<!tpu.dma_semaphore, #tpu.memory_space<semaphore_mem>>) src(%dma_wait3A_195 : memref<98304x128xf32, #tpu.memory_space<hbm>>) dst(%dma_wait3A_189 : memref<128x128xf32, #tpu.memory_space<vmem>>)
    %dma_wait3A_196 = arith.constant 1 : i32
    %dma_wait3A_197 = arith.constant 1 : i32
    %dma_wait3A_198 = arith.constant 0 : i32
    %dma_wait3A_199 = arith.constant 0 : i32
    %dma_wait3A_200 = tpu.memref_slice %arg10[%dma_wait3A_197, %dma_wait3A_198, %dma_wait3A_199] : memref<4x128x128xf32, #tpu.memory_space<vmem>> -> memref<1x128x128xf32, #tpu.memory_space<vmem>>
    %dma_wait3A_201 = tpu.memref_squeeze %dma_wait3A_200 : memref<1x128x128xf32, #tpu.memory_space<vmem>> -> memref<128x128xf32, #tpu.memory_space<vmem>>
    %dma_wait3A_202 = arith.constant 0 : i32
    %dma_wait3A_203 = tpu.memref_slice %arg9[%dma_wait3A_196, %dma_wait3A_202] : memref<12x128xi32, #tpu.memory_space<vmem>> -> memref<1x128xi32, #tpu.memory_space<vmem>>
    %dma_wait3A_204 = tpu.memref_squeeze %dma_wait3A_203 : memref<1x128xi32, #tpu.memory_space<vmem>> -> memref<128xi32, #tpu.memory_space<vmem>>
    %dma_wait3A_205 = arith.constant 0 : i32
    %dma_wait3A_206 = arith.constant 0 : i32
    %dma_wait3A_207 = tpu.memref_slice %arg3[%dma_wait3A_205, %dma_wait3A_206] : memref<98304x128xf32, #tpu.memory_space<hbm>> -> memref<98304x128xf32, #tpu.memory_space<hbm>>
    tpu.wait_indirect_dma semaphore(%arg11 : memref<!tpu.dma_semaphore, #tpu.memory_space<semaphore_mem>>) src(%dma_wait3A_207 : memref<98304x128xf32, #tpu.memory_space<hbm>>) dst(%dma_wait3A_201 : memref<128x128xf32, #tpu.memory_space<vmem>>)
    %dma_wait3A_208 = arith.constant 2 : i32
    %dma_wait3A_209 = arith.constant 2 : i32
    %dma_wait3A_210 = arith.constant 0 : i32
    %dma_wait3A_211 = arith.constant 0 : i32
    %dma_wait3A_212 = tpu.memref_slice %arg10[%dma_wait3A_209, %dma_wait3A_210, %dma_wait3A_211] : memref<4x128x128xf32, #tpu.memory_space<vmem>> -> memref<1x128x128xf32, #tpu.memory_space<vmem>>
    %dma_wait3A_213 = tpu.memref_squeeze %dma_wait3A_212 : memref<1x128x128xf32, #tpu.memory_space<vmem>> -> memref<128x128xf32, #tpu.memory_space<vmem>>
    %dma_wait3A_214 = arith.constant 0 : i32
    %dma_wait3A_215 = tpu.memref_slice %arg9[%dma_wait3A_208, %dma_wait3A_214] : memref<12x128xi32, #tpu.memory_space<vmem>> -> memref<1x128xi32, #tpu.memory_space<vmem>>
    %dma_wait3A_216 = tpu.memref_squeeze %dma_wait3A_215 : memref<1x128xi32, #tpu.memory_space<vmem>> -> memref<128xi32, #tpu.memory_space<vmem>>
    %dma_wait3A_217 = arith.constant 0 : i32
    %dma_wait3A_218 = arith.constant 0 : i32
    %dma_wait3A_219 = tpu.memref_slice %arg3[%dma_wait3A_217, %dma_wait3A_218] : memref<98304x128xf32, #tpu.memory_space<hbm>> -> memref<98304x128xf32, #tpu.memory_space<hbm>>
    tpu.wait_indirect_dma semaphore(%arg11 : memref<!tpu.dma_semaphore, #tpu.memory_space<semaphore_mem>>) src(%dma_wait3A_219 : memref<98304x128xf32, #tpu.memory_space<hbm>>) dst(%dma_wait3A_213 : memref<128x128xf32, #tpu.memory_space<vmem>>)
    %dma_wait3A_220 = arith.constant 3 : i32
    %dma_wait3A_221 = arith.constant 3 : i32
    %dma_wait3A_222 = arith.constant 0 : i32
    %dma_wait3A_223 = arith.constant 0 : i32
    %dma_wait3A_224 = tpu.memref_slice %arg10[%dma_wait3A_221, %dma_wait3A_222, %dma_wait3A_223] : memref<4x128x128xf32, #tpu.memory_space<vmem>> -> memref<1x128x128xf32, #tpu.memory_space<vmem>>
    %dma_wait3A_225 = tpu.memref_squeeze %dma_wait3A_224 : memref<1x128x128xf32, #tpu.memory_space<vmem>> -> memref<128x128xf32, #tpu.memory_space<vmem>>
    %dma_wait3A_226 = arith.constant 0 : i32
    %dma_wait3A_227 = tpu.memref_slice %arg9[%dma_wait3A_220, %dma_wait3A_226] : memref<12x128xi32, #tpu.memory_space<vmem>> -> memref<1x128xi32, #tpu.memory_space<vmem>>
    %dma_wait3A_228 = tpu.memref_squeeze %dma_wait3A_227 : memref<1x128xi32, #tpu.memory_space<vmem>> -> memref<128xi32, #tpu.memory_space<vmem>>
    %dma_wait3A_229 = arith.constant 0 : i32
    %dma_wait3A_230 = arith.constant 0 : i32
    %dma_wait3A_231 = tpu.memref_slice %arg3[%dma_wait3A_229, %dma_wait3A_230] : memref<98304x128xf32, #tpu.memory_space<hbm>> -> memref<98304x128xf32, #tpu.memory_space<hbm>>
    tpu.wait_indirect_dma semaphore(%arg11 : memref<!tpu.dma_semaphore, #tpu.memory_space<semaphore_mem>>) src(%dma_wait3A_231 : memref<98304x128xf32, #tpu.memory_space<hbm>>) dst(%dma_wait3A_225 : memref<128x128xf32, #tpu.memory_space<vmem>>)
    %run_scoped3A_232 = arith.constant 0 : i32
    %run_scoped3A_233 = arith.constant 0 : i32
    "tpu.region"() ({
      %run_scoped3A_448 = tpu.sem_alloc : memref<!tpu.dma_semaphore, #tpu.memory_space<semaphore_mem>>
      %dma_start3A_449 = arith.constant 0 : i32
      %dma_start3A_450 = arith.constant 0 : i32
      %dma_start3A_451 = tpu.memref_slice %arg10[%run_scoped3A_232, %dma_start3A_449, %dma_start3A_450] : memref<4x128x128xf32, #tpu.memory_space<vmem>> -> memref<1x128x128xf32, #tpu.memory_space<vmem>>
      %dma_start3A_452 = tpu.memref_squeeze %dma_start3A_451 : memref<1x128x128xf32, #tpu.memory_space<vmem>> -> memref<128x128xf32, #tpu.memory_space<vmem>>
      %dma_start3A_453 = arith.constant 0 : i32
      %dma_start3A_454 = tpu.memref_slice %arg7[%run_scoped3A_233, %mul3A_2, %dma_start3A_453] : memref<12x4096x128xf32, #tpu.memory_space<hbm>> -> memref<1x128x128xf32, #tpu.memory_space<hbm>>
      %dma_start3A_455 = tpu.memref_squeeze %dma_start3A_454 : memref<1x128x128xf32, #tpu.memory_space<hbm>> -> memref<128x128xf32, #tpu.memory_space<hbm>>
      %dma_start3A_456 = arith.constant 0 : i32
      %dma_start3A_457 = tpu.memref_slice %arg7[%run_scoped3A_233, %mul3A_2, %dma_start3A_456] : memref<12x4096x128xf32, #tpu.memory_space<hbm>> -> memref<1x128x128xf32, #tpu.memory_space<hbm>>
      %dma_start3A_458 = tpu.memref_squeeze %dma_start3A_457 : memref<1x128x128xf32, #tpu.memory_space<hbm>> -> memref<128x128xf32, #tpu.memory_space<hbm>>
      %dma_start3A_459 = arith.constant 0 : i32
      %dma_start3A_460 = arith.constant 0 : i32
      %dma_start3A_461 = tpu.memref_slice %arg10[%run_scoped3A_232, %dma_start3A_459, %dma_start3A_460] : memref<4x128x128xf32, #tpu.memory_space<vmem>> -> memref<1x128x128xf32, #tpu.memory_space<vmem>>
      %dma_start3A_462 = tpu.memref_squeeze %dma_start3A_461 : memref<1x128x128xf32, #tpu.memory_space<vmem>> -> memref<128x128xf32, #tpu.memory_space<vmem>>
      tpu.enqueue_dma source(%dma_start3A_462 : memref<128x128xf32, #tpu.memory_space<vmem>>) target(%dma_start3A_458 : memref<128x128xf32, #tpu.memory_space<hbm>>) target_semaphore(%run_scoped3A_448 : memref<!tpu.dma_semaphore, #tpu.memory_space<semaphore_mem>>)
      %dma_wait3A_463 = arith.constant 0 : i32
      %dma_wait3A_464 = arith.constant 0 : i32
      %dma_wait3A_465 = tpu.memref_slice %arg10[%run_scoped3A_232, %dma_wait3A_463, %dma_wait3A_464] : memref<4x128x128xf32, #tpu.memory_space<vmem>> -> memref<1x128x128xf32, #tpu.memory_space<vmem>>
      %dma_wait3A_466 = tpu.memref_squeeze %dma_wait3A_465 : memref<1x128x128xf32, #tpu.memory_space<vmem>> -> memref<128x128xf32, #tpu.memory_space<vmem>>
      %dma_wait3A_467 = arith.constant 0 : i32
      %dma_wait3A_468 = tpu.memref_slice %arg7[%run_scoped3A_233, %mul3A_2, %dma_wait3A_467] : memref<12x4096x128xf32, #tpu.memory_space<hbm>> -> memref<1x128x128xf32, #tpu.memory_space<hbm>>
      %dma_wait3A_469 = tpu.memref_squeeze %dma_wait3A_468 : memref<1x128x128xf32, #tpu.memory_space<hbm>> -> memref<128x128xf32, #tpu.memory_space<hbm>>
      %dma_wait3A_470 = arith.constant 0 : i32
      %dma_wait3A_471 = tpu.memref_slice %arg7[%run_scoped3A_233, %mul3A_2, %dma_wait3A_470] : memref<12x4096x128xf32, #tpu.memory_space<hbm>> -> memref<1x128x128xf32, #tpu.memory_space<hbm>>
      %dma_wait3A_472 = tpu.memref_squeeze %dma_wait3A_471 : memref<1x128x128xf32, #tpu.memory_space<hbm>> -> memref<128x128xf32, #tpu.memory_space<hbm>>
      %dma_wait3A_473 = arith.constant 0 : i32
      %dma_wait3A_474 = arith.constant 0 : i32
      %dma_wait3A_475 = tpu.memref_slice %arg10[%run_scoped3A_232, %dma_wait3A_473, %dma_wait3A_474] : memref<4x128x128xf32, #tpu.memory_space<vmem>> -> memref<1x128x128xf32, #tpu.memory_space<vmem>>
      %dma_wait3A_476 = tpu.memref_squeeze %dma_wait3A_475 : memref<1x128x128xf32, #tpu.memory_space<vmem>> -> memref<128x128xf32, #tpu.memory_space<vmem>>
      tpu.wait_dma2 semaphore(%run_scoped3A_448 : memref<!tpu.dma_semaphore, #tpu.memory_space<semaphore_mem>>) src(%dma_wait3A_476 : memref<128x128xf32, #tpu.memory_space<vmem>>) dst(%dma_wait3A_472 : memref<128x128xf32, #tpu.memory_space<hbm>>)
      tpu.yield
    }) : () -> ()
    %run_scoped3A_234 = arith.constant 1 : i32
    %run_scoped3A_235 = arith.constant 1 : i32
    "tpu.region"() ({
      %run_scoped3A_448 = tpu.sem_alloc : memref<!tpu.dma_semaphore, #tpu.memory_space<semaphore_mem>>
      %dma_start3A_449 = arith.constant 0 : i32
      %dma_start3A_450 = arith.constant 0 : i32
      %dma_start3A_451 = tpu.memref_slice %arg10[%run_scoped3A_234, %dma_start3A_449, %dma_start3A_450] : memref<4x128x128xf32, #tpu.memory_space<vmem>> -> memref<1x128x128xf32, #tpu.memory_space<vmem>>
      %dma_start3A_452 = tpu.memref_squeeze %dma_start3A_451 : memref<1x128x128xf32, #tpu.memory_space<vmem>> -> memref<128x128xf32, #tpu.memory_space<vmem>>
      %dma_start3A_453 = arith.constant 0 : i32
      %dma_start3A_454 = tpu.memref_slice %arg7[%run_scoped3A_235, %mul3A_2, %dma_start3A_453] : memref<12x4096x128xf32, #tpu.memory_space<hbm>> -> memref<1x128x128xf32, #tpu.memory_space<hbm>>
      %dma_start3A_455 = tpu.memref_squeeze %dma_start3A_454 : memref<1x128x128xf32, #tpu.memory_space<hbm>> -> memref<128x128xf32, #tpu.memory_space<hbm>>
      %dma_start3A_456 = arith.constant 0 : i32
      %dma_start3A_457 = tpu.memref_slice %arg7[%run_scoped3A_235, %mul3A_2, %dma_start3A_456] : memref<12x4096x128xf32, #tpu.memory_space<hbm>> -> memref<1x128x128xf32, #tpu.memory_space<hbm>>
      %dma_start3A_458 = tpu.memref_squeeze %dma_start3A_457 : memref<1x128x128xf32, #tpu.memory_space<hbm>> -> memref<128x128xf32, #tpu.memory_space<hbm>>
      %dma_start3A_459 = arith.constant 0 : i32
      %dma_start3A_460 = arith.constant 0 : i32
      %dma_start3A_461 = tpu.memref_slice %arg10[%run_scoped3A_234, %dma_start3A_459, %dma_start3A_460] : memref<4x128x128xf32, #tpu.memory_space<vmem>> -> memref<1x128x128xf32, #tpu.memory_space<vmem>>
      %dma_start3A_462 = tpu.memref_squeeze %dma_start3A_461 : memref<1x128x128xf32, #tpu.memory_space<vmem>> -> memref<128x128xf32, #tpu.memory_space<vmem>>
      tpu.enqueue_dma source(%dma_start3A_462 : memref<128x128xf32, #tpu.memory_space<vmem>>) target(%dma_start3A_458 : memref<128x128xf32, #tpu.memory_space<hbm>>) target_semaphore(%run_scoped3A_448 : memref<!tpu.dma_semaphore, #tpu.memory_space<semaphore_mem>>)
      %dma_wait3A_463 = arith.constant 0 : i32
      %dma_wait3A_464 = arith.constant 0 : i32
      %dma_wait3A_465 = tpu.memref_slice %arg10[%run_scoped3A_234, %dma_wait3A_463, %dma_wait3A_464] : memref<4x128x128xf32, #tpu.memory_space<vmem>> -> memref<1x128x128xf32, #tpu.memory_space<vmem>>
      %dma_wait3A_466 = tpu.memref_squeeze %dma_wait3A_465 : memref<1x128x128xf32, #tpu.memory_space<vmem>> -> memref<128x128xf32, #tpu.memory_space<vmem>>
      %dma_wait3A_467 = arith.constant 0 : i32
      %dma_wait3A_468 = tpu.memref_slice %arg7[%run_scoped3A_235, %mul3A_2, %dma_wait3A_467] : memref<12x4096x128xf32, #tpu.memory_space<hbm>> -> memref<1x128x128xf32, #tpu.memory_space<hbm>>
      %dma_wait3A_469 = tpu.memref_squeeze %dma_wait3A_468 : memref<1x128x128xf32, #tpu.memory_space<hbm>> -> memref<128x128xf32, #tpu.memory_space<hbm>>
      %dma_wait3A_470 = arith.constant 0 : i32
      %dma_wait3A_471 = tpu.memref_slice %arg7[%run_scoped3A_235, %mul3A_2, %dma_wait3A_470] : memref<12x4096x128xf32, #tpu.memory_space<hbm>> -> memref<1x128x128xf32, #tpu.memory_space<hbm>>
      %dma_wait3A_472 = tpu.memref_squeeze %dma_wait3A_471 : memref<1x128x128xf32, #tpu.memory_space<hbm>> -> memref<128x128xf32, #tpu.memory_space<hbm>>
      %dma_wait3A_473 = arith.constant 0 : i32
      %dma_wait3A_474 = arith.constant 0 : i32
      %dma_wait3A_475 = tpu.memref_slice %arg10[%run_scoped3A_234, %dma_wait3A_473, %dma_wait3A_474] : memref<4x128x128xf32, #tpu.memory_space<vmem>> -> memref<1x128x128xf32, #tpu.memory_space<vmem>>
      %dma_wait3A_476 = tpu.memref_squeeze %dma_wait3A_475 : memref<1x128x128xf32, #tpu.memory_space<vmem>> -> memref<128x128xf32, #tpu.memory_space<vmem>>
      tpu.wait_dma2 semaphore(%run_scoped3A_448 : memref<!tpu.dma_semaphore, #tpu.memory_space<semaphore_mem>>) src(%dma_wait3A_476 : memref<128x128xf32, #tpu.memory_space<vmem>>) dst(%dma_wait3A_472 : memref<128x128xf32, #tpu.memory_space<hbm>>)
      tpu.yield
    }) : () -> ()
    %run_scoped3A_236 = arith.constant 2 : i32
    %run_scoped3A_237 = arith.constant 2 : i32
    "tpu.region"() ({
      %run_scoped3A_448 = tpu.sem_alloc : memref<!tpu.dma_semaphore, #tpu.memory_space<semaphore_mem>>
      %dma_start3A_449 = arith.constant 0 : i32
      %dma_start3A_450 = arith.constant 0 : i32
      %dma_start3A_451 = tpu.memref_slice %arg10[%run_scoped3A_236, %dma_start3A_449, %dma_start3A_450] : memref<4x128x128xf32, #tpu.memory_space<vmem>> -> memref<1x128x128xf32, #tpu.memory_space<vmem>>
      %dma_start3A_452 = tpu.memref_squeeze %dma_start3A_451 : memref<1x128x128xf32, #tpu.memory_space<vmem>> -> memref<128x128xf32, #tpu.memory_space<vmem>>
      %dma_start3A_453 = arith.constant 0 : i32
      %dma_start3A_454 = tpu.memref_slice %arg7[%run_scoped3A_237, %mul3A_2, %dma_start3A_453] : memref<12x4096x128xf32, #tpu.memory_space<hbm>> -> memref<1x128x128xf32, #tpu.memory_space<hbm>>
      %dma_start3A_455 = tpu.memref_squeeze %dma_start3A_454 : memref<1x128x128xf32, #tpu.memory_space<hbm>> -> memref<128x128xf32, #tpu.memory_space<hbm>>
      %dma_start3A_456 = arith.constant 0 : i32
      %dma_start3A_457 = tpu.memref_slice %arg7[%run_scoped3A_237, %mul3A_2, %dma_start3A_456] : memref<12x4096x128xf32, #tpu.memory_space<hbm>> -> memref<1x128x128xf32, #tpu.memory_space<hbm>>
      %dma_start3A_458 = tpu.memref_squeeze %dma_start3A_457 : memref<1x128x128xf32, #tpu.memory_space<hbm>> -> memref<128x128xf32, #tpu.memory_space<hbm>>
      %dma_start3A_459 = arith.constant 0 : i32
      %dma_start3A_460 = arith.constant 0 : i32
      %dma_start3A_461 = tpu.memref_slice %arg10[%run_scoped3A_236, %dma_start3A_459, %dma_start3A_460] : memref<4x128x128xf32, #tpu.memory_space<vmem>> -> memref<1x128x128xf32, #tpu.memory_space<vmem>>
      %dma_start3A_462 = tpu.memref_squeeze %dma_start3A_461 : memref<1x128x128xf32, #tpu.memory_space<vmem>> -> memref<128x128xf32, #tpu.memory_space<vmem>>
      tpu.enqueue_dma source(%dma_start3A_462 : memref<128x128xf32, #tpu.memory_space<vmem>>) target(%dma_start3A_458 : memref<128x128xf32, #tpu.memory_space<hbm>>) target_semaphore(%run_scoped3A_448 : memref<!tpu.dma_semaphore, #tpu.memory_space<semaphore_mem>>)
      %dma_wait3A_463 = arith.constant 0 : i32
      %dma_wait3A_464 = arith.constant 0 : i32
      %dma_wait3A_465 = tpu.memref_slice %arg10[%run_scoped3A_236, %dma_wait3A_463, %dma_wait3A_464] : memref<4x128x128xf32, #tpu.memory_space<vmem>> -> memref<1x128x128xf32, #tpu.memory_space<vmem>>
      %dma_wait3A_466 = tpu.memref_squeeze %dma_wait3A_465 : memref<1x128x128xf32, #tpu.memory_space<vmem>> -> memref<128x128xf32, #tpu.memory_space<vmem>>
      %dma_wait3A_467 = arith.constant 0 : i32
      %dma_wait3A_468 = tpu.memref_slice %arg7[%run_scoped3A_237, %mul3A_2, %dma_wait3A_467] : memref<12x4096x128xf32, #tpu.memory_space<hbm>> -> memref<1x128x128xf32, #tpu.memory_space<hbm>>
      %dma_wait3A_469 = tpu.memref_squeeze %dma_wait3A_468 : memref<1x128x128xf32, #tpu.memory_space<hbm>> -> memref<128x128xf32, #tpu.memory_space<hbm>>
      %dma_wait3A_470 = arith.constant 0 : i32
      %dma_wait3A_471 = tpu.memref_slice %arg7[%run_scoped3A_237, %mul3A_2, %dma_wait3A_470] : memref<12x4096x128xf32, #tpu.memory_space<hbm>> -> memref<1x128x128xf32, #tpu.memory_space<hbm>>
      %dma_wait3A_472 = tpu.memref_squeeze %dma_wait3A_471 : memref<1x128x128xf32, #tpu.memory_space<hbm>> -> memref<128x128xf32, #tpu.memory_space<hbm>>
      %dma_wait3A_473 = arith.constant 0 : i32
      %dma_wait3A_474 = arith.constant 0 : i32
      %dma_wait3A_475 = tpu.memref_slice %arg10[%run_scoped3A_236, %dma_wait3A_473, %dma_wait3A_474] : memref<4x128x128xf32, #tpu.memory_space<vmem>> -> memref<1x128x128xf32, #tpu.memory_space<vmem>>
      %dma_wait3A_476 = tpu.memref_squeeze %dma_wait3A_475 : memref<1x128x128xf32, #tpu.memory_space<vmem>> -> memref<128x128xf32, #tpu.memory_space<vmem>>
      tpu.wait_dma2 semaphore(%run_scoped3A_448 : memref<!tpu.dma_semaphore, #tpu.memory_space<semaphore_mem>>) src(%dma_wait3A_476 : memref<128x128xf32, #tpu.memory_space<vmem>>) dst(%dma_wait3A_472 : memref<128x128xf32, #tpu.memory_space<hbm>>)
      tpu.yield
    }) : () -> ()
    %run_scoped3A_238 = arith.constant 3 : i32
    %run_scoped3A_239 = arith.constant 3 : i32
    "tpu.region"() ({
      %run_scoped3A_448 = tpu.sem_alloc : memref<!tpu.dma_semaphore, #tpu.memory_space<semaphore_mem>>
      %dma_start3A_449 = arith.constant 0 : i32
      %dma_start3A_450 = arith.constant 0 : i32
      %dma_start3A_451 = tpu.memref_slice %arg10[%run_scoped3A_238, %dma_start3A_449, %dma_start3A_450] : memref<4x128x128xf32, #tpu.memory_space<vmem>> -> memref<1x128x128xf32, #tpu.memory_space<vmem>>
      %dma_start3A_452 = tpu.memref_squeeze %dma_start3A_451 : memref<1x128x128xf32, #tpu.memory_space<vmem>> -> memref<128x128xf32, #tpu.memory_space<vmem>>
      %dma_start3A_453 = arith.constant 0 : i32
      %dma_start3A_454 = tpu.memref_slice %arg7[%run_scoped3A_239, %mul3A_2, %dma_start3A_453] : memref<12x4096x128xf32, #tpu.memory_space<hbm>> -> memref<1x128x128xf32, #tpu.memory_space<hbm>>
      %dma_start3A_455 = tpu.memref_squeeze %dma_start3A_454 : memref<1x128x128xf32, #tpu.memory_space<hbm>> -> memref<128x128xf32, #tpu.memory_space<hbm>>
      %dma_start3A_456 = arith.constant 0 : i32
      %dma_start3A_457 = tpu.memref_slice %arg7[%run_scoped3A_239, %mul3A_2, %dma_start3A_456] : memref<12x4096x128xf32, #tpu.memory_space<hbm>> -> memref<1x128x128xf32, #tpu.memory_space<hbm>>
      %dma_start3A_458 = tpu.memref_squeeze %dma_start3A_457 : memref<1x128x128xf32, #tpu.memory_space<hbm>> -> memref<128x128xf32, #tpu.memory_space<hbm>>
      %dma_start3A_459 = arith.constant 0 : i32
      %dma_start3A_460 = arith.constant 0 : i32
      %dma_start3A_461 = tpu.memref_slice %arg10[%run_scoped3A_238, %dma_start3A_459, %dma_start3A_460] : memref<4x128x128xf32, #tpu.memory_space<vmem>> -> memref<1x128x128xf32, #tpu.memory_space<vmem>>
      %dma_start3A_462 = tpu.memref_squeeze %dma_start3A_461 : memref<1x128x128xf32, #tpu.memory_space<vmem>> -> memref<128x128xf32, #tpu.memory_space<vmem>>
      tpu.enqueue_dma source(%dma_start3A_462 : memref<128x128xf32, #tpu.memory_space<vmem>>) target(%dma_start3A_458 : memref<128x128xf32, #tpu.memory_space<hbm>>) target_semaphore(%run_scoped3A_448 : memref<!tpu.dma_semaphore, #tpu.memory_space<semaphore_mem>>)
      %dma_wait3A_463 = arith.constant 0 : i32
      %dma_wait3A_464 = arith.constant 0 : i32
      %dma_wait3A_465 = tpu.memref_slice %arg10[%run_scoped3A_238, %dma_wait3A_463, %dma_wait3A_464] : memref<4x128x128xf32, #tpu.memory_space<vmem>> -> memref<1x128x128xf32, #tpu.memory_space<vmem>>
      %dma_wait3A_466 = tpu.memref_squeeze %dma_wait3A_465 : memref<1x128x128xf32, #tpu.memory_space<vmem>> -> memref<128x128xf32, #tpu.memory_space<vmem>>
      %dma_wait3A_467 = arith.constant 0 : i32
      %dma_wait3A_468 = tpu.memref_slice %arg7[%run_scoped3A_239, %mul3A_2, %dma_wait3A_467] : memref<12x4096x128xf32, #tpu.memory_space<hbm>> -> memref<1x128x128xf32, #tpu.memory_space<hbm>>
      %dma_wait3A_469 = tpu.memref_squeeze %dma_wait3A_468 : memref<1x128x128xf32, #tpu.memory_space<hbm>> -> memref<128x128xf32, #tpu.memory_space<hbm>>
      %dma_wait3A_470 = arith.constant 0 : i32
      %dma_wait3A_471 = tpu.memref_slice %arg7[%run_scoped3A_239, %mul3A_2, %dma_wait3A_470] : memref<12x4096x128xf32, #tpu.memory_space<hbm>> -> memref<1x128x128xf32, #tpu.memory_space<hbm>>
      %dma_wait3A_472 = tpu.memref_squeeze %dma_wait3A_471 : memref<1x128x128xf32, #tpu.memory_space<hbm>> -> memref<128x128xf32, #tpu.memory_space<hbm>>
      %dma_wait3A_473 = arith.constant 0 : i32
      %dma_wait3A_474 = arith.constant 0 : i32
      %dma_wait3A_475 = tpu.memref_slice %arg10[%run_scoped3A_238, %dma_wait3A_473, %dma_wait3A_474] : memref<4x128x128xf32, #tpu.memory_space<vmem>> -> memref<1x128x128xf32, #tpu.memory_space<vmem>>
      %dma_wait3A_476 = tpu.memref_squeeze %dma_wait3A_475 : memref<1x128x128xf32, #tpu.memory_space<vmem>> -> memref<128x128xf32, #tpu.memory_space<vmem>>
      tpu.wait_dma2 semaphore(%run_scoped3A_448 : memref<!tpu.dma_semaphore, #tpu.memory_space<semaphore_mem>>) src(%dma_wait3A_476 : memref<128x128xf32, #tpu.memory_space<vmem>>) dst(%dma_wait3A_472 : memref<128x128xf32, #tpu.memory_space<hbm>>)
      tpu.yield
    }) : () -> ()
    %dma_start3A_240 = arith.constant 4 : i32
    %dma_start3A_241 = arith.constant 0 : i32
    %dma_start3A_242 = arith.constant 0 : i32
    %dma_start3A_243 = arith.constant 0 : i32
    %dma_start3A_244 = tpu.memref_slice %arg10[%dma_start3A_241, %dma_start3A_242, %dma_start3A_243] : memref<4x128x128xf32, #tpu.memory_space<vmem>> -> memref<1x128x128xf32, #tpu.memory_space<vmem>>
    %dma_start3A_245 = tpu.memref_squeeze %dma_start3A_244 : memref<1x128x128xf32, #tpu.memory_space<vmem>> -> memref<128x128xf32, #tpu.memory_space<vmem>>
    %dma_start3A_246 = arith.constant 0 : i32
    %dma_start3A_247 = tpu.memref_slice %arg9[%dma_start3A_240, %dma_start3A_246] : memref<12x128xi32, #tpu.memory_space<vmem>> -> memref<1x128xi32, #tpu.memory_space<vmem>>
    %dma_start3A_248 = tpu.memref_squeeze %dma_start3A_247 : memref<1x128xi32, #tpu.memory_space<vmem>> -> memref<128xi32, #tpu.memory_space<vmem>>
    %dma_start3A_249 = arith.constant 0 : i32
    %dma_start3A_250 = arith.constant 0 : i32
    %dma_start3A_251 = tpu.memref_slice %arg3[%dma_start3A_249, %dma_start3A_250] : memref<98304x128xf32, #tpu.memory_space<hbm>> -> memref<98304x128xf32, #tpu.memory_space<hbm>>
    tpu.enqueue_indirect_dma source(%dma_start3A_251 : memref<98304x128xf32, #tpu.memory_space<hbm>>) target(%dma_start3A_245 : memref<128x128xf32, #tpu.memory_space<vmem>>) offsets(%dma_start3A_248 : memref<128xi32, #tpu.memory_space<vmem>>) semaphore(%arg11 : memref<!tpu.dma_semaphore, #tpu.memory_space<semaphore_mem>>)
    %dma_start3A_252 = arith.constant 5 : i32
    %dma_start3A_253 = arith.constant 1 : i32
    %dma_start3A_254 = arith.constant 0 : i32
    %dma_start3A_255 = arith.constant 0 : i32
    %dma_start3A_256 = tpu.memref_slice %arg10[%dma_start3A_253, %dma_start3A_254, %dma_start3A_255] : memref<4x128x128xf32, #tpu.memory_space<vmem>> -> memref<1x128x128xf32, #tpu.memory_space<vmem>>
    %dma_start3A_257 = tpu.memref_squeeze %dma_start3A_256 : memref<1x128x128xf32, #tpu.memory_space<vmem>> -> memref<128x128xf32, #tpu.memory_space<vmem>>
    %dma_start3A_258 = arith.constant 0 : i32
    %dma_start3A_259 = tpu.memref_slice %arg9[%dma_start3A_252, %dma_start3A_258] : memref<12x128xi32, #tpu.memory_space<vmem>> -> memref<1x128xi32, #tpu.memory_space<vmem>>
    %dma_start3A_260 = tpu.memref_squeeze %dma_start3A_259 : memref<1x128xi32, #tpu.memory_space<vmem>> -> memref<128xi32, #tpu.memory_space<vmem>>
    %dma_start3A_261 = arith.constant 0 : i32
    %dma_start3A_262 = arith.constant 0 : i32
    %dma_start3A_263 = tpu.memref_slice %arg3[%dma_start3A_261, %dma_start3A_262] : memref<98304x128xf32, #tpu.memory_space<hbm>> -> memref<98304x128xf32, #tpu.memory_space<hbm>>
    tpu.enqueue_indirect_dma source(%dma_start3A_263 : memref<98304x128xf32, #tpu.memory_space<hbm>>) target(%dma_start3A_257 : memref<128x128xf32, #tpu.memory_space<vmem>>) offsets(%dma_start3A_260 : memref<128xi32, #tpu.memory_space<vmem>>) semaphore(%arg11 : memref<!tpu.dma_semaphore, #tpu.memory_space<semaphore_mem>>)
    %dma_start3A_264 = arith.constant 6 : i32
    %dma_start3A_265 = arith.constant 2 : i32
    %dma_start3A_266 = arith.constant 0 : i32
    %dma_start3A_267 = arith.constant 0 : i32
    %dma_start3A_268 = tpu.memref_slice %arg10[%dma_start3A_265, %dma_start3A_266, %dma_start3A_267] : memref<4x128x128xf32, #tpu.memory_space<vmem>> -> memref<1x128x128xf32, #tpu.memory_space<vmem>>
    %dma_start3A_269 = tpu.memref_squeeze %dma_start3A_268 : memref<1x128x128xf32, #tpu.memory_space<vmem>> -> memref<128x128xf32, #tpu.memory_space<vmem>>
    %dma_start3A_270 = arith.constant 0 : i32
    %dma_start3A_271 = tpu.memref_slice %arg9[%dma_start3A_264, %dma_start3A_270] : memref<12x128xi32, #tpu.memory_space<vmem>> -> memref<1x128xi32, #tpu.memory_space<vmem>>
    %dma_start3A_272 = tpu.memref_squeeze %dma_start3A_271 : memref<1x128xi32, #tpu.memory_space<vmem>> -> memref<128xi32, #tpu.memory_space<vmem>>
    %dma_start3A_273 = arith.constant 0 : i32
    %dma_start3A_274 = arith.constant 0 : i32
    %dma_start3A_275 = tpu.memref_slice %arg3[%dma_start3A_273, %dma_start3A_274] : memref<98304x128xf32, #tpu.memory_space<hbm>> -> memref<98304x128xf32, #tpu.memory_space<hbm>>
    tpu.enqueue_indirect_dma source(%dma_start3A_275 : memref<98304x128xf32, #tpu.memory_space<hbm>>) target(%dma_start3A_269 : memref<128x128xf32, #tpu.memory_space<vmem>>) offsets(%dma_start3A_272 : memref<128xi32, #tpu.memory_space<vmem>>) semaphore(%arg11 : memref<!tpu.dma_semaphore, #tpu.memory_space<semaphore_mem>>)
    %dma_start3A_276 = arith.constant 7 : i32
    %dma_start3A_277 = arith.constant 3 : i32
    %dma_start3A_278 = arith.constant 0 : i32
    %dma_start3A_279 = arith.constant 0 : i32
    %dma_start3A_280 = tpu.memref_slice %arg10[%dma_start3A_277, %dma_start3A_278, %dma_start3A_279] : memref<4x128x128xf32, #tpu.memory_space<vmem>> -> memref<1x128x128xf32, #tpu.memory_space<vmem>>
    %dma_start3A_281 = tpu.memref_squeeze %dma_start3A_280 : memref<1x128x128xf32, #tpu.memory_space<vmem>> -> memref<128x128xf32, #tpu.memory_space<vmem>>
    %dma_start3A_282 = arith.constant 0 : i32
    %dma_start3A_283 = tpu.memref_slice %arg9[%dma_start3A_276, %dma_start3A_282] : memref<12x128xi32, #tpu.memory_space<vmem>> -> memref<1x128xi32, #tpu.memory_space<vmem>>
    %dma_start3A_284 = tpu.memref_squeeze %dma_start3A_283 : memref<1x128xi32, #tpu.memory_space<vmem>> -> memref<128xi32, #tpu.memory_space<vmem>>
    %dma_start3A_285 = arith.constant 0 : i32
    %dma_start3A_286 = arith.constant 0 : i32
    %dma_start3A_287 = tpu.memref_slice %arg3[%dma_start3A_285, %dma_start3A_286] : memref<98304x128xf32, #tpu.memory_space<hbm>> -> memref<98304x128xf32, #tpu.memory_space<hbm>>
    tpu.enqueue_indirect_dma source(%dma_start3A_287 : memref<98304x128xf32, #tpu.memory_space<hbm>>) target(%dma_start3A_281 : memref<128x128xf32, #tpu.memory_space<vmem>>) offsets(%dma_start3A_284 : memref<128xi32, #tpu.memory_space<vmem>>) semaphore(%arg11 : memref<!tpu.dma_semaphore, #tpu.memory_space<semaphore_mem>>)
    %dma_wait3A_288 = arith.constant 4 : i32
    %dma_wait3A_289 = arith.constant 0 : i32
    %dma_wait3A_290 = arith.constant 0 : i32
    %dma_wait3A_291 = arith.constant 0 : i32
    %dma_wait3A_292 = tpu.memref_slice %arg10[%dma_wait3A_289, %dma_wait3A_290, %dma_wait3A_291] : memref<4x128x128xf32, #tpu.memory_space<vmem>> -> memref<1x128x128xf32, #tpu.memory_space<vmem>>
    %dma_wait3A_293 = tpu.memref_squeeze %dma_wait3A_292 : memref<1x128x128xf32, #tpu.memory_space<vmem>> -> memref<128x128xf32, #tpu.memory_space<vmem>>
    %dma_wait3A_294 = arith.constant 0 : i32
    %dma_wait3A_295 = tpu.memref_slice %arg9[%dma_wait3A_288, %dma_wait3A_294] : memref<12x128xi32, #tpu.memory_space<vmem>> -> memref<1x128xi32, #tpu.memory_space<vmem>>
    %dma_wait3A_296 = tpu.memref_squeeze %dma_wait3A_295 : memref<1x128xi32, #tpu.memory_space<vmem>> -> memref<128xi32, #tpu.memory_space<vmem>>
    %dma_wait3A_297 = arith.constant 0 : i32
    %dma_wait3A_298 = arith.constant 0 : i32
    %dma_wait3A_299 = tpu.memref_slice %arg3[%dma_wait3A_297, %dma_wait3A_298] : memref<98304x128xf32, #tpu.memory_space<hbm>> -> memref<98304x128xf32, #tpu.memory_space<hbm>>
    tpu.wait_indirect_dma semaphore(%arg11 : memref<!tpu.dma_semaphore, #tpu.memory_space<semaphore_mem>>) src(%dma_wait3A_299 : memref<98304x128xf32, #tpu.memory_space<hbm>>) dst(%dma_wait3A_293 : memref<128x128xf32, #tpu.memory_space<vmem>>)
    %dma_wait3A_300 = arith.constant 5 : i32
    %dma_wait3A_301 = arith.constant 1 : i32
    %dma_wait3A_302 = arith.constant 0 : i32
    %dma_wait3A_303 = arith.constant 0 : i32
    %dma_wait3A_304 = tpu.memref_slice %arg10[%dma_wait3A_301, %dma_wait3A_302, %dma_wait3A_303] : memref<4x128x128xf32, #tpu.memory_space<vmem>> -> memref<1x128x128xf32, #tpu.memory_space<vmem>>
    %dma_wait3A_305 = tpu.memref_squeeze %dma_wait3A_304 : memref<1x128x128xf32, #tpu.memory_space<vmem>> -> memref<128x128xf32, #tpu.memory_space<vmem>>
    %dma_wait3A_306 = arith.constant 0 : i32
    %dma_wait3A_307 = tpu.memref_slice %arg9[%dma_wait3A_300, %dma_wait3A_306] : memref<12x128xi32, #tpu.memory_space<vmem>> -> memref<1x128xi32, #tpu.memory_space<vmem>>
    %dma_wait3A_308 = tpu.memref_squeeze %dma_wait3A_307 : memref<1x128xi32, #tpu.memory_space<vmem>> -> memref<128xi32, #tpu.memory_space<vmem>>
    %dma_wait3A_309 = arith.constant 0 : i32
    %dma_wait3A_310 = arith.constant 0 : i32
    %dma_wait3A_311 = tpu.memref_slice %arg3[%dma_wait3A_309, %dma_wait3A_310] : memref<98304x128xf32, #tpu.memory_space<hbm>> -> memref<98304x128xf32, #tpu.memory_space<hbm>>
    tpu.wait_indirect_dma semaphore(%arg11 : memref<!tpu.dma_semaphore, #tpu.memory_space<semaphore_mem>>) src(%dma_wait3A_311 : memref<98304x128xf32, #tpu.memory_space<hbm>>) dst(%dma_wait3A_305 : memref<128x128xf32, #tpu.memory_space<vmem>>)
    %dma_wait3A_312 = arith.constant 6 : i32
    %dma_wait3A_313 = arith.constant 2 : i32
    %dma_wait3A_314 = arith.constant 0 : i32
    %dma_wait3A_315 = arith.constant 0 : i32
    %dma_wait3A_316 = tpu.memref_slice %arg10[%dma_wait3A_313, %dma_wait3A_314, %dma_wait3A_315] : memref<4x128x128xf32, #tpu.memory_space<vmem>> -> memref<1x128x128xf32, #tpu.memory_space<vmem>>
    %dma_wait3A_317 = tpu.memref_squeeze %dma_wait3A_316 : memref<1x128x128xf32, #tpu.memory_space<vmem>> -> memref<128x128xf32, #tpu.memory_space<vmem>>
    %dma_wait3A_318 = arith.constant 0 : i32
    %dma_wait3A_319 = tpu.memref_slice %arg9[%dma_wait3A_312, %dma_wait3A_318] : memref<12x128xi32, #tpu.memory_space<vmem>> -> memref<1x128xi32, #tpu.memory_space<vmem>>
    %dma_wait3A_320 = tpu.memref_squeeze %dma_wait3A_319 : memref<1x128xi32, #tpu.memory_space<vmem>> -> memref<128xi32, #tpu.memory_space<vmem>>
    %dma_wait3A_321 = arith.constant 0 : i32
    %dma_wait3A_322 = arith.constant 0 : i32
    %dma_wait3A_323 = tpu.memref_slice %arg3[%dma_wait3A_321, %dma_wait3A_322] : memref<98304x128xf32, #tpu.memory_space<hbm>> -> memref<98304x128xf32, #tpu.memory_space<hbm>>
    tpu.wait_indirect_dma semaphore(%arg11 : memref<!tpu.dma_semaphore, #tpu.memory_space<semaphore_mem>>) src(%dma_wait3A_323 : memref<98304x128xf32, #tpu.memory_space<hbm>>) dst(%dma_wait3A_317 : memref<128x128xf32, #tpu.memory_space<vmem>>)
    %dma_wait3A_324 = arith.constant 7 : i32
    %dma_wait3A_325 = arith.constant 3 : i32
    %dma_wait3A_326 = arith.constant 0 : i32
    %dma_wait3A_327 = arith.constant 0 : i32
    %dma_wait3A_328 = tpu.memref_slice %arg10[%dma_wait3A_325, %dma_wait3A_326, %dma_wait3A_327] : memref<4x128x128xf32, #tpu.memory_space<vmem>> -> memref<1x128x128xf32, #tpu.memory_space<vmem>>
    %dma_wait3A_329 = tpu.memref_squeeze %dma_wait3A_328 : memref<1x128x128xf32, #tpu.memory_space<vmem>> -> memref<128x128xf32, #tpu.memory_space<vmem>>
    %dma_wait3A_330 = arith.constant 0 : i32
    %dma_wait3A_331 = tpu.memref_slice %arg9[%dma_wait3A_324, %dma_wait3A_330] : memref<12x128xi32, #tpu.memory_space<vmem>> -> memref<1x128xi32, #tpu.memory_space<vmem>>
    %dma_wait3A_332 = tpu.memref_squeeze %dma_wait3A_331 : memref<1x128xi32, #tpu.memory_space<vmem>> -> memref<128xi32, #tpu.memory_space<vmem>>
    %dma_wait3A_333 = arith.constant 0 : i32
    %dma_wait3A_334 = arith.constant 0 : i32
    %dma_wait3A_335 = tpu.memref_slice %arg3[%dma_wait3A_333, %dma_wait3A_334] : memref<98304x128xf32, #tpu.memory_space<hbm>> -> memref<98304x128xf32, #tpu.memory_space<hbm>>
    tpu.wait_indirect_dma semaphore(%arg11 : memref<!tpu.dma_semaphore, #tpu.memory_space<semaphore_mem>>) src(%dma_wait3A_335 : memref<98304x128xf32, #tpu.memory_space<hbm>>) dst(%dma_wait3A_329 : memref<128x128xf32, #tpu.memory_space<vmem>>)
    %run_scoped3A_336 = arith.constant 0 : i32
    %run_scoped3A_337 = arith.constant 4 : i32
    "tpu.region"() ({
      %run_scoped3A_448 = tpu.sem_alloc : memref<!tpu.dma_semaphore, #tpu.memory_space<semaphore_mem>>
      %dma_start3A_449 = arith.constant 0 : i32
      %dma_start3A_450 = arith.constant 0 : i32
      %dma_start3A_451 = tpu.memref_slice %arg10[%run_scoped3A_336, %dma_start3A_449, %dma_start3A_450] : memref<4x128x128xf32, #tpu.memory_space<vmem>> -> memref<1x128x128xf32, #tpu.memory_space<vmem>>
      %dma_start3A_452 = tpu.memref_squeeze %dma_start3A_451 : memref<1x128x128xf32, #tpu.memory_space<vmem>> -> memref<128x128xf32, #tpu.memory_space<vmem>>
      %dma_start3A_453 = arith.constant 0 : i32
      %dma_start3A_454 = tpu.memref_slice %arg7[%run_scoped3A_337, %mul3A_2, %dma_start3A_453] : memref<12x4096x128xf32, #tpu.memory_space<hbm>> -> memref<1x128x128xf32, #tpu.memory_space<hbm>>
      %dma_start3A_455 = tpu.memref_squeeze %dma_start3A_454 : memref<1x128x128xf32, #tpu.memory_space<hbm>> -> memref<128x128xf32, #tpu.memory_space<hbm>>
      %dma_start3A_456 = arith.constant 0 : i32
      %dma_start3A_457 = tpu.memref_slice %arg7[%run_scoped3A_337, %mul3A_2, %dma_start3A_456] : memref<12x4096x128xf32, #tpu.memory_space<hbm>> -> memref<1x128x128xf32, #tpu.memory_space<hbm>>
      %dma_start3A_458 = tpu.memref_squeeze %dma_start3A_457 : memref<1x128x128xf32, #tpu.memory_space<hbm>> -> memref<128x128xf32, #tpu.memory_space<hbm>>
      %dma_start3A_459 = arith.constant 0 : i32
      %dma_start3A_460 = arith.constant 0 : i32
      %dma_start3A_461 = tpu.memref_slice %arg10[%run_scoped3A_336, %dma_start3A_459, %dma_start3A_460] : memref<4x128x128xf32, #tpu.memory_space<vmem>> -> memref<1x128x128xf32, #tpu.memory_space<vmem>>
      %dma_start3A_462 = tpu.memref_squeeze %dma_start3A_461 : memref<1x128x128xf32, #tpu.memory_space<vmem>> -> memref<128x128xf32, #tpu.memory_space<vmem>>
      tpu.enqueue_dma source(%dma_start3A_462 : memref<128x128xf32, #tpu.memory_space<vmem>>) target(%dma_start3A_458 : memref<128x128xf32, #tpu.memory_space<hbm>>) target_semaphore(%run_scoped3A_448 : memref<!tpu.dma_semaphore, #tpu.memory_space<semaphore_mem>>)
      %dma_wait3A_463 = arith.constant 0 : i32
      %dma_wait3A_464 = arith.constant 0 : i32
      %dma_wait3A_465 = tpu.memref_slice %arg10[%run_scoped3A_336, %dma_wait3A_463, %dma_wait3A_464] : memref<4x128x128xf32, #tpu.memory_space<vmem>> -> memref<1x128x128xf32, #tpu.memory_space<vmem>>
      %dma_wait3A_466 = tpu.memref_squeeze %dma_wait3A_465 : memref<1x128x128xf32, #tpu.memory_space<vmem>> -> memref<128x128xf32, #tpu.memory_space<vmem>>
      %dma_wait3A_467 = arith.constant 0 : i32
      %dma_wait3A_468 = tpu.memref_slice %arg7[%run_scoped3A_337, %mul3A_2, %dma_wait3A_467] : memref<12x4096x128xf32, #tpu.memory_space<hbm>> -> memref<1x128x128xf32, #tpu.memory_space<hbm>>
      %dma_wait3A_469 = tpu.memref_squeeze %dma_wait3A_468 : memref<1x128x128xf32, #tpu.memory_space<hbm>> -> memref<128x128xf32, #tpu.memory_space<hbm>>
      %dma_wait3A_470 = arith.constant 0 : i32
      %dma_wait3A_471 = tpu.memref_slice %arg7[%run_scoped3A_337, %mul3A_2, %dma_wait3A_470] : memref<12x4096x128xf32, #tpu.memory_space<hbm>> -> memref<1x128x128xf32, #tpu.memory_space<hbm>>
      %dma_wait3A_472 = tpu.memref_squeeze %dma_wait3A_471 : memref<1x128x128xf32, #tpu.memory_space<hbm>> -> memref<128x128xf32, #tpu.memory_space<hbm>>
      %dma_wait3A_473 = arith.constant 0 : i32
      %dma_wait3A_474 = arith.constant 0 : i32
      %dma_wait3A_475 = tpu.memref_slice %arg10[%run_scoped3A_336, %dma_wait3A_473, %dma_wait3A_474] : memref<4x128x128xf32, #tpu.memory_space<vmem>> -> memref<1x128x128xf32, #tpu.memory_space<vmem>>
      %dma_wait3A_476 = tpu.memref_squeeze %dma_wait3A_475 : memref<1x128x128xf32, #tpu.memory_space<vmem>> -> memref<128x128xf32, #tpu.memory_space<vmem>>
      tpu.wait_dma2 semaphore(%run_scoped3A_448 : memref<!tpu.dma_semaphore, #tpu.memory_space<semaphore_mem>>) src(%dma_wait3A_476 : memref<128x128xf32, #tpu.memory_space<vmem>>) dst(%dma_wait3A_472 : memref<128x128xf32, #tpu.memory_space<hbm>>)
      tpu.yield
    }) : () -> ()
    %run_scoped3A_338 = arith.constant 1 : i32
    %run_scoped3A_339 = arith.constant 5 : i32
    "tpu.region"() ({
      %run_scoped3A_448 = tpu.sem_alloc : memref<!tpu.dma_semaphore, #tpu.memory_space<semaphore_mem>>
      %dma_start3A_449 = arith.constant 0 : i32
      %dma_start3A_450 = arith.constant 0 : i32
      %dma_start3A_451 = tpu.memref_slice %arg10[%run_scoped3A_338, %dma_start3A_449, %dma_start3A_450] : memref<4x128x128xf32, #tpu.memory_space<vmem>> -> memref<1x128x128xf32, #tpu.memory_space<vmem>>
      %dma_start3A_452 = tpu.memref_squeeze %dma_start3A_451 : memref<1x128x128xf32, #tpu.memory_space<vmem>> -> memref<128x128xf32, #tpu.memory_space<vmem>>
      %dma_start3A_453 = arith.constant 0 : i32
      %dma_start3A_454 = tpu.memref_slice %arg7[%run_scoped3A_339, %mul3A_2, %dma_start3A_453] : memref<12x4096x128xf32, #tpu.memory_space<hbm>> -> memref<1x128x128xf32, #tpu.memory_space<hbm>>
      %dma_start3A_455 = tpu.memref_squeeze %dma_start3A_454 : memref<1x128x128xf32, #tpu.memory_space<hbm>> -> memref<128x128xf32, #tpu.memory_space<hbm>>
      %dma_start3A_456 = arith.constant 0 : i32
      %dma_start3A_457 = tpu.memref_slice %arg7[%run_scoped3A_339, %mul3A_2, %dma_start3A_456] : memref<12x4096x128xf32, #tpu.memory_space<hbm>> -> memref<1x128x128xf32, #tpu.memory_space<hbm>>
      %dma_start3A_458 = tpu.memref_squeeze %dma_start3A_457 : memref<1x128x128xf32, #tpu.memory_space<hbm>> -> memref<128x128xf32, #tpu.memory_space<hbm>>
      %dma_start3A_459 = arith.constant 0 : i32
      %dma_start3A_460 = arith.constant 0 : i32
      %dma_start3A_461 = tpu.memref_slice %arg10[%run_scoped3A_338, %dma_start3A_459, %dma_start3A_460] : memref<4x128x128xf32, #tpu.memory_space<vmem>> -> memref<1x128x128xf32, #tpu.memory_space<vmem>>
      %dma_start3A_462 = tpu.memref_squeeze %dma_start3A_461 : memref<1x128x128xf32, #tpu.memory_space<vmem>> -> memref<128x128xf32, #tpu.memory_space<vmem>>
      tpu.enqueue_dma source(%dma_start3A_462 : memref<128x128xf32, #tpu.memory_space<vmem>>) target(%dma_start3A_458 : memref<128x128xf32, #tpu.memory_space<hbm>>) target_semaphore(%run_scoped3A_448 : memref<!tpu.dma_semaphore, #tpu.memory_space<semaphore_mem>>)
      %dma_wait3A_463 = arith.constant 0 : i32
      %dma_wait3A_464 = arith.constant 0 : i32
      %dma_wait3A_465 = tpu.memref_slice %arg10[%run_scoped3A_338, %dma_wait3A_463, %dma_wait3A_464] : memref<4x128x128xf32, #tpu.memory_space<vmem>> -> memref<1x128x128xf32, #tpu.memory_space<vmem>>
      %dma_wait3A_466 = tpu.memref_squeeze %dma_wait3A_465 : memref<1x128x128xf32, #tpu.memory_space<vmem>> -> memref<128x128xf32, #tpu.memory_space<vmem>>
      %dma_wait3A_467 = arith.constant 0 : i32
      %dma_wait3A_468 = tpu.memref_slice %arg7[%run_scoped3A_339, %mul3A_2, %dma_wait3A_467] : memref<12x4096x128xf32, #tpu.memory_space<hbm>> -> memref<1x128x128xf32, #tpu.memory_space<hbm>>
      %dma_wait3A_469 = tpu.memref_squeeze %dma_wait3A_468 : memref<1x128x128xf32, #tpu.memory_space<hbm>> -> memref<128x128xf32, #tpu.memory_space<hbm>>
      %dma_wait3A_470 = arith.constant 0 : i32
      %dma_wait3A_471 = tpu.memref_slice %arg7[%run_scoped3A_339, %mul3A_2, %dma_wait3A_470] : memref<12x4096x128xf32, #tpu.memory_space<hbm>> -> memref<1x128x128xf32, #tpu.memory_space<hbm>>
      %dma_wait3A_472 = tpu.memref_squeeze %dma_wait3A_471 : memref<1x128x128xf32, #tpu.memory_space<hbm>> -> memref<128x128xf32, #tpu.memory_space<hbm>>
      %dma_wait3A_473 = arith.constant 0 : i32
      %dma_wait3A_474 = arith.constant 0 : i32
      %dma_wait3A_475 = tpu.memref_slice %arg10[%run_scoped3A_338, %dma_wait3A_473, %dma_wait3A_474] : memref<4x128x128xf32, #tpu.memory_space<vmem>> -> memref<1x128x128xf32, #tpu.memory_space<vmem>>
      %dma_wait3A_476 = tpu.memref_squeeze %dma_wait3A_475 : memref<1x128x128xf32, #tpu.memory_space<vmem>> -> memref<128x128xf32, #tpu.memory_space<vmem>>
      tpu.wait_dma2 semaphore(%run_scoped3A_448 : memref<!tpu.dma_semaphore, #tpu.memory_space<semaphore_mem>>) src(%dma_wait3A_476 : memref<128x128xf32, #tpu.memory_space<vmem>>) dst(%dma_wait3A_472 : memref<128x128xf32, #tpu.memory_space<hbm>>)
      tpu.yield
    }) : () -> ()
    %run_scoped3A_340 = arith.constant 2 : i32
    %run_scoped3A_341 = arith.constant 6 : i32
    "tpu.region"() ({
      %run_scoped3A_448 = tpu.sem_alloc : memref<!tpu.dma_semaphore, #tpu.memory_space<semaphore_mem>>
      %dma_start3A_449 = arith.constant 0 : i32
      %dma_start3A_450 = arith.constant 0 : i32
      %dma_start3A_451 = tpu.memref_slice %arg10[%run_scoped3A_340, %dma_start3A_449, %dma_start3A_450] : memref<4x128x128xf32, #tpu.memory_space<vmem>> -> memref<1x128x128xf32, #tpu.memory_space<vmem>>
      %dma_start3A_452 = tpu.memref_squeeze %dma_start3A_451 : memref<1x128x128xf32, #tpu.memory_space<vmem>> -> memref<128x128xf32, #tpu.memory_space<vmem>>
      %dma_start3A_453 = arith.constant 0 : i32
      %dma_start3A_454 = tpu.memref_slice %arg7[%run_scoped3A_341, %mul3A_2, %dma_start3A_453] : memref<12x4096x128xf32, #tpu.memory_space<hbm>> -> memref<1x128x128xf32, #tpu.memory_space<hbm>>
      %dma_start3A_455 = tpu.memref_squeeze %dma_start3A_454 : memref<1x128x128xf32, #tpu.memory_space<hbm>> -> memref<128x128xf32, #tpu.memory_space<hbm>>
      %dma_start3A_456 = arith.constant 0 : i32
      %dma_start3A_457 = tpu.memref_slice %arg7[%run_scoped3A_341, %mul3A_2, %dma_start3A_456] : memref<12x4096x128xf32, #tpu.memory_space<hbm>> -> memref<1x128x128xf32, #tpu.memory_space<hbm>>
      %dma_start3A_458 = tpu.memref_squeeze %dma_start3A_457 : memref<1x128x128xf32, #tpu.memory_space<hbm>> -> memref<128x128xf32, #tpu.memory_space<hbm>>
      %dma_start3A_459 = arith.constant 0 : i32
      %dma_start3A_460 = arith.constant 0 : i32
      %dma_start3A_461 = tpu.memref_slice %arg10[%run_scoped3A_340, %dma_start3A_459, %dma_start3A_460] : memref<4x128x128xf32, #tpu.memory_space<vmem>> -> memref<1x128x128xf32, #tpu.memory_space<vmem>>
      %dma_start3A_462 = tpu.memref_squeeze %dma_start3A_461 : memref<1x128x128xf32, #tpu.memory_space<vmem>> -> memref<128x128xf32, #tpu.memory_space<vmem>>
      tpu.enqueue_dma source(%dma_start3A_462 : memref<128x128xf32, #tpu.memory_space<vmem>>) target(%dma_start3A_458 : memref<128x128xf32, #tpu.memory_space<hbm>>) target_semaphore(%run_scoped3A_448 : memref<!tpu.dma_semaphore, #tpu.memory_space<semaphore_mem>>)
      %dma_wait3A_463 = arith.constant 0 : i32
      %dma_wait3A_464 = arith.constant 0 : i32
      %dma_wait3A_465 = tpu.memref_slice %arg10[%run_scoped3A_340, %dma_wait3A_463, %dma_wait3A_464] : memref<4x128x128xf32, #tpu.memory_space<vmem>> -> memref<1x128x128xf32, #tpu.memory_space<vmem>>
      %dma_wait3A_466 = tpu.memref_squeeze %dma_wait3A_465 : memref<1x128x128xf32, #tpu.memory_space<vmem>> -> memref<128x128xf32, #tpu.memory_space<vmem>>
      %dma_wait3A_467 = arith.constant 0 : i32
      %dma_wait3A_468 = tpu.memref_slice %arg7[%run_scoped3A_341, %mul3A_2, %dma_wait3A_467] : memref<12x4096x128xf32, #tpu.memory_space<hbm>> -> memref<1x128x128xf32, #tpu.memory_space<hbm>>
      %dma_wait3A_469 = tpu.memref_squeeze %dma_wait3A_468 : memref<1x128x128xf32, #tpu.memory_space<hbm>> -> memref<128x128xf32, #tpu.memory_space<hbm>>
      %dma_wait3A_470 = arith.constant 0 : i32
      %dma_wait3A_471 = tpu.memref_slice %arg7[%run_scoped3A_341, %mul3A_2, %dma_wait3A_470] : memref<12x4096x128xf32, #tpu.memory_space<hbm>> -> memref<1x128x128xf32, #tpu.memory_space<hbm>>
      %dma_wait3A_472 = tpu.memref_squeeze %dma_wait3A_471 : memref<1x128x128xf32, #tpu.memory_space<hbm>> -> memref<128x128xf32, #tpu.memory_space<hbm>>
      %dma_wait3A_473 = arith.constant 0 : i32
      %dma_wait3A_474 = arith.constant 0 : i32
      %dma_wait3A_475 = tpu.memref_slice %arg10[%run_scoped3A_340, %dma_wait3A_473, %dma_wait3A_474] : memref<4x128x128xf32, #tpu.memory_space<vmem>> -> memref<1x128x128xf32, #tpu.memory_space<vmem>>
      %dma_wait3A_476 = tpu.memref_squeeze %dma_wait3A_475 : memref<1x128x128xf32, #tpu.memory_space<vmem>> -> memref<128x128xf32, #tpu.memory_space<vmem>>
      tpu.wait_dma2 semaphore(%run_scoped3A_448 : memref<!tpu.dma_semaphore, #tpu.memory_space<semaphore_mem>>) src(%dma_wait3A_476 : memref<128x128xf32, #tpu.memory_space<vmem>>) dst(%dma_wait3A_472 : memref<128x128xf32, #tpu.memory_space<hbm>>)
      tpu.yield
    }) : () -> ()
    %run_scoped3A_342 = arith.constant 3 : i32
    %run_scoped3A_343 = arith.constant 7 : i32
    "tpu.region"() ({
      %run_scoped3A_448 = tpu.sem_alloc : memref<!tpu.dma_semaphore, #tpu.memory_space<semaphore_mem>>
      %dma_start3A_449 = arith.constant 0 : i32
      %dma_start3A_450 = arith.constant 0 : i32
      %dma_start3A_451 = tpu.memref_slice %arg10[%run_scoped3A_342, %dma_start3A_449, %dma_start3A_450] : memref<4x128x128xf32, #tpu.memory_space<vmem>> -> memref<1x128x128xf32, #tpu.memory_space<vmem>>
      %dma_start3A_452 = tpu.memref_squeeze %dma_start3A_451 : memref<1x128x128xf32, #tpu.memory_space<vmem>> -> memref<128x128xf32, #tpu.memory_space<vmem>>
      %dma_start3A_453 = arith.constant 0 : i32
      %dma_start3A_454 = tpu.memref_slice %arg7[%run_scoped3A_343, %mul3A_2, %dma_start3A_453] : memref<12x4096x128xf32, #tpu.memory_space<hbm>> -> memref<1x128x128xf32, #tpu.memory_space<hbm>>
      %dma_start3A_455 = tpu.memref_squeeze %dma_start3A_454 : memref<1x128x128xf32, #tpu.memory_space<hbm>> -> memref<128x128xf32, #tpu.memory_space<hbm>>
      %dma_start3A_456 = arith.constant 0 : i32
      %dma_start3A_457 = tpu.memref_slice %arg7[%run_scoped3A_343, %mul3A_2, %dma_start3A_456] : memref<12x4096x128xf32, #tpu.memory_space<hbm>> -> memref<1x128x128xf32, #tpu.memory_space<hbm>>
      %dma_start3A_458 = tpu.memref_squeeze %dma_start3A_457 : memref<1x128x128xf32, #tpu.memory_space<hbm>> -> memref<128x128xf32, #tpu.memory_space<hbm>>
      %dma_start3A_459 = arith.constant 0 : i32
      %dma_start3A_460 = arith.constant 0 : i32
      %dma_start3A_461 = tpu.memref_slice %arg10[%run_scoped3A_342, %dma_start3A_459, %dma_start3A_460] : memref<4x128x128xf32, #tpu.memory_space<vmem>> -> memref<1x128x128xf32, #tpu.memory_space<vmem>>
      %dma_start3A_462 = tpu.memref_squeeze %dma_start3A_461 : memref<1x128x128xf32, #tpu.memory_space<vmem>> -> memref<128x128xf32, #tpu.memory_space<vmem>>
      tpu.enqueue_dma source(%dma_start3A_462 : memref<128x128xf32, #tpu.memory_space<vmem>>) target(%dma_start3A_458 : memref<128x128xf32, #tpu.memory_space<hbm>>) target_semaphore(%run_scoped3A_448 : memref<!tpu.dma_semaphore, #tpu.memory_space<semaphore_mem>>)
      %dma_wait3A_463 = arith.constant 0 : i32
      %dma_wait3A_464 = arith.constant 0 : i32
      %dma_wait3A_465 = tpu.memref_slice %arg10[%run_scoped3A_342, %dma_wait3A_463, %dma_wait3A_464] : memref<4x128x128xf32, #tpu.memory_space<vmem>> -> memref<1x128x128xf32, #tpu.memory_space<vmem>>
      %dma_wait3A_466 = tpu.memref_squeeze %dma_wait3A_465 : memref<1x128x128xf32, #tpu.memory_space<vmem>> -> memref<128x128xf32, #tpu.memory_space<vmem>>
      %dma_wait3A_467 = arith.constant 0 : i32
      %dma_wait3A_468 = tpu.memref_slice %arg7[%run_scoped3A_343, %mul3A_2, %dma_wait3A_467] : memref<12x4096x128xf32, #tpu.memory_space<hbm>> -> memref<1x128x128xf32, #tpu.memory_space<hbm>>
      %dma_wait3A_469 = tpu.memref_squeeze %dma_wait3A_468 : memref<1x128x128xf32, #tpu.memory_space<hbm>> -> memref<128x128xf32, #tpu.memory_space<hbm>>
      %dma_wait3A_470 = arith.constant 0 : i32
      %dma_wait3A_471 = tpu.memref_slice %arg7[%run_scoped3A_343, %mul3A_2, %dma_wait3A_470] : memref<12x4096x128xf32, #tpu.memory_space<hbm>> -> memref<1x128x128xf32, #tpu.memory_space<hbm>>
      %dma_wait3A_472 = tpu.memref_squeeze %dma_wait3A_471 : memref<1x128x128xf32, #tpu.memory_space<hbm>> -> memref<128x128xf32, #tpu.memory_space<hbm>>
      %dma_wait3A_473 = arith.constant 0 : i32
      %dma_wait3A_474 = arith.constant 0 : i32
      %dma_wait3A_475 = tpu.memref_slice %arg10[%run_scoped3A_342, %dma_wait3A_473, %dma_wait3A_474] : memref<4x128x128xf32, #tpu.memory_space<vmem>> -> memref<1x128x128xf32, #tpu.memory_space<vmem>>
      %dma_wait3A_476 = tpu.memref_squeeze %dma_wait3A_475 : memref<1x128x128xf32, #tpu.memory_space<vmem>> -> memref<128x128xf32, #tpu.memory_space<vmem>>
      tpu.wait_dma2 semaphore(%run_scoped3A_448 : memref<!tpu.dma_semaphore, #tpu.memory_space<semaphore_mem>>) src(%dma_wait3A_476 : memref<128x128xf32, #tpu.memory_space<vmem>>) dst(%dma_wait3A_472 : memref<128x128xf32, #tpu.memory_space<hbm>>)
      tpu.yield
    }) : () -> ()
    %dma_start3A_344 = arith.constant 8 : i32
    %dma_start3A_345 = arith.constant 0 : i32
    %dma_start3A_346 = arith.constant 0 : i32
    %dma_start3A_347 = arith.constant 0 : i32
    %dma_start3A_348 = tpu.memref_slice %arg10[%dma_start3A_345, %dma_start3A_346, %dma_start3A_347] : memref<4x128x128xf32, #tpu.memory_space<vmem>> -> memref<1x128x128xf32, #tpu.memory_space<vmem>>
    %dma_start3A_349 = tpu.memref_squeeze %dma_start3A_348 : memref<1x128x128xf32, #tpu.memory_space<vmem>> -> memref<128x128xf32, #tpu.memory_space<vmem>>
    %dma_start3A_350 = arith.constant 0 : i32
    %dma_start3A_351 = tpu.memref_slice %arg9[%dma_start3A_344, %dma_start3A_350] : memref<12x128xi32, #tpu.memory_space<vmem>> -> memref<1x128xi32, #tpu.memory_space<vmem>>
    %dma_start3A_352 = tpu.memref_squeeze %dma_start3A_351 : memref<1x128xi32, #tpu.memory_space<vmem>> -> memref<128xi32, #tpu.memory_space<vmem>>
    %dma_start3A_353 = arith.constant 0 : i32
    %dma_start3A_354 = arith.constant 0 : i32
    %dma_start3A_355 = tpu.memref_slice %arg3[%dma_start3A_353, %dma_start3A_354] : memref<98304x128xf32, #tpu.memory_space<hbm>> -> memref<98304x128xf32, #tpu.memory_space<hbm>>
    tpu.enqueue_indirect_dma source(%dma_start3A_355 : memref<98304x128xf32, #tpu.memory_space<hbm>>) target(%dma_start3A_349 : memref<128x128xf32, #tpu.memory_space<vmem>>) offsets(%dma_start3A_352 : memref<128xi32, #tpu.memory_space<vmem>>) semaphore(%arg11 : memref<!tpu.dma_semaphore, #tpu.memory_space<semaphore_mem>>)
    %dma_start3A_356 = arith.constant 9 : i32
    %dma_start3A_357 = arith.constant 1 : i32
    %dma_start3A_358 = arith.constant 0 : i32
    %dma_start3A_359 = arith.constant 0 : i32
    %dma_start3A_360 = tpu.memref_slice %arg10[%dma_start3A_357, %dma_start3A_358, %dma_start3A_359] : memref<4x128x128xf32, #tpu.memory_space<vmem>> -> memref<1x128x128xf32, #tpu.memory_space<vmem>>
    %dma_start3A_361 = tpu.memref_squeeze %dma_start3A_360 : memref<1x128x128xf32, #tpu.memory_space<vmem>> -> memref<128x128xf32, #tpu.memory_space<vmem>>
    %dma_start3A_362 = arith.constant 0 : i32
    %dma_start3A_363 = tpu.memref_slice %arg9[%dma_start3A_356, %dma_start3A_362] : memref<12x128xi32, #tpu.memory_space<vmem>> -> memref<1x128xi32, #tpu.memory_space<vmem>>
    %dma_start3A_364 = tpu.memref_squeeze %dma_start3A_363 : memref<1x128xi32, #tpu.memory_space<vmem>> -> memref<128xi32, #tpu.memory_space<vmem>>
    %dma_start3A_365 = arith.constant 0 : i32
    %dma_start3A_366 = arith.constant 0 : i32
    %dma_start3A_367 = tpu.memref_slice %arg3[%dma_start3A_365, %dma_start3A_366] : memref<98304x128xf32, #tpu.memory_space<hbm>> -> memref<98304x128xf32, #tpu.memory_space<hbm>>
    tpu.enqueue_indirect_dma source(%dma_start3A_367 : memref<98304x128xf32, #tpu.memory_space<hbm>>) target(%dma_start3A_361 : memref<128x128xf32, #tpu.memory_space<vmem>>) offsets(%dma_start3A_364 : memref<128xi32, #tpu.memory_space<vmem>>) semaphore(%arg11 : memref<!tpu.dma_semaphore, #tpu.memory_space<semaphore_mem>>)
    %dma_start3A_368 = arith.constant 10 : i32
    %dma_start3A_369 = arith.constant 2 : i32
    %dma_start3A_370 = arith.constant 0 : i32
    %dma_start3A_371 = arith.constant 0 : i32
    %dma_start3A_372 = tpu.memref_slice %arg10[%dma_start3A_369, %dma_start3A_370, %dma_start3A_371] : memref<4x128x128xf32, #tpu.memory_space<vmem>> -> memref<1x128x128xf32, #tpu.memory_space<vmem>>
    %dma_start3A_373 = tpu.memref_squeeze %dma_start3A_372 : memref<1x128x128xf32, #tpu.memory_space<vmem>> -> memref<128x128xf32, #tpu.memory_space<vmem>>
    %dma_start3A_374 = arith.constant 0 : i32
    %dma_start3A_375 = tpu.memref_slice %arg9[%dma_start3A_368, %dma_start3A_374] : memref<12x128xi32, #tpu.memory_space<vmem>> -> memref<1x128xi32, #tpu.memory_space<vmem>>
    %dma_start3A_376 = tpu.memref_squeeze %dma_start3A_375 : memref<1x128xi32, #tpu.memory_space<vmem>> -> memref<128xi32, #tpu.memory_space<vmem>>
    %dma_start3A_377 = arith.constant 0 : i32
    %dma_start3A_378 = arith.constant 0 : i32
    %dma_start3A_379 = tpu.memref_slice %arg3[%dma_start3A_377, %dma_start3A_378] : memref<98304x128xf32, #tpu.memory_space<hbm>> -> memref<98304x128xf32, #tpu.memory_space<hbm>>
    tpu.enqueue_indirect_dma source(%dma_start3A_379 : memref<98304x128xf32, #tpu.memory_space<hbm>>) target(%dma_start3A_373 : memref<128x128xf32, #tpu.memory_space<vmem>>) offsets(%dma_start3A_376 : memref<128xi32, #tpu.memory_space<vmem>>) semaphore(%arg11 : memref<!tpu.dma_semaphore, #tpu.memory_space<semaphore_mem>>)
    %dma_start3A_380 = arith.constant 11 : i32
    %dma_start3A_381 = arith.constant 3 : i32
    %dma_start3A_382 = arith.constant 0 : i32
    %dma_start3A_383 = arith.constant 0 : i32
    %dma_start3A_384 = tpu.memref_slice %arg10[%dma_start3A_381, %dma_start3A_382, %dma_start3A_383] : memref<4x128x128xf32, #tpu.memory_space<vmem>> -> memref<1x128x128xf32, #tpu.memory_space<vmem>>
    %dma_start3A_385 = tpu.memref_squeeze %dma_start3A_384 : memref<1x128x128xf32, #tpu.memory_space<vmem>> -> memref<128x128xf32, #tpu.memory_space<vmem>>
    %dma_start3A_386 = arith.constant 0 : i32
    %dma_start3A_387 = tpu.memref_slice %arg9[%dma_start3A_380, %dma_start3A_386] : memref<12x128xi32, #tpu.memory_space<vmem>> -> memref<1x128xi32, #tpu.memory_space<vmem>>
    %dma_start3A_388 = tpu.memref_squeeze %dma_start3A_387 : memref<1x128xi32, #tpu.memory_space<vmem>> -> memref<128xi32, #tpu.memory_space<vmem>>
    %dma_start3A_389 = arith.constant 0 : i32
    %dma_start3A_390 = arith.constant 0 : i32
    %dma_start3A_391 = tpu.memref_slice %arg3[%dma_start3A_389, %dma_start3A_390] : memref<98304x128xf32, #tpu.memory_space<hbm>> -> memref<98304x128xf32, #tpu.memory_space<hbm>>
    tpu.enqueue_indirect_dma source(%dma_start3A_391 : memref<98304x128xf32, #tpu.memory_space<hbm>>) target(%dma_start3A_385 : memref<128x128xf32, #tpu.memory_space<vmem>>) offsets(%dma_start3A_388 : memref<128xi32, #tpu.memory_space<vmem>>) semaphore(%arg11 : memref<!tpu.dma_semaphore, #tpu.memory_space<semaphore_mem>>)
    %dma_wait3A_392 = arith.constant 8 : i32
    %dma_wait3A_393 = arith.constant 0 : i32
    %dma_wait3A_394 = arith.constant 0 : i32
    %dma_wait3A_395 = arith.constant 0 : i32
    %dma_wait3A_396 = tpu.memref_slice %arg10[%dma_wait3A_393, %dma_wait3A_394, %dma_wait3A_395] : memref<4x128x128xf32, #tpu.memory_space<vmem>> -> memref<1x128x128xf32, #tpu.memory_space<vmem>>
    %dma_wait3A_397 = tpu.memref_squeeze %dma_wait3A_396 : memref<1x128x128xf32, #tpu.memory_space<vmem>> -> memref<128x128xf32, #tpu.memory_space<vmem>>
    %dma_wait3A_398 = arith.constant 0 : i32
    %dma_wait3A_399 = tpu.memref_slice %arg9[%dma_wait3A_392, %dma_wait3A_398] : memref<12x128xi32, #tpu.memory_space<vmem>> -> memref<1x128xi32, #tpu.memory_space<vmem>>
    %dma_wait3A_400 = tpu.memref_squeeze %dma_wait3A_399 : memref<1x128xi32, #tpu.memory_space<vmem>> -> memref<128xi32, #tpu.memory_space<vmem>>
    %dma_wait3A_401 = arith.constant 0 : i32
    %dma_wait3A_402 = arith.constant 0 : i32
    %dma_wait3A_403 = tpu.memref_slice %arg3[%dma_wait3A_401, %dma_wait3A_402] : memref<98304x128xf32, #tpu.memory_space<hbm>> -> memref<98304x128xf32, #tpu.memory_space<hbm>>
    tpu.wait_indirect_dma semaphore(%arg11 : memref<!tpu.dma_semaphore, #tpu.memory_space<semaphore_mem>>) src(%dma_wait3A_403 : memref<98304x128xf32, #tpu.memory_space<hbm>>) dst(%dma_wait3A_397 : memref<128x128xf32, #tpu.memory_space<vmem>>)
    %dma_wait3A_404 = arith.constant 9 : i32
    %dma_wait3A_405 = arith.constant 1 : i32
    %dma_wait3A_406 = arith.constant 0 : i32
    %dma_wait3A_407 = arith.constant 0 : i32
    %dma_wait3A_408 = tpu.memref_slice %arg10[%dma_wait3A_405, %dma_wait3A_406, %dma_wait3A_407] : memref<4x128x128xf32, #tpu.memory_space<vmem>> -> memref<1x128x128xf32, #tpu.memory_space<vmem>>
    %dma_wait3A_409 = tpu.memref_squeeze %dma_wait3A_408 : memref<1x128x128xf32, #tpu.memory_space<vmem>> -> memref<128x128xf32, #tpu.memory_space<vmem>>
    %dma_wait3A_410 = arith.constant 0 : i32
    %dma_wait3A_411 = tpu.memref_slice %arg9[%dma_wait3A_404, %dma_wait3A_410] : memref<12x128xi32, #tpu.memory_space<vmem>> -> memref<1x128xi32, #tpu.memory_space<vmem>>
    %dma_wait3A_412 = tpu.memref_squeeze %dma_wait3A_411 : memref<1x128xi32, #tpu.memory_space<vmem>> -> memref<128xi32, #tpu.memory_space<vmem>>
    %dma_wait3A_413 = arith.constant 0 : i32
    %dma_wait3A_414 = arith.constant 0 : i32
    %dma_wait3A_415 = tpu.memref_slice %arg3[%dma_wait3A_413, %dma_wait3A_414] : memref<98304x128xf32, #tpu.memory_space<hbm>> -> memref<98304x128xf32, #tpu.memory_space<hbm>>
    tpu.wait_indirect_dma semaphore(%arg11 : memref<!tpu.dma_semaphore, #tpu.memory_space<semaphore_mem>>) src(%dma_wait3A_415 : memref<98304x128xf32, #tpu.memory_space<hbm>>) dst(%dma_wait3A_409 : memref<128x128xf32, #tpu.memory_space<vmem>>)
    %dma_wait3A_416 = arith.constant 10 : i32
    %dma_wait3A_417 = arith.constant 2 : i32
    %dma_wait3A_418 = arith.constant 0 : i32
    %dma_wait3A_419 = arith.constant 0 : i32
    %dma_wait3A_420 = tpu.memref_slice %arg10[%dma_wait3A_417, %dma_wait3A_418, %dma_wait3A_419] : memref<4x128x128xf32, #tpu.memory_space<vmem>> -> memref<1x128x128xf32, #tpu.memory_space<vmem>>
    %dma_wait3A_421 = tpu.memref_squeeze %dma_wait3A_420 : memref<1x128x128xf32, #tpu.memory_space<vmem>> -> memref<128x128xf32, #tpu.memory_space<vmem>>
    %dma_wait3A_422 = arith.constant 0 : i32
    %dma_wait3A_423 = tpu.memref_slice %arg9[%dma_wait3A_416, %dma_wait3A_422] : memref<12x128xi32, #tpu.memory_space<vmem>> -> memref<1x128xi32, #tpu.memory_space<vmem>>
    %dma_wait3A_424 = tpu.memref_squeeze %dma_wait3A_423 : memref<1x128xi32, #tpu.memory_space<vmem>> -> memref<128xi32, #tpu.memory_space<vmem>>
    %dma_wait3A_425 = arith.constant 0 : i32
    %dma_wait3A_426 = arith.constant 0 : i32
    %dma_wait3A_427 = tpu.memref_slice %arg3[%dma_wait3A_425, %dma_wait3A_426] : memref<98304x128xf32, #tpu.memory_space<hbm>> -> memref<98304x128xf32, #tpu.memory_space<hbm>>
    tpu.wait_indirect_dma semaphore(%arg11 : memref<!tpu.dma_semaphore, #tpu.memory_space<semaphore_mem>>) src(%dma_wait3A_427 : memref<98304x128xf32, #tpu.memory_space<hbm>>) dst(%dma_wait3A_421 : memref<128x128xf32, #tpu.memory_space<vmem>>)
    %dma_wait3A_428 = arith.constant 11 : i32
    %dma_wait3A_429 = arith.constant 3 : i32
    %dma_wait3A_430 = arith.constant 0 : i32
    %dma_wait3A_431 = arith.constant 0 : i32
    %dma_wait3A_432 = tpu.memref_slice %arg10[%dma_wait3A_429, %dma_wait3A_430, %dma_wait3A_431] : memref<4x128x128xf32, #tpu.memory_space<vmem>> -> memref<1x128x128xf32, #tpu.memory_space<vmem>>
    %dma_wait3A_433 = tpu.memref_squeeze %dma_wait3A_432 : memref<1x128x128xf32, #tpu.memory_space<vmem>> -> memref<128x128xf32, #tpu.memory_space<vmem>>
    %dma_wait3A_434 = arith.constant 0 : i32
    %dma_wait3A_435 = tpu.memref_slice %arg9[%dma_wait3A_428, %dma_wait3A_434] : memref<12x128xi32, #tpu.memory_space<vmem>> -> memref<1x128xi32, #tpu.memory_space<vmem>>
    %dma_wait3A_436 = tpu.memref_squeeze %dma_wait3A_435 : memref<1x128xi32, #tpu.memory_space<vmem>> -> memref<128xi32, #tpu.memory_space<vmem>>
    %dma_wait3A_437 = arith.constant 0 : i32
    %dma_wait3A_438 = arith.constant 0 : i32
    %dma_wait3A_439 = tpu.memref_slice %arg3[%dma_wait3A_437, %dma_wait3A_438] : memref<98304x128xf32, #tpu.memory_space<hbm>> -> memref<98304x128xf32, #tpu.memory_space<hbm>>
    tpu.wait_indirect_dma semaphore(%arg11 : memref<!tpu.dma_semaphore, #tpu.memory_space<semaphore_mem>>) src(%dma_wait3A_439 : memref<98304x128xf32, #tpu.memory_space<hbm>>) dst(%dma_wait3A_433 : memref<128x128xf32, #tpu.memory_space<vmem>>)
    %run_scoped3A_440 = arith.constant 0 : i32
    %run_scoped3A_441 = arith.constant 8 : i32
    "tpu.region"() ({
      %run_scoped3A_448 = tpu.sem_alloc : memref<!tpu.dma_semaphore, #tpu.memory_space<semaphore_mem>>
      %dma_start3A_449 = arith.constant 0 : i32
      %dma_start3A_450 = arith.constant 0 : i32
      %dma_start3A_451 = tpu.memref_slice %arg10[%run_scoped3A_440, %dma_start3A_449, %dma_start3A_450] : memref<4x128x128xf32, #tpu.memory_space<vmem>> -> memref<1x128x128xf32, #tpu.memory_space<vmem>>
      %dma_start3A_452 = tpu.memref_squeeze %dma_start3A_451 : memref<1x128x128xf32, #tpu.memory_space<vmem>> -> memref<128x128xf32, #tpu.memory_space<vmem>>
      %dma_start3A_453 = arith.constant 0 : i32
      %dma_start3A_454 = tpu.memref_slice %arg7[%run_scoped3A_441, %mul3A_2, %dma_start3A_453] : memref<12x4096x128xf32, #tpu.memory_space<hbm>> -> memref<1x128x128xf32, #tpu.memory_space<hbm>>
      %dma_start3A_455 = tpu.memref_squeeze %dma_start3A_454 : memref<1x128x128xf32, #tpu.memory_space<hbm>> -> memref<128x128xf32, #tpu.memory_space<hbm>>
      %dma_start3A_456 = arith.constant 0 : i32
      %dma_start3A_457 = tpu.memref_slice %arg7[%run_scoped3A_441, %mul3A_2, %dma_start3A_456] : memref<12x4096x128xf32, #tpu.memory_space<hbm>> -> memref<1x128x128xf32, #tpu.memory_space<hbm>>
      %dma_start3A_458 = tpu.memref_squeeze %dma_start3A_457 : memref<1x128x128xf32, #tpu.memory_space<hbm>> -> memref<128x128xf32, #tpu.memory_space<hbm>>
      %dma_start3A_459 = arith.constant 0 : i32
      %dma_start3A_460 = arith.constant 0 : i32
      %dma_start3A_461 = tpu.memref_slice %arg10[%run_scoped3A_440, %dma_start3A_459, %dma_start3A_460] : memref<4x128x128xf32, #tpu.memory_space<vmem>> -> memref<1x128x128xf32, #tpu.memory_space<vmem>>
      %dma_start3A_462 = tpu.memref_squeeze %dma_start3A_461 : memref<1x128x128xf32, #tpu.memory_space<vmem>> -> memref<128x128xf32, #tpu.memory_space<vmem>>
      tpu.enqueue_dma source(%dma_start3A_462 : memref<128x128xf32, #tpu.memory_space<vmem>>) target(%dma_start3A_458 : memref<128x128xf32, #tpu.memory_space<hbm>>) target_semaphore(%run_scoped3A_448 : memref<!tpu.dma_semaphore, #tpu.memory_space<semaphore_mem>>)
      %dma_wait3A_463 = arith.constant 0 : i32
      %dma_wait3A_464 = arith.constant 0 : i32
      %dma_wait3A_465 = tpu.memref_slice %arg10[%run_scoped3A_440, %dma_wait3A_463, %dma_wait3A_464] : memref<4x128x128xf32, #tpu.memory_space<vmem>> -> memref<1x128x128xf32, #tpu.memory_space<vmem>>
      %dma_wait3A_466 = tpu.memref_squeeze %dma_wait3A_465 : memref<1x128x128xf32, #tpu.memory_space<vmem>> -> memref<128x128xf32, #tpu.memory_space<vmem>>
      %dma_wait3A_467 = arith.constant 0 : i32
      %dma_wait3A_468 = tpu.memref_slice %arg7[%run_scoped3A_441, %mul3A_2, %dma_wait3A_467] : memref<12x4096x128xf32, #tpu.memory_space<hbm>> -> memref<1x128x128xf32, #tpu.memory_space<hbm>>
      %dma_wait3A_469 = tpu.memref_squeeze %dma_wait3A_468 : memref<1x128x128xf32, #tpu.memory_space<hbm>> -> memref<128x128xf32, #tpu.memory_space<hbm>>
      %dma_wait3A_470 = arith.constant 0 : i32
      %dma_wait3A_471 = tpu.memref_slice %arg7[%run_scoped3A_441, %mul3A_2, %dma_wait3A_470] : memref<12x4096x128xf32, #tpu.memory_space<hbm>> -> memref<1x128x128xf32, #tpu.memory_space<hbm>>
      %dma_wait3A_472 = tpu.memref_squeeze %dma_wait3A_471 : memref<1x128x128xf32, #tpu.memory_space<hbm>> -> memref<128x128xf32, #tpu.memory_space<hbm>>
      %dma_wait3A_473 = arith.constant 0 : i32
      %dma_wait3A_474 = arith.constant 0 : i32
      %dma_wait3A_475 = tpu.memref_slice %arg10[%run_scoped3A_440, %dma_wait3A_473, %dma_wait3A_474] : memref<4x128x128xf32, #tpu.memory_space<vmem>> -> memref<1x128x128xf32, #tpu.memory_space<vmem>>
      %dma_wait3A_476 = tpu.memref_squeeze %dma_wait3A_475 : memref<1x128x128xf32, #tpu.memory_space<vmem>> -> memref<128x128xf32, #tpu.memory_space<vmem>>
      tpu.wait_dma2 semaphore(%run_scoped3A_448 : memref<!tpu.dma_semaphore, #tpu.memory_space<semaphore_mem>>) src(%dma_wait3A_476 : memref<128x128xf32, #tpu.memory_space<vmem>>) dst(%dma_wait3A_472 : memref<128x128xf32, #tpu.memory_space<hbm>>)
      tpu.yield
    }) : () -> ()
    %run_scoped3A_442 = arith.constant 1 : i32
    %run_scoped3A_443 = arith.constant 9 : i32
    "tpu.region"() ({
      %run_scoped3A_448 = tpu.sem_alloc : memref<!tpu.dma_semaphore, #tpu.memory_space<semaphore_mem>>
      %dma_start3A_449 = arith.constant 0 : i32
      %dma_start3A_450 = arith.constant 0 : i32
      %dma_start3A_451 = tpu.memref_slice %arg10[%run_scoped3A_442, %dma_start3A_449, %dma_start3A_450] : memref<4x128x128xf32, #tpu.memory_space<vmem>> -> memref<1x128x128xf32, #tpu.memory_space<vmem>>
      %dma_start3A_452 = tpu.memref_squeeze %dma_start3A_451 : memref<1x128x128xf32, #tpu.memory_space<vmem>> -> memref<128x128xf32, #tpu.memory_space<vmem>>
      %dma_start3A_453 = arith.constant 0 : i32
      %dma_start3A_454 = tpu.memref_slice %arg7[%run_scoped3A_443, %mul3A_2, %dma_start3A_453] : memref<12x4096x128xf32, #tpu.memory_space<hbm>> -> memref<1x128x128xf32, #tpu.memory_space<hbm>>
      %dma_start3A_455 = tpu.memref_squeeze %dma_start3A_454 : memref<1x128x128xf32, #tpu.memory_space<hbm>> -> memref<128x128xf32, #tpu.memory_space<hbm>>
      %dma_start3A_456 = arith.constant 0 : i32
      %dma_start3A_457 = tpu.memref_slice %arg7[%run_scoped3A_443, %mul3A_2, %dma_start3A_456] : memref<12x4096x128xf32, #tpu.memory_space<hbm>> -> memref<1x128x128xf32, #tpu.memory_space<hbm>>
      %dma_start3A_458 = tpu.memref_squeeze %dma_start3A_457 : memref<1x128x128xf32, #tpu.memory_space<hbm>> -> memref<128x128xf32, #tpu.memory_space<hbm>>
      %dma_start3A_459 = arith.constant 0 : i32
      %dma_start3A_460 = arith.constant 0 : i32
      %dma_start3A_461 = tpu.memref_slice %arg10[%run_scoped3A_442, %dma_start3A_459, %dma_start3A_460] : memref<4x128x128xf32, #tpu.memory_space<vmem>> -> memref<1x128x128xf32, #tpu.memory_space<vmem>>
      %dma_start3A_462 = tpu.memref_squeeze %dma_start3A_461 : memref<1x128x128xf32, #tpu.memory_space<vmem>> -> memref<128x128xf32, #tpu.memory_space<vmem>>
      tpu.enqueue_dma source(%dma_start3A_462 : memref<128x128xf32, #tpu.memory_space<vmem>>) target(%dma_start3A_458 : memref<128x128xf32, #tpu.memory_space<hbm>>) target_semaphore(%run_scoped3A_448 : memref<!tpu.dma_semaphore, #tpu.memory_space<semaphore_mem>>)
      %dma_wait3A_463 = arith.constant 0 : i32
      %dma_wait3A_464 = arith.constant 0 : i32
      %dma_wait3A_465 = tpu.memref_slice %arg10[%run_scoped3A_442, %dma_wait3A_463, %dma_wait3A_464] : memref<4x128x128xf32, #tpu.memory_space<vmem>> -> memref<1x128x128xf32, #tpu.memory_space<vmem>>
      %dma_wait3A_466 = tpu.memref_squeeze %dma_wait3A_465 : memref<1x128x128xf32, #tpu.memory_space<vmem>> -> memref<128x128xf32, #tpu.memory_space<vmem>>
      %dma_wait3A_467 = arith.constant 0 : i32
      %dma_wait3A_468 = tpu.memref_slice %arg7[%run_scoped3A_443, %mul3A_2, %dma_wait3A_467] : memref<12x4096x128xf32, #tpu.memory_space<hbm>> -> memref<1x128x128xf32, #tpu.memory_space<hbm>>
      %dma_wait3A_469 = tpu.memref_squeeze %dma_wait3A_468 : memref<1x128x128xf32, #tpu.memory_space<hbm>> -> memref<128x128xf32, #tpu.memory_space<hbm>>
      %dma_wait3A_470 = arith.constant 0 : i32
      %dma_wait3A_471 = tpu.memref_slice %arg7[%run_scoped3A_443, %mul3A_2, %dma_wait3A_470] : memref<12x4096x128xf32, #tpu.memory_space<hbm>> -> memref<1x128x128xf32, #tpu.memory_space<hbm>>
      %dma_wait3A_472 = tpu.memref_squeeze %dma_wait3A_471 : memref<1x128x128xf32, #tpu.memory_space<hbm>> -> memref<128x128xf32, #tpu.memory_space<hbm>>
      %dma_wait3A_473 = arith.constant 0 : i32
      %dma_wait3A_474 = arith.constant 0 : i32
      %dma_wait3A_475 = tpu.memref_slice %arg10[%run_scoped3A_442, %dma_wait3A_473, %dma_wait3A_474] : memref<4x128x128xf32, #tpu.memory_space<vmem>> -> memref<1x128x128xf32, #tpu.memory_space<vmem>>
      %dma_wait3A_476 = tpu.memref_squeeze %dma_wait3A_475 : memref<1x128x128xf32, #tpu.memory_space<vmem>> -> memref<128x128xf32, #tpu.memory_space<vmem>>
      tpu.wait_dma2 semaphore(%run_scoped3A_448 : memref<!tpu.dma_semaphore, #tpu.memory_space<semaphore_mem>>) src(%dma_wait3A_476 : memref<128x128xf32, #tpu.memory_space<vmem>>) dst(%dma_wait3A_472 : memref<128x128xf32, #tpu.memory_space<hbm>>)
      tpu.yield
    }) : () -> ()
    %run_scoped3A_444 = arith.constant 2 : i32
    %run_scoped3A_445 = arith.constant 10 : i32
    "tpu.region"() ({
      %run_scoped3A_448 = tpu.sem_alloc : memref<!tpu.dma_semaphore, #tpu.memory_space<semaphore_mem>>
      %dma_start3A_449 = arith.constant 0 : i32
      %dma_start3A_450 = arith.constant 0 : i32
      %dma_start3A_451 = tpu.memref_slice %arg10[%run_scoped3A_444, %dma_start3A_449, %dma_start3A_450] : memref<4x128x128xf32, #tpu.memory_space<vmem>> -> memref<1x128x128xf32, #tpu.memory_space<vmem>>
      %dma_start3A_452 = tpu.memref_squeeze %dma_start3A_451 : memref<1x128x128xf32, #tpu.memory_space<vmem>> -> memref<128x128xf32, #tpu.memory_space<vmem>>
      %dma_start3A_453 = arith.constant 0 : i32
      %dma_start3A_454 = tpu.memref_slice %arg7[%run_scoped3A_445, %mul3A_2, %dma_start3A_453] : memref<12x4096x128xf32, #tpu.memory_space<hbm>> -> memref<1x128x128xf32, #tpu.memory_space<hbm>>
      %dma_start3A_455 = tpu.memref_squeeze %dma_start3A_454 : memref<1x128x128xf32, #tpu.memory_space<hbm>> -> memref<128x128xf32, #tpu.memory_space<hbm>>
      %dma_start3A_456 = arith.constant 0 : i32
      %dma_start3A_457 = tpu.memref_slice %arg7[%run_scoped3A_445, %mul3A_2, %dma_start3A_456] : memref<12x4096x128xf32, #tpu.memory_space<hbm>> -> memref<1x128x128xf32, #tpu.memory_space<hbm>>
      %dma_start3A_458 = tpu.memref_squeeze %dma_start3A_457 : memref<1x128x128xf32, #tpu.memory_space<hbm>> -> memref<128x128xf32, #tpu.memory_space<hbm>>
      %dma_start3A_459 = arith.constant 0 : i32
      %dma_start3A_460 = arith.constant 0 : i32
      %dma_start3A_461 = tpu.memref_slice %arg10[%run_scoped3A_444, %dma_start3A_459, %dma_start3A_460] : memref<4x128x128xf32, #tpu.memory_space<vmem>> -> memref<1x128x128xf32, #tpu.memory_space<vmem>>
      %dma_start3A_462 = tpu.memref_squeeze %dma_start3A_461 : memref<1x128x128xf32, #tpu.memory_space<vmem>> -> memref<128x128xf32, #tpu.memory_space<vmem>>
      tpu.enqueue_dma source(%dma_start3A_462 : memref<128x128xf32, #tpu.memory_space<vmem>>) target(%dma_start3A_458 : memref<128x128xf32, #tpu.memory_space<hbm>>) target_semaphore(%run_scoped3A_448 : memref<!tpu.dma_semaphore, #tpu.memory_space<semaphore_mem>>)
      %dma_wait3A_463 = arith.constant 0 : i32
      %dma_wait3A_464 = arith.constant 0 : i32
      %dma_wait3A_465 = tpu.memref_slice %arg10[%run_scoped3A_444, %dma_wait3A_463, %dma_wait3A_464] : memref<4x128x128xf32, #tpu.memory_space<vmem>> -> memref<1x128x128xf32, #tpu.memory_space<vmem>>
      %dma_wait3A_466 = tpu.memref_squeeze %dma_wait3A_465 : memref<1x128x128xf32, #tpu.memory_space<vmem>> -> memref<128x128xf32, #tpu.memory_space<vmem>>
      %dma_wait3A_467 = arith.constant 0 : i32
      %dma_wait3A_468 = tpu.memref_slice %arg7[%run_scoped3A_445, %mul3A_2, %dma_wait3A_467] : memref<12x4096x128xf32, #tpu.memory_space<hbm>> -> memref<1x128x128xf32, #tpu.memory_space<hbm>>
      %dma_wait3A_469 = tpu.memref_squeeze %dma_wait3A_468 : memref<1x128x128xf32, #tpu.memory_space<hbm>> -> memref<128x128xf32, #tpu.memory_space<hbm>>
      %dma_wait3A_470 = arith.constant 0 : i32
      %dma_wait3A_471 = tpu.memref_slice %arg7[%run_scoped3A_445, %mul3A_2, %dma_wait3A_470] : memref<12x4096x128xf32, #tpu.memory_space<hbm>> -> memref<1x128x128xf32, #tpu.memory_space<hbm>>
      %dma_wait3A_472 = tpu.memref_squeeze %dma_wait3A_471 : memref<1x128x128xf32, #tpu.memory_space<hbm>> -> memref<128x128xf32, #tpu.memory_space<hbm>>
      %dma_wait3A_473 = arith.constant 0 : i32
      %dma_wait3A_474 = arith.constant 0 : i32
      %dma_wait3A_475 = tpu.memref_slice %arg10[%run_scoped3A_444, %dma_wait3A_473, %dma_wait3A_474] : memref<4x128x128xf32, #tpu.memory_space<vmem>> -> memref<1x128x128xf32, #tpu.memory_space<vmem>>
      %dma_wait3A_476 = tpu.memref_squeeze %dma_wait3A_475 : memref<1x128x128xf32, #tpu.memory_space<vmem>> -> memref<128x128xf32, #tpu.memory_space<vmem>>
      tpu.wait_dma2 semaphore(%run_scoped3A_448 : memref<!tpu.dma_semaphore, #tpu.memory_space<semaphore_mem>>) src(%dma_wait3A_476 : memref<128x128xf32, #tpu.memory_space<vmem>>) dst(%dma_wait3A_472 : memref<128x128xf32, #tpu.memory_space<hbm>>)
      tpu.yield
    }) : () -> ()
    %run_scoped3A_446 = arith.constant 3 : i32
    %run_scoped3A_447 = arith.constant 11 : i32
    "tpu.region"() ({
      %run_scoped3A_448 = tpu.sem_alloc : memref<!tpu.dma_semaphore, #tpu.memory_space<semaphore_mem>>
      %dma_start3A_449 = arith.constant 0 : i32
      %dma_start3A_450 = arith.constant 0 : i32
      %dma_start3A_451 = tpu.memref_slice %arg10[%run_scoped3A_446, %dma_start3A_449, %dma_start3A_450] : memref<4x128x128xf32, #tpu.memory_space<vmem>> -> memref<1x128x128xf32, #tpu.memory_space<vmem>>
      %dma_start3A_452 = tpu.memref_squeeze %dma_start3A_451 : memref<1x128x128xf32, #tpu.memory_space<vmem>> -> memref<128x128xf32, #tpu.memory_space<vmem>>
      %dma_start3A_453 = arith.constant 0 : i32
      %dma_start3A_454 = tpu.memref_slice %arg7[%run_scoped3A_447, %mul3A_2, %dma_start3A_453] : memref<12x4096x128xf32, #tpu.memory_space<hbm>> -> memref<1x128x128xf32, #tpu.memory_space<hbm>>
      %dma_start3A_455 = tpu.memref_squeeze %dma_start3A_454 : memref<1x128x128xf32, #tpu.memory_space<hbm>> -> memref<128x128xf32, #tpu.memory_space<hbm>>
      %dma_start3A_456 = arith.constant 0 : i32
      %dma_start3A_457 = tpu.memref_slice %arg7[%run_scoped3A_447, %mul3A_2, %dma_start3A_456] : memref<12x4096x128xf32, #tpu.memory_space<hbm>> -> memref<1x128x128xf32, #tpu.memory_space<hbm>>
      %dma_start3A_458 = tpu.memref_squeeze %dma_start3A_457 : memref<1x128x128xf32, #tpu.memory_space<hbm>> -> memref<128x128xf32, #tpu.memory_space<hbm>>
      %dma_start3A_459 = arith.constant 0 : i32
      %dma_start3A_460 = arith.constant 0 : i32
      %dma_start3A_461 = tpu.memref_slice %arg10[%run_scoped3A_446, %dma_start3A_459, %dma_start3A_460] : memref<4x128x128xf32, #tpu.memory_space<vmem>> -> memref<1x128x128xf32, #tpu.memory_space<vmem>>
      %dma_start3A_462 = tpu.memref_squeeze %dma_start3A_461 : memref<1x128x128xf32, #tpu.memory_space<vmem>> -> memref<128x128xf32, #tpu.memory_space<vmem>>
      tpu.enqueue_dma source(%dma_start3A_462 : memref<128x128xf32, #tpu.memory_space<vmem>>) target(%dma_start3A_458 : memref<128x128xf32, #tpu.memory_space<hbm>>) target_semaphore(%run_scoped3A_448 : memref<!tpu.dma_semaphore, #tpu.memory_space<semaphore_mem>>)
      %dma_wait3A_463 = arith.constant 0 : i32
      %dma_wait3A_464 = arith.constant 0 : i32
      %dma_wait3A_465 = tpu.memref_slice %arg10[%run_scoped3A_446, %dma_wait3A_463, %dma_wait3A_464] : memref<4x128x128xf32, #tpu.memory_space<vmem>> -> memref<1x128x128xf32, #tpu.memory_space<vmem>>
      %dma_wait3A_466 = tpu.memref_squeeze %dma_wait3A_465 : memref<1x128x128xf32, #tpu.memory_space<vmem>> -> memref<128x128xf32, #tpu.memory_space<vmem>>
      %dma_wait3A_467 = arith.constant 0 : i32
      %dma_wait3A_468 = tpu.memref_slice %arg7[%run_scoped3A_447, %mul3A_2, %dma_wait3A_467] : memref<12x4096x128xf32, #tpu.memory_space<hbm>> -> memref<1x128x128xf32, #tpu.memory_space<hbm>>
      %dma_wait3A_469 = tpu.memref_squeeze %dma_wait3A_468 : memref<1x128x128xf32, #tpu.memory_space<hbm>> -> memref<128x128xf32, #tpu.memory_space<hbm>>
      %dma_wait3A_470 = arith.constant 0 : i32
      %dma_wait3A_471 = tpu.memref_slice %arg7[%run_scoped3A_447, %mul3A_2, %dma_wait3A_470] : memref<12x4096x128xf32, #tpu.memory_space<hbm>> -> memref<1x128x128xf32, #tpu.memory_space<hbm>>
      %dma_wait3A_472 = tpu.memref_squeeze %dma_wait3A_471 : memref<1x128x128xf32, #tpu.memory_space<hbm>> -> memref<128x128xf32, #tpu.memory_space<hbm>>
      %dma_wait3A_473 = arith.constant 0 : i32
      %dma_wait3A_474 = arith.constant 0 : i32
      %dma_wait3A_475 = tpu.memref_slice %arg10[%run_scoped3A_446, %dma_wait3A_473, %dma_wait3A_474] : memref<4x128x128xf32, #tpu.memory_space<vmem>> -> memref<1x128x128xf32, #tpu.memory_space<vmem>>
      %dma_wait3A_476 = tpu.memref_squeeze %dma_wait3A_475 : memref<1x128x128xf32, #tpu.memory_space<vmem>> -> memref<128x128xf32, #tpu.memory_space<vmem>>
      tpu.wait_dma2 semaphore(%run_scoped3A_448 : memref<!tpu.dma_semaphore, #tpu.memory_space<semaphore_mem>>) src(%dma_wait3A_476 : memref<128x128xf32, #tpu.memory_space<vmem>>) dst(%dma_wait3A_472 : memref<128x128xf32, #tpu.memory_space<hbm>>)
      tpu.yield
    }) : () -> ()
    return
  }
}

module attributes {stable_mosaic.version = 14 : i64} {
  func.func @_stage_a_body(%arg0: i32, %arg1: i32, %arg2: memref<256x8xf32, #tpu.memory_space<vmem>>, %arg3: memref<1x8x8192xf32, #tpu.memory_space<vmem>>, %arg4: memref<256x8xf32, #tpu.memory_space<vmem>>, %arg5: memref<256x8xi32, #tpu.memory_space<vmem>>, %arg6: memref<256x16xi32, #tpu.memory_space<vmem>>, %arg7: memref<256x64xf32, #tpu.memory_space<vmem>>) attributes {dimension_semantics = [#tpu.dimension_semantics<arbitrary>, #tpu.dimension_semantics<arbitrary>], iteration_bounds = array<i64: 2, 8>, scalar_prefetch = 0 : i64, scratch_operands = 0 : i64, tpu.core_type = #tpu.core_type<tc>, window_params = [{transform_indices = @transform_0, window_bounds = array<i64: 256, 8>}, {transform_indices = @transform_1, window_bounds = array<i64: 1, 8, 8192>}, {transform_indices = @transform_2, window_bounds = array<i64: 256, 8>}, {transform_indices = @transform_3, window_bounds = array<i64: 256, 8>}, {transform_indices = @transform_4, window_bounds = array<i64: 256, 16>}, {transform_indices = @transform_5, window_bounds = array<i64: 256, 64>}]} {
    %get3A = arith.constant 0 : index
    %get3A_0 = arith.constant 0 : index
    %get3A_1 = vector.load %arg2[%get3A, %get3A_0] : memref<256x8xf32, #tpu.memory_space<vmem>>, vector<256x8xf32>
    %get3A_2 = arith.constant 0 : index
    %get3A_3 = arith.constant 0 : index
    %get3A_4 = arith.constant 0 : index
    %get3A_5 = vector.load %arg3[%get3A_2, %get3A_3, %get3A_4] : memref<1x8x8192xf32, #tpu.memory_space<vmem>>, vector<1x8x8192xf32>
    %get3A_6 = vector.shape_cast %get3A_5 : vector<1x8x8192xf32> to vector<8x8192xf32>
    %slice3A = vector.extract_strided_slice %get3A_1 {offsets = [0, 3], sizes = [256, 1], strides = [1, 1]} : vector<256x8xf32> to vector<256x1xf32>
    %slice3A_7 = vector.extract_strided_slice %get3A_6 {offsets = [4, 0], sizes = [1, 8192], strides = [1, 1]} : vector<8x8192xf32> to vector<1x8192xf32>
    %slice3A_8 = vector.extract_strided_slice %get3A_1 {offsets = [0, 0], sizes = [256, 3], strides = [1, 1]} : vector<256x8xf32> to vector<256x3xf32>
    %slice3A_9 = vector.extract_strided_slice %get3A_6 {offsets = [0, 0], sizes = [3, 8192], strides = [1, 1]} : vector<8x8192xf32> to vector<3x8192xf32>
    %dot_general3A = arith.constant dense<0.000000e+00> : vector<256x8192xf32>
    %dot_general3A_10 = tpu.matmul %slice3A_8, %slice3A_9, %dot_general3A {dimension_numbers = #tpu.dot_dimension_numbers<[1], [0], [0], [1], [0, 0, 1, 1], [], []>, transpose_lhs_hint = false} : vector<256x3xf32>, vector<3x8192xf32>, vector<256x8192xf32> -> vector<256x8192xf32>
    %add3A = vector.broadcast %slice3A : vector<256x1xf32> to vector<256x8192xf32>
    %add3A_11 = vector.broadcast %slice3A_7 : vector<1x8192xf32> to vector<256x8192xf32>
    %add3A_12 = arith.addf %add3A, %add3A_11 : vector<256x8192xf32>
    %mul3A = arith.constant 2.000000e+00 : f32
    %mul3A_13 = vector.broadcast %mul3A : f32 to vector<256x8192xf32>
    %mul3A_14 = arith.mulf %mul3A_13, %dot_general3A_10 : vector<256x8192xf32>
    %sub3A = arith.subf %add3A_12, %mul3A_14 : vector<256x8192xf32>
    %iota3A = tpu.iota {dimensions = array<i32: 1>} : vector<256x8192xi32>
    %reduce_min3A = arith.constant dense<0x7F800000> : vector<256xf32>
    %reduce_min3A_15 = vector.multi_reduction <minimumf>, %sub3A, %reduce_min3A [1] : vector<256x8192xf32> to vector<256xf32>
    %broadcast_in_dim3A = vector.shape_cast %reduce_min3A_15 : vector<256xf32> to vector<256x1xf32>
    %eq3A = vector.broadcast %broadcast_in_dim3A : vector<256x1xf32> to vector<256x8192xf32>
    %eq3A_16 = arith.cmpf oeq, %sub3A, %eq3A : vector<256x8192xf32>
    %jit3A = arith.constant 8192 : i32
    %broadcast_in_dim3A_17 = vector.broadcast %jit3A : i32 to vector<256x8192xi32>
    %select_n3A = arith.select %eq3A_16, %iota3A, %broadcast_in_dim3A_17 : vector<256x8192xi1>, vector<256x8192xi32>
    %reduce_min3A_18 = arith.constant dense<2147483647> : vector<256xi32>
    %reduce_min3A_19 = vector.multi_reduction <minsi>, %select_n3A, %reduce_min3A_18 [1] : vector<256x8192xi32> to vector<256xi32>
    %broadcast_in_dim3A_20 = vector.shape_cast %reduce_min3A_19 : vector<256xi32> to vector<256x1xi32>
    %eq3A_21 = vector.broadcast %broadcast_in_dim3A_20 : vector<256x1xi32> to vector<256x8192xi32>
    %eq3A_22 = arith.cmpi eq, %iota3A, %eq3A_21 : vector<256x8192xi32>
    %jit3A_23 = arith.constant 0x7F800000 : f32
    %broadcast_in_dim3A_24 = vector.broadcast %jit3A_23 : f32 to vector<256x8192xf32>
    %select_n3A_25 = arith.select %eq3A_22, %broadcast_in_dim3A_24, %sub3A : vector<256x8192xi1>, vector<256x8192xf32>
    %reduce_min3A_26 = arith.constant dense<0x7F800000> : vector<256xf32>
    %reduce_min3A_27 = vector.multi_reduction <minimumf>, %select_n3A_25, %reduce_min3A_26 [1] : vector<256x8192xf32> to vector<256xf32>
    %broadcast_in_dim3A_28 = vector.shape_cast %reduce_min3A_27 : vector<256xf32> to vector<256x1xf32>
    %eq3A_29 = vector.broadcast %broadcast_in_dim3A_28 : vector<256x1xf32> to vector<256x8192xf32>
    %eq3A_30 = arith.cmpf oeq, %select_n3A_25, %eq3A_29 : vector<256x8192xf32>
    %jit3A_31 = arith.constant 8192 : i32
    %broadcast_in_dim3A_32 = vector.broadcast %jit3A_31 : i32 to vector<256x8192xi32>
    %select_n3A_33 = arith.select %eq3A_30, %iota3A, %broadcast_in_dim3A_32 : vector<256x8192xi1>, vector<256x8192xi32>
    %reduce_min3A_34 = arith.constant dense<2147483647> : vector<256xi32>
    %reduce_min3A_35 = vector.multi_reduction <minsi>, %select_n3A_33, %reduce_min3A_34 [1] : vector<256x8192xi32> to vector<256xi32>
    %broadcast_in_dim3A_36 = vector.shape_cast %reduce_min3A_35 : vector<256xi32> to vector<256x1xi32>
    %eq3A_37 = vector.broadcast %broadcast_in_dim3A_36 : vector<256x1xi32> to vector<256x8192xi32>
    %eq3A_38 = arith.cmpi eq, %iota3A, %eq3A_37 : vector<256x8192xi32>
    %jit3A_39 = arith.constant 0x7F800000 : f32
    %broadcast_in_dim3A_40 = vector.broadcast %jit3A_39 : f32 to vector<256x8192xf32>
    %select_n3A_41 = arith.select %eq3A_38, %broadcast_in_dim3A_40, %select_n3A_25 : vector<256x8192xi1>, vector<256x8192xf32>
    %reduce_min3A_42 = arith.constant dense<0x7F800000> : vector<256xf32>
    %reduce_min3A_43 = vector.multi_reduction <minimumf>, %select_n3A_41, %reduce_min3A_42 [1] : vector<256x8192xf32> to vector<256xf32>
    %broadcast_in_dim3A_44 = vector.shape_cast %reduce_min3A_43 : vector<256xf32> to vector<256x1xf32>
    %eq3A_45 = vector.broadcast %broadcast_in_dim3A_44 : vector<256x1xf32> to vector<256x8192xf32>
    %eq3A_46 = arith.cmpf oeq, %select_n3A_41, %eq3A_45 : vector<256x8192xf32>
    %jit3A_47 = arith.constant 8192 : i32
    %broadcast_in_dim3A_48 = vector.broadcast %jit3A_47 : i32 to vector<256x8192xi32>
    %select_n3A_49 = arith.select %eq3A_46, %iota3A, %broadcast_in_dim3A_48 : vector<256x8192xi1>, vector<256x8192xi32>
    %reduce_min3A_50 = arith.constant dense<2147483647> : vector<256xi32>
    %reduce_min3A_51 = vector.multi_reduction <minsi>, %select_n3A_49, %reduce_min3A_50 [1] : vector<256x8192xi32> to vector<256xi32>
    %broadcast_in_dim3A_52 = vector.shape_cast %reduce_min3A_51 : vector<256xi32> to vector<256x1xi32>
    %eq3A_53 = vector.broadcast %broadcast_in_dim3A_52 : vector<256x1xi32> to vector<256x8192xi32>
    %eq3A_54 = arith.cmpi eq, %iota3A, %eq3A_53 : vector<256x8192xi32>
    %jit3A_55 = arith.constant 0x7F800000 : f32
    %broadcast_in_dim3A_56 = vector.broadcast %jit3A_55 : f32 to vector<256x8192xf32>
    %select_n3A_57 = arith.select %eq3A_54, %broadcast_in_dim3A_56, %select_n3A_41 : vector<256x8192xi1>, vector<256x8192xf32>
    %reduce_min3A_58 = arith.constant dense<0x7F800000> : vector<256xf32>
    %reduce_min3A_59 = vector.multi_reduction <minimumf>, %select_n3A_57, %reduce_min3A_58 [1] : vector<256x8192xf32> to vector<256xf32>
    %broadcast_in_dim3A_60 = vector.shape_cast %reduce_min3A_59 : vector<256xf32> to vector<256x1xf32>
    %eq3A_61 = vector.broadcast %broadcast_in_dim3A_60 : vector<256x1xf32> to vector<256x8192xf32>
    %eq3A_62 = arith.cmpf oeq, %select_n3A_57, %eq3A_61 : vector<256x8192xf32>
    %jit3A_63 = arith.constant 8192 : i32
    %broadcast_in_dim3A_64 = vector.broadcast %jit3A_63 : i32 to vector<256x8192xi32>
    %select_n3A_65 = arith.select %eq3A_62, %iota3A, %broadcast_in_dim3A_64 : vector<256x8192xi1>, vector<256x8192xi32>
    %reduce_min3A_66 = arith.constant dense<2147483647> : vector<256xi32>
    %reduce_min3A_67 = vector.multi_reduction <minsi>, %select_n3A_65, %reduce_min3A_66 [1] : vector<256x8192xi32> to vector<256xi32>
    %broadcast_in_dim3A_68 = vector.shape_cast %reduce_min3A_67 : vector<256xi32> to vector<256x1xi32>
    %broadcast_in_dim3A_69 = arith.constant 0.000000e+00 : f32
    %broadcast_in_dim3A_70 = vector.broadcast %broadcast_in_dim3A_69 : f32 to vector<256x4xf32>
    %broadcast_in_dim3A_71 = arith.constant 0 : i32
    %broadcast_in_dim3A_72 = vector.broadcast %broadcast_in_dim3A_71 : i32 to vector<256x4xi32>
    %concatenate3A = tpu.concatenate %broadcast_in_dim3A, %broadcast_in_dim3A_28, %broadcast_in_dim3A_44, %broadcast_in_dim3A_60, %broadcast_in_dim3A_70 in 1 : vector<256x1xf32>, vector<256x1xf32>, vector<256x1xf32>, vector<256x1xf32>, vector<256x4xf32> -> vector<256x8xf32>
    %swap3A = arith.constant 0 : index
    %swap3A_73 = arith.constant 0 : index
    %swap3A_74 = vector.load %arg4[%swap3A, %swap3A_73] : memref<256x8xf32, #tpu.memory_space<vmem>>, vector<256x8xf32>
    tpu.vector_store %arg4[%swap3A, %swap3A_73], %concatenate3A {strides = array<i32>} : memref<256x8xf32, #tpu.memory_space<vmem>>, vector<256x8xf32>,
    %concatenate3A_75 = tpu.concatenate %broadcast_in_dim3A_20, %broadcast_in_dim3A_36, %broadcast_in_dim3A_52, %broadcast_in_dim3A_68, %broadcast_in_dim3A_72 in 1 : vector<256x1xi32>, vector<256x1xi32>, vector<256x1xi32>, vector<256x1xi32>, vector<256x4xi32> -> vector<256x8xi32>
    %mul3A_76 = arith.constant 8192 : i32
    %mul3A_77 = arith.muli %arg0, %mul3A_76 : i32
    %add3A_78 = vector.broadcast %mul3A_77 : i32 to vector<256x8xi32>
    %add3A_79 = arith.addi %concatenate3A_75, %add3A_78 : vector<256x8xi32>
    %swap3A_80 = arith.constant 0 : index
    %swap3A_81 = arith.constant 0 : index
    %swap3A_82 = vector.load %arg5[%swap3A_80, %swap3A_81] : memref<256x8xi32, #tpu.memory_space<vmem>>, vector<256x8xi32>
    tpu.vector_store %arg5[%swap3A_80, %swap3A_81], %add3A_79 {strides = array<i32>} : memref<256x8xi32, #tpu.memory_space<vmem>>, vector<256x8xi32>,
    %slice3A_83 = vector.extract_strided_slice %get3A_1 {offsets = [0, 0], sizes = [256, 3], strides = [1, 1]} : vector<256x8xf32> to vector<256x3xf32>
    %convert_element_type3A = arith.truncf %slice3A_83 : vector<256x3xf32> to vector<256x3xbf16>
    %convert_element_type3A_84 = arith.extf %convert_element_type3A : vector<256x3xbf16> to vector<256x3xf32>
    %slice3A_85 = vector.extract_strided_slice %convert_element_type3A_84 {offsets = [0, 0], sizes = [256, 1], strides = [1, 1]} : vector<256x3xf32> to vector<256x1xf32>
    %add3A_86 = arith.constant 1.000000e+00 : f32
    %add3A_87 = vector.broadcast %add3A_86 : f32 to vector<256x1xf32>
    %add3A_88 = arith.addf %slice3A_85, %add3A_87 : vector<256x1xf32>
    %mul3A_89 = arith.constant 1.280000e+02 : f32
    %mul3A_90 = vector.broadcast %mul3A_89 : f32 to vector<256x1xf32>
    %mul3A_91 = arith.mulf %add3A_88, %mul3A_90 : vector<256x1xf32>
    %sub3A_92 = arith.constant 5.000000e-01 : f32
    %sub3A_93 = vector.broadcast %sub3A_92 : f32 to vector<256x1xf32>
    %sub3A_94 = arith.subf %mul3A_91, %sub3A_93 : vector<256x1xf32>
    %slice3A_95 = vector.extract_strided_slice %convert_element_type3A_84 {offsets = [0, 1], sizes = [256, 1], strides = [1, 1]} : vector<256x3xf32> to vector<256x1xf32>
    %add3A_96 = arith.constant 1.000000e+00 : f32
    %add3A_97 = vector.broadcast %add3A_96 : f32 to vector<256x1xf32>
    %add3A_98 = arith.addf %slice3A_95, %add3A_97 : vector<256x1xf32>
    %mul3A_99 = arith.constant 1.280000e+02 : f32
    %mul3A_100 = vector.broadcast %mul3A_99 : f32 to vector<256x1xf32>
    %mul3A_101 = arith.mulf %add3A_98, %mul3A_100 : vector<256x1xf32>
    %sub3A_102 = arith.constant 5.000000e-01 : f32
    %sub3A_103 = vector.broadcast %sub3A_102 : f32 to vector<256x1xf32>
    %sub3A_104 = arith.subf %mul3A_101, %sub3A_103 : vector<256x1xf32>
    %floor3A = math.floor %sub3A_94 : vector<256x1xf32>
    %floor3A_105 = math.floor %sub3A_104 : vector<256x1xf32>
    %sub3A_106 = arith.subf %sub3A_94, %floor3A : vector<256x1xf32>
    %sub3A_107 = arith.subf %sub3A_104, %floor3A_105 : vector<256x1xf32>
    %mul3A_108 = arith.constant 3 : i32
    %mul3A_109 = arith.muli %arg0, %mul3A_108 : i32
    %add3A_110 = arith.constant 0 : i32
    %add3A_111 = arith.addi %mul3A_109, %add3A_110 : i32
    %mul3A_112 = arith.constant 16384 : i32
    %mul3A_113 = arith.muli %add3A_111, %mul3A_112 : i32
    %sub3A_114 = arith.constant 1.000000e+00 : f32
    %sub3A_115 = vector.broadcast %sub3A_114 : f32 to vector<256x1xf32>
    %sub3A_116 = arith.subf %sub3A_115, %sub3A_106 : vector<256x1xf32>
    %sub3A_117 = arith.constant 1.000000e+00 : f32
    %sub3A_118 = vector.broadcast %sub3A_117 : f32 to vector<256x1xf32>
    %sub3A_119 = arith.subf %sub3A_118, %sub3A_107 : vector<256x1xf32>
    %mul3A_120 = arith.mulf %sub3A_116, %sub3A_119 : vector<256x1xf32>
    %sub3A_121 = arith.constant 1.000000e+00 : f32
    %sub3A_122 = vector.broadcast %sub3A_121 : f32 to vector<256x1xf32>
    %sub3A_123 = arith.subf %sub3A_122, %sub3A_107 : vector<256x1xf32>
    %mul3A_124 = arith.mulf %sub3A_106, %sub3A_123 : vector<256x1xf32>
    %sub3A_125 = arith.constant 1.000000e+00 : f32
    %sub3A_126 = vector.broadcast %sub3A_125 : f32 to vector<256x1xf32>
    %sub3A_127 = arith.subf %sub3A_126, %sub3A_106 : vector<256x1xf32>
    %mul3A_128 = arith.mulf %sub3A_127, %sub3A_107 : vector<256x1xf32>
    %mul3A_129 = arith.mulf %sub3A_106, %sub3A_107 : vector<256x1xf32>
    %add3A_130 = arith.constant 0.000000e+00 : f32
    %add3A_131 = vector.broadcast %add3A_130 : f32 to vector<256x1xf32>
    %add3A_132 = arith.addf %floor3A, %add3A_131 : vector<256x1xf32>
    %add3A_133 = arith.constant 0.000000e+00 : f32
    %add3A_134 = vector.broadcast %add3A_133 : f32 to vector<256x1xf32>
    %add3A_135 = arith.addf %floor3A_105, %add3A_134 : vector<256x1xf32>
    %ge3A = arith.constant 0.000000e+00 : f32
    %ge3A_136 = vector.broadcast %ge3A : f32 to vector<256x1xf32>
    %ge3A_137 = arith.cmpf oge, %add3A_132, %ge3A_136 : vector<256x1xf32>
    %lt3A = arith.constant 2.560000e+02 : f32
    %lt3A_138 = vector.broadcast %lt3A : f32 to vector<256x1xf32>
    %lt3A_139 = arith.cmpf olt, %add3A_132, %lt3A_138 : vector<256x1xf32>
    %and3A = arith.andi %ge3A_137, %lt3A_139 : vector<256x1xi1>
    %ge3A_140 = arith.constant 0.000000e+00 : f32
    %ge3A_141 = vector.broadcast %ge3A_140 : f32 to vector<256x1xf32>
    %ge3A_142 = arith.cmpf oge, %add3A_135, %ge3A_141 : vector<256x1xf32>
    %and3A_143 = arith.andi %and3A, %ge3A_142 : vector<256x1xi1>
    %lt3A_144 = arith.constant 2.560000e+02 : f32
    %lt3A_145 = vector.broadcast %lt3A_144 : f32 to vector<256x1xf32>
    %lt3A_146 = arith.cmpf olt, %add3A_135, %lt3A_145 : vector<256x1xf32>
    %and3A_147 = arith.andi %and3A_143, %lt3A_146 : vector<256x1xi1>
    %jit3A_148 = arith.constant 0 : i32
    %jit3A_149 = arith.constant 255 : i32
    %convert_element_type3A_150 = arith.sitofp %jit3A_148 : i32 to f32
    %max3A = vector.broadcast %convert_element_type3A_150 : f32 to vector<256x1xf32>
    %max3A_151 = arith.maximumf %max3A, %add3A_132 : vector<256x1xf32>
    %convert_element_type3A_152 = arith.sitofp %jit3A_149 : i32 to f32
    %min3A = vector.broadcast %convert_element_type3A_152 : f32 to vector<256x1xf32>
    %min3A_153 = arith.minimumf %min3A, %max3A_151 : vector<256x1xf32>
    %convert_element_type3A_154 = arith.fptosi %min3A_153 : vector<256x1xf32> to vector<256x1xi32>
    %jit3A_155 = arith.constant 0 : i32
    %jit3A_156 = arith.constant 255 : i32
    %convert_element_type3A_157 = arith.sitofp %jit3A_155 : i32 to f32
    %max3A_158 = vector.broadcast %convert_element_type3A_157 : f32 to vector<256x1xf32>
    %max3A_159 = arith.maximumf %max3A_158, %add3A_135 : vector<256x1xf32>
    %convert_element_type3A_160 = arith.sitofp %jit3A_156 : i32 to f32
    %min3A_161 = vector.broadcast %convert_element_type3A_160 : f32 to vector<256x1xf32>
    %min3A_162 = arith.minimumf %min3A_161, %max3A_159 : vector<256x1xf32>
    %convert_element_type3A_163 = arith.fptosi %min3A_162 : vector<256x1xf32> to vector<256x1xi32>
    %mul3A_164 = arith.constant 64 : i32
    %mul3A_165 = vector.broadcast %mul3A_164 : i32 to vector<256x1xi32>
    %mul3A_166 = arith.muli %convert_element_type3A_163, %mul3A_165 : vector<256x1xi32>
    %add3A_167 = vector.broadcast %mul3A_113 : i32 to vector<256x1xi32>
    %add3A_168 = arith.addi %add3A_167, %mul3A_166 : vector<256x1xi32>
    %shift_right_arithmetic3A = arith.constant 2 : i32
    %shift_right_arithmetic3A_169 = vector.broadcast %shift_right_arithmetic3A : i32 to vector<256x1xi32>
    %shift_right_arithmetic3A_170 = arith.shrsi %convert_element_type3A_154, %shift_right_arithmetic3A_169 : vector<256x1xi32>
    %add3A_171 = arith.addi %add3A_168, %shift_right_arithmetic3A_170 : vector<256x1xi32>
    %and3A_172 = arith.constant 3 : i32
    %and3A_173 = vector.broadcast %and3A_172 : i32 to vector<256x1xi32>
    %and3A_174 = arith.andi %convert_element_type3A_154, %and3A_173 : vector<256x1xi32>
    %convert_element_type3A_175 = arith.extui %and3A_147 : vector<256x1xi1> to vector<256x1xi32>
    %convert_element_type3A_176 = arith.sitofp %convert_element_type3A_175 : vector<256x1xi32> to vector<256x1xf32>
    %mul3A_177 = arith.mulf %mul3A_120, %convert_element_type3A_176 : vector<256x1xf32>
    %mul3A_178 = arith.constant 0.333333343 : f32
    %mul3A_179 = vector.broadcast %mul3A_178 : f32 to vector<256x1xf32>
    %mul3A_180 = arith.mulf %mul3A_177, %mul3A_179 : vector<256x1xf32>
    %eq3A_181 = arith.constant 0 : i32
    %eq3A_182 = vector.broadcast %eq3A_181 : i32 to vector<256x1xi32>
    %eq3A_183 = arith.cmpi eq, %and3A_174, %eq3A_182 : vector<256x1xi32>
    %convert_element_type3A_184 = arith.extui %eq3A_183 : vector<256x1xi1> to vector<256x1xi32>
    %convert_element_type3A_185 = arith.sitofp %convert_element_type3A_184 : vector<256x1xi32> to vector<256x1xf32>
    %mul3A_186 = arith.mulf %mul3A_180, %convert_element_type3A_185 : vector<256x1xf32>
    %eq3A_187 = arith.constant 1 : i32
    %eq3A_188 = vector.broadcast %eq3A_187 : i32 to vector<256x1xi32>
    %eq3A_189 = arith.cmpi eq, %and3A_174, %eq3A_188 : vector<256x1xi32>
    %convert_element_type3A_190 = arith.extui %eq3A_189 : vector<256x1xi1> to vector<256x1xi32>
    %convert_element_type3A_191 = arith.sitofp %convert_element_type3A_190 : vector<256x1xi32> to vector<256x1xf32>
    %mul3A_192 = arith.mulf %mul3A_180, %convert_element_type3A_191 : vector<256x1xf32>
    %eq3A_193 = arith.constant 2 : i32
    %eq3A_194 = vector.broadcast %eq3A_193 : i32 to vector<256x1xi32>
    %eq3A_195 = arith.cmpi eq, %and3A_174, %eq3A_194 : vector<256x1xi32>
    %convert_element_type3A_196 = arith.extui %eq3A_195 : vector<256x1xi1> to vector<256x1xi32>
    %convert_element_type3A_197 = arith.sitofp %convert_element_type3A_196 : vector<256x1xi32> to vector<256x1xf32>
    %mul3A_198 = arith.mulf %mul3A_180, %convert_element_type3A_197 : vector<256x1xf32>
    %eq3A_199 = arith.constant 3 : i32
    %eq3A_200 = vector.broadcast %eq3A_199 : i32 to vector<256x1xi32>
    %eq3A_201 = arith.cmpi eq, %and3A_174, %eq3A_200 : vector<256x1xi32>
    %convert_element_type3A_202 = arith.extui %eq3A_201 : vector<256x1xi1> to vector<256x1xi32>
    %convert_element_type3A_203 = arith.sitofp %convert_element_type3A_202 : vector<256x1xi32> to vector<256x1xf32>
    %mul3A_204 = arith.mulf %mul3A_180, %convert_element_type3A_203 : vector<256x1xf32>
    %add3A_205 = arith.constant 1.000000e+00 : f32
    %add3A_206 = vector.broadcast %add3A_205 : f32 to vector<256x1xf32>
    %add3A_207 = arith.addf %floor3A, %add3A_206 : vector<256x1xf32>
    %add3A_208 = arith.constant 0.000000e+00 : f32
    %add3A_209 = vector.broadcast %add3A_208 : f32 to vector<256x1xf32>
    %add3A_210 = arith.addf %floor3A_105, %add3A_209 : vector<256x1xf32>
    %ge3A_211 = arith.constant 0.000000e+00 : f32
    %ge3A_212 = vector.broadcast %ge3A_211 : f32 to vector<256x1xf32>
    %ge3A_213 = arith.cmpf oge, %add3A_207, %ge3A_212 : vector<256x1xf32>
    %lt3A_214 = arith.constant 2.560000e+02 : f32
    %lt3A_215 = vector.broadcast %lt3A_214 : f32 to vector<256x1xf32>
    %lt3A_216 = arith.cmpf olt, %add3A_207, %lt3A_215 : vector<256x1xf32>
    %and3A_217 = arith.andi %ge3A_213, %lt3A_216 : vector<256x1xi1>
    %ge3A_218 = arith.constant 0.000000e+00 : f32
    %ge3A_219 = vector.broadcast %ge3A_218 : f32 to vector<256x1xf32>
    %ge3A_220 = arith.cmpf oge, %add3A_210, %ge3A_219 : vector<256x1xf32>
    %and3A_221 = arith.andi %and3A_217, %ge3A_220 : vector<256x1xi1>
    %lt3A_222 = arith.constant 2.560000e+02 : f32
    %lt3A_223 = vector.broadcast %lt3A_222 : f32 to vector<256x1xf32>
    %lt3A_224 = arith.cmpf olt, %add3A_210, %lt3A_223 : vector<256x1xf32>
    %and3A_225 = arith.andi %and3A_221, %lt3A_224 : vector<256x1xi1>
    %jit3A_226 = arith.constant 0 : i32
    %jit3A_227 = arith.constant 255 : i32
    %convert_element_type3A_228 = arith.sitofp %jit3A_226 : i32 to f32
    %max3A_229 = vector.broadcast %convert_element_type3A_228 : f32 to vector<256x1xf32>
    %max3A_230 = arith.maximumf %max3A_229, %add3A_207 : vector<256x1xf32>
    %convert_element_type3A_231 = arith.sitofp %jit3A_227 : i32 to f32
    %min3A_232 = vector.broadcast %convert_element_type3A_231 : f32 to vector<256x1xf32>
    %min3A_233 = arith.minimumf %min3A_232, %max3A_230 : vector<256x1xf32>
    %convert_element_type3A_234 = arith.fptosi %min3A_233 : vector<256x1xf32> to vector<256x1xi32>
    %jit3A_235 = arith.constant 0 : i32
    %jit3A_236 = arith.constant 255 : i32
    %convert_element_type3A_237 = arith.sitofp %jit3A_235 : i32 to f32
    %max3A_238 = vector.broadcast %convert_element_type3A_237 : f32 to vector<256x1xf32>
    %max3A_239 = arith.maximumf %max3A_238, %add3A_210 : vector<256x1xf32>
    %convert_element_type3A_240 = arith.sitofp %jit3A_236 : i32 to f32
    %min3A_241 = vector.broadcast %convert_element_type3A_240 : f32 to vector<256x1xf32>
    %min3A_242 = arith.minimumf %min3A_241, %max3A_239 : vector<256x1xf32>
    %convert_element_type3A_243 = arith.fptosi %min3A_242 : vector<256x1xf32> to vector<256x1xi32>
    %mul3A_244 = arith.constant 64 : i32
    %mul3A_245 = vector.broadcast %mul3A_244 : i32 to vector<256x1xi32>
    %mul3A_246 = arith.muli %convert_element_type3A_243, %mul3A_245 : vector<256x1xi32>
    %add3A_247 = vector.broadcast %mul3A_113 : i32 to vector<256x1xi32>
    %add3A_248 = arith.addi %add3A_247, %mul3A_246 : vector<256x1xi32>
    %shift_right_arithmetic3A_249 = arith.constant 2 : i32
    %shift_right_arithmetic3A_250 = vector.broadcast %shift_right_arithmetic3A_249 : i32 to vector<256x1xi32>
    %shift_right_arithmetic3A_251 = arith.shrsi %convert_element_type3A_234, %shift_right_arithmetic3A_250 : vector<256x1xi32>
    %add3A_252 = arith.addi %add3A_248, %shift_right_arithmetic3A_251 : vector<256x1xi32>
    %and3A_253 = arith.constant 3 : i32
    %and3A_254 = vector.broadcast %and3A_253 : i32 to vector<256x1xi32>
    %and3A_255 = arith.andi %convert_element_type3A_234, %and3A_254 : vector<256x1xi32>
    %convert_element_type3A_256 = arith.extui %and3A_225 : vector<256x1xi1> to vector<256x1xi32>
    %convert_element_type3A_257 = arith.sitofp %convert_element_type3A_256 : vector<256x1xi32> to vector<256x1xf32>
    %mul3A_258 = arith.mulf %mul3A_124, %convert_element_type3A_257 : vector<256x1xf32>
    %mul3A_259 = arith.constant 0.333333343 : f32
    %mul3A_260 = vector.broadcast %mul3A_259 : f32 to vector<256x1xf32>
    %mul3A_261 = arith.mulf %mul3A_258, %mul3A_260 : vector<256x1xf32>
    %eq3A_262 = arith.constant 0 : i32
    %eq3A_263 = vector.broadcast %eq3A_262 : i32 to vector<256x1xi32>
    %eq3A_264 = arith.cmpi eq, %and3A_255, %eq3A_263 : vector<256x1xi32>
    %convert_element_type3A_265 = arith.extui %eq3A_264 : vector<256x1xi1> to vector<256x1xi32>
    %convert_element_type3A_266 = arith.sitofp %convert_element_type3A_265 : vector<256x1xi32> to vector<256x1xf32>
    %mul3A_267 = arith.mulf %mul3A_261, %convert_element_type3A_266 : vector<256x1xf32>
    %eq3A_268 = arith.constant 1 : i32
    %eq3A_269 = vector.broadcast %eq3A_268 : i32 to vector<256x1xi32>
    %eq3A_270 = arith.cmpi eq, %and3A_255, %eq3A_269 : vector<256x1xi32>
    %convert_element_type3A_271 = arith.extui %eq3A_270 : vector<256x1xi1> to vector<256x1xi32>
    %convert_element_type3A_272 = arith.sitofp %convert_element_type3A_271 : vector<256x1xi32> to vector<256x1xf32>
    %mul3A_273 = arith.mulf %mul3A_261, %convert_element_type3A_272 : vector<256x1xf32>
    %eq3A_274 = arith.constant 2 : i32
    %eq3A_275 = vector.broadcast %eq3A_274 : i32 to vector<256x1xi32>
    %eq3A_276 = arith.cmpi eq, %and3A_255, %eq3A_275 : vector<256x1xi32>
    %convert_element_type3A_277 = arith.extui %eq3A_276 : vector<256x1xi1> to vector<256x1xi32>
    %convert_element_type3A_278 = arith.sitofp %convert_element_type3A_277 : vector<256x1xi32> to vector<256x1xf32>
    %mul3A_279 = arith.mulf %mul3A_261, %convert_element_type3A_278 : vector<256x1xf32>
    %eq3A_280 = arith.constant 3 : i32
    %eq3A_281 = vector.broadcast %eq3A_280 : i32 to vector<256x1xi32>
    %eq3A_282 = arith.cmpi eq, %and3A_255, %eq3A_281 : vector<256x1xi32>
    %convert_element_type3A_283 = arith.extui %eq3A_282 : vector<256x1xi1> to vector<256x1xi32>
    %convert_element_type3A_284 = arith.sitofp %convert_element_type3A_283 : vector<256x1xi32> to vector<256x1xf32>
    %mul3A_285 = arith.mulf %mul3A_261, %convert_element_type3A_284 : vector<256x1xf32>
    %add3A_286 = arith.constant 0.000000e+00 : f32
    %add3A_287 = vector.broadcast %add3A_286 : f32 to vector<256x1xf32>
    %add3A_288 = arith.addf %floor3A, %add3A_287 : vector<256x1xf32>
    %add3A_289 = arith.constant 1.000000e+00 : f32
    %add3A_290 = vector.broadcast %add3A_289 : f32 to vector<256x1xf32>
    %add3A_291 = arith.addf %floor3A_105, %add3A_290 : vector<256x1xf32>
    %ge3A_292 = arith.constant 0.000000e+00 : f32
    %ge3A_293 = vector.broadcast %ge3A_292 : f32 to vector<256x1xf32>
    %ge3A_294 = arith.cmpf oge, %add3A_288, %ge3A_293 : vector<256x1xf32>
    %lt3A_295 = arith.constant 2.560000e+02 : f32
    %lt3A_296 = vector.broadcast %lt3A_295 : f32 to vector<256x1xf32>
    %lt3A_297 = arith.cmpf olt, %add3A_288, %lt3A_296 : vector<256x1xf32>
    %and3A_298 = arith.andi %ge3A_294, %lt3A_297 : vector<256x1xi1>
    %ge3A_299 = arith.constant 0.000000e+00 : f32
    %ge3A_300 = vector.broadcast %ge3A_299 : f32 to vector<256x1xf32>
    %ge3A_301 = arith.cmpf oge, %add3A_291, %ge3A_300 : vector<256x1xf32>
    %and3A_302 = arith.andi %and3A_298, %ge3A_301 : vector<256x1xi1>
    %lt3A_303 = arith.constant 2.560000e+02 : f32
    %lt3A_304 = vector.broadcast %lt3A_303 : f32 to vector<256x1xf32>
    %lt3A_305 = arith.cmpf olt, %add3A_291, %lt3A_304 : vector<256x1xf32>
    %and3A_306 = arith.andi %and3A_302, %lt3A_305 : vector<256x1xi1>
    %jit3A_307 = arith.constant 0 : i32
    %jit3A_308 = arith.constant 255 : i32
    %convert_element_type3A_309 = arith.sitofp %jit3A_307 : i32 to f32
    %max3A_310 = vector.broadcast %convert_element_type3A_309 : f32 to vector<256x1xf32>
    %max3A_311 = arith.maximumf %max3A_310, %add3A_288 : vector<256x1xf32>
    %convert_element_type3A_312 = arith.sitofp %jit3A_308 : i32 to f32
    %min3A_313 = vector.broadcast %convert_element_type3A_312 : f32 to vector<256x1xf32>
    %min3A_314 = arith.minimumf %min3A_313, %max3A_311 : vector<256x1xf32>
    %convert_element_type3A_315 = arith.fptosi %min3A_314 : vector<256x1xf32> to vector<256x1xi32>
    %jit3A_316 = arith.constant 0 : i32
    %jit3A_317 = arith.constant 255 : i32
    %convert_element_type3A_318 = arith.sitofp %jit3A_316 : i32 to f32
    %max3A_319 = vector.broadcast %convert_element_type3A_318 : f32 to vector<256x1xf32>
    %max3A_320 = arith.maximumf %max3A_319, %add3A_291 : vector<256x1xf32>
    %convert_element_type3A_321 = arith.sitofp %jit3A_317 : i32 to f32
    %min3A_322 = vector.broadcast %convert_element_type3A_321 : f32 to vector<256x1xf32>
    %min3A_323 = arith.minimumf %min3A_322, %max3A_320 : vector<256x1xf32>
    %convert_element_type3A_324 = arith.fptosi %min3A_323 : vector<256x1xf32> to vector<256x1xi32>
    %mul3A_325 = arith.constant 64 : i32
    %mul3A_326 = vector.broadcast %mul3A_325 : i32 to vector<256x1xi32>
    %mul3A_327 = arith.muli %convert_element_type3A_324, %mul3A_326 : vector<256x1xi32>
    %add3A_328 = vector.broadcast %mul3A_113 : i32 to vector<256x1xi32>
    %add3A_329 = arith.addi %add3A_328, %mul3A_327 : vector<256x1xi32>
    %shift_right_arithmetic3A_330 = arith.constant 2 : i32
    %shift_right_arithmetic3A_331 = vector.broadcast %shift_right_arithmetic3A_330 : i32 to vector<256x1xi32>
    %shift_right_arithmetic3A_332 = arith.shrsi %convert_element_type3A_315, %shift_right_arithmetic3A_331 : vector<256x1xi32>
    %add3A_333 = arith.addi %add3A_329, %shift_right_arithmetic3A_332 : vector<256x1xi32>
    %and3A_334 = arith.constant 3 : i32
    %and3A_335 = vector.broadcast %and3A_334 : i32 to vector<256x1xi32>
    %and3A_336 = arith.andi %convert_element_type3A_315, %and3A_335 : vector<256x1xi32>
    %convert_element_type3A_337 = arith.extui %and3A_306 : vector<256x1xi1> to vector<256x1xi32>
    %convert_element_type3A_338 = arith.sitofp %convert_element_type3A_337 : vector<256x1xi32> to vector<256x1xf32>
    %mul3A_339 = arith.mulf %mul3A_128, %convert_element_type3A_338 : vector<256x1xf32>
    %mul3A_340 = arith.constant 0.333333343 : f32
    %mul3A_341 = vector.broadcast %mul3A_340 : f32 to vector<256x1xf32>
    %mul3A_342 = arith.mulf %mul3A_339, %mul3A_341 : vector<256x1xf32>
    %eq3A_343 = arith.constant 0 : i32
    %eq3A_344 = vector.broadcast %eq3A_343 : i32 to vector<256x1xi32>
    %eq3A_345 = arith.cmpi eq, %and3A_336, %eq3A_344 : vector<256x1xi32>
    %convert_element_type3A_346 = arith.extui %eq3A_345 : vector<256x1xi1> to vector<256x1xi32>
    %convert_element_type3A_347 = arith.sitofp %convert_element_type3A_346 : vector<256x1xi32> to vector<256x1xf32>
    %mul3A_348 = arith.mulf %mul3A_342, %convert_element_type3A_347 : vector<256x1xf32>
    %eq3A_349 = arith.constant 1 : i32
    %eq3A_350 = vector.broadcast %eq3A_349 : i32 to vector<256x1xi32>
    %eq3A_351 = arith.cmpi eq, %and3A_336, %eq3A_350 : vector<256x1xi32>
    %convert_element_type3A_352 = arith.extui %eq3A_351 : vector<256x1xi1> to vector<256x1xi32>
    %convert_element_type3A_353 = arith.sitofp %convert_element_type3A_352 : vector<256x1xi32> to vector<256x1xf32>
    %mul3A_354 = arith.mulf %mul3A_342, %convert_element_type3A_353 : vector<256x1xf32>
    %eq3A_355 = arith.constant 2 : i32
    %eq3A_356 = vector.broadcast %eq3A_355 : i32 to vector<256x1xi32>
    %eq3A_357 = arith.cmpi eq, %and3A_336, %eq3A_356 : vector<256x1xi32>
    %convert_element_type3A_358 = arith.extui %eq3A_357 : vector<256x1xi1> to vector<256x1xi32>
    %convert_element_type3A_359 = arith.sitofp %convert_element_type3A_358 : vector<256x1xi32> to vector<256x1xf32>
    %mul3A_360 = arith.mulf %mul3A_342, %convert_element_type3A_359 : vector<256x1xf32>
    %eq3A_361 = arith.constant 3 : i32
    %eq3A_362 = vector.broadcast %eq3A_361 : i32 to vector<256x1xi32>
    %eq3A_363 = arith.cmpi eq, %and3A_336, %eq3A_362 : vector<256x1xi32>
    %convert_element_type3A_364 = arith.extui %eq3A_363 : vector<256x1xi1> to vector<256x1xi32>
    %convert_element_type3A_365 = arith.sitofp %convert_element_type3A_364 : vector<256x1xi32> to vector<256x1xf32>
    %mul3A_366 = arith.mulf %mul3A_342, %convert_element_type3A_365 : vector<256x1xf32>
    %add3A_367 = arith.constant 1.000000e+00 : f32
    %add3A_368 = vector.broadcast %add3A_367 : f32 to vector<256x1xf32>
    %add3A_369 = arith.addf %floor3A, %add3A_368 : vector<256x1xf32>
    %add3A_370 = arith.constant 1.000000e+00 : f32
    %add3A_371 = vector.broadcast %add3A_370 : f32 to vector<256x1xf32>
    %add3A_372 = arith.addf %floor3A_105, %add3A_371 : vector<256x1xf32>
    %ge3A_373 = arith.constant 0.000000e+00 : f32
    %ge3A_374 = vector.broadcast %ge3A_373 : f32 to vector<256x1xf32>
    %ge3A_375 = arith.cmpf oge, %add3A_369, %ge3A_374 : vector<256x1xf32>
    %lt3A_376 = arith.constant 2.560000e+02 : f32
    %lt3A_377 = vector.broadcast %lt3A_376 : f32 to vector<256x1xf32>
    %lt3A_378 = arith.cmpf olt, %add3A_369, %lt3A_377 : vector<256x1xf32>
    %and3A_379 = arith.andi %ge3A_375, %lt3A_378 : vector<256x1xi1>
    %ge3A_380 = arith.constant 0.000000e+00 : f32
    %ge3A_381 = vector.broadcast %ge3A_380 : f32 to vector<256x1xf32>
    %ge3A_382 = arith.cmpf oge, %add3A_372, %ge3A_381 : vector<256x1xf32>
    %and3A_383 = arith.andi %and3A_379, %ge3A_382 : vector<256x1xi1>
    %lt3A_384 = arith.constant 2.560000e+02 : f32
    %lt3A_385 = vector.broadcast %lt3A_384 : f32 to vector<256x1xf32>
    %lt3A_386 = arith.cmpf olt, %add3A_372, %lt3A_385 : vector<256x1xf32>
    %and3A_387 = arith.andi %and3A_383, %lt3A_386 : vector<256x1xi1>
    %jit3A_388 = arith.constant 0 : i32
    %jit3A_389 = arith.constant 255 : i32
    %convert_element_type3A_390 = arith.sitofp %jit3A_388 : i32 to f32
    %max3A_391 = vector.broadcast %convert_element_type3A_390 : f32 to vector<256x1xf32>
    %max3A_392 = arith.maximumf %max3A_391, %add3A_369 : vector<256x1xf32>
    %convert_element_type3A_393 = arith.sitofp %jit3A_389 : i32 to f32
    %min3A_394 = vector.broadcast %convert_element_type3A_393 : f32 to vector<256x1xf32>
    %min3A_395 = arith.minimumf %min3A_394, %max3A_392 : vector<256x1xf32>
    %convert_element_type3A_396 = arith.fptosi %min3A_395 : vector<256x1xf32> to vector<256x1xi32>
    %jit3A_397 = arith.constant 0 : i32
    %jit3A_398 = arith.constant 255 : i32
    %convert_element_type3A_399 = arith.sitofp %jit3A_397 : i32 to f32
    %max3A_400 = vector.broadcast %convert_element_type3A_399 : f32 to vector<256x1xf32>
    %max3A_401 = arith.maximumf %max3A_400, %add3A_372 : vector<256x1xf32>
    %convert_element_type3A_402 = arith.sitofp %jit3A_398 : i32 to f32
    %min3A_403 = vector.broadcast %convert_element_type3A_402 : f32 to vector<256x1xf32>
    %min3A_404 = arith.minimumf %min3A_403, %max3A_401 : vector<256x1xf32>
    %convert_element_type3A_405 = arith.fptosi %min3A_404 : vector<256x1xf32> to vector<256x1xi32>
    %mul3A_406 = arith.constant 64 : i32
    %mul3A_407 = vector.broadcast %mul3A_406 : i32 to vector<256x1xi32>
    %mul3A_408 = arith.muli %convert_element_type3A_405, %mul3A_407 : vector<256x1xi32>
    %add3A_409 = vector.broadcast %mul3A_113 : i32 to vector<256x1xi32>
    %add3A_410 = arith.addi %add3A_409, %mul3A_408 : vector<256x1xi32>
    %shift_right_arithmetic3A_411 = arith.constant 2 : i32
    %shift_right_arithmetic3A_412 = vector.broadcast %shift_right_arithmetic3A_411 : i32 to vector<256x1xi32>
    %shift_right_arithmetic3A_413 = arith.shrsi %convert_element_type3A_396, %shift_right_arithmetic3A_412 : vector<256x1xi32>
    %add3A_414 = arith.addi %add3A_410, %shift_right_arithmetic3A_413 : vector<256x1xi32>
    %and3A_415 = arith.constant 3 : i32
    %and3A_416 = vector.broadcast %and3A_415 : i32 to vector<256x1xi32>
    %and3A_417 = arith.andi %convert_element_type3A_396, %and3A_416 : vector<256x1xi32>
    %convert_element_type3A_418 = arith.extui %and3A_387 : vector<256x1xi1> to vector<256x1xi32>
    %convert_element_type3A_419 = arith.sitofp %convert_element_type3A_418 : vector<256x1xi32> to vector<256x1xf32>
    %mul3A_420 = arith.mulf %mul3A_129, %convert_element_type3A_419 : vector<256x1xf32>
    %mul3A_421 = arith.constant 0.333333343 : f32
    %mul3A_422 = vector.broadcast %mul3A_421 : f32 to vector<256x1xf32>
    %mul3A_423 = arith.mulf %mul3A_420, %mul3A_422 : vector<256x1xf32>
    %eq3A_424 = arith.constant 0 : i32
    %eq3A_425 = vector.broadcast %eq3A_424 : i32 to vector<256x1xi32>
    %eq3A_426 = arith.cmpi eq, %and3A_417, %eq3A_425 : vector<256x1xi32>
    %convert_element_type3A_427 = arith.extui %eq3A_426 : vector<256x1xi1> to vector<256x1xi32>
    %convert_element_type3A_428 = arith.sitofp %convert_element_type3A_427 : vector<256x1xi32> to vector<256x1xf32>
    %mul3A_429 = arith.mulf %mul3A_423, %convert_element_type3A_428 : vector<256x1xf32>
    %eq3A_430 = arith.constant 1 : i32
    %eq3A_431 = vector.broadcast %eq3A_430 : i32 to vector<256x1xi32>
    %eq3A_432 = arith.cmpi eq, %and3A_417, %eq3A_431 : vector<256x1xi32>
    %convert_element_type3A_433 = arith.extui %eq3A_432 : vector<256x1xi1> to vector<256x1xi32>
    %convert_element_type3A_434 = arith.sitofp %convert_element_type3A_433 : vector<256x1xi32> to vector<256x1xf32>
    %mul3A_435 = arith.mulf %mul3A_423, %convert_element_type3A_434 : vector<256x1xf32>
    %eq3A_436 = arith.constant 2 : i32
    %eq3A_437 = vector.broadcast %eq3A_436 : i32 to vector<256x1xi32>
    %eq3A_438 = arith.cmpi eq, %and3A_417, %eq3A_437 : vector<256x1xi32>
    %convert_element_type3A_439 = arith.extui %eq3A_438 : vector<256x1xi1> to vector<256x1xi32>
    %convert_element_type3A_440 = arith.sitofp %convert_element_type3A_439 : vector<256x1xi32> to vector<256x1xf32>
    %mul3A_441 = arith.mulf %mul3A_423, %convert_element_type3A_440 : vector<256x1xf32>
    %eq3A_442 = arith.constant 3 : i32
    %eq3A_443 = vector.broadcast %eq3A_442 : i32 to vector<256x1xi32>
    %eq3A_444 = arith.cmpi eq, %and3A_417, %eq3A_443 : vector<256x1xi32>
    %convert_element_type3A_445 = arith.extui %eq3A_444 : vector<256x1xi1> to vector<256x1xi32>
    %convert_element_type3A_446 = arith.sitofp %convert_element_type3A_445 : vector<256x1xi32> to vector<256x1xf32>
    %mul3A_447 = arith.mulf %mul3A_423, %convert_element_type3A_446 : vector<256x1xf32>
    %slice3A_448 = vector.extract_strided_slice %convert_element_type3A_84 {offsets = [0, 0], sizes = [256, 1], strides = [1, 1]} : vector<256x3xf32> to vector<256x1xf32>
    %add3A_449 = arith.constant 1.000000e+00 : f32
    %add3A_450 = vector.broadcast %add3A_449 : f32 to vector<256x1xf32>
    %add3A_451 = arith.addf %slice3A_448, %add3A_450 : vector<256x1xf32>
    %mul3A_452 = arith.constant 1.280000e+02 : f32
    %mul3A_453 = vector.broadcast %mul3A_452 : f32 to vector<256x1xf32>
    %mul3A_454 = arith.mulf %add3A_451, %mul3A_453 : vector<256x1xf32>
    %sub3A_455 = arith.constant 5.000000e-01 : f32
    %sub3A_456 = vector.broadcast %sub3A_455 : f32 to vector<256x1xf32>
    %sub3A_457 = arith.subf %mul3A_454, %sub3A_456 : vector<256x1xf32>
    %slice3A_458 = vector.extract_strided_slice %convert_element_type3A_84 {offsets = [0, 2], sizes = [256, 1], strides = [1, 1]} : vector<256x3xf32> to vector<256x1xf32>
    %add3A_459 = arith.constant 1.000000e+00 : f32
    %add3A_460 = vector.broadcast %add3A_459 : f32 to vector<256x1xf32>
    %add3A_461 = arith.addf %slice3A_458, %add3A_460 : vector<256x1xf32>
    %mul3A_462 = arith.constant 1.280000e+02 : f32
    %mul3A_463 = vector.broadcast %mul3A_462 : f32 to vector<256x1xf32>
    %mul3A_464 = arith.mulf %add3A_461, %mul3A_463 : vector<256x1xf32>
    %sub3A_465 = arith.constant 5.000000e-01 : f32
    %sub3A_466 = vector.broadcast %sub3A_465 : f32 to vector<256x1xf32>
    %sub3A_467 = arith.subf %mul3A_464, %sub3A_466 : vector<256x1xf32>
    %floor3A_468 = math.floor %sub3A_457 : vector<256x1xf32>
    %floor3A_469 = math.floor %sub3A_467 : vector<256x1xf32>
    %sub3A_470 = arith.subf %sub3A_457, %floor3A_468 : vector<256x1xf32>
    %sub3A_471 = arith.subf %sub3A_467, %floor3A_469 : vector<256x1xf32>
    %mul3A_472 = arith.constant 3 : i32
    %mul3A_473 = arith.muli %arg0, %mul3A_472 : i32
    %add3A_474 = arith.constant 1 : i32
    %add3A_475 = arith.addi %mul3A_473, %add3A_474 : i32
    %mul3A_476 = arith.constant 16384 : i32
    %mul3A_477 = arith.muli %add3A_475, %mul3A_476 : i32
    %sub3A_478 = arith.constant 1.000000e+00 : f32
    %sub3A_479 = vector.broadcast %sub3A_478 : f32 to vector<256x1xf32>
    %sub3A_480 = arith.subf %sub3A_479, %sub3A_470 : vector<256x1xf32>
    %sub3A_481 = arith.constant 1.000000e+00 : f32
    %sub3A_482 = vector.broadcast %sub3A_481 : f32 to vector<256x1xf32>
    %sub3A_483 = arith.subf %sub3A_482, %sub3A_471 : vector<256x1xf32>
    %mul3A_484 = arith.mulf %sub3A_480, %sub3A_483 : vector<256x1xf32>
    %sub3A_485 = arith.constant 1.000000e+00 : f32
    %sub3A_486 = vector.broadcast %sub3A_485 : f32 to vector<256x1xf32>
    %sub3A_487 = arith.subf %sub3A_486, %sub3A_471 : vector<256x1xf32>
    %mul3A_488 = arith.mulf %sub3A_470, %sub3A_487 : vector<256x1xf32>
    %sub3A_489 = arith.constant 1.000000e+00 : f32
    %sub3A_490 = vector.broadcast %sub3A_489 : f32 to vector<256x1xf32>
    %sub3A_491 = arith.subf %sub3A_490, %sub3A_470 : vector<256x1xf32>
    %mul3A_492 = arith.mulf %sub3A_491, %sub3A_471 : vector<256x1xf32>
    %mul3A_493 = arith.mulf %sub3A_470, %sub3A_471 : vector<256x1xf32>
    %add3A_494 = arith.constant 0.000000e+00 : f32
    %add3A_495 = vector.broadcast %add3A_494 : f32 to vector<256x1xf32>
    %add3A_496 = arith.addf %floor3A_468, %add3A_495 : vector<256x1xf32>
    %add3A_497 = arith.constant 0.000000e+00 : f32
    %add3A_498 = vector.broadcast %add3A_497 : f32 to vector<256x1xf32>
    %add3A_499 = arith.addf %floor3A_469, %add3A_498 : vector<256x1xf32>
    %ge3A_500 = arith.constant 0.000000e+00 : f32
    %ge3A_501 = vector.broadcast %ge3A_500 : f32 to vector<256x1xf32>
    %ge3A_502 = arith.cmpf oge, %add3A_496, %ge3A_501 : vector<256x1xf32>
    %lt3A_503 = arith.constant 2.560000e+02 : f32
    %lt3A_504 = vector.broadcast %lt3A_503 : f32 to vector<256x1xf32>
    %lt3A_505 = arith.cmpf olt, %add3A_496, %lt3A_504 : vector<256x1xf32>
    %and3A_506 = arith.andi %ge3A_502, %lt3A_505 : vector<256x1xi1>
    %ge3A_507 = arith.constant 0.000000e+00 : f32
    %ge3A_508 = vector.broadcast %ge3A_507 : f32 to vector<256x1xf32>
    %ge3A_509 = arith.cmpf oge, %add3A_499, %ge3A_508 : vector<256x1xf32>
    %and3A_510 = arith.andi %and3A_506, %ge3A_509 : vector<256x1xi1>
    %lt3A_511 = arith.constant 2.560000e+02 : f32
    %lt3A_512 = vector.broadcast %lt3A_511 : f32 to vector<256x1xf32>
    %lt3A_513 = arith.cmpf olt, %add3A_499, %lt3A_512 : vector<256x1xf32>
    %and3A_514 = arith.andi %and3A_510, %lt3A_513 : vector<256x1xi1>
    %jit3A_515 = arith.constant 0 : i32
    %jit3A_516 = arith.constant 255 : i32
    %convert_element_type3A_517 = arith.sitofp %jit3A_515 : i32 to f32
    %max3A_518 = vector.broadcast %convert_element_type3A_517 : f32 to vector<256x1xf32>
    %max3A_519 = arith.maximumf %max3A_518, %add3A_496 : vector<256x1xf32>
    %convert_element_type3A_520 = arith.sitofp %jit3A_516 : i32 to f32
    %min3A_521 = vector.broadcast %convert_element_type3A_520 : f32 to vector<256x1xf32>
    %min3A_522 = arith.minimumf %min3A_521, %max3A_519 : vector<256x1xf32>
    %convert_element_type3A_523 = arith.fptosi %min3A_522 : vector<256x1xf32> to vector<256x1xi32>
    %jit3A_524 = arith.constant 0 : i32
    %jit3A_525 = arith.constant 255 : i32
    %convert_element_type3A_526 = arith.sitofp %jit3A_524 : i32 to f32
    %max3A_527 = vector.broadcast %convert_element_type3A_526 : f32 to vector<256x1xf32>
    %max3A_528 = arith.maximumf %max3A_527, %add3A_499 : vector<256x1xf32>
    %convert_element_type3A_529 = arith.sitofp %jit3A_525 : i32 to f32
    %min3A_530 = vector.broadcast %convert_element_type3A_529 : f32 to vector<256x1xf32>
    %min3A_531 = arith.minimumf %min3A_530, %max3A_528 : vector<256x1xf32>
    %convert_element_type3A_532 = arith.fptosi %min3A_531 : vector<256x1xf32> to vector<256x1xi32>
    %mul3A_533 = arith.constant 64 : i32
    %mul3A_534 = vector.broadcast %mul3A_533 : i32 to vector<256x1xi32>
    %mul3A_535 = arith.muli %convert_element_type3A_532, %mul3A_534 : vector<256x1xi32>
    %add3A_536 = vector.broadcast %mul3A_477 : i32 to vector<256x1xi32>
    %add3A_537 = arith.addi %add3A_536, %mul3A_535 : vector<256x1xi32>
    %shift_right_arithmetic3A_538 = arith.constant 2 : i32
    %shift_right_arithmetic3A_539 = vector.broadcast %shift_right_arithmetic3A_538 : i32 to vector<256x1xi32>
    %shift_right_arithmetic3A_540 = arith.shrsi %convert_element_type3A_523, %shift_right_arithmetic3A_539 : vector<256x1xi32>
    %add3A_541 = arith.addi %add3A_537, %shift_right_arithmetic3A_540 : vector<256x1xi32>
    %and3A_542 = arith.constant 3 : i32
    %and3A_543 = vector.broadcast %and3A_542 : i32 to vector<256x1xi32>
    %and3A_544 = arith.andi %convert_element_type3A_523, %and3A_543 : vector<256x1xi32>
    %convert_element_type3A_545 = arith.extui %and3A_514 : vector<256x1xi1> to vector<256x1xi32>
    %convert_element_type3A_546 = arith.sitofp %convert_element_type3A_545 : vector<256x1xi32> to vector<256x1xf32>
    %mul3A_547 = arith.mulf %mul3A_484, %convert_element_type3A_546 : vector<256x1xf32>
    %mul3A_548 = arith.constant 0.333333343 : f32
    %mul3A_549 = vector.broadcast %mul3A_548 : f32 to vector<256x1xf32>
    %mul3A_550 = arith.mulf %mul3A_547, %mul3A_549 : vector<256x1xf32>
    %eq3A_551 = arith.constant 0 : i32
    %eq3A_552 = vector.broadcast %eq3A_551 : i32 to vector<256x1xi32>
    %eq3A_553 = arith.cmpi eq, %and3A_544, %eq3A_552 : vector<256x1xi32>
    %convert_element_type3A_554 = arith.extui %eq3A_553 : vector<256x1xi1> to vector<256x1xi32>
    %convert_element_type3A_555 = arith.sitofp %convert_element_type3A_554 : vector<256x1xi32> to vector<256x1xf32>
    %mul3A_556 = arith.mulf %mul3A_550, %convert_element_type3A_555 : vector<256x1xf32>
    %eq3A_557 = arith.constant 1 : i32
    %eq3A_558 = vector.broadcast %eq3A_557 : i32 to vector<256x1xi32>
    %eq3A_559 = arith.cmpi eq, %and3A_544, %eq3A_558 : vector<256x1xi32>
    %convert_element_type3A_560 = arith.extui %eq3A_559 : vector<256x1xi1> to vector<256x1xi32>
    %convert_element_type3A_561 = arith.sitofp %convert_element_type3A_560 : vector<256x1xi32> to vector<256x1xf32>
    %mul3A_562 = arith.mulf %mul3A_550, %convert_element_type3A_561 : vector<256x1xf32>
    %eq3A_563 = arith.constant 2 : i32
    %eq3A_564 = vector.broadcast %eq3A_563 : i32 to vector<256x1xi32>
    %eq3A_565 = arith.cmpi eq, %and3A_544, %eq3A_564 : vector<256x1xi32>
    %convert_element_type3A_566 = arith.extui %eq3A_565 : vector<256x1xi1> to vector<256x1xi32>
    %convert_element_type3A_567 = arith.sitofp %convert_element_type3A_566 : vector<256x1xi32> to vector<256x1xf32>
    %mul3A_568 = arith.mulf %mul3A_550, %convert_element_type3A_567 : vector<256x1xf32>
    %eq3A_569 = arith.constant 3 : i32
    %eq3A_570 = vector.broadcast %eq3A_569 : i32 to vector<256x1xi32>
    %eq3A_571 = arith.cmpi eq, %and3A_544, %eq3A_570 : vector<256x1xi32>
    %convert_element_type3A_572 = arith.extui %eq3A_571 : vector<256x1xi1> to vector<256x1xi32>
    %convert_element_type3A_573 = arith.sitofp %convert_element_type3A_572 : vector<256x1xi32> to vector<256x1xf32>
    %mul3A_574 = arith.mulf %mul3A_550, %convert_element_type3A_573 : vector<256x1xf32>
    %add3A_575 = arith.constant 1.000000e+00 : f32
    %add3A_576 = vector.broadcast %add3A_575 : f32 to vector<256x1xf32>
    %add3A_577 = arith.addf %floor3A_468, %add3A_576 : vector<256x1xf32>
    %add3A_578 = arith.constant 0.000000e+00 : f32
    %add3A_579 = vector.broadcast %add3A_578 : f32 to vector<256x1xf32>
    %add3A_580 = arith.addf %floor3A_469, %add3A_579 : vector<256x1xf32>
    %ge3A_581 = arith.constant 0.000000e+00 : f32
    %ge3A_582 = vector.broadcast %ge3A_581 : f32 to vector<256x1xf32>
    %ge3A_583 = arith.cmpf oge, %add3A_577, %ge3A_582 : vector<256x1xf32>
    %lt3A_584 = arith.constant 2.560000e+02 : f32
    %lt3A_585 = vector.broadcast %lt3A_584 : f32 to vector<256x1xf32>
    %lt3A_586 = arith.cmpf olt, %add3A_577, %lt3A_585 : vector<256x1xf32>
    %and3A_587 = arith.andi %ge3A_583, %lt3A_586 : vector<256x1xi1>
    %ge3A_588 = arith.constant 0.000000e+00 : f32
    %ge3A_589 = vector.broadcast %ge3A_588 : f32 to vector<256x1xf32>
    %ge3A_590 = arith.cmpf oge, %add3A_580, %ge3A_589 : vector<256x1xf32>
    %and3A_591 = arith.andi %and3A_587, %ge3A_590 : vector<256x1xi1>
    %lt3A_592 = arith.constant 2.560000e+02 : f32
    %lt3A_593 = vector.broadcast %lt3A_592 : f32 to vector<256x1xf32>
    %lt3A_594 = arith.cmpf olt, %add3A_580, %lt3A_593 : vector<256x1xf32>
    %and3A_595 = arith.andi %and3A_591, %lt3A_594 : vector<256x1xi1>
    %jit3A_596 = arith.constant 0 : i32
    %jit3A_597 = arith.constant 255 : i32
    %convert_element_type3A_598 = arith.sitofp %jit3A_596 : i32 to f32
    %max3A_599 = vector.broadcast %convert_element_type3A_598 : f32 to vector<256x1xf32>
    %max3A_600 = arith.maximumf %max3A_599, %add3A_577 : vector<256x1xf32>
    %convert_element_type3A_601 = arith.sitofp %jit3A_597 : i32 to f32
    %min3A_602 = vector.broadcast %convert_element_type3A_601 : f32 to vector<256x1xf32>
    %min3A_603 = arith.minimumf %min3A_602, %max3A_600 : vector<256x1xf32>
    %convert_element_type3A_604 = arith.fptosi %min3A_603 : vector<256x1xf32> to vector<256x1xi32>
    %jit3A_605 = arith.constant 0 : i32
    %jit3A_606 = arith.constant 255 : i32
    %convert_element_type3A_607 = arith.sitofp %jit3A_605 : i32 to f32
    %max3A_608 = vector.broadcast %convert_element_type3A_607 : f32 to vector<256x1xf32>
    %max3A_609 = arith.maximumf %max3A_608, %add3A_580 : vector<256x1xf32>
    %convert_element_type3A_610 = arith.sitofp %jit3A_606 : i32 to f32
    %min3A_611 = vector.broadcast %convert_element_type3A_610 : f32 to vector<256x1xf32>
    %min3A_612 = arith.minimumf %min3A_611, %max3A_609 : vector<256x1xf32>
    %convert_element_type3A_613 = arith.fptosi %min3A_612 : vector<256x1xf32> to vector<256x1xi32>
    %mul3A_614 = arith.constant 64 : i32
    %mul3A_615 = vector.broadcast %mul3A_614 : i32 to vector<256x1xi32>
    %mul3A_616 = arith.muli %convert_element_type3A_613, %mul3A_615 : vector<256x1xi32>
    %add3A_617 = vector.broadcast %mul3A_477 : i32 to vector<256x1xi32>
    %add3A_618 = arith.addi %add3A_617, %mul3A_616 : vector<256x1xi32>
    %shift_right_arithmetic3A_619 = arith.constant 2 : i32
    %shift_right_arithmetic3A_620 = vector.broadcast %shift_right_arithmetic3A_619 : i32 to vector<256x1xi32>
    %shift_right_arithmetic3A_621 = arith.shrsi %convert_element_type3A_604, %shift_right_arithmetic3A_620 : vector<256x1xi32>
    %add3A_622 = arith.addi %add3A_618, %shift_right_arithmetic3A_621 : vector<256x1xi32>
    %and3A_623 = arith.constant 3 : i32
    %and3A_624 = vector.broadcast %and3A_623 : i32 to vector<256x1xi32>
    %and3A_625 = arith.andi %convert_element_type3A_604, %and3A_624 : vector<256x1xi32>
    %convert_element_type3A_626 = arith.extui %and3A_595 : vector<256x1xi1> to vector<256x1xi32>
    %convert_element_type3A_627 = arith.sitofp %convert_element_type3A_626 : vector<256x1xi32> to vector<256x1xf32>
    %mul3A_628 = arith.mulf %mul3A_488, %convert_element_type3A_627 : vector<256x1xf32>
    %mul3A_629 = arith.constant 0.333333343 : f32
    %mul3A_630 = vector.broadcast %mul3A_629 : f32 to vector<256x1xf32>
    %mul3A_631 = arith.mulf %mul3A_628, %mul3A_630 : vector<256x1xf32>
    %eq3A_632 = arith.constant 0 : i32
    %eq3A_633 = vector.broadcast %eq3A_632 : i32 to vector<256x1xi32>
    %eq3A_634 = arith.cmpi eq, %and3A_625, %eq3A_633 : vector<256x1xi32>
    %convert_element_type3A_635 = arith.extui %eq3A_634 : vector<256x1xi1> to vector<256x1xi32>
    %convert_element_type3A_636 = arith.sitofp %convert_element_type3A_635 : vector<256x1xi32> to vector<256x1xf32>
    %mul3A_637 = arith.mulf %mul3A_631, %convert_element_type3A_636 : vector<256x1xf32>
    %eq3A_638 = arith.constant 1 : i32
    %eq3A_639 = vector.broadcast %eq3A_638 : i32 to vector<256x1xi32>
    %eq3A_640 = arith.cmpi eq, %and3A_625, %eq3A_639 : vector<256x1xi32>
    %convert_element_type3A_641 = arith.extui %eq3A_640 : vector<256x1xi1> to vector<256x1xi32>
    %convert_element_type3A_642 = arith.sitofp %convert_element_type3A_641 : vector<256x1xi32> to vector<256x1xf32>
    %mul3A_643 = arith.mulf %mul3A_631, %convert_element_type3A_642 : vector<256x1xf32>
    %eq3A_644 = arith.constant 2 : i32
    %eq3A_645 = vector.broadcast %eq3A_644 : i32 to vector<256x1xi32>
    %eq3A_646 = arith.cmpi eq, %and3A_625, %eq3A_645 : vector<256x1xi32>
    %convert_element_type3A_647 = arith.extui %eq3A_646 : vector<256x1xi1> to vector<256x1xi32>
    %convert_element_type3A_648 = arith.sitofp %convert_element_type3A_647 : vector<256x1xi32> to vector<256x1xf32>
    %mul3A_649 = arith.mulf %mul3A_631, %convert_element_type3A_648 : vector<256x1xf32>
    %eq3A_650 = arith.constant 3 : i32
    %eq3A_651 = vector.broadcast %eq3A_650 : i32 to vector<256x1xi32>
    %eq3A_652 = arith.cmpi eq, %and3A_625, %eq3A_651 : vector<256x1xi32>
    %convert_element_type3A_653 = arith.extui %eq3A_652 : vector<256x1xi1> to vector<256x1xi32>
    %convert_element_type3A_654 = arith.sitofp %convert_element_type3A_653 : vector<256x1xi32> to vector<256x1xf32>
    %mul3A_655 = arith.mulf %mul3A_631, %convert_element_type3A_654 : vector<256x1xf32>
    %add3A_656 = arith.constant 0.000000e+00 : f32
    %add3A_657 = vector.broadcast %add3A_656 : f32 to vector<256x1xf32>
    %add3A_658 = arith.addf %floor3A_468, %add3A_657 : vector<256x1xf32>
    %add3A_659 = arith.constant 1.000000e+00 : f32
    %add3A_660 = vector.broadcast %add3A_659 : f32 to vector<256x1xf32>
    %add3A_661 = arith.addf %floor3A_469, %add3A_660 : vector<256x1xf32>
    %ge3A_662 = arith.constant 0.000000e+00 : f32
    %ge3A_663 = vector.broadcast %ge3A_662 : f32 to vector<256x1xf32>
    %ge3A_664 = arith.cmpf oge, %add3A_658, %ge3A_663 : vector<256x1xf32>
    %lt3A_665 = arith.constant 2.560000e+02 : f32
    %lt3A_666 = vector.broadcast %lt3A_665 : f32 to vector<256x1xf32>
    %lt3A_667 = arith.cmpf olt, %add3A_658, %lt3A_666 : vector<256x1xf32>
    %and3A_668 = arith.andi %ge3A_664, %lt3A_667 : vector<256x1xi1>
    %ge3A_669 = arith.constant 0.000000e+00 : f32
    %ge3A_670 = vector.broadcast %ge3A_669 : f32 to vector<256x1xf32>
    %ge3A_671 = arith.cmpf oge, %add3A_661, %ge3A_670 : vector<256x1xf32>
    %and3A_672 = arith.andi %and3A_668, %ge3A_671 : vector<256x1xi1>
    %lt3A_673 = arith.constant 2.560000e+02 : f32
    %lt3A_674 = vector.broadcast %lt3A_673 : f32 to vector<256x1xf32>
    %lt3A_675 = arith.cmpf olt, %add3A_661, %lt3A_674 : vector<256x1xf32>
    %and3A_676 = arith.andi %and3A_672, %lt3A_675 : vector<256x1xi1>
    %jit3A_677 = arith.constant 0 : i32
    %jit3A_678 = arith.constant 255 : i32
    %convert_element_type3A_679 = arith.sitofp %jit3A_677 : i32 to f32
    %max3A_680 = vector.broadcast %convert_element_type3A_679 : f32 to vector<256x1xf32>
    %max3A_681 = arith.maximumf %max3A_680, %add3A_658 : vector<256x1xf32>
    %convert_element_type3A_682 = arith.sitofp %jit3A_678 : i32 to f32
    %min3A_683 = vector.broadcast %convert_element_type3A_682 : f32 to vector<256x1xf32>
    %min3A_684 = arith.minimumf %min3A_683, %max3A_681 : vector<256x1xf32>
    %convert_element_type3A_685 = arith.fptosi %min3A_684 : vector<256x1xf32> to vector<256x1xi32>
    %jit3A_686 = arith.constant 0 : i32
    %jit3A_687 = arith.constant 255 : i32
    %convert_element_type3A_688 = arith.sitofp %jit3A_686 : i32 to f32
    %max3A_689 = vector.broadcast %convert_element_type3A_688 : f32 to vector<256x1xf32>
    %max3A_690 = arith.maximumf %max3A_689, %add3A_661 : vector<256x1xf32>
    %convert_element_type3A_691 = arith.sitofp %jit3A_687 : i32 to f32
    %min3A_692 = vector.broadcast %convert_element_type3A_691 : f32 to vector<256x1xf32>
    %min3A_693 = arith.minimumf %min3A_692, %max3A_690 : vector<256x1xf32>
    %convert_element_type3A_694 = arith.fptosi %min3A_693 : vector<256x1xf32> to vector<256x1xi32>
    %mul3A_695 = arith.constant 64 : i32
    %mul3A_696 = vector.broadcast %mul3A_695 : i32 to vector<256x1xi32>
    %mul3A_697 = arith.muli %convert_element_type3A_694, %mul3A_696 : vector<256x1xi32>
    %add3A_698 = vector.broadcast %mul3A_477 : i32 to vector<256x1xi32>
    %add3A_699 = arith.addi %add3A_698, %mul3A_697 : vector<256x1xi32>
    %shift_right_arithmetic3A_700 = arith.constant 2 : i32
    %shift_right_arithmetic3A_701 = vector.broadcast %shift_right_arithmetic3A_700 : i32 to vector<256x1xi32>
    %shift_right_arithmetic3A_702 = arith.shrsi %convert_element_type3A_685, %shift_right_arithmetic3A_701 : vector<256x1xi32>
    %add3A_703 = arith.addi %add3A_699, %shift_right_arithmetic3A_702 : vector<256x1xi32>
    %and3A_704 = arith.constant 3 : i32
    %and3A_705 = vector.broadcast %and3A_704 : i32 to vector<256x1xi32>
    %and3A_706 = arith.andi %convert_element_type3A_685, %and3A_705 : vector<256x1xi32>
    %convert_element_type3A_707 = arith.extui %and3A_676 : vector<256x1xi1> to vector<256x1xi32>
    %convert_element_type3A_708 = arith.sitofp %convert_element_type3A_707 : vector<256x1xi32> to vector<256x1xf32>
    %mul3A_709 = arith.mulf %mul3A_492, %convert_element_type3A_708 : vector<256x1xf32>
    %mul3A_710 = arith.constant 0.333333343 : f32
    %mul3A_711 = vector.broadcast %mul3A_710 : f32 to vector<256x1xf32>
    %mul3A_712 = arith.mulf %mul3A_709, %mul3A_711 : vector<256x1xf32>
    %eq3A_713 = arith.constant 0 : i32
    %eq3A_714 = vector.broadcast %eq3A_713 : i32 to vector<256x1xi32>
    %eq3A_715 = arith.cmpi eq, %and3A_706, %eq3A_714 : vector<256x1xi32>
    %convert_element_type3A_716 = arith.extui %eq3A_715 : vector<256x1xi1> to vector<256x1xi32>
    %convert_element_type3A_717 = arith.sitofp %convert_element_type3A_716 : vector<256x1xi32> to vector<256x1xf32>
    %mul3A_718 = arith.mulf %mul3A_712, %convert_element_type3A_717 : vector<256x1xf32>
    %eq3A_719 = arith.constant 1 : i32
    %eq3A_720 = vector.broadcast %eq3A_719 : i32 to vector<256x1xi32>
    %eq3A_721 = arith.cmpi eq, %and3A_706, %eq3A_720 : vector<256x1xi32>
    %convert_element_type3A_722 = arith.extui %eq3A_721 : vector<256x1xi1> to vector<256x1xi32>
    %convert_element_type3A_723 = arith.sitofp %convert_element_type3A_722 : vector<256x1xi32> to vector<256x1xf32>
    %mul3A_724 = arith.mulf %mul3A_712, %convert_element_type3A_723 : vector<256x1xf32>
    %eq3A_725 = arith.constant 2 : i32
    %eq3A_726 = vector.broadcast %eq3A_725 : i32 to vector<256x1xi32>
    %eq3A_727 = arith.cmpi eq, %and3A_706, %eq3A_726 : vector<256x1xi32>
    %convert_element_type3A_728 = arith.extui %eq3A_727 : vector<256x1xi1> to vector<256x1xi32>
    %convert_element_type3A_729 = arith.sitofp %convert_element_type3A_728 : vector<256x1xi32> to vector<256x1xf32>
    %mul3A_730 = arith.mulf %mul3A_712, %convert_element_type3A_729 : vector<256x1xf32>
    %eq3A_731 = arith.constant 3 : i32
    %eq3A_732 = vector.broadcast %eq3A_731 : i32 to vector<256x1xi32>
    %eq3A_733 = arith.cmpi eq, %and3A_706, %eq3A_732 : vector<256x1xi32>
    %convert_element_type3A_734 = arith.extui %eq3A_733 : vector<256x1xi1> to vector<256x1xi32>
    %convert_element_type3A_735 = arith.sitofp %convert_element_type3A_734 : vector<256x1xi32> to vector<256x1xf32>
    %mul3A_736 = arith.mulf %mul3A_712, %convert_element_type3A_735 : vector<256x1xf32>
    %add3A_737 = arith.constant 1.000000e+00 : f32
    %add3A_738 = vector.broadcast %add3A_737 : f32 to vector<256x1xf32>
    %add3A_739 = arith.addf %floor3A_468, %add3A_738 : vector<256x1xf32>
    %add3A_740 = arith.constant 1.000000e+00 : f32
    %add3A_741 = vector.broadcast %add3A_740 : f32 to vector<256x1xf32>
    %add3A_742 = arith.addf %floor3A_469, %add3A_741 : vector<256x1xf32>
    %ge3A_743 = arith.constant 0.000000e+00 : f32
    %ge3A_744 = vector.broadcast %ge3A_743 : f32 to vector<256x1xf32>
    %ge3A_745 = arith.cmpf oge, %add3A_739, %ge3A_744 : vector<256x1xf32>
    %lt3A_746 = arith.constant 2.560000e+02 : f32
    %lt3A_747 = vector.broadcast %lt3A_746 : f32 to vector<256x1xf32>
    %lt3A_748 = arith.cmpf olt, %add3A_739, %lt3A_747 : vector<256x1xf32>
    %and3A_749 = arith.andi %ge3A_745, %lt3A_748 : vector<256x1xi1>
    %ge3A_750 = arith.constant 0.000000e+00 : f32
    %ge3A_751 = vector.broadcast %ge3A_750 : f32 to vector<256x1xf32>
    %ge3A_752 = arith.cmpf oge, %add3A_742, %ge3A_751 : vector<256x1xf32>
    %and3A_753 = arith.andi %and3A_749, %ge3A_752 : vector<256x1xi1>
    %lt3A_754 = arith.constant 2.560000e+02 : f32
    %lt3A_755 = vector.broadcast %lt3A_754 : f32 to vector<256x1xf32>
    %lt3A_756 = arith.cmpf olt, %add3A_742, %lt3A_755 : vector<256x1xf32>
    %and3A_757 = arith.andi %and3A_753, %lt3A_756 : vector<256x1xi1>
    %jit3A_758 = arith.constant 0 : i32
    %jit3A_759 = arith.constant 255 : i32
    %convert_element_type3A_760 = arith.sitofp %jit3A_758 : i32 to f32
    %max3A_761 = vector.broadcast %convert_element_type3A_760 : f32 to vector<256x1xf32>
    %max3A_762 = arith.maximumf %max3A_761, %add3A_739 : vector<256x1xf32>
    %convert_element_type3A_763 = arith.sitofp %jit3A_759 : i32 to f32
    %min3A_764 = vector.broadcast %convert_element_type3A_763 : f32 to vector<256x1xf32>
    %min3A_765 = arith.minimumf %min3A_764, %max3A_762 : vector<256x1xf32>
    %convert_element_type3A_766 = arith.fptosi %min3A_765 : vector<256x1xf32> to vector<256x1xi32>
    %jit3A_767 = arith.constant 0 : i32
    %jit3A_768 = arith.constant 255 : i32
    %convert_element_type3A_769 = arith.sitofp %jit3A_767 : i32 to f32
    %max3A_770 = vector.broadcast %convert_element_type3A_769 : f32 to vector<256x1xf32>
    %max3A_771 = arith.maximumf %max3A_770, %add3A_742 : vector<256x1xf32>
    %convert_element_type3A_772 = arith.sitofp %jit3A_768 : i32 to f32
    %min3A_773 = vector.broadcast %convert_element_type3A_772 : f32 to vector<256x1xf32>
    %min3A_774 = arith.minimumf %min3A_773, %max3A_771 : vector<256x1xf32>
    %convert_element_type3A_775 = arith.fptosi %min3A_774 : vector<256x1xf32> to vector<256x1xi32>
    %mul3A_776 = arith.constant 64 : i32
    %mul3A_777 = vector.broadcast %mul3A_776 : i32 to vector<256x1xi32>
    %mul3A_778 = arith.muli %convert_element_type3A_775, %mul3A_777 : vector<256x1xi32>
    %add3A_779 = vector.broadcast %mul3A_477 : i32 to vector<256x1xi32>
    %add3A_780 = arith.addi %add3A_779, %mul3A_778 : vector<256x1xi32>
    %shift_right_arithmetic3A_781 = arith.constant 2 : i32
    %shift_right_arithmetic3A_782 = vector.broadcast %shift_right_arithmetic3A_781 : i32 to vector<256x1xi32>
    %shift_right_arithmetic3A_783 = arith.shrsi %convert_element_type3A_766, %shift_right_arithmetic3A_782 : vector<256x1xi32>
    %add3A_784 = arith.addi %add3A_780, %shift_right_arithmetic3A_783 : vector<256x1xi32>
    %and3A_785 = arith.constant 3 : i32
    %and3A_786 = vector.broadcast %and3A_785 : i32 to vector<256x1xi32>
    %and3A_787 = arith.andi %convert_element_type3A_766, %and3A_786 : vector<256x1xi32>
    %convert_element_type3A_788 = arith.extui %and3A_757 : vector<256x1xi1> to vector<256x1xi32>
    %convert_element_type3A_789 = arith.sitofp %convert_element_type3A_788 : vector<256x1xi32> to vector<256x1xf32>
    %mul3A_790 = arith.mulf %mul3A_493, %convert_element_type3A_789 : vector<256x1xf32>
    %mul3A_791 = arith.constant 0.333333343 : f32
    %mul3A_792 = vector.broadcast %mul3A_791 : f32 to vector<256x1xf32>
    %mul3A_793 = arith.mulf %mul3A_790, %mul3A_792 : vector<256x1xf32>
    %eq3A_794 = arith.constant 0 : i32
    %eq3A_795 = vector.broadcast %eq3A_794 : i32 to vector<256x1xi32>
    %eq3A_796 = arith.cmpi eq, %and3A_787, %eq3A_795 : vector<256x1xi32>
    %convert_element_type3A_797 = arith.extui %eq3A_796 : vector<256x1xi1> to vector<256x1xi32>
    %convert_element_type3A_798 = arith.sitofp %convert_element_type3A_797 : vector<256x1xi32> to vector<256x1xf32>
    %mul3A_799 = arith.mulf %mul3A_793, %convert_element_type3A_798 : vector<256x1xf32>
    %eq3A_800 = arith.constant 1 : i32
    %eq3A_801 = vector.broadcast %eq3A_800 : i32 to vector<256x1xi32>
    %eq3A_802 = arith.cmpi eq, %and3A_787, %eq3A_801 : vector<256x1xi32>
    %convert_element_type3A_803 = arith.extui %eq3A_802 : vector<256x1xi1> to vector<256x1xi32>
    %convert_element_type3A_804 = arith.sitofp %convert_element_type3A_803 : vector<256x1xi32> to vector<256x1xf32>
    %mul3A_805 = arith.mulf %mul3A_793, %convert_element_type3A_804 : vector<256x1xf32>
    %eq3A_806 = arith.constant 2 : i32
    %eq3A_807 = vector.broadcast %eq3A_806 : i32 to vector<256x1xi32>
    %eq3A_808 = arith.cmpi eq, %and3A_787, %eq3A_807 : vector<256x1xi32>
    %convert_element_type3A_809 = arith.extui %eq3A_808 : vector<256x1xi1> to vector<256x1xi32>
    %convert_element_type3A_810 = arith.sitofp %convert_element_type3A_809 : vector<256x1xi32> to vector<256x1xf32>
    %mul3A_811 = arith.mulf %mul3A_793, %convert_element_type3A_810 : vector<256x1xf32>
    %eq3A_812 = arith.constant 3 : i32
    %eq3A_813 = vector.broadcast %eq3A_812 : i32 to vector<256x1xi32>
    %eq3A_814 = arith.cmpi eq, %and3A_787, %eq3A_813 : vector<256x1xi32>
    %convert_element_type3A_815 = arith.extui %eq3A_814 : vector<256x1xi1> to vector<256x1xi32>
    %convert_element_type3A_816 = arith.sitofp %convert_element_type3A_815 : vector<256x1xi32> to vector<256x1xf32>
    %mul3A_817 = arith.mulf %mul3A_793, %convert_element_type3A_816 : vector<256x1xf32>
    %slice3A_818 = vector.extract_strided_slice %convert_element_type3A_84 {offsets = [0, 2], sizes = [256, 1], strides = [1, 1]} : vector<256x3xf32> to vector<256x1xf32>
    %add3A_819 = arith.constant 1.000000e+00 : f32
    %add3A_820 = vector.broadcast %add3A_819 : f32 to vector<256x1xf32>
    %add3A_821 = arith.addf %slice3A_818, %add3A_820 : vector<256x1xf32>
    %mul3A_822 = arith.constant 1.280000e+02 : f32
    %mul3A_823 = vector.broadcast %mul3A_822 : f32 to vector<256x1xf32>
    %mul3A_824 = arith.mulf %add3A_821, %mul3A_823 : vector<256x1xf32>
    %sub3A_825 = arith.constant 5.000000e-01 : f32
    %sub3A_826 = vector.broadcast %sub3A_825 : f32 to vector<256x1xf32>
    %sub3A_827 = arith.subf %mul3A_824, %sub3A_826 : vector<256x1xf32>
    %slice3A_828 = vector.extract_strided_slice %convert_element_type3A_84 {offsets = [0, 1], sizes = [256, 1], strides = [1, 1]} : vector<256x3xf32> to vector<256x1xf32>
    %add3A_829 = arith.constant 1.000000e+00 : f32
    %add3A_830 = vector.broadcast %add3A_829 : f32 to vector<256x1xf32>
    %add3A_831 = arith.addf %slice3A_828, %add3A_830 : vector<256x1xf32>
    %mul3A_832 = arith.constant 1.280000e+02 : f32
    %mul3A_833 = vector.broadcast %mul3A_832 : f32 to vector<256x1xf32>
    %mul3A_834 = arith.mulf %add3A_831, %mul3A_833 : vector<256x1xf32>
    %sub3A_835 = arith.constant 5.000000e-01 : f32
    %sub3A_836 = vector.broadcast %sub3A_835 : f32 to vector<256x1xf32>
    %sub3A_837 = arith.subf %mul3A_834, %sub3A_836 : vector<256x1xf32>
    %floor3A_838 = math.floor %sub3A_827 : vector<256x1xf32>
    %floor3A_839 = math.floor %sub3A_837 : vector<256x1xf32>
    %sub3A_840 = arith.subf %sub3A_827, %floor3A_838 : vector<256x1xf32>
    %sub3A_841 = arith.subf %sub3A_837, %floor3A_839 : vector<256x1xf32>
    %mul3A_842 = arith.constant 3 : i32
    %mul3A_843 = arith.muli %arg0, %mul3A_842 : i32
    %add3A_844 = arith.constant 2 : i32
    %add3A_845 = arith.addi %mul3A_843, %add3A_844 : i32
    %mul3A_846 = arith.constant 16384 : i32
    %mul3A_847 = arith.muli %add3A_845, %mul3A_846 : i32
    %sub3A_848 = arith.constant 1.000000e+00 : f32
    %sub3A_849 = vector.broadcast %sub3A_848 : f32 to vector<256x1xf32>
    %sub3A_850 = arith.subf %sub3A_849, %sub3A_840 : vector<256x1xf32>
    %sub3A_851 = arith.constant 1.000000e+00 : f32
    %sub3A_852 = vector.broadcast %sub3A_851 : f32 to vector<256x1xf32>
    %sub3A_853 = arith.subf %sub3A_852, %sub3A_841 : vector<256x1xf32>
    %mul3A_854 = arith.mulf %sub3A_850, %sub3A_853 : vector<256x1xf32>
    %sub3A_855 = arith.constant 1.000000e+00 : f32
    %sub3A_856 = vector.broadcast %sub3A_855 : f32 to vector<256x1xf32>
    %sub3A_857 = arith.subf %sub3A_856, %sub3A_841 : vector<256x1xf32>
    %mul3A_858 = arith.mulf %sub3A_840, %sub3A_857 : vector<256x1xf32>
    %sub3A_859 = arith.constant 1.000000e+00 : f32
    %sub3A_860 = vector.broadcast %sub3A_859 : f32 to vector<256x1xf32>
    %sub3A_861 = arith.subf %sub3A_860, %sub3A_840 : vector<256x1xf32>
    %mul3A_862 = arith.mulf %sub3A_861, %sub3A_841 : vector<256x1xf32>
    %mul3A_863 = arith.mulf %sub3A_840, %sub3A_841 : vector<256x1xf32>
    %add3A_864 = arith.constant 0.000000e+00 : f32
    %add3A_865 = vector.broadcast %add3A_864 : f32 to vector<256x1xf32>
    %add3A_866 = arith.addf %floor3A_838, %add3A_865 : vector<256x1xf32>
    %add3A_867 = arith.constant 0.000000e+00 : f32
    %add3A_868 = vector.broadcast %add3A_867 : f32 to vector<256x1xf32>
    %add3A_869 = arith.addf %floor3A_839, %add3A_868 : vector<256x1xf32>
    %ge3A_870 = arith.constant 0.000000e+00 : f32
    %ge3A_871 = vector.broadcast %ge3A_870 : f32 to vector<256x1xf32>
    %ge3A_872 = arith.cmpf oge, %add3A_866, %ge3A_871 : vector<256x1xf32>
    %lt3A_873 = arith.constant 2.560000e+02 : f32
    %lt3A_874 = vector.broadcast %lt3A_873 : f32 to vector<256x1xf32>
    %lt3A_875 = arith.cmpf olt, %add3A_866, %lt3A_874 : vector<256x1xf32>
    %and3A_876 = arith.andi %ge3A_872, %lt3A_875 : vector<256x1xi1>
    %ge3A_877 = arith.constant 0.000000e+00 : f32
    %ge3A_878 = vector.broadcast %ge3A_877 : f32 to vector<256x1xf32>
    %ge3A_879 = arith.cmpf oge, %add3A_869, %ge3A_878 : vector<256x1xf32>
    %and3A_880 = arith.andi %and3A_876, %ge3A_879 : vector<256x1xi1>
    %lt3A_881 = arith.constant 2.560000e+02 : f32
    %lt3A_882 = vector.broadcast %lt3A_881 : f32 to vector<256x1xf32>
    %lt3A_883 = arith.cmpf olt, %add3A_869, %lt3A_882 : vector<256x1xf32>
    %and3A_884 = arith.andi %and3A_880, %lt3A_883 : vector<256x1xi1>
    %jit3A_885 = arith.constant 0 : i32
    %jit3A_886 = arith.constant 255 : i32
    %convert_element_type3A_887 = arith.sitofp %jit3A_885 : i32 to f32
    %max3A_888 = vector.broadcast %convert_element_type3A_887 : f32 to vector<256x1xf32>
    %max3A_889 = arith.maximumf %max3A_888, %add3A_866 : vector<256x1xf32>
    %convert_element_type3A_890 = arith.sitofp %jit3A_886 : i32 to f32
    %min3A_891 = vector.broadcast %convert_element_type3A_890 : f32 to vector<256x1xf32>
    %min3A_892 = arith.minimumf %min3A_891, %max3A_889 : vector<256x1xf32>
    %convert_element_type3A_893 = arith.fptosi %min3A_892 : vector<256x1xf32> to vector<256x1xi32>
    %jit3A_894 = arith.constant 0 : i32
    %jit3A_895 = arith.constant 255 : i32
    %convert_element_type3A_896 = arith.sitofp %jit3A_894 : i32 to f32
    %max3A_897 = vector.broadcast %convert_element_type3A_896 : f32 to vector<256x1xf32>
    %max3A_898 = arith.maximumf %max3A_897, %add3A_869 : vector<256x1xf32>
    %convert_element_type3A_899 = arith.sitofp %jit3A_895 : i32 to f32
    %min3A_900 = vector.broadcast %convert_element_type3A_899 : f32 to vector<256x1xf32>
    %min3A_901 = arith.minimumf %min3A_900, %max3A_898 : vector<256x1xf32>
    %convert_element_type3A_902 = arith.fptosi %min3A_901 : vector<256x1xf32> to vector<256x1xi32>
    %mul3A_903 = arith.constant 64 : i32
    %mul3A_904 = vector.broadcast %mul3A_903 : i32 to vector<256x1xi32>
    %mul3A_905 = arith.muli %convert_element_type3A_902, %mul3A_904 : vector<256x1xi32>
    %add3A_906 = vector.broadcast %mul3A_847 : i32 to vector<256x1xi32>
    %add3A_907 = arith.addi %add3A_906, %mul3A_905 : vector<256x1xi32>
    %shift_right_arithmetic3A_908 = arith.constant 2 : i32
    %shift_right_arithmetic3A_909 = vector.broadcast %shift_right_arithmetic3A_908 : i32 to vector<256x1xi32>
    %shift_right_arithmetic3A_910 = arith.shrsi %convert_element_type3A_893, %shift_right_arithmetic3A_909 : vector<256x1xi32>
    %add3A_911 = arith.addi %add3A_907, %shift_right_arithmetic3A_910 : vector<256x1xi32>
    %and3A_912 = arith.constant 3 : i32
    %and3A_913 = vector.broadcast %and3A_912 : i32 to vector<256x1xi32>
    %and3A_914 = arith.andi %convert_element_type3A_893, %and3A_913 : vector<256x1xi32>
    %convert_element_type3A_915 = arith.extui %and3A_884 : vector<256x1xi1> to vector<256x1xi32>
    %convert_element_type3A_916 = arith.sitofp %convert_element_type3A_915 : vector<256x1xi32> to vector<256x1xf32>
    %mul3A_917 = arith.mulf %mul3A_854, %convert_element_type3A_916 : vector<256x1xf32>
    %mul3A_918 = arith.constant 0.333333343 : f32
    %mul3A_919 = vector.broadcast %mul3A_918 : f32 to vector<256x1xf32>
    %mul3A_920 = arith.mulf %mul3A_917, %mul3A_919 : vector<256x1xf32>
    %eq3A_921 = arith.constant 0 : i32
    %eq3A_922 = vector.broadcast %eq3A_921 : i32 to vector<256x1xi32>
    %eq3A_923 = arith.cmpi eq, %and3A_914, %eq3A_922 : vector<256x1xi32>
    %convert_element_type3A_924 = arith.extui %eq3A_923 : vector<256x1xi1> to vector<256x1xi32>
    %convert_element_type3A_925 = arith.sitofp %convert_element_type3A_924 : vector<256x1xi32> to vector<256x1xf32>
    %mul3A_926 = arith.mulf %mul3A_920, %convert_element_type3A_925 : vector<256x1xf32>
    %eq3A_927 = arith.constant 1 : i32
    %eq3A_928 = vector.broadcast %eq3A_927 : i32 to vector<256x1xi32>
    %eq3A_929 = arith.cmpi eq, %and3A_914, %eq3A_928 : vector<256x1xi32>
    %convert_element_type3A_930 = arith.extui %eq3A_929 : vector<256x1xi1> to vector<256x1xi32>
    %convert_element_type3A_931 = arith.sitofp %convert_element_type3A_930 : vector<256x1xi32> to vector<256x1xf32>
    %mul3A_932 = arith.mulf %mul3A_920, %convert_element_type3A_931 : vector<256x1xf32>
    %eq3A_933 = arith.constant 2 : i32
    %eq3A_934 = vector.broadcast %eq3A_933 : i32 to vector<256x1xi32>
    %eq3A_935 = arith.cmpi eq, %and3A_914, %eq3A_934 : vector<256x1xi32>
    %convert_element_type3A_936 = arith.extui %eq3A_935 : vector<256x1xi1> to vector<256x1xi32>
    %convert_element_type3A_937 = arith.sitofp %convert_element_type3A_936 : vector<256x1xi32> to vector<256x1xf32>
    %mul3A_938 = arith.mulf %mul3A_920, %convert_element_type3A_937 : vector<256x1xf32>
    %eq3A_939 = arith.constant 3 : i32
    %eq3A_940 = vector.broadcast %eq3A_939 : i32 to vector<256x1xi32>
    %eq3A_941 = arith.cmpi eq, %and3A_914, %eq3A_940 : vector<256x1xi32>
    %convert_element_type3A_942 = arith.extui %eq3A_941 : vector<256x1xi1> to vector<256x1xi32>
    %convert_element_type3A_943 = arith.sitofp %convert_element_type3A_942 : vector<256x1xi32> to vector<256x1xf32>
    %mul3A_944 = arith.mulf %mul3A_920, %convert_element_type3A_943 : vector<256x1xf32>
    %add3A_945 = arith.constant 1.000000e+00 : f32
    %add3A_946 = vector.broadcast %add3A_945 : f32 to vector<256x1xf32>
    %add3A_947 = arith.addf %floor3A_838, %add3A_946 : vector<256x1xf32>
    %add3A_948 = arith.constant 0.000000e+00 : f32
    %add3A_949 = vector.broadcast %add3A_948 : f32 to vector<256x1xf32>
    %add3A_950 = arith.addf %floor3A_839, %add3A_949 : vector<256x1xf32>
    %ge3A_951 = arith.constant 0.000000e+00 : f32
    %ge3A_952 = vector.broadcast %ge3A_951 : f32 to vector<256x1xf32>
    %ge3A_953 = arith.cmpf oge, %add3A_947, %ge3A_952 : vector<256x1xf32>
    %lt3A_954 = arith.constant 2.560000e+02 : f32
    %lt3A_955 = vector.broadcast %lt3A_954 : f32 to vector<256x1xf32>
    %lt3A_956 = arith.cmpf olt, %add3A_947, %lt3A_955 : vector<256x1xf32>
    %and3A_957 = arith.andi %ge3A_953, %lt3A_956 : vector<256x1xi1>
    %ge3A_958 = arith.constant 0.000000e+00 : f32
    %ge3A_959 = vector.broadcast %ge3A_958 : f32 to vector<256x1xf32>
    %ge3A_960 = arith.cmpf oge, %add3A_950, %ge3A_959 : vector<256x1xf32>
    %and3A_961 = arith.andi %and3A_957, %ge3A_960 : vector<256x1xi1>
    %lt3A_962 = arith.constant 2.560000e+02 : f32
    %lt3A_963 = vector.broadcast %lt3A_962 : f32 to vector<256x1xf32>
    %lt3A_964 = arith.cmpf olt, %add3A_950, %lt3A_963 : vector<256x1xf32>
    %and3A_965 = arith.andi %and3A_961, %lt3A_964 : vector<256x1xi1>
    %jit3A_966 = arith.constant 0 : i32
    %jit3A_967 = arith.constant 255 : i32
    %convert_element_type3A_968 = arith.sitofp %jit3A_966 : i32 to f32
    %max3A_969 = vector.broadcast %convert_element_type3A_968 : f32 to vector<256x1xf32>
    %max3A_970 = arith.maximumf %max3A_969, %add3A_947 : vector<256x1xf32>
    %convert_element_type3A_971 = arith.sitofp %jit3A_967 : i32 to f32
    %min3A_972 = vector.broadcast %convert_element_type3A_971 : f32 to vector<256x1xf32>
    %min3A_973 = arith.minimumf %min3A_972, %max3A_970 : vector<256x1xf32>
    %convert_element_type3A_974 = arith.fptosi %min3A_973 : vector<256x1xf32> to vector<256x1xi32>
    %jit3A_975 = arith.constant 0 : i32
    %jit3A_976 = arith.constant 255 : i32
    %convert_element_type3A_977 = arith.sitofp %jit3A_975 : i32 to f32
    %max3A_978 = vector.broadcast %convert_element_type3A_977 : f32 to vector<256x1xf32>
    %max3A_979 = arith.maximumf %max3A_978, %add3A_950 : vector<256x1xf32>
    %convert_element_type3A_980 = arith.sitofp %jit3A_976 : i32 to f32
    %min3A_981 = vector.broadcast %convert_element_type3A_980 : f32 to vector<256x1xf32>
    %min3A_982 = arith.minimumf %min3A_981, %max3A_979 : vector<256x1xf32>
    %convert_element_type3A_983 = arith.fptosi %min3A_982 : vector<256x1xf32> to vector<256x1xi32>
    %mul3A_984 = arith.constant 64 : i32
    %mul3A_985 = vector.broadcast %mul3A_984 : i32 to vector<256x1xi32>
    %mul3A_986 = arith.muli %convert_element_type3A_983, %mul3A_985 : vector<256x1xi32>
    %add3A_987 = vector.broadcast %mul3A_847 : i32 to vector<256x1xi32>
    %add3A_988 = arith.addi %add3A_987, %mul3A_986 : vector<256x1xi32>
    %shift_right_arithmetic3A_989 = arith.constant 2 : i32
    %shift_right_arithmetic3A_990 = vector.broadcast %shift_right_arithmetic3A_989 : i32 to vector<256x1xi32>
    %shift_right_arithmetic3A_991 = arith.shrsi %convert_element_type3A_974, %shift_right_arithmetic3A_990 : vector<256x1xi32>
    %add3A_992 = arith.addi %add3A_988, %shift_right_arithmetic3A_991 : vector<256x1xi32>
    %and3A_993 = arith.constant 3 : i32
    %and3A_994 = vector.broadcast %and3A_993 : i32 to vector<256x1xi32>
    %and3A_995 = arith.andi %convert_element_type3A_974, %and3A_994 : vector<256x1xi32>
    %convert_element_type3A_996 = arith.extui %and3A_965 : vector<256x1xi1> to vector<256x1xi32>
    %convert_element_type3A_997 = arith.sitofp %convert_element_type3A_996 : vector<256x1xi32> to vector<256x1xf32>
    %mul3A_998 = arith.mulf %mul3A_858, %convert_element_type3A_997 : vector<256x1xf32>
    %mul3A_999 = arith.constant 0.333333343 : f32
    %mul3A_1000 = vector.broadcast %mul3A_999 : f32 to vector<256x1xf32>
    %mul3A_1001 = arith.mulf %mul3A_998, %mul3A_1000 : vector<256x1xf32>
    %eq3A_1002 = arith.constant 0 : i32
    %eq3A_1003 = vector.broadcast %eq3A_1002 : i32 to vector<256x1xi32>
    %eq3A_1004 = arith.cmpi eq, %and3A_995, %eq3A_1003 : vector<256x1xi32>
    %convert_element_type3A_1005 = arith.extui %eq3A_1004 : vector<256x1xi1> to vector<256x1xi32>
    %convert_element_type3A_1006 = arith.sitofp %convert_element_type3A_1005 : vector<256x1xi32> to vector<256x1xf32>
    %mul3A_1007 = arith.mulf %mul3A_1001, %convert_element_type3A_1006 : vector<256x1xf32>
    %eq3A_1008 = arith.constant 1 : i32
    %eq3A_1009 = vector.broadcast %eq3A_1008 : i32 to vector<256x1xi32>
    %eq3A_1010 = arith.cmpi eq, %and3A_995, %eq3A_1009 : vector<256x1xi32>
    %convert_element_type3A_1011 = arith.extui %eq3A_1010 : vector<256x1xi1> to vector<256x1xi32>
    %convert_element_type3A_1012 = arith.sitofp %convert_element_type3A_1011 : vector<256x1xi32> to vector<256x1xf32>
    %mul3A_1013 = arith.mulf %mul3A_1001, %convert_element_type3A_1012 : vector<256x1xf32>
    %eq3A_1014 = arith.constant 2 : i32
    %eq3A_1015 = vector.broadcast %eq3A_1014 : i32 to vector<256x1xi32>
    %eq3A_1016 = arith.cmpi eq, %and3A_995, %eq3A_1015 : vector<256x1xi32>
    %convert_element_type3A_1017 = arith.extui %eq3A_1016 : vector<256x1xi1> to vector<256x1xi32>
    %convert_element_type3A_1018 = arith.sitofp %convert_element_type3A_1017 : vector<256x1xi32> to vector<256x1xf32>
    %mul3A_1019 = arith.mulf %mul3A_1001, %convert_element_type3A_1018 : vector<256x1xf32>
    %eq3A_1020 = arith.constant 3 : i32
    %eq3A_1021 = vector.broadcast %eq3A_1020 : i32 to vector<256x1xi32>
    %eq3A_1022 = arith.cmpi eq, %and3A_995, %eq3A_1021 : vector<256x1xi32>
    %convert_element_type3A_1023 = arith.extui %eq3A_1022 : vector<256x1xi1> to vector<256x1xi32>
    %convert_element_type3A_1024 = arith.sitofp %convert_element_type3A_1023 : vector<256x1xi32> to vector<256x1xf32>
    %mul3A_1025 = arith.mulf %mul3A_1001, %convert_element_type3A_1024 : vector<256x1xf32>
    %add3A_1026 = arith.constant 0.000000e+00 : f32
    %add3A_1027 = vector.broadcast %add3A_1026 : f32 to vector<256x1xf32>
    %add3A_1028 = arith.addf %floor3A_838, %add3A_1027 : vector<256x1xf32>
    %add3A_1029 = arith.constant 1.000000e+00 : f32
    %add3A_1030 = vector.broadcast %add3A_1029 : f32 to vector<256x1xf32>
    %add3A_1031 = arith.addf %floor3A_839, %add3A_1030 : vector<256x1xf32>
    %ge3A_1032 = arith.constant 0.000000e+00 : f32
    %ge3A_1033 = vector.broadcast %ge3A_1032 : f32 to vector<256x1xf32>
    %ge3A_1034 = arith.cmpf oge, %add3A_1028, %ge3A_1033 : vector<256x1xf32>
    %lt3A_1035 = arith.constant 2.560000e+02 : f32
    %lt3A_1036 = vector.broadcast %lt3A_1035 : f32 to vector<256x1xf32>
    %lt3A_1037 = arith.cmpf olt, %add3A_1028, %lt3A_1036 : vector<256x1xf32>
    %and3A_1038 = arith.andi %ge3A_1034, %lt3A_1037 : vector<256x1xi1>
    %ge3A_1039 = arith.constant 0.000000e+00 : f32
    %ge3A_1040 = vector.broadcast %ge3A_1039 : f32 to vector<256x1xf32>
    %ge3A_1041 = arith.cmpf oge, %add3A_1031, %ge3A_1040 : vector<256x1xf32>
    %and3A_1042 = arith.andi %and3A_1038, %ge3A_1041 : vector<256x1xi1>
    %lt3A_1043 = arith.constant 2.560000e+02 : f32
    %lt3A_1044 = vector.broadcast %lt3A_1043 : f32 to vector<256x1xf32>
    %lt3A_1045 = arith.cmpf olt, %add3A_1031, %lt3A_1044 : vector<256x1xf32>
    %and3A_1046 = arith.andi %and3A_1042, %lt3A_1045 : vector<256x1xi1>
    %jit3A_1047 = arith.constant 0 : i32
    %jit3A_1048 = arith.constant 255 : i32
    %convert_element_type3A_1049 = arith.sitofp %jit3A_1047 : i32 to f32
    %max3A_1050 = vector.broadcast %convert_element_type3A_1049 : f32 to vector<256x1xf32>
    %max3A_1051 = arith.maximumf %max3A_1050, %add3A_1028 : vector<256x1xf32>
    %convert_element_type3A_1052 = arith.sitofp %jit3A_1048 : i32 to f32
    %min3A_1053 = vector.broadcast %convert_element_type3A_1052 : f32 to vector<256x1xf32>
    %min3A_1054 = arith.minimumf %min3A_1053, %max3A_1051 : vector<256x1xf32>
    %convert_element_type3A_1055 = arith.fptosi %min3A_1054 : vector<256x1xf32> to vector<256x1xi32>
    %jit3A_1056 = arith.constant 0 : i32
    %jit3A_1057 = arith.constant 255 : i32
    %convert_element_type3A_1058 = arith.sitofp %jit3A_1056 : i32 to f32
    %max3A_1059 = vector.broadcast %convert_element_type3A_1058 : f32 to vector<256x1xf32>
    %max3A_1060 = arith.maximumf %max3A_1059, %add3A_1031 : vector<256x1xf32>
    %convert_element_type3A_1061 = arith.sitofp %jit3A_1057 : i32 to f32
    %min3A_1062 = vector.broadcast %convert_element_type3A_1061 : f32 to vector<256x1xf32>
    %min3A_1063 = arith.minimumf %min3A_1062, %max3A_1060 : vector<256x1xf32>
    %convert_element_type3A_1064 = arith.fptosi %min3A_1063 : vector<256x1xf32> to vector<256x1xi32>
    %mul3A_1065 = arith.constant 64 : i32
    %mul3A_1066 = vector.broadcast %mul3A_1065 : i32 to vector<256x1xi32>
    %mul3A_1067 = arith.muli %convert_element_type3A_1064, %mul3A_1066 : vector<256x1xi32>
    %add3A_1068 = vector.broadcast %mul3A_847 : i32 to vector<256x1xi32>
    %add3A_1069 = arith.addi %add3A_1068, %mul3A_1067 : vector<256x1xi32>
    %shift_right_arithmetic3A_1070 = arith.constant 2 : i32
    %shift_right_arithmetic3A_1071 = vector.broadcast %shift_right_arithmetic3A_1070 : i32 to vector<256x1xi32>
    %shift_right_arithmetic3A_1072 = arith.shrsi %convert_element_type3A_1055, %shift_right_arithmetic3A_1071 : vector<256x1xi32>
    %add3A_1073 = arith.addi %add3A_1069, %shift_right_arithmetic3A_1072 : vector<256x1xi32>
    %and3A_1074 = arith.constant 3 : i32
    %and3A_1075 = vector.broadcast %and3A_1074 : i32 to vector<256x1xi32>
    %and3A_1076 = arith.andi %convert_element_type3A_1055, %and3A_1075 : vector<256x1xi32>
    %convert_element_type3A_1077 = arith.extui %and3A_1046 : vector<256x1xi1> to vector<256x1xi32>
    %convert_element_type3A_1078 = arith.sitofp %convert_element_type3A_1077 : vector<256x1xi32> to vector<256x1xf32>
    %mul3A_1079 = arith.mulf %mul3A_862, %convert_element_type3A_1078 : vector<256x1xf32>
    %mul3A_1080 = arith.constant 0.333333343 : f32
    %mul3A_1081 = vector.broadcast %mul3A_1080 : f32 to vector<256x1xf32>
    %mul3A_1082 = arith.mulf %mul3A_1079, %mul3A_1081 : vector<256x1xf32>
    %eq3A_1083 = arith.constant 0 : i32
    %eq3A_1084 = vector.broadcast %eq3A_1083 : i32 to vector<256x1xi32>
    %eq3A_1085 = arith.cmpi eq, %and3A_1076, %eq3A_1084 : vector<256x1xi32>
    %convert_element_type3A_1086 = arith.extui %eq3A_1085 : vector<256x1xi1> to vector<256x1xi32>
    %convert_element_type3A_1087 = arith.sitofp %convert_element_type3A_1086 : vector<256x1xi32> to vector<256x1xf32>
    %mul3A_1088 = arith.mulf %mul3A_1082, %convert_element_type3A_1087 : vector<256x1xf32>
    %eq3A_1089 = arith.constant 1 : i32
    %eq3A_1090 = vector.broadcast %eq3A_1089 : i32 to vector<256x1xi32>
    %eq3A_1091 = arith.cmpi eq, %and3A_1076, %eq3A_1090 : vector<256x1xi32>
    %convert_element_type3A_1092 = arith.extui %eq3A_1091 : vector<256x1xi1> to vector<256x1xi32>
    %convert_element_type3A_1093 = arith.sitofp %convert_element_type3A_1092 : vector<256x1xi32> to vector<256x1xf32>
    %mul3A_1094 = arith.mulf %mul3A_1082, %convert_element_type3A_1093 : vector<256x1xf32>
    %eq3A_1095 = arith.constant 2 : i32
    %eq3A_1096 = vector.broadcast %eq3A_1095 : i32 to vector<256x1xi32>
    %eq3A_1097 = arith.cmpi eq, %and3A_1076, %eq3A_1096 : vector<256x1xi32>
    %convert_element_type3A_1098 = arith.extui %eq3A_1097 : vector<256x1xi1> to vector<256x1xi32>
    %convert_element_type3A_1099 = arith.sitofp %convert_element_type3A_1098 : vector<256x1xi32> to vector<256x1xf32>
    %mul3A_1100 = arith.mulf %mul3A_1082, %convert_element_type3A_1099 : vector<256x1xf32>
    %eq3A_1101 = arith.constant 3 : i32
    %eq3A_1102 = vector.broadcast %eq3A_1101 : i32 to vector<256x1xi32>
    %eq3A_1103 = arith.cmpi eq, %and3A_1076, %eq3A_1102 : vector<256x1xi32>
    %convert_element_type3A_1104 = arith.extui %eq3A_1103 : vector<256x1xi1> to vector<256x1xi32>
    %convert_element_type3A_1105 = arith.sitofp %convert_element_type3A_1104 : vector<256x1xi32> to vector<256x1xf32>
    %mul3A_1106 = arith.mulf %mul3A_1082, %convert_element_type3A_1105 : vector<256x1xf32>
    %add3A_1107 = arith.constant 1.000000e+00 : f32
    %add3A_1108 = vector.broadcast %add3A_1107 : f32 to vector<256x1xf32>
    %add3A_1109 = arith.addf %floor3A_838, %add3A_1108 : vector<256x1xf32>
    %add3A_1110 = arith.constant 1.000000e+00 : f32
    %add3A_1111 = vector.broadcast %add3A_1110 : f32 to vector<256x1xf32>
    %add3A_1112 = arith.addf %floor3A_839, %add3A_1111 : vector<256x1xf32>
    %ge3A_1113 = arith.constant 0.000000e+00 : f32
    %ge3A_1114 = vector.broadcast %ge3A_1113 : f32 to vector<256x1xf32>
    %ge3A_1115 = arith.cmpf oge, %add3A_1109, %ge3A_1114 : vector<256x1xf32>
    %lt3A_1116 = arith.constant 2.560000e+02 : f32
    %lt3A_1117 = vector.broadcast %lt3A_1116 : f32 to vector<256x1xf32>
    %lt3A_1118 = arith.cmpf olt, %add3A_1109, %lt3A_1117 : vector<256x1xf32>
    %and3A_1119 = arith.andi %ge3A_1115, %lt3A_1118 : vector<256x1xi1>
    %ge3A_1120 = arith.constant 0.000000e+00 : f32
    %ge3A_1121 = vector.broadcast %ge3A_1120 : f32 to vector<256x1xf32>
    %ge3A_1122 = arith.cmpf oge, %add3A_1112, %ge3A_1121 : vector<256x1xf32>
    %and3A_1123 = arith.andi %and3A_1119, %ge3A_1122 : vector<256x1xi1>
    %lt3A_1124 = arith.constant 2.560000e+02 : f32
    %lt3A_1125 = vector.broadcast %lt3A_1124 : f32 to vector<256x1xf32>
    %lt3A_1126 = arith.cmpf olt, %add3A_1112, %lt3A_1125 : vector<256x1xf32>
    %and3A_1127 = arith.andi %and3A_1123, %lt3A_1126 : vector<256x1xi1>
    %jit3A_1128 = arith.constant 0 : i32
    %jit3A_1129 = arith.constant 255 : i32
    %convert_element_type3A_1130 = arith.sitofp %jit3A_1128 : i32 to f32
    %max3A_1131 = vector.broadcast %convert_element_type3A_1130 : f32 to vector<256x1xf32>
    %max3A_1132 = arith.maximumf %max3A_1131, %add3A_1109 : vector<256x1xf32>
    %convert_element_type3A_1133 = arith.sitofp %jit3A_1129 : i32 to f32
    %min3A_1134 = vector.broadcast %convert_element_type3A_1133 : f32 to vector<256x1xf32>
    %min3A_1135 = arith.minimumf %min3A_1134, %max3A_1132 : vector<256x1xf32>
    %convert_element_type3A_1136 = arith.fptosi %min3A_1135 : vector<256x1xf32> to vector<256x1xi32>
    %jit3A_1137 = arith.constant 0 : i32
    %jit3A_1138 = arith.constant 255 : i32
    %convert_element_type3A_1139 = arith.sitofp %jit3A_1137 : i32 to f32
    %max3A_1140 = vector.broadcast %convert_element_type3A_1139 : f32 to vector<256x1xf32>
    %max3A_1141 = arith.maximumf %max3A_1140, %add3A_1112 : vector<256x1xf32>
    %convert_element_type3A_1142 = arith.sitofp %jit3A_1138 : i32 to f32
    %min3A_1143 = vector.broadcast %convert_element_type3A_1142 : f32 to vector<256x1xf32>
    %min3A_1144 = arith.minimumf %min3A_1143, %max3A_1141 : vector<256x1xf32>
    %convert_element_type3A_1145 = arith.fptosi %min3A_1144 : vector<256x1xf32> to vector<256x1xi32>
    %mul3A_1146 = arith.constant 64 : i32
    %mul3A_1147 = vector.broadcast %mul3A_1146 : i32 to vector<256x1xi32>
    %mul3A_1148 = arith.muli %convert_element_type3A_1145, %mul3A_1147 : vector<256x1xi32>
    %add3A_1149 = vector.broadcast %mul3A_847 : i32 to vector<256x1xi32>
    %add3A_1150 = arith.addi %add3A_1149, %mul3A_1148 : vector<256x1xi32>
    %shift_right_arithmetic3A_1151 = arith.constant 2 : i32
    %shift_right_arithmetic3A_1152 = vector.broadcast %shift_right_arithmetic3A_1151 : i32 to vector<256x1xi32>
    %shift_right_arithmetic3A_1153 = arith.shrsi %convert_element_type3A_1136, %shift_right_arithmetic3A_1152 : vector<256x1xi32>
    %add3A_1154 = arith.addi %add3A_1150, %shift_right_arithmetic3A_1153 : vector<256x1xi32>
    %and3A_1155 = arith.constant 3 : i32
    %and3A_1156 = vector.broadcast %and3A_1155 : i32 to vector<256x1xi32>
    %and3A_1157 = arith.andi %convert_element_type3A_1136, %and3A_1156 : vector<256x1xi32>
    %convert_element_type3A_1158 = arith.extui %and3A_1127 : vector<256x1xi1> to vector<256x1xi32>
    %convert_element_type3A_1159 = arith.sitofp %convert_element_type3A_1158 : vector<256x1xi32> to vector<256x1xf32>
    %mul3A_1160 = arith.mulf %mul3A_863, %convert_element_type3A_1159 : vector<256x1xf32>
    %mul3A_1161 = arith.constant 0.333333343 : f32
    %mul3A_1162 = vector.broadcast %mul3A_1161 : f32 to vector<256x1xf32>
    %mul3A_1163 = arith.mulf %mul3A_1160, %mul3A_1162 : vector<256x1xf32>
    %eq3A_1164 = arith.constant 0 : i32
    %eq3A_1165 = vector.broadcast %eq3A_1164 : i32 to vector<256x1xi32>
    %eq3A_1166 = arith.cmpi eq, %and3A_1157, %eq3A_1165 : vector<256x1xi32>
    %convert_element_type3A_1167 = arith.extui %eq3A_1166 : vector<256x1xi1> to vector<256x1xi32>
    %convert_element_type3A_1168 = arith.sitofp %convert_element_type3A_1167 : vector<256x1xi32> to vector<256x1xf32>
    %mul3A_1169 = arith.mulf %mul3A_1163, %convert_element_type3A_1168 : vector<256x1xf32>
    %eq3A_1170 = arith.constant 1 : i32
    %eq3A_1171 = vector.broadcast %eq3A_1170 : i32 to vector<256x1xi32>
    %eq3A_1172 = arith.cmpi eq, %and3A_1157, %eq3A_1171 : vector<256x1xi32>
    %convert_element_type3A_1173 = arith.extui %eq3A_1172 : vector<256x1xi1> to vector<256x1xi32>
    %convert_element_type3A_1174 = arith.sitofp %convert_element_type3A_1173 : vector<256x1xi32> to vector<256x1xf32>
    %mul3A_1175 = arith.mulf %mul3A_1163, %convert_element_type3A_1174 : vector<256x1xf32>
    %eq3A_1176 = arith.constant 2 : i32
    %eq3A_1177 = vector.broadcast %eq3A_1176 : i32 to vector<256x1xi32>
    %eq3A_1178 = arith.cmpi eq, %and3A_1157, %eq3A_1177 : vector<256x1xi32>
    %convert_element_type3A_1179 = arith.extui %eq3A_1178 : vector<256x1xi1> to vector<256x1xi32>
    %convert_element_type3A_1180 = arith.sitofp %convert_element_type3A_1179 : vector<256x1xi32> to vector<256x1xf32>
    %mul3A_1181 = arith.mulf %mul3A_1163, %convert_element_type3A_1180 : vector<256x1xf32>
    %eq3A_1182 = arith.constant 3 : i32
    %eq3A_1183 = vector.broadcast %eq3A_1182 : i32 to vector<256x1xi32>
    %eq3A_1184 = arith.cmpi eq, %and3A_1157, %eq3A_1183 : vector<256x1xi32>
    %convert_element_type3A_1185 = arith.extui %eq3A_1184 : vector<256x1xi1> to vector<256x1xi32>
    %convert_element_type3A_1186 = arith.sitofp %convert_element_type3A_1185 : vector<256x1xi32> to vector<256x1xf32>
    %mul3A_1187 = arith.mulf %mul3A_1163, %convert_element_type3A_1186 : vector<256x1xf32>
    %broadcast_in_dim3A_1188 = arith.constant 0 : i32
    %broadcast_in_dim3A_1189 = vector.broadcast %broadcast_in_dim3A_1188 : i32 to vector<256x4xi32>
    %broadcast_in_dim3A_1190 = arith.constant 0.000000e+00 : f32
    %broadcast_in_dim3A_1191 = vector.broadcast %broadcast_in_dim3A_1190 : f32 to vector<256x4xf32>
    %concatenate3A_1192 = tpu.concatenate %add3A_171, %add3A_252, %add3A_333, %add3A_414, %add3A_541, %add3A_622, %add3A_703, %add3A_784, %add3A_911, %add3A_992, %add3A_1073, %add3A_1154, %broadcast_in_dim3A_1189 in 1 : vector<256x1xi32>, vector<256x1xi32>, vector<256x1xi32>, vector<256x1xi32>, vector<256x1xi32>, vector<256x1xi32>, vector<256x1xi32>, vector<256x1xi32>, vector<256x1xi32>, vector<256x1xi32>, vector<256x1xi32>, vector<256x1xi32>, vector<256x4xi32> -> vector<256x16xi32>
    %swap3A_1193 = arith.constant 0 : index
    %swap3A_1194 = arith.constant 0 : index
    %swap3A_1195 = vector.load %arg6[%swap3A_1193, %swap3A_1194] : memref<256x16xi32, #tpu.memory_space<vmem>>, vector<256x16xi32>
    tpu.vector_store %arg6[%swap3A_1193, %swap3A_1194], %concatenate3A_1192 {strides = array<i32>} : memref<256x16xi32, #tpu.memory_space<vmem>>, vector<256x16xi32>,
    %slice3A_1196 = vector.extract_strided_slice %broadcast_in_dim3A_1191 {offsets = [0, 0], sizes = [256, 1], strides = [1, 1]} : vector<256x4xf32> to vector<256x1xf32>
    %slice3A_1197 = vector.extract_strided_slice %broadcast_in_dim3A_1191 {offsets = [0, 0], sizes = [256, 1], strides = [1, 1]} : vector<256x4xf32> to vector<256x1xf32>
    %slice3A_1198 = vector.extract_strided_slice %broadcast_in_dim3A_1191 {offsets = [0, 0], sizes = [256, 1], strides = [1, 1]} : vector<256x4xf32> to vector<256x1xf32>
    %slice3A_1199 = vector.extract_strided_slice %broadcast_in_dim3A_1191 {offsets = [0, 0], sizes = [256, 1], strides = [1, 1]} : vector<256x4xf32> to vector<256x1xf32>
    %concatenate3A_1200 = tpu.concatenate %mul3A_186, %mul3A_267, %mul3A_348, %mul3A_429, %mul3A_556, %mul3A_637, %mul3A_718, %mul3A_799, %mul3A_926, %mul3A_1007, %mul3A_1088, %mul3A_1169, %slice3A_1196, %slice3A_1196, %slice3A_1196, %slice3A_1196, %mul3A_192, %mul3A_273, %mul3A_354, %mul3A_435, %mul3A_562, %mul3A_643, %mul3A_724, %mul3A_805, %mul3A_932, %mul3A_1013, %mul3A_1094, %mul3A_1175, %slice3A_1197, %slice3A_1197, %slice3A_1197, %slice3A_1197, %mul3A_198, %mul3A_279, %mul3A_360, %mul3A_441, %mul3A_568, %mul3A_649, %mul3A_730, %mul3A_811, %mul3A_938, %mul3A_1019, %mul3A_1100, %mul3A_1181, %slice3A_1198, %slice3A_1198, %slice3A_1198, %slice3A_1198, %mul3A_204, %mul3A_285, %mul3A_366, %mul3A_447, %mul3A_574, %mul3A_655, %mul3A_736, %mul3A_817, %mul3A_944, %mul3A_1025, %mul3A_1106, %mul3A_1187, %slice3A_1199, %slice3A_1199, %slice3A_1199, %slice3A_1199 in 1 : vector<256x1xf32>, vector<256x1xf32>, vector<256x1xf32>, vector<256x1xf32>, vector<256x1xf32>, vector<256x1xf32>, vector<256x1xf32>, vector<256x1xf32>, vector<256x1xf32>, vector<256x1xf32>, vector<256x1xf32>, vector<256x1xf32>, vector<256x1xf32>, vector<256x1xf32>, vector<256x1xf32>, vector<256x1xf32>, vector<256x1xf32>, vector<256x1xf32>, vector<256x1xf32>, vector<256x1xf32>, vector<256x1xf32>, vector<256x1xf32>, vector<256x1xf32>, vector<256x1xf32>, vector<256x1xf32>, vector<256x1xf32>, vector<256x1xf32>, vector<256x1xf32>, vector<256x1xf32>, vector<256x1xf32>, vector<256x1xf32>, vector<256x1xf32>, vector<256x1xf32>, vector<256x1xf32>, vector<256x1xf32>, vector<256x1xf32>, vector<256x1xf32>, vector<256x1xf32>, vector<256x1xf32>, vector<256x1xf32>, vector<256x1xf32>, vector<256x1xf32>, vector<256x1xf32>, vector<256x1xf32>, vector<256x1xf32>, vector<256x1xf32>, vector<256x1xf32>, vector<256x1xf32>, vector<256x1xf32>, vector<256x1xf32>, vector<256x1xf32>, vector<256x1xf32>, vector<256x1xf32>, vector<256x1xf32>, vector<256x1xf32>, vector<256x1xf32>, vector<256x1xf32>, vector<256x1xf32>, vector<256x1xf32>, vector<256x1xf32>, vector<256x1xf32>, vector<256x1xf32>, vector<256x1xf32>, vector<256x1xf32> -> vector<256x64xf32>
    %swap3A_1201 = arith.constant 0 : index
    %swap3A_1202 = arith.constant 0 : index
    %swap3A_1203 = vector.load %arg7[%swap3A_1201, %swap3A_1202] : memref<256x64xf32, #tpu.memory_space<vmem>>, vector<256x64xf32>
    tpu.vector_store %arg7[%swap3A_1201, %swap3A_1202], %concatenate3A_1200 {strides = array<i32>} : memref<256x64xf32, #tpu.memory_space<vmem>>, vector<256x64xf32>,
    return
  }
  func.func @transform_0(%arg0: i32, %arg1: i32) -> (i32, i32) {
    %mul3A = arith.constant 8 : i32
    %mul3A_0 = arith.muli %arg0, %mul3A : i32
    %add3A = arith.addi %mul3A_0, %arg1 : i32
    %c0_i32 = arith.constant 0 : i32
    %c0_i32_1 = arith.constant 0 : i32
    return %add3A, %c0_i32 : i32, i32
  }
  func.func @transform_1(%arg0: i32, %arg1: i32) -> (i32, i32, i32) {
    %c0_i32 = arith.constant 0 : i32
    %c0_i32_0 = arith.constant 0 : i32
    %c0_i32_1 = arith.constant 0 : i32
    return %arg0, %c0_i32, %c0_i32_0 : i32, i32, i32
  }
  func.func @transform_2(%arg0: i32, %arg1: i32) -> (i32, i32) {
    %mul3A = arith.constant 8 : i32
    %mul3A_0 = arith.muli %arg0, %mul3A : i32
    %add3A = arith.addi %mul3A_0, %arg1 : i32
    %c0_i32 = arith.constant 0 : i32
    %c0_i32_1 = arith.constant 0 : i32
    return %add3A, %c0_i32 : i32, i32
  }
  func.func @transform_3(%arg0: i32, %arg1: i32) -> (i32, i32) {
    %mul3A = arith.constant 8 : i32
    %mul3A_0 = arith.muli %arg0, %mul3A : i32
    %add3A = arith.addi %mul3A_0, %arg1 : i32
    %c0_i32 = arith.constant 0 : i32
    %c0_i32_1 = arith.constant 0 : i32
    return %add3A, %c0_i32 : i32, i32
  }
  func.func @transform_4(%arg0: i32, %arg1: i32) -> (i32, i32) {
    %mul3A = arith.constant 8 : i32
    %mul3A_0 = arith.muli %arg0, %mul3A : i32
    %add3A = arith.addi %mul3A_0, %arg1 : i32
    %c0_i32 = arith.constant 0 : i32
    %c0_i32_1 = arith.constant 0 : i32
    return %add3A, %c0_i32 : i32, i32
  }
  func.func @transform_5(%arg0: i32, %arg1: i32) -> (i32, i32) {
    %mul3A = arith.constant 8 : i32
    %mul3A_0 = arith.muli %arg0, %mul3A : i32
    %add3A = arith.addi %mul3A_0, %arg1 : i32
    %c0_i32 = arith.constant 0 : i32
    %c0_i32_1 = arith.constant 0 : i32
    return %add3A, %c0_i32 : i32, i32
  }
}

module attributes {stable_mosaic.version = 14 : i64} {
  func.func @_stage_c_body(%arg0: i32, %arg1: memref<512x8xf32, #tpu.memory_space<vmem>>, %arg2: memref<512x8xf32, #tpu.memory_space<vmem>>, %arg3: memref<512x8xf32, #tpu.memory_space<vmem>>, %arg4: memref<512x64xf32, #tpu.memory_space<vmem>>, %arg5: memref<1x1x128xf32, #tpu.memory_space<vmem>>, %arg6: memref<4x512x128xf32, #tpu.memory_space<vmem>>, %arg7: memref<12x512x128xf32, #tpu.memory_space<vmem>>, %arg8: memref<1536x64xf32, #tpu.memory_space<vmem>>, %arg9: memref<80x16xf32, #tpu.memory_space<vmem>>, %arg10: memref<64x32xf32, #tpu.memory_space<vmem>>, %arg11: memref<64x16xf32, #tpu.memory_space<vmem>>, %arg12: memref<64x16xf32, #tpu.memory_space<vmem>>, %arg13: memref<64x3xf32, #tpu.memory_space<vmem>>, %arg14: memref<1x64xf32, #tpu.memory_space<vmem>>, %arg15: memref<32x64xf32, #tpu.memory_space<vmem>>, %arg16: memref<1x32xf32, #tpu.memory_space<vmem>>, %arg17: memref<128x32xf32, #tpu.memory_space<vmem>>, %arg18: memref<128x32xf32, #tpu.memory_space<vmem>>, %arg19: memref<1x128xf32, #tpu.memory_space<vmem>>, %arg20: memref<128x128xf32, #tpu.memory_space<vmem>>, %arg21: memref<1x128xf32, #tpu.memory_space<vmem>>, %arg22: memref<128x128xf32, #tpu.memory_space<vmem>>, %arg23: memref<1x128xf32, #tpu.memory_space<vmem>>, %arg24: memref<8x128xf32, #tpu.memory_space<vmem>>, %arg25: memref<1x8xf32, #tpu.memory_space<vmem>>, %arg26: memref<64x128xf32, #tpu.memory_space<vmem>>, %arg27: memref<64x16xf32, #tpu.memory_space<vmem>>, %arg28: memref<64x16xf32, #tpu.memory_space<vmem>>, %arg29: memref<64x3xf32, #tpu.memory_space<vmem>>, %arg30: memref<1x64xf32, #tpu.memory_space<vmem>>, %arg31: memref<8x64xf32, #tpu.memory_space<vmem>>, %arg32: memref<1x8xf32, #tpu.memory_space<vmem>>, %arg33: memref<512x8xf32, #tpu.memory_space<vmem>>, %arg34: memref<512x8xf32, #tpu.memory_space<vmem>>) attributes {dimension_semantics = [#tpu.dimension_semantics<arbitrary>], iteration_bounds = array<i64: 8>, scalar_prefetch = 0 : i64, scratch_operands = 0 : i64, tpu.core_type = #tpu.core_type<tc>, window_params = [{transform_indices = @transform_0, window_bounds = array<i64: 512, 8>}, {transform_indices = @transform_1, window_bounds = array<i64: 512, 8>}, {transform_indices = @transform_2, window_bounds = array<i64: 512, 8>}, {transform_indices = @transform_3, window_bounds = array<i64: 512, 64>}, {transform_indices = @transform_4, window_bounds = array<i64: 1, 1, 128>}, {transform_indices = @transform_5, window_bounds = array<i64: 4, 512, 128>}, {transform_indices = @transform_6, window_bounds = array<i64: 12, 512, 128>}, {pipeline_mode = #tpu.pipeline_mode<synchronous>, transform_indices = @transform_7, window_bounds = array<i64: 1536, 64>}, {pipeline_mode = #tpu.pipeline_mode<synchronous>, transform_indices = @transform_8, window_bounds = array<i64: 80, 16>}, {pipeline_mode = #tpu.pipeline_mode<synchronous>, transform_indices = @transform_9, window_bounds = array<i64: 64, 32>}, {pipeline_mode = #tpu.pipeline_mode<synchronous>, transform_indices = @transform_10, window_bounds = array<i64: 64, 16>}, {pipeline_mode = #tpu.pipeline_mode<synchronous>, transform_indices = @transform_11, window_bounds = array<i64: 64, 16>}, {pipeline_mode = #tpu.pipeline_mode<synchronous>, transform_indices = @transform_12, window_bounds = array<i64: 64, 3>}, {pipeline_mode = #tpu.pipeline_mode<synchronous>, transform_indices = @transform_13, window_bounds = array<i64: 1, 64>}, {pipeline_mode = #tpu.pipeline_mode<synchronous>, transform_indices = @transform_14, window_bounds = array<i64: 32, 64>}, {pipeline_mode = #tpu.pipeline_mode<synchronous>, transform_indices = @transform_15, window_bounds = array<i64: 1, 32>}, {pipeline_mode = #tpu.pipeline_mode<synchronous>, transform_indices = @transform_16, window_bounds = array<i64: 128, 32>}, {pipeline_mode = #tpu.pipeline_mode<synchronous>, transform_indices = @transform_17, window_bounds = array<i64: 128, 32>}, {pipeline_mode = #tpu.pipeline_mode<synchronous>, transform_indices = @transform_18, window_bounds = array<i64: 1, 128>}, {pipeline_mode = #tpu.pipeline_mode<synchronous>, transform_indices = @transform_19, window_bounds = array<i64: 128, 128>}, {pipeline_mode = #tpu.pipeline_mode<synchronous>, transform_indices = @transform_20, window_bounds = array<i64: 1, 128>}, {pipeline_mode = #tpu.pipeline_mode<synchronous>, transform_indices = @transform_21, window_bounds = array<i64: 128, 128>}, {pipeline_mode = #tpu.pipeline_mode<synchronous>, transform_indices = @transform_22, window_bounds = array<i64: 1, 128>}, {pipeline_mode = #tpu.pipeline_mode<synchronous>, transform_indices = @transform_23, window_bounds = array<i64: 8, 128>}, {pipeline_mode = #tpu.pipeline_mode<synchronous>, transform_indices = @transform_24, window_bounds = array<i64: 1, 8>}, {pipeline_mode = #tpu.pipeline_mode<synchronous>, transform_indices = @transform_25, window_bounds = array<i64: 64, 128>}, {pipeline_mode = #tpu.pipeline_mode<synchronous>, transform_indices = @transform_26, window_bounds = array<i64: 64, 16>}, {pipeline_mode = #tpu.pipeline_mode<synchronous>, transform_indices = @transform_27, window_bounds = array<i64: 64, 16>}, {pipeline_mode = #tpu.pipeline_mode<synchronous>, transform_indices = @transform_28, window_bounds = array<i64: 64, 3>}, {pipeline_mode = #tpu.pipeline_mode<synchronous>, transform_indices = @transform_29, window_bounds = array<i64: 1, 64>}, {pipeline_mode = #tpu.pipeline_mode<synchronous>, transform_indices = @transform_30, window_bounds = array<i64: 8, 64>}, {pipeline_mode = #tpu.pipeline_mode<synchronous>, transform_indices = @transform_31, window_bounds = array<i64: 1, 8>}, {transform_indices = @transform_32, window_bounds = array<i64: 512, 8>}, {transform_indices = @transform_33, window_bounds = array<i64: 512, 8>}]} {
    %get3A = arith.constant 0 : index
    %get3A_0 = arith.constant 0 : index
    %get3A_1 = vector.load %arg1[%get3A, %get3A_0] : memref<512x8xf32, #tpu.memory_space<vmem>>, vector<512x8xf32>
    %slice3A = vector.extract_strided_slice %get3A_1 {offsets = [0, 0], sizes = [512, 3], strides = [1, 1]} : vector<512x8xf32> to vector<512x3xf32>
    %gt3A = arith.constant -1.000000e+00 : f32
    %gt3A_2 = vector.broadcast %gt3A : f32 to vector<512x3xf32>
    %gt3A_3 = arith.cmpf ogt, %slice3A, %gt3A_2 : vector<512x3xf32>
    %lt3A = arith.constant 1.000000e+00 : f32
    %lt3A_4 = vector.broadcast %lt3A : f32 to vector<512x3xf32>
    %lt3A_5 = arith.cmpf olt, %slice3A, %lt3A_4 : vector<512x3xf32>
    %and3A = arith.andi %gt3A_3, %lt3A_5 : vector<512x3xi1>
    %jit3A = arith.constant 1.000000e+00 : f32
    %jit3A_6 = arith.constant 0.000000e+00 : f32
    %broadcast_in_dim3A = vector.broadcast %jit3A : f32 to vector<512x3xf32>
    %broadcast_in_dim3A_7 = vector.broadcast %jit3A_6 : f32 to vector<512x3xf32>
    %select_n3A = arith.select %and3A, %broadcast_in_dim3A, %broadcast_in_dim3A_7 : vector<512x3xi1>, vector<512x3xf32>
    %reduce_min3A = arith.constant dense<0x7F800000> : vector<512xf32>
    %reduce_min3A_8 = vector.multi_reduction <minimumf>, %select_n3A, %reduce_min3A [1] : vector<512x3xf32> to vector<512xf32>
    %broadcast_in_dim3A_9 = vector.shape_cast %reduce_min3A_8 : vector<512xf32> to vector<512x1xf32>
    %get3A_10 = arith.constant 0 : index
    %get3A_11 = arith.constant 0 : index
    %get3A_12 = vector.load %arg9[%get3A_10, %get3A_11] : memref<80x16xf32, #tpu.memory_space<vmem>>, vector<80x16xf32>
    %get3A_13 = arith.constant 0 : index
    %get3A_14 = arith.constant 0 : index
    %get3A_15 = vector.load %arg4[%get3A_13, %get3A_14] : memref<512x64xf32, #tpu.memory_space<vmem>>, vector<512x64xf32>
    %get3A_16 = arith.constant 0 : index
    %get3A_17 = arith.constant 0 : index
    %get3A_18 = vector.load %arg8[%get3A_16, %get3A_17] : memref<1536x64xf32, #tpu.memory_space<vmem>>, vector<1536x64xf32>
    %dot_general3A = arith.constant dense<0.000000e+00> : vector<512x1536xf32>
    %dot_general3A_19 = tpu.matmul %get3A_15, %get3A_18, %dot_general3A {dimension_numbers = #tpu.dot_dimension_numbers<[1], [1], [0], [0], [0, 0, 1, 0], [], []>, precision = #tpu.contract_precision<fp32>, transpose_lhs_hint = false} : vector<512x64xf32>, vector<1536x64xf32>, vector<512x1536xf32> -> vector<512x1536xf32>
    %slice3A_20 = vector.extract_strided_slice %dot_general3A_19 {offsets = [0, 0], sizes = [512, 128], strides = [1, 1]} : vector<512x1536xf32> to vector<512x128xf32>
    %get3A_21 = arith.constant 0 : index
    %get3A_22 = arith.constant 0 : index
    %get3A_23 = arith.constant 0 : index
    %get3A_24 = vector.load %arg7[%get3A_21, %get3A_22, %get3A_23] : memref<12x512x128xf32, #tpu.memory_space<vmem>>, vector<1x512x128xf32>
    %get3A_25 = vector.shape_cast %get3A_24 : vector<1x512x128xf32> to vector<512x128xf32>
    %mul3A = arith.mulf %slice3A_20, %get3A_25 : vector<512x128xf32>
    %slice3A_26 = vector.extract_strided_slice %dot_general3A_19 {offsets = [0, 128], sizes = [512, 128], strides = [1, 1]} : vector<512x1536xf32> to vector<512x128xf32>
    %get3A_27 = arith.constant 1 : index
    %get3A_28 = arith.constant 0 : index
    %get3A_29 = arith.constant 0 : index
    %get3A_30 = vector.load %arg7[%get3A_27, %get3A_28, %get3A_29] : memref<12x512x128xf32, #tpu.memory_space<vmem>>, vector<1x512x128xf32>
    %get3A_31 = vector.shape_cast %get3A_30 : vector<1x512x128xf32> to vector<512x128xf32>
    %mul3A_32 = arith.mulf %slice3A_26, %get3A_31 : vector<512x128xf32>
    %add3A = arith.addf %mul3A, %mul3A_32 : vector<512x128xf32>
    %slice3A_33 = vector.extract_strided_slice %dot_general3A_19 {offsets = [0, 256], sizes = [512, 128], strides = [1, 1]} : vector<512x1536xf32> to vector<512x128xf32>
    %get3A_34 = arith.constant 2 : index
    %get3A_35 = arith.constant 0 : index
    %get3A_36 = arith.constant 0 : index
    %get3A_37 = vector.load %arg7[%get3A_34, %get3A_35, %get3A_36] : memref<12x512x128xf32, #tpu.memory_space<vmem>>, vector<1x512x128xf32>
    %get3A_38 = vector.shape_cast %get3A_37 : vector<1x512x128xf32> to vector<512x128xf32>
    %mul3A_39 = arith.mulf %slice3A_33, %get3A_38 : vector<512x128xf32>
    %add3A_40 = arith.addf %add3A, %mul3A_39 : vector<512x128xf32>
    %slice3A_41 = vector.extract_strided_slice %dot_general3A_19 {offsets = [0, 384], sizes = [512, 128], strides = [1, 1]} : vector<512x1536xf32> to vector<512x128xf32>
    %get3A_42 = arith.constant 3 : index
    %get3A_43 = arith.constant 0 : index
    %get3A_44 = arith.constant 0 : index
    %get3A_45 = vector.load %arg7[%get3A_42, %get3A_43, %get3A_44] : memref<12x512x128xf32, #tpu.memory_space<vmem>>, vector<1x512x128xf32>
    %get3A_46 = vector.shape_cast %get3A_45 : vector<1x512x128xf32> to vector<512x128xf32>
    %mul3A_47 = arith.mulf %slice3A_41, %get3A_46 : vector<512x128xf32>
    %add3A_48 = arith.addf %add3A_40, %mul3A_47 : vector<512x128xf32>
    %slice3A_49 = vector.extract_strided_slice %dot_general3A_19 {offsets = [0, 512], sizes = [512, 128], strides = [1, 1]} : vector<512x1536xf32> to vector<512x128xf32>
    %get3A_50 = arith.constant 4 : index
    %get3A_51 = arith.constant 0 : index
    %get3A_52 = arith.constant 0 : index
    %get3A_53 = vector.load %arg7[%get3A_50, %get3A_51, %get3A_52] : memref<12x512x128xf32, #tpu.memory_space<vmem>>, vector<1x512x128xf32>
    %get3A_54 = vector.shape_cast %get3A_53 : vector<1x512x128xf32> to vector<512x128xf32>
    %mul3A_55 = arith.mulf %slice3A_49, %get3A_54 : vector<512x128xf32>
    %add3A_56 = arith.addf %add3A_48, %mul3A_55 : vector<512x128xf32>
    %slice3A_57 = vector.extract_strided_slice %dot_general3A_19 {offsets = [0, 640], sizes = [512, 128], strides = [1, 1]} : vector<512x1536xf32> to vector<512x128xf32>
    %get3A_58 = arith.constant 5 : index
    %get3A_59 = arith.constant 0 : index
    %get3A_60 = arith.constant 0 : index
    %get3A_61 = vector.load %arg7[%get3A_58, %get3A_59, %get3A_60] : memref<12x512x128xf32, #tpu.memory_space<vmem>>, vector<1x512x128xf32>
    %get3A_62 = vector.shape_cast %get3A_61 : vector<1x512x128xf32> to vector<512x128xf32>
    %mul3A_63 = arith.mulf %slice3A_57, %get3A_62 : vector<512x128xf32>
    %add3A_64 = arith.addf %add3A_56, %mul3A_63 : vector<512x128xf32>
    %slice3A_65 = vector.extract_strided_slice %dot_general3A_19 {offsets = [0, 768], sizes = [512, 128], strides = [1, 1]} : vector<512x1536xf32> to vector<512x128xf32>
    %get3A_66 = arith.constant 6 : index
    %get3A_67 = arith.constant 0 : index
    %get3A_68 = arith.constant 0 : index
    %get3A_69 = vector.load %arg7[%get3A_66, %get3A_67, %get3A_68] : memref<12x512x128xf32, #tpu.memory_space<vmem>>, vector<1x512x128xf32>
    %get3A_70 = vector.shape_cast %get3A_69 : vector<1x512x128xf32> to vector<512x128xf32>
    %mul3A_71 = arith.mulf %slice3A_65, %get3A_70 : vector<512x128xf32>
    %add3A_72 = arith.addf %add3A_64, %mul3A_71 : vector<512x128xf32>
    %slice3A_73 = vector.extract_strided_slice %dot_general3A_19 {offsets = [0, 896], sizes = [512, 128], strides = [1, 1]} : vector<512x1536xf32> to vector<512x128xf32>
    %get3A_74 = arith.constant 7 : index
    %get3A_75 = arith.constant 0 : index
    %get3A_76 = arith.constant 0 : index
    %get3A_77 = vector.load %arg7[%get3A_74, %get3A_75, %get3A_76] : memref<12x512x128xf32, #tpu.memory_space<vmem>>, vector<1x512x128xf32>
    %get3A_78 = vector.shape_cast %get3A_77 : vector<1x512x128xf32> to vector<512x128xf32>
    %mul3A_79 = arith.mulf %slice3A_73, %get3A_78 : vector<512x128xf32>
    %add3A_80 = arith.addf %add3A_72, %mul3A_79 : vector<512x128xf32>
    %slice3A_81 = vector.extract_strided_slice %dot_general3A_19 {offsets = [0, 1024], sizes = [512, 128], strides = [1, 1]} : vector<512x1536xf32> to vector<512x128xf32>
    %get3A_82 = arith.constant 8 : index
    %get3A_83 = arith.constant 0 : index
    %get3A_84 = arith.constant 0 : index
    %get3A_85 = vector.load %arg7[%get3A_82, %get3A_83, %get3A_84] : memref<12x512x128xf32, #tpu.memory_space<vmem>>, vector<1x512x128xf32>
    %get3A_86 = vector.shape_cast %get3A_85 : vector<1x512x128xf32> to vector<512x128xf32>
    %mul3A_87 = arith.mulf %slice3A_81, %get3A_86 : vector<512x128xf32>
    %add3A_88 = arith.addf %add3A_80, %mul3A_87 : vector<512x128xf32>
    %slice3A_89 = vector.extract_strided_slice %dot_general3A_19 {offsets = [0, 1152], sizes = [512, 128], strides = [1, 1]} : vector<512x1536xf32> to vector<512x128xf32>
    %get3A_90 = arith.constant 9 : index
    %get3A_91 = arith.constant 0 : index
    %get3A_92 = arith.constant 0 : index
    %get3A_93 = vector.load %arg7[%get3A_90, %get3A_91, %get3A_92] : memref<12x512x128xf32, #tpu.memory_space<vmem>>, vector<1x512x128xf32>
    %get3A_94 = vector.shape_cast %get3A_93 : vector<1x512x128xf32> to vector<512x128xf32>
    %mul3A_95 = arith.mulf %slice3A_89, %get3A_94 : vector<512x128xf32>
    %add3A_96 = arith.addf %add3A_88, %mul3A_95 : vector<512x128xf32>
    %slice3A_97 = vector.extract_strided_slice %dot_general3A_19 {offsets = [0, 1280], sizes = [512, 128], strides = [1, 1]} : vector<512x1536xf32> to vector<512x128xf32>
    %get3A_98 = arith.constant 10 : index
    %get3A_99 = arith.constant 0 : index
    %get3A_100 = arith.constant 0 : index
    %get3A_101 = vector.load %arg7[%get3A_98, %get3A_99, %get3A_100] : memref<12x512x128xf32, #tpu.memory_space<vmem>>, vector<1x512x128xf32>
    %get3A_102 = vector.shape_cast %get3A_101 : vector<1x512x128xf32> to vector<512x128xf32>
    %mul3A_103 = arith.mulf %slice3A_97, %get3A_102 : vector<512x128xf32>
    %add3A_104 = arith.addf %add3A_96, %mul3A_103 : vector<512x128xf32>
    %slice3A_105 = vector.extract_strided_slice %dot_general3A_19 {offsets = [0, 1408], sizes = [512, 128], strides = [1, 1]} : vector<512x1536xf32> to vector<512x128xf32>
    %get3A_106 = arith.constant 11 : index
    %get3A_107 = arith.constant 0 : index
    %get3A_108 = arith.constant 0 : index
    %get3A_109 = vector.load %arg7[%get3A_106, %get3A_107, %get3A_108] : memref<12x512x128xf32, #tpu.memory_space<vmem>>, vector<1x512x128xf32>
    %get3A_110 = vector.shape_cast %get3A_109 : vector<1x512x128xf32> to vector<512x128xf32>
    %mul3A_111 = arith.mulf %slice3A_105, %get3A_110 : vector<512x128xf32>
    %add3A_112 = arith.addf %add3A_104, %mul3A_111 : vector<512x128xf32>
    %slice3A_113 = vector.extract_strided_slice %add3A_112 {offsets = [0, 0], sizes = [512, 32], strides = [1, 1]} : vector<512x128xf32> to vector<512x32xf32>
    %slice3A_114 = vector.extract_strided_slice %add3A_112 {offsets = [0, 32], sizes = [512, 32], strides = [1, 1]} : vector<512x128xf32> to vector<512x32xf32>
    %add3A_115 = arith.addf %slice3A_113, %slice3A_114 : vector<512x32xf32>
    %slice3A_116 = vector.extract_strided_slice %add3A_112 {offsets = [0, 64], sizes = [512, 32], strides = [1, 1]} : vector<512x128xf32> to vector<512x32xf32>
    %add3A_117 = arith.addf %add3A_115, %slice3A_116 : vector<512x32xf32>
    %slice3A_118 = vector.extract_strided_slice %add3A_112 {offsets = [0, 96], sizes = [512, 32], strides = [1, 1]} : vector<512x128xf32> to vector<512x32xf32>
    %add3A_119 = arith.addf %add3A_117, %slice3A_118 : vector<512x32xf32>
    %get3A_120 = arith.constant 0 : index
    %get3A_121 = arith.constant 0 : index
    %get3A_122 = vector.load %arg3[%get3A_120, %get3A_121] : memref<512x8xf32, #tpu.memory_space<vmem>>, vector<512x8xf32>
    %get3A_123 = arith.constant 0 : index
    %get3A_124 = arith.constant 0 : index
    %get3A_125 = vector.load %arg2[%get3A_123, %get3A_124] : memref<512x8xf32, #tpu.memory_space<vmem>>, vector<512x8xf32>
    %slice3A_126 = vector.extract_strided_slice %get3A_125 {offsets = [0, 0], sizes = [512, 3], strides = [1, 1]} : vector<512x8xf32> to vector<512x3xf32>
    %mul3A_127 = arith.mulf %slice3A_126, %slice3A_126 : vector<512x3xf32>
    %reduce_sum3A = arith.constant dense<0.000000e+00> : vector<512xf32>
    %reduce_sum3A_128 = vector.multi_reduction <add>, %mul3A_127, %reduce_sum3A [1] : vector<512x3xf32> to vector<512xf32>
    %broadcast_in_dim3A_129 = vector.shape_cast %reduce_sum3A_128 : vector<512xf32> to vector<512x1xf32>
    %sqrt3A = math.sqrt %broadcast_in_dim3A_129 : vector<512x1xf32>
    %max3A = arith.constant 9.99999996E-13 : f32
    %max3A_130 = vector.broadcast %max3A : f32 to vector<512x1xf32>
    %max3A_131 = arith.maximumf %sqrt3A, %max3A_130 : vector<512x1xf32>
    %div3A = vector.broadcast %max3A_131 : vector<512x1xf32> to vector<512x3xf32>
    %div3A_132 = arith.divf %slice3A_126, %div3A : vector<512x3xf32>
    %get3A_133 = arith.constant 0 : index
    %get3A_134 = arith.constant 0 : index
    %get3A_135 = arith.constant 0 : index
    %get3A_136 = vector.load %arg6[%get3A_133, %get3A_134, %get3A_135] : memref<4x512x128xf32, #tpu.memory_space<vmem>>, vector<1x512x128xf32>
    %get3A_137 = vector.shape_cast %get3A_136 : vector<1x512x128xf32> to vector<512x128xf32>
    %slice3A_138 = vector.extract_strided_slice %get3A_137 {offsets = [0, 32], sizes = [512, 3], strides = [1, 1]} : vector<512x128xf32> to vector<512x3xf32>
    %sub3A = arith.subf %slice3A, %slice3A_138 : vector<512x3xf32>
    %mul3A_139 = arith.mulf %sub3A, %sub3A : vector<512x3xf32>
    %reduce_sum3A_140 = arith.constant dense<0.000000e+00> : vector<512xf32>
    %reduce_sum3A_141 = vector.multi_reduction <add>, %mul3A_139, %reduce_sum3A_140 [1] : vector<512x3xf32> to vector<512xf32>
    %broadcast_in_dim3A_142 = vector.shape_cast %reduce_sum3A_141 : vector<512xf32> to vector<512x1xf32>
    %sqrt3A_143 = math.sqrt %broadcast_in_dim3A_142 : vector<512x1xf32>
    %max3A_144 = arith.constant 9.99999996E-13 : f32
    %max3A_145 = vector.broadcast %max3A_144 : f32 to vector<512x1xf32>
    %max3A_146 = arith.maximumf %sqrt3A_143, %max3A_145 : vector<512x1xf32>
    %div3A_147 = vector.broadcast %max3A_146 : vector<512x1xf32> to vector<512x3xf32>
    %div3A_148 = arith.divf %sub3A, %div3A_147 : vector<512x3xf32>
    %get3A_149 = arith.constant 1 : index
    %get3A_150 = arith.constant 0 : index
    %get3A_151 = arith.constant 0 : index
    %get3A_152 = vector.load %arg6[%get3A_149, %get3A_150, %get3A_151] : memref<4x512x128xf32, #tpu.memory_space<vmem>>, vector<1x512x128xf32>
    %get3A_153 = vector.shape_cast %get3A_152 : vector<1x512x128xf32> to vector<512x128xf32>
    %slice3A_154 = vector.extract_strided_slice %get3A_153 {offsets = [0, 32], sizes = [512, 3], strides = [1, 1]} : vector<512x128xf32> to vector<512x3xf32>
    %sub3A_155 = arith.subf %slice3A, %slice3A_154 : vector<512x3xf32>
    %mul3A_156 = arith.mulf %sub3A_155, %sub3A_155 : vector<512x3xf32>
    %reduce_sum3A_157 = arith.constant dense<0.000000e+00> : vector<512xf32>
    %reduce_sum3A_158 = vector.multi_reduction <add>, %mul3A_156, %reduce_sum3A_157 [1] : vector<512x3xf32> to vector<512xf32>
    %broadcast_in_dim3A_159 = vector.shape_cast %reduce_sum3A_158 : vector<512xf32> to vector<512x1xf32>
    %sqrt3A_160 = math.sqrt %broadcast_in_dim3A_159 : vector<512x1xf32>
    %max3A_161 = arith.constant 9.99999996E-13 : f32
    %max3A_162 = vector.broadcast %max3A_161 : f32 to vector<512x1xf32>
    %max3A_163 = arith.maximumf %sqrt3A_160, %max3A_162 : vector<512x1xf32>
    %div3A_164 = vector.broadcast %max3A_163 : vector<512x1xf32> to vector<512x3xf32>
    %div3A_165 = arith.divf %sub3A_155, %div3A_164 : vector<512x3xf32>
    %get3A_166 = arith.constant 2 : index
    %get3A_167 = arith.constant 0 : index
    %get3A_168 = arith.constant 0 : index
    %get3A_169 = vector.load %arg6[%get3A_166, %get3A_167, %get3A_168] : memref<4x512x128xf32, #tpu.memory_space<vmem>>, vector<1x512x128xf32>
    %get3A_170 = vector.shape_cast %get3A_169 : vector<1x512x128xf32> to vector<512x128xf32>
    %slice3A_171 = vector.extract_strided_slice %get3A_170 {offsets = [0, 32], sizes = [512, 3], strides = [1, 1]} : vector<512x128xf32> to vector<512x3xf32>
    %sub3A_172 = arith.subf %slice3A, %slice3A_171 : vector<512x3xf32>
    %mul3A_173 = arith.mulf %sub3A_172, %sub3A_172 : vector<512x3xf32>
    %reduce_sum3A_174 = arith.constant dense<0.000000e+00> : vector<512xf32>
    %reduce_sum3A_175 = vector.multi_reduction <add>, %mul3A_173, %reduce_sum3A_174 [1] : vector<512x3xf32> to vector<512xf32>
    %broadcast_in_dim3A_176 = vector.shape_cast %reduce_sum3A_175 : vector<512xf32> to vector<512x1xf32>
    %sqrt3A_177 = math.sqrt %broadcast_in_dim3A_176 : vector<512x1xf32>
    %max3A_178 = arith.constant 9.99999996E-13 : f32
    %max3A_179 = vector.broadcast %max3A_178 : f32 to vector<512x1xf32>
    %max3A_180 = arith.maximumf %sqrt3A_177, %max3A_179 : vector<512x1xf32>
    %div3A_181 = vector.broadcast %max3A_180 : vector<512x1xf32> to vector<512x3xf32>
    %div3A_182 = arith.divf %sub3A_172, %div3A_181 : vector<512x3xf32>
    %get3A_183 = arith.constant 3 : index
    %get3A_184 = arith.constant 0 : index
    %get3A_185 = arith.constant 0 : index
    %get3A_186 = vector.load %arg6[%get3A_183, %get3A_184, %get3A_185] : memref<4x512x128xf32, #tpu.memory_space<vmem>>, vector<1x512x128xf32>
    %get3A_187 = vector.shape_cast %get3A_186 : vector<1x512x128xf32> to vector<512x128xf32>
    %slice3A_188 = vector.extract_strided_slice %get3A_187 {offsets = [0, 32], sizes = [512, 3], strides = [1, 1]} : vector<512x128xf32> to vector<512x3xf32>
    %sub3A_189 = arith.subf %slice3A, %slice3A_188 : vector<512x3xf32>
    %mul3A_190 = arith.mulf %sub3A_189, %sub3A_189 : vector<512x3xf32>
    %reduce_sum3A_191 = arith.constant dense<0.000000e+00> : vector<512xf32>
    %reduce_sum3A_192 = vector.multi_reduction <add>, %mul3A_190, %reduce_sum3A_191 [1] : vector<512x3xf32> to vector<512xf32>
    %broadcast_in_dim3A_193 = vector.shape_cast %reduce_sum3A_192 : vector<512xf32> to vector<512x1xf32>
    %sqrt3A_194 = math.sqrt %broadcast_in_dim3A_193 : vector<512x1xf32>
    %max3A_195 = arith.constant 9.99999996E-13 : f32
    %max3A_196 = vector.broadcast %max3A_195 : f32 to vector<512x1xf32>
    %max3A_197 = arith.maximumf %sqrt3A_194, %max3A_196 : vector<512x1xf32>
    %div3A_198 = vector.broadcast %max3A_197 : vector<512x1xf32> to vector<512x3xf32>
    %div3A_199 = arith.divf %sub3A_189, %div3A_198 : vector<512x3xf32>
    %concatenate3A = tpu.concatenate %div3A_148, %div3A_165, %div3A_182, %div3A_199, %div3A_132 in 1 : vector<512x3xf32>, vector<512x3xf32>, vector<512x3xf32>, vector<512x3xf32>, vector<512x3xf32> -> vector<512x15xf32>
    %jit3A_200 = arith.constant 0 : i32
    %convert_element_type3A = arith.sitofp %jit3A_200 : i32 to f32
    %pad3A = vector.broadcast %convert_element_type3A : f32 to vector<512x1xf32>
    %pad3A_201 = tpu.concatenate %concatenate3A, %pad3A in 1 : vector<512x15xf32>, vector<512x1xf32> -> vector<512x16xf32>
    %dot_general3A_202 = arith.constant dense<0.000000e+00> : vector<512x80xf32>
    %dot_general3A_203 = tpu.matmul %pad3A_201, %get3A_12, %dot_general3A_202 {dimension_numbers = #tpu.dot_dimension_numbers<[1], [1], [0], [0], [0, 0, 1, 0], [], []>, precision = #tpu.contract_precision<fp32>, transpose_lhs_hint = false} : vector<512x16xf32>, vector<80x16xf32>, vector<512x80xf32> -> vector<512x80xf32>
    %sin3A = math.sin %dot_general3A_203 : vector<512x80xf32>
    %cos3A = math.cos %dot_general3A_203 : vector<512x80xf32>
    %broadcast_in_dim3A_204 = arith.constant 0.000000e+00 : f32
    %broadcast_in_dim3A_205 = vector.broadcast %broadcast_in_dim3A_204 : f32 to vector<512x32xf32>
    %get3A_206 = arith.constant 0 : index
    %get3A_207 = arith.constant 0 : index
    %get3A_208 = arith.constant 0 : index
    %get3A_209 = vector.load %arg6[%get3A_206, %get3A_207, %get3A_208] : memref<4x512x128xf32, #tpu.memory_space<vmem>>, vector<1x512x128xf32>
    %get3A_210 = vector.shape_cast %get3A_209 : vector<1x512x128xf32> to vector<512x128xf32>
    %slice3A_211 = vector.extract_strided_slice %get3A_210 {offsets = [0, 0], sizes = [512, 32], strides = [1, 1]} : vector<512x128xf32> to vector<512x32xf32>
    %slice3A_212 = vector.extract_strided_slice %sin3A {offsets = [0, 0], sizes = [512, 16], strides = [1, 1]} : vector<512x80xf32> to vector<512x16xf32>
    %slice3A_213 = vector.extract_strided_slice %cos3A {offsets = [0, 0], sizes = [512, 16], strides = [1, 1]} : vector<512x80xf32> to vector<512x16xf32>
    %get3A_214 = arith.constant 0 : index
    %get3A_215 = arith.constant 0 : index
    %get3A_216 = vector.load %arg10[%get3A_214, %get3A_215] : memref<64x32xf32, #tpu.memory_space<vmem>>, vector<64x32xf32>
    %dot_general3A_217 = arith.constant dense<0.000000e+00> : vector<512x64xf32>
    %dot_general3A_218 = tpu.matmul %slice3A_211, %get3A_216, %dot_general3A_217 {dimension_numbers = #tpu.dot_dimension_numbers<[1], [1], [0], [0], [0, 0, 1, 0], [], []>, transpose_lhs_hint = false} : vector<512x32xf32>, vector<64x32xf32>, vector<512x64xf32> -> vector<512x64xf32>
    %get3A_219 = arith.constant 0 : index
    %get3A_220 = arith.constant 0 : index
    %get3A_221 = vector.load %arg11[%get3A_219, %get3A_220] : memref<64x16xf32, #tpu.memory_space<vmem>>, vector<64x16xf32>
    %dot_general3A_222 = arith.constant dense<0.000000e+00> : vector<512x64xf32>
    %dot_general3A_223 = tpu.matmul %slice3A_212, %get3A_221, %dot_general3A_222 {dimension_numbers = #tpu.dot_dimension_numbers<[1], [1], [0], [0], [0, 0, 1, 0], [], []>, transpose_lhs_hint = false} : vector<512x16xf32>, vector<64x16xf32>, vector<512x64xf32> -> vector<512x64xf32>
    %add3A_224 = arith.addf %dot_general3A_218, %dot_general3A_223 : vector<512x64xf32>
    %get3A_225 = arith.constant 0 : index
    %get3A_226 = arith.constant 0 : index
    %get3A_227 = vector.load %arg12[%get3A_225, %get3A_226] : memref<64x16xf32, #tpu.memory_space<vmem>>, vector<64x16xf32>
    %dot_general3A_228 = arith.constant dense<0.000000e+00> : vector<512x64xf32>
    %dot_general3A_229 = tpu.matmul %slice3A_213, %get3A_227, %dot_general3A_228 {dimension_numbers = #tpu.dot_dimension_numbers<[1], [1], [0], [0], [0, 0, 1, 0], [], []>, transpose_lhs_hint = false} : vector<512x16xf32>, vector<64x16xf32>, vector<512x64xf32> -> vector<512x64xf32>
    %add3A_230 = arith.addf %add3A_224, %dot_general3A_229 : vector<512x64xf32>
    %get3A_231 = arith.constant 0 : index
    %get3A_232 = arith.constant 0 : index
    %get3A_233 = vector.load %arg13[%get3A_231, %get3A_232] : memref<64x3xf32, #tpu.memory_space<vmem>>, vector<64x3xf32>
    %dot_general3A_234 = arith.constant dense<0.000000e+00> : vector<512x64xf32>
    %dot_general3A_235 = tpu.matmul %div3A_148, %get3A_233, %dot_general3A_234 {dimension_numbers = #tpu.dot_dimension_numbers<[1], [1], [0], [0], [0, 0, 1, 0], [], []>, transpose_lhs_hint = false} : vector<512x3xf32>, vector<64x3xf32>, vector<512x64xf32> -> vector<512x64xf32>
    %add3A_236 = arith.addf %add3A_230, %dot_general3A_235 : vector<512x64xf32>
    %get3A_237 = arith.constant 0 : index
    %get3A_238 = arith.constant 0 : index
    %get3A_239 = vector.load %arg14[%get3A_237, %get3A_238] : memref<1x64xf32, #tpu.memory_space<vmem>>, vector<1x64xf32>
    %add3A_240 = vector.broadcast %get3A_239 : vector<1x64xf32> to vector<512x64xf32>
    %add3A_241 = arith.addf %add3A_236, %add3A_240 : vector<512x64xf32>
    %max3A_242 = arith.constant 0.000000e+00 : f32
    %max3A_243 = vector.broadcast %max3A_242 : f32 to vector<512x64xf32>
    %max3A_244 = arith.maximumf %add3A_241, %max3A_243 : vector<512x64xf32>
    %get3A_245 = arith.constant 0 : index
    %get3A_246 = arith.constant 0 : index
    %get3A_247 = vector.load %arg15[%get3A_245, %get3A_246] : memref<32x64xf32, #tpu.memory_space<vmem>>, vector<32x64xf32>
    %get3A_248 = arith.constant 0 : index
    %get3A_249 = arith.constant 0 : index
    %get3A_250 = vector.load %arg16[%get3A_248, %get3A_249] : memref<1x32xf32, #tpu.memory_space<vmem>>, vector<1x32xf32>
    %dot_general3A_251 = arith.constant dense<0.000000e+00> : vector<512x32xf32>
    %dot_general3A_252 = tpu.matmul %max3A_244, %get3A_247, %dot_general3A_251 {dimension_numbers = #tpu.dot_dimension_numbers<[1], [1], [0], [0], [0, 0, 1, 0], [], []>, transpose_lhs_hint = false} : vector<512x64xf32>, vector<32x64xf32>, vector<512x32xf32> -> vector<512x32xf32>
    %add3A_253 = vector.broadcast %get3A_250 : vector<1x32xf32> to vector<512x32xf32>
    %add3A_254 = arith.addf %dot_general3A_252, %add3A_253 : vector<512x32xf32>
    %slice3A_255 = vector.extract_strided_slice %get3A_122 {offsets = [0, 0], sizes = [512, 1], strides = [1, 1]} : vector<512x8xf32> to vector<512x1xf32>
    %div3A_256 = arith.constant 1.000000e+00 : f32
    %div3A_257 = vector.broadcast %div3A_256 : f32 to vector<512x1xf32>
    %div3A_258 = arith.divf %div3A_257, %slice3A_255 : vector<512x1xf32>
    %get3A_259 = arith.constant 0 : index
    %get3A_260 = arith.constant 0 : index
    %get3A_261 = arith.constant 0 : index
    %get3A_262 = vector.load %arg5[%get3A_259, %get3A_260, %get3A_261] : memref<1x1x128xf32, #tpu.memory_space<vmem>>, vector<1x1x1xf32>
    %get3A_263 = vector.shape_cast %get3A_262 : vector<1x1x1xf32> to vector<1x1xf32>
    %div3A_264 = vector.broadcast %get3A_263 : vector<1x1xf32> to vector<512x1xf32>
    %div3A_265 = arith.divf %div3A_258, %div3A_264 : vector<512x1xf32>
    %mul3A_266 = vector.broadcast %div3A_265 : vector<512x1xf32> to vector<512x32xf32>
    %mul3A_267 = arith.mulf %add3A_254, %mul3A_266 : vector<512x32xf32>
    %add3A_268 = arith.addf %broadcast_in_dim3A_205, %mul3A_267 : vector<512x32xf32>
    %get3A_269 = arith.constant 1 : index
    %get3A_270 = arith.constant 0 : index
    %get3A_271 = arith.constant 0 : index
    %get3A_272 = vector.load %arg6[%get3A_269, %get3A_270, %get3A_271] : memref<4x512x128xf32, #tpu.memory_space<vmem>>, vector<1x512x128xf32>
    %get3A_273 = vector.shape_cast %get3A_272 : vector<1x512x128xf32> to vector<512x128xf32>
    %slice3A_274 = vector.extract_strided_slice %get3A_273 {offsets = [0, 0], sizes = [512, 32], strides = [1, 1]} : vector<512x128xf32> to vector<512x32xf32>
    %slice3A_275 = vector.extract_strided_slice %sin3A {offsets = [0, 16], sizes = [512, 16], strides = [1, 1]} : vector<512x80xf32> to vector<512x16xf32>
    %slice3A_276 = vector.extract_strided_slice %cos3A {offsets = [0, 16], sizes = [512, 16], strides = [1, 1]} : vector<512x80xf32> to vector<512x16xf32>
    %get3A_277 = arith.constant 0 : index
    %get3A_278 = arith.constant 0 : index
    %get3A_279 = vector.load %arg10[%get3A_277, %get3A_278] : memref<64x32xf32, #tpu.memory_space<vmem>>, vector<64x32xf32>
    %dot_general3A_280 = arith.constant dense<0.000000e+00> : vector<512x64xf32>
    %dot_general3A_281 = tpu.matmul %slice3A_274, %get3A_279, %dot_general3A_280 {dimension_numbers = #tpu.dot_dimension_numbers<[1], [1], [0], [0], [0, 0, 1, 0], [], []>, transpose_lhs_hint = false} : vector<512x32xf32>, vector<64x32xf32>, vector<512x64xf32> -> vector<512x64xf32>
    %get3A_282 = arith.constant 0 : index
    %get3A_283 = arith.constant 0 : index
    %get3A_284 = vector.load %arg11[%get3A_282, %get3A_283] : memref<64x16xf32, #tpu.memory_space<vmem>>, vector<64x16xf32>
    %dot_general3A_285 = arith.constant dense<0.000000e+00> : vector<512x64xf32>
    %dot_general3A_286 = tpu.matmul %slice3A_275, %get3A_284, %dot_general3A_285 {dimension_numbers = #tpu.dot_dimension_numbers<[1], [1], [0], [0], [0, 0, 1, 0], [], []>, transpose_lhs_hint = false} : vector<512x16xf32>, vector<64x16xf32>, vector<512x64xf32> -> vector<512x64xf32>
    %add3A_287 = arith.addf %dot_general3A_281, %dot_general3A_286 : vector<512x64xf32>
    %get3A_288 = arith.constant 0 : index
    %get3A_289 = arith.constant 0 : index
    %get3A_290 = vector.load %arg12[%get3A_288, %get3A_289] : memref<64x16xf32, #tpu.memory_space<vmem>>, vector<64x16xf32>
    %dot_general3A_291 = arith.constant dense<0.000000e+00> : vector<512x64xf32>
    %dot_general3A_292 = tpu.matmul %slice3A_276, %get3A_290, %dot_general3A_291 {dimension_numbers = #tpu.dot_dimension_numbers<[1], [1], [0], [0], [0, 0, 1, 0], [], []>, transpose_lhs_hint = false} : vector<512x16xf32>, vector<64x16xf32>, vector<512x64xf32> -> vector<512x64xf32>
    %add3A_293 = arith.addf %add3A_287, %dot_general3A_292 : vector<512x64xf32>
    %get3A_294 = arith.constant 0 : index
    %get3A_295 = arith.constant 0 : index
    %get3A_296 = vector.load %arg13[%get3A_294, %get3A_295] : memref<64x3xf32, #tpu.memory_space<vmem>>, vector<64x3xf32>
    %dot_general3A_297 = arith.constant dense<0.000000e+00> : vector<512x64xf32>
    %dot_general3A_298 = tpu.matmul %div3A_165, %get3A_296, %dot_general3A_297 {dimension_numbers = #tpu.dot_dimension_numbers<[1], [1], [0], [0], [0, 0, 1, 0], [], []>, transpose_lhs_hint = false} : vector<512x3xf32>, vector<64x3xf32>, vector<512x64xf32> -> vector<512x64xf32>
    %add3A_299 = arith.addf %add3A_293, %dot_general3A_298 : vector<512x64xf32>
    %get3A_300 = arith.constant 0 : index
    %get3A_301 = arith.constant 0 : index
    %get3A_302 = vector.load %arg14[%get3A_300, %get3A_301] : memref<1x64xf32, #tpu.memory_space<vmem>>, vector<1x64xf32>
    %add3A_303 = vector.broadcast %get3A_302 : vector<1x64xf32> to vector<512x64xf32>
    %add3A_304 = arith.addf %add3A_299, %add3A_303 : vector<512x64xf32>
    %max3A_305 = arith.constant 0.000000e+00 : f32
    %max3A_306 = vector.broadcast %max3A_305 : f32 to vector<512x64xf32>
    %max3A_307 = arith.maximumf %add3A_304, %max3A_306 : vector<512x64xf32>
    %get3A_308 = arith.constant 0 : index
    %get3A_309 = arith.constant 0 : index
    %get3A_310 = vector.load %arg15[%get3A_308, %get3A_309] : memref<32x64xf32, #tpu.memory_space<vmem>>, vector<32x64xf32>
    %get3A_311 = arith.constant 0 : index
    %get3A_312 = arith.constant 0 : index
    %get3A_313 = vector.load %arg16[%get3A_311, %get3A_312] : memref<1x32xf32, #tpu.memory_space<vmem>>, vector<1x32xf32>
    %dot_general3A_314 = arith.constant dense<0.000000e+00> : vector<512x32xf32>
    %dot_general3A_315 = tpu.matmul %max3A_307, %get3A_310, %dot_general3A_314 {dimension_numbers = #tpu.dot_dimension_numbers<[1], [1], [0], [0], [0, 0, 1, 0], [], []>, transpose_lhs_hint = false} : vector<512x64xf32>, vector<32x64xf32>, vector<512x32xf32> -> vector<512x32xf32>
    %add3A_316 = vector.broadcast %get3A_313 : vector<1x32xf32> to vector<512x32xf32>
    %add3A_317 = arith.addf %dot_general3A_315, %add3A_316 : vector<512x32xf32>
    %slice3A_318 = vector.extract_strided_slice %get3A_122 {offsets = [0, 1], sizes = [512, 1], strides = [1, 1]} : vector<512x8xf32> to vector<512x1xf32>
    %div3A_319 = arith.constant 1.000000e+00 : f32
    %div3A_320 = vector.broadcast %div3A_319 : f32 to vector<512x1xf32>
    %div3A_321 = arith.divf %div3A_320, %slice3A_318 : vector<512x1xf32>
    %get3A_322 = arith.constant 0 : index
    %get3A_323 = arith.constant 0 : index
    %get3A_324 = arith.constant 1 : index
    %get3A_325 = vector.load %arg5[%get3A_322, %get3A_323, %get3A_324] : memref<1x1x128xf32, #tpu.memory_space<vmem>>, vector<1x1x1xf32>
    %get3A_326 = vector.shape_cast %get3A_325 : vector<1x1x1xf32> to vector<1x1xf32>
    %div3A_327 = vector.broadcast %get3A_326 : vector<1x1xf32> to vector<512x1xf32>
    %div3A_328 = arith.divf %div3A_321, %div3A_327 : vector<512x1xf32>
    %mul3A_329 = vector.broadcast %div3A_328 : vector<512x1xf32> to vector<512x32xf32>
    %mul3A_330 = arith.mulf %add3A_317, %mul3A_329 : vector<512x32xf32>
    %add3A_331 = arith.addf %add3A_268, %mul3A_330 : vector<512x32xf32>
    %get3A_332 = arith.constant 2 : index
    %get3A_333 = arith.constant 0 : index
    %get3A_334 = arith.constant 0 : index
    %get3A_335 = vector.load %arg6[%get3A_332, %get3A_333, %get3A_334] : memref<4x512x128xf32, #tpu.memory_space<vmem>>, vector<1x512x128xf32>
    %get3A_336 = vector.shape_cast %get3A_335 : vector<1x512x128xf32> to vector<512x128xf32>
    %slice3A_337 = vector.extract_strided_slice %get3A_336 {offsets = [0, 0], sizes = [512, 32], strides = [1, 1]} : vector<512x128xf32> to vector<512x32xf32>
    %slice3A_338 = vector.extract_strided_slice %sin3A {offsets = [0, 32], sizes = [512, 16], strides = [1, 1]} : vector<512x80xf32> to vector<512x16xf32>
    %slice3A_339 = vector.extract_strided_slice %cos3A {offsets = [0, 32], sizes = [512, 16], strides = [1, 1]} : vector<512x80xf32> to vector<512x16xf32>
    %get3A_340 = arith.constant 0 : index
    %get3A_341 = arith.constant 0 : index
    %get3A_342 = vector.load %arg10[%get3A_340, %get3A_341] : memref<64x32xf32, #tpu.memory_space<vmem>>, vector<64x32xf32>
    %dot_general3A_343 = arith.constant dense<0.000000e+00> : vector<512x64xf32>
    %dot_general3A_344 = tpu.matmul %slice3A_337, %get3A_342, %dot_general3A_343 {dimension_numbers = #tpu.dot_dimension_numbers<[1], [1], [0], [0], [0, 0, 1, 0], [], []>, transpose_lhs_hint = false} : vector<512x32xf32>, vector<64x32xf32>, vector<512x64xf32> -> vector<512x64xf32>
    %get3A_345 = arith.constant 0 : index
    %get3A_346 = arith.constant 0 : index
    %get3A_347 = vector.load %arg11[%get3A_345, %get3A_346] : memref<64x16xf32, #tpu.memory_space<vmem>>, vector<64x16xf32>
    %dot_general3A_348 = arith.constant dense<0.000000e+00> : vector<512x64xf32>
    %dot_general3A_349 = tpu.matmul %slice3A_338, %get3A_347, %dot_general3A_348 {dimension_numbers = #tpu.dot_dimension_numbers<[1], [1], [0], [0], [0, 0, 1, 0], [], []>, transpose_lhs_hint = false} : vector<512x16xf32>, vector<64x16xf32>, vector<512x64xf32> -> vector<512x64xf32>
    %add3A_350 = arith.addf %dot_general3A_344, %dot_general3A_349 : vector<512x64xf32>
    %get3A_351 = arith.constant 0 : index
    %get3A_352 = arith.constant 0 : index
    %get3A_353 = vector.load %arg12[%get3A_351, %get3A_352] : memref<64x16xf32, #tpu.memory_space<vmem>>, vector<64x16xf32>
    %dot_general3A_354 = arith.constant dense<0.000000e+00> : vector<512x64xf32>
    %dot_general3A_355 = tpu.matmul %slice3A_339, %get3A_353, %dot_general3A_354 {dimension_numbers = #tpu.dot_dimension_numbers<[1], [1], [0], [0], [0, 0, 1, 0], [], []>, transpose_lhs_hint = false} : vector<512x16xf32>, vector<64x16xf32>, vector<512x64xf32> -> vector<512x64xf32>
    %add3A_356 = arith.addf %add3A_350, %dot_general3A_355 : vector<512x64xf32>
    %get3A_357 = arith.constant 0 : index
    %get3A_358 = arith.constant 0 : index
    %get3A_359 = vector.load %arg13[%get3A_357, %get3A_358] : memref<64x3xf32, #tpu.memory_space<vmem>>, vector<64x3xf32>
    %dot_general3A_360 = arith.constant dense<0.000000e+00> : vector<512x64xf32>
    %dot_general3A_361 = tpu.matmul %div3A_182, %get3A_359, %dot_general3A_360 {dimension_numbers = #tpu.dot_dimension_numbers<[1], [1], [0], [0], [0, 0, 1, 0], [], []>, transpose_lhs_hint = false} : vector<512x3xf32>, vector<64x3xf32>, vector<512x64xf32> -> vector<512x64xf32>
    %add3A_362 = arith.addf %add3A_356, %dot_general3A_361 : vector<512x64xf32>
    %get3A_363 = arith.constant 0 : index
    %get3A_364 = arith.constant 0 : index
    %get3A_365 = vector.load %arg14[%get3A_363, %get3A_364] : memref<1x64xf32, #tpu.memory_space<vmem>>, vector<1x64xf32>
    %add3A_366 = vector.broadcast %get3A_365 : vector<1x64xf32> to vector<512x64xf32>
    %add3A_367 = arith.addf %add3A_362, %add3A_366 : vector<512x64xf32>
    %max3A_368 = arith.constant 0.000000e+00 : f32
    %max3A_369 = vector.broadcast %max3A_368 : f32 to vector<512x64xf32>
    %max3A_370 = arith.maximumf %add3A_367, %max3A_369 : vector<512x64xf32>
    %get3A_371 = arith.constant 0 : index
    %get3A_372 = arith.constant 0 : index
    %get3A_373 = vector.load %arg15[%get3A_371, %get3A_372] : memref<32x64xf32, #tpu.memory_space<vmem>>, vector<32x64xf32>
    %get3A_374 = arith.constant 0 : index
    %get3A_375 = arith.constant 0 : index
    %get3A_376 = vector.load %arg16[%get3A_374, %get3A_375] : memref<1x32xf32, #tpu.memory_space<vmem>>, vector<1x32xf32>
    %dot_general3A_377 = arith.constant dense<0.000000e+00> : vector<512x32xf32>
    %dot_general3A_378 = tpu.matmul %max3A_370, %get3A_373, %dot_general3A_377 {dimension_numbers = #tpu.dot_dimension_numbers<[1], [1], [0], [0], [0, 0, 1, 0], [], []>, transpose_lhs_hint = false} : vector<512x64xf32>, vector<32x64xf32>, vector<512x32xf32> -> vector<512x32xf32>
    %add3A_379 = vector.broadcast %get3A_376 : vector<1x32xf32> to vector<512x32xf32>
    %add3A_380 = arith.addf %dot_general3A_378, %add3A_379 : vector<512x32xf32>
    %slice3A_381 = vector.extract_strided_slice %get3A_122 {offsets = [0, 2], sizes = [512, 1], strides = [1, 1]} : vector<512x8xf32> to vector<512x1xf32>
    %div3A_382 = arith.constant 1.000000e+00 : f32
    %div3A_383 = vector.broadcast %div3A_382 : f32 to vector<512x1xf32>
    %div3A_384 = arith.divf %div3A_383, %slice3A_381 : vector<512x1xf32>
    %get3A_385 = arith.constant 0 : index
    %get3A_386 = arith.constant 0 : index
    %get3A_387 = arith.constant 2 : index
    %get3A_388 = vector.load %arg5[%get3A_385, %get3A_386, %get3A_387] : memref<1x1x128xf32, #tpu.memory_space<vmem>>, vector<1x1x1xf32>
    %get3A_389 = vector.shape_cast %get3A_388 : vector<1x1x1xf32> to vector<1x1xf32>
    %div3A_390 = vector.broadcast %get3A_389 : vector<1x1xf32> to vector<512x1xf32>
    %div3A_391 = arith.divf %div3A_384, %div3A_390 : vector<512x1xf32>
    %mul3A_392 = vector.broadcast %div3A_391 : vector<512x1xf32> to vector<512x32xf32>
    %mul3A_393 = arith.mulf %add3A_380, %mul3A_392 : vector<512x32xf32>
    %add3A_394 = arith.addf %add3A_331, %mul3A_393 : vector<512x32xf32>
    %get3A_395 = arith.constant 3 : index
    %get3A_396 = arith.constant 0 : index
    %get3A_397 = arith.constant 0 : index
    %get3A_398 = vector.load %arg6[%get3A_395, %get3A_396, %get3A_397] : memref<4x512x128xf32, #tpu.memory_space<vmem>>, vector<1x512x128xf32>
    %get3A_399 = vector.shape_cast %get3A_398 : vector<1x512x128xf32> to vector<512x128xf32>
    %slice3A_400 = vector.extract_strided_slice %get3A_399 {offsets = [0, 0], sizes = [512, 32], strides = [1, 1]} : vector<512x128xf32> to vector<512x32xf32>
    %slice3A_401 = vector.extract_strided_slice %sin3A {offsets = [0, 48], sizes = [512, 16], strides = [1, 1]} : vector<512x80xf32> to vector<512x16xf32>
    %slice3A_402 = vector.extract_strided_slice %cos3A {offsets = [0, 48], sizes = [512, 16], strides = [1, 1]} : vector<512x80xf32> to vector<512x16xf32>
    %get3A_403 = arith.constant 0 : index
    %get3A_404 = arith.constant 0 : index
    %get3A_405 = vector.load %arg10[%get3A_403, %get3A_404] : memref<64x32xf32, #tpu.memory_space<vmem>>, vector<64x32xf32>
    %dot_general3A_406 = arith.constant dense<0.000000e+00> : vector<512x64xf32>
    %dot_general3A_407 = tpu.matmul %slice3A_400, %get3A_405, %dot_general3A_406 {dimension_numbers = #tpu.dot_dimension_numbers<[1], [1], [0], [0], [0, 0, 1, 0], [], []>, transpose_lhs_hint = false} : vector<512x32xf32>, vector<64x32xf32>, vector<512x64xf32> -> vector<512x64xf32>
    %get3A_408 = arith.constant 0 : index
    %get3A_409 = arith.constant 0 : index
    %get3A_410 = vector.load %arg11[%get3A_408, %get3A_409] : memref<64x16xf32, #tpu.memory_space<vmem>>, vector<64x16xf32>
    %dot_general3A_411 = arith.constant dense<0.000000e+00> : vector<512x64xf32>
    %dot_general3A_412 = tpu.matmul %slice3A_401, %get3A_410, %dot_general3A_411 {dimension_numbers = #tpu.dot_dimension_numbers<[1], [1], [0], [0], [0, 0, 1, 0], [], []>, transpose_lhs_hint = false} : vector<512x16xf32>, vector<64x16xf32>, vector<512x64xf32> -> vector<512x64xf32>
    %add3A_413 = arith.addf %dot_general3A_407, %dot_general3A_412 : vector<512x64xf32>
    %get3A_414 = arith.constant 0 : index
    %get3A_415 = arith.constant 0 : index
    %get3A_416 = vector.load %arg12[%get3A_414, %get3A_415] : memref<64x16xf32, #tpu.memory_space<vmem>>, vector<64x16xf32>
    %dot_general3A_417 = arith.constant dense<0.000000e+00> : vector<512x64xf32>
    %dot_general3A_418 = tpu.matmul %slice3A_402, %get3A_416, %dot_general3A_417 {dimension_numbers = #tpu.dot_dimension_numbers<[1], [1], [0], [0], [0, 0, 1, 0], [], []>, transpose_lhs_hint = false} : vector<512x16xf32>, vector<64x16xf32>, vector<512x64xf32> -> vector<512x64xf32>
    %add3A_419 = arith.addf %add3A_413, %dot_general3A_418 : vector<512x64xf32>
    %get3A_420 = arith.constant 0 : index
    %get3A_421 = arith.constant 0 : index
    %get3A_422 = vector.load %arg13[%get3A_420, %get3A_421] : memref<64x3xf32, #tpu.memory_space<vmem>>, vector<64x3xf32>
    %dot_general3A_423 = arith.constant dense<0.000000e+00> : vector<512x64xf32>
    %dot_general3A_424 = tpu.matmul %div3A_199, %get3A_422, %dot_general3A_423 {dimension_numbers = #tpu.dot_dimension_numbers<[1], [1], [0], [0], [0, 0, 1, 0], [], []>, transpose_lhs_hint = false} : vector<512x3xf32>, vector<64x3xf32>, vector<512x64xf32> -> vector<512x64xf32>
    %add3A_425 = arith.addf %add3A_419, %dot_general3A_424 : vector<512x64xf32>
    %get3A_426 = arith.constant 0 : index
    %get3A_427 = arith.constant 0 : index
    %get3A_428 = vector.load %arg14[%get3A_426, %get3A_427] : memref<1x64xf32, #tpu.memory_space<vmem>>, vector<1x64xf32>
    %add3A_429 = vector.broadcast %get3A_428 : vector<1x64xf32> to vector<512x64xf32>
    %add3A_430 = arith.addf %add3A_425, %add3A_429 : vector<512x64xf32>
    %max3A_431 = arith.constant 0.000000e+00 : f32
    %max3A_432 = vector.broadcast %max3A_431 : f32 to vector<512x64xf32>
    %max3A_433 = arith.maximumf %add3A_430, %max3A_432 : vector<512x64xf32>
    %get3A_434 = arith.constant 0 : index
    %get3A_435 = arith.constant 0 : index
    %get3A_436 = vector.load %arg15[%get3A_434, %get3A_435] : memref<32x64xf32, #tpu.memory_space<vmem>>, vector<32x64xf32>
    %get3A_437 = arith.constant 0 : index
    %get3A_438 = arith.constant 0 : index
    %get3A_439 = vector.load %arg16[%get3A_437, %get3A_438] : memref<1x32xf32, #tpu.memory_space<vmem>>, vector<1x32xf32>
    %dot_general3A_440 = arith.constant dense<0.000000e+00> : vector<512x32xf32>
    %dot_general3A_441 = tpu.matmul %max3A_433, %get3A_436, %dot_general3A_440 {dimension_numbers = #tpu.dot_dimension_numbers<[1], [1], [0], [0], [0, 0, 1, 0], [], []>, transpose_lhs_hint = false} : vector<512x64xf32>, vector<32x64xf32>, vector<512x32xf32> -> vector<512x32xf32>
    %add3A_442 = vector.broadcast %get3A_439 : vector<1x32xf32> to vector<512x32xf32>
    %add3A_443 = arith.addf %dot_general3A_441, %add3A_442 : vector<512x32xf32>
    %slice3A_444 = vector.extract_strided_slice %get3A_122 {offsets = [0, 3], sizes = [512, 1], strides = [1, 1]} : vector<512x8xf32> to vector<512x1xf32>
    %div3A_445 = arith.constant 1.000000e+00 : f32
    %div3A_446 = vector.broadcast %div3A_445 : f32 to vector<512x1xf32>
    %div3A_447 = arith.divf %div3A_446, %slice3A_444 : vector<512x1xf32>
    %get3A_448 = arith.constant 0 : index
    %get3A_449 = arith.constant 0 : index
    %get3A_450 = arith.constant 3 : index
    %get3A_451 = vector.load %arg5[%get3A_448, %get3A_449, %get3A_450] : memref<1x1x128xf32, #tpu.memory_space<vmem>>, vector<1x1x1xf32>
    %get3A_452 = vector.shape_cast %get3A_451 : vector<1x1x1xf32> to vector<1x1xf32>
    %div3A_453 = vector.broadcast %get3A_452 : vector<1x1xf32> to vector<512x1xf32>
    %div3A_454 = arith.divf %div3A_447, %div3A_453 : vector<512x1xf32>
    %mul3A_455 = vector.broadcast %div3A_454 : vector<512x1xf32> to vector<512x32xf32>
    %mul3A_456 = arith.mulf %add3A_443, %mul3A_455 : vector<512x32xf32>
    %add3A_457 = arith.addf %add3A_394, %mul3A_456 : vector<512x32xf32>
    %get3A_458 = arith.constant 0 : index
    %get3A_459 = arith.constant 0 : index
    %get3A_460 = vector.load %arg17[%get3A_458, %get3A_459] : memref<128x32xf32, #tpu.memory_space<vmem>>, vector<128x32xf32>
    %dot_general3A_461 = arith.constant dense<0.000000e+00> : vector<512x128xf32>
    %dot_general3A_462 = tpu.matmul %add3A_119, %get3A_460, %dot_general3A_461 {dimension_numbers = #tpu.dot_dimension_numbers<[1], [1], [0], [0], [0, 0, 1, 0], [], []>, transpose_lhs_hint = false} : vector<512x32xf32>, vector<128x32xf32>, vector<512x128xf32> -> vector<512x128xf32>
    %get3A_463 = arith.constant 0 : index
    %get3A_464 = arith.constant 0 : index
    %get3A_465 = vector.load %arg18[%get3A_463, %get3A_464] : memref<128x32xf32, #tpu.memory_space<vmem>>, vector<128x32xf32>
    %dot_general3A_466 = arith.constant dense<0.000000e+00> : vector<512x128xf32>
    %dot_general3A_467 = tpu.matmul %add3A_457, %get3A_465, %dot_general3A_466 {dimension_numbers = #tpu.dot_dimension_numbers<[1], [1], [0], [0], [0, 0, 1, 0], [], []>, transpose_lhs_hint = false} : vector<512x32xf32>, vector<128x32xf32>, vector<512x128xf32> -> vector<512x128xf32>
    %add3A_468 = arith.addf %dot_general3A_462, %dot_general3A_467 : vector<512x128xf32>
    %get3A_469 = arith.constant 0 : index
    %get3A_470 = arith.constant 0 : index
    %get3A_471 = vector.load %arg19[%get3A_469, %get3A_470] : memref<1x128xf32, #tpu.memory_space<vmem>>, vector<1x128xf32>
    %add3A_472 = vector.broadcast %get3A_471 : vector<1x128xf32> to vector<512x128xf32>
    %add3A_473 = arith.addf %add3A_468, %add3A_472 : vector<512x128xf32>
    %max3A_474 = arith.constant 0.000000e+00 : f32
    %max3A_475 = vector.broadcast %max3A_474 : f32 to vector<512x128xf32>
    %max3A_476 = arith.maximumf %add3A_473, %max3A_475 : vector<512x128xf32>
    %get3A_477 = arith.constant 0 : index
    %get3A_478 = arith.constant 0 : index
    %get3A_479 = vector.load %arg20[%get3A_477, %get3A_478] : memref<128x128xf32, #tpu.memory_space<vmem>>, vector<128x128xf32>
    %get3A_480 = arith.constant 0 : index
    %get3A_481 = arith.constant 0 : index
    %get3A_482 = vector.load %arg21[%get3A_480, %get3A_481] : memref<1x128xf32, #tpu.memory_space<vmem>>, vector<1x128xf32>
    %dot_general3A_483 = arith.constant dense<0.000000e+00> : vector<512x128xf32>
    %dot_general3A_484 = tpu.matmul %max3A_476, %get3A_479, %dot_general3A_483 {dimension_numbers = #tpu.dot_dimension_numbers<[1], [1], [0], [0], [0, 0, 1, 0], [], []>, transpose_lhs_hint = false} : vector<512x128xf32>, vector<128x128xf32>, vector<512x128xf32> -> vector<512x128xf32>
    %add3A_485 = vector.broadcast %get3A_482 : vector<1x128xf32> to vector<512x128xf32>
    %add3A_486 = arith.addf %dot_general3A_484, %add3A_485 : vector<512x128xf32>
    %max3A_487 = arith.constant 0.000000e+00 : f32
    %max3A_488 = vector.broadcast %max3A_487 : f32 to vector<512x128xf32>
    %max3A_489 = arith.maximumf %add3A_486, %max3A_488 : vector<512x128xf32>
    %get3A_490 = arith.constant 0 : index
    %get3A_491 = arith.constant 0 : index
    %get3A_492 = vector.load %arg22[%get3A_490, %get3A_491] : memref<128x128xf32, #tpu.memory_space<vmem>>, vector<128x128xf32>
    %get3A_493 = arith.constant 0 : index
    %get3A_494 = arith.constant 0 : index
    %get3A_495 = vector.load %arg23[%get3A_493, %get3A_494] : memref<1x128xf32, #tpu.memory_space<vmem>>, vector<1x128xf32>
    %dot_general3A_496 = arith.constant dense<0.000000e+00> : vector<512x128xf32>
    %dot_general3A_497 = tpu.matmul %max3A_489, %get3A_492, %dot_general3A_496 {dimension_numbers = #tpu.dot_dimension_numbers<[1], [1], [0], [0], [0, 0, 1, 0], [], []>, transpose_lhs_hint = false} : vector<512x128xf32>, vector<128x128xf32>, vector<512x128xf32> -> vector<512x128xf32>
    %add3A_498 = vector.broadcast %get3A_495 : vector<1x128xf32> to vector<512x128xf32>
    %add3A_499 = arith.addf %dot_general3A_497, %add3A_498 : vector<512x128xf32>
    %get3A_500 = arith.constant 0 : index
    %get3A_501 = arith.constant 0 : index
    %get3A_502 = vector.load %arg24[%get3A_500, %get3A_501] : memref<8x128xf32, #tpu.memory_space<vmem>>, vector<8x128xf32>
    %get3A_503 = arith.constant 0 : index
    %get3A_504 = arith.constant 0 : index
    %get3A_505 = vector.load %arg25[%get3A_503, %get3A_504] : memref<1x8xf32, #tpu.memory_space<vmem>>, vector<1x8xf32>
    %dot_general3A_506 = arith.constant dense<0.000000e+00> : vector<512x8xf32>
    %dot_general3A_507 = tpu.matmul %add3A_499, %get3A_502, %dot_general3A_506 {dimension_numbers = #tpu.dot_dimension_numbers<[1], [1], [0], [0], [0, 0, 1, 0], [], []>, transpose_lhs_hint = false} : vector<512x128xf32>, vector<8x128xf32>, vector<512x8xf32> -> vector<512x8xf32>
    %add3A_508 = vector.broadcast %get3A_505 : vector<1x8xf32> to vector<512x8xf32>
    %add3A_509 = arith.addf %dot_general3A_507, %add3A_508 : vector<512x8xf32>
    %mul3A_510 = arith.constant 1.000000e+01 : f32
    %mul3A_511 = vector.broadcast %mul3A_510 : f32 to vector<512x8xf32>
    %mul3A_512 = arith.mulf %mul3A_511, %add3A_509 : vector<512x8xf32>
    %custom_jvp_call3A = arith.constant 0.000000e+00 : f32
    %max3A_513 = vector.broadcast %custom_jvp_call3A : f32 to vector<512x8xf32>
    %max3A_514 = arith.maximumf %mul3A_512, %max3A_513 : vector<512x8xf32>
    %sub3A_515 = vector.broadcast %custom_jvp_call3A : f32 to vector<512x8xf32>
    %sub3A_516 = arith.subf %mul3A_512, %sub3A_515 : vector<512x8xf32>
    %ne3A = arith.cmpf one, %sub3A_516, %sub3A_516 : vector<512x8xf32>
    %add3A_517 = vector.broadcast %custom_jvp_call3A : f32 to vector<512x8xf32>
    %add3A_518 = arith.addf %mul3A_512, %add3A_517 : vector<512x8xf32>
    %abs3A = math.absf %sub3A_516 : vector<512x8xf32>
    %neg3A = arith.constant 0.000000e+00 : f32
    %neg3A_519 = vector.broadcast %neg3A : f32 to vector<512x8xf32>
    %neg3A_520 = arith.subf %neg3A_519, %abs3A : vector<512x8xf32>
    %exp3A = math.exp %neg3A_520 : vector<512x8xf32>
    %log1p3A = math.log1p %exp3A : vector<512x8xf32>
    %add3A_521 = arith.addf %max3A_514, %log1p3A : vector<512x8xf32>
    %select_n3A_522 = arith.select %ne3A, %add3A_518, %add3A_521 : vector<512x8xi1>, vector<512x8xf32>
    %div3A_523 = arith.constant 1.000000e+01 : f32
    %div3A_524 = vector.broadcast %div3A_523 : f32 to vector<512x8xf32>
    %div3A_525 = arith.divf %select_n3A_522, %div3A_524 : vector<512x8xf32>
    %mul3A_526 = vector.broadcast %broadcast_in_dim3A_9 : vector<512x1xf32> to vector<512x8xf32>
    %mul3A_527 = arith.mulf %div3A_525, %mul3A_526 : vector<512x8xf32>
    %neg3A_528 = arith.constant 0.000000e+00 : f32
    %neg3A_529 = vector.broadcast %neg3A_528 : f32 to vector<512x8xf32>
    %neg3A_530 = arith.subf %neg3A_529, %mul3A_527 : vector<512x8xf32>
    %exp3A_531 = math.exp %neg3A_530 : vector<512x8xf32>
    %sub3A_532 = arith.constant 1.000000e+00 : f32
    %sub3A_533 = vector.broadcast %sub3A_532 : f32 to vector<512x8xf32>
    %sub3A_534 = arith.subf %sub3A_533, %exp3A_531 : vector<512x8xf32>
    %swap3A = arith.constant 0 : index
    %swap3A_535 = arith.constant 0 : index
    %swap3A_536 = vector.load %arg33[%swap3A, %swap3A_535] : memref<512x8xf32, #tpu.memory_space<vmem>>, vector<512x8xf32>
    tpu.vector_store %arg33[%swap3A, %swap3A_535], %sub3A_534 {strides = array<i32>} : memref<512x8xf32, #tpu.memory_space<vmem>>, vector<512x8xf32>,
    %get3A_537 = arith.constant 0 : index
    %get3A_538 = arith.constant 0 : index
    %get3A_539 = vector.load %arg26[%get3A_537, %get3A_538] : memref<64x128xf32, #tpu.memory_space<vmem>>, vector<64x128xf32>
    %dot_general3A_540 = arith.constant dense<0.000000e+00> : vector<512x64xf32>
    %dot_general3A_541 = tpu.matmul %add3A_499, %get3A_539, %dot_general3A_540 {dimension_numbers = #tpu.dot_dimension_numbers<[1], [1], [0], [0], [0, 0, 1, 0], [], []>, transpose_lhs_hint = false} : vector<512x128xf32>, vector<64x128xf32>, vector<512x64xf32> -> vector<512x64xf32>
    %slice3A_542 = vector.extract_strided_slice %sin3A {offsets = [0, 64], sizes = [512, 16], strides = [1, 1]} : vector<512x80xf32> to vector<512x16xf32>
    %get3A_543 = arith.constant 0 : index
    %get3A_544 = arith.constant 0 : index
    %get3A_545 = vector.load %arg27[%get3A_543, %get3A_544] : memref<64x16xf32, #tpu.memory_space<vmem>>, vector<64x16xf32>
    %dot_general3A_546 = arith.constant dense<0.000000e+00> : vector<512x64xf32>
    %dot_general3A_547 = tpu.matmul %slice3A_542, %get3A_545, %dot_general3A_546 {dimension_numbers = #tpu.dot_dimension_numbers<[1], [1], [0], [0], [0, 0, 1, 0], [], []>, transpose_lhs_hint = false} : vector<512x16xf32>, vector<64x16xf32>, vector<512x64xf32> -> vector<512x64xf32>
    %add3A_548 = arith.addf %dot_general3A_541, %dot_general3A_547 : vector<512x64xf32>
    %slice3A_549 = vector.extract_strided_slice %cos3A {offsets = [0, 64], sizes = [512, 16], strides = [1, 1]} : vector<512x80xf32> to vector<512x16xf32>
    %get3A_550 = arith.constant 0 : index
    %get3A_551 = arith.constant 0 : index
    %get3A_552 = vector.load %arg28[%get3A_550, %get3A_551] : memref<64x16xf32, #tpu.memory_space<vmem>>, vector<64x16xf32>
    %dot_general3A_553 = arith.constant dense<0.000000e+00> : vector<512x64xf32>
    %dot_general3A_554 = tpu.matmul %slice3A_549, %get3A_552, %dot_general3A_553 {dimension_numbers = #tpu.dot_dimension_numbers<[1], [1], [0], [0], [0, 0, 1, 0], [], []>, transpose_lhs_hint = false} : vector<512x16xf32>, vector<64x16xf32>, vector<512x64xf32> -> vector<512x64xf32>
    %add3A_555 = arith.addf %add3A_548, %dot_general3A_554 : vector<512x64xf32>
    %get3A_556 = arith.constant 0 : index
    %get3A_557 = arith.constant 0 : index
    %get3A_558 = vector.load %arg29[%get3A_556, %get3A_557] : memref<64x3xf32, #tpu.memory_space<vmem>>, vector<64x3xf32>
    %dot_general3A_559 = arith.constant dense<0.000000e+00> : vector<512x64xf32>
    %dot_general3A_560 = tpu.matmul %div3A_132, %get3A_558, %dot_general3A_559 {dimension_numbers = #tpu.dot_dimension_numbers<[1], [1], [0], [0], [0, 0, 1, 0], [], []>, transpose_lhs_hint = false} : vector<512x3xf32>, vector<64x3xf32>, vector<512x64xf32> -> vector<512x64xf32>
    %add3A_561 = arith.addf %add3A_555, %dot_general3A_560 : vector<512x64xf32>
    %get3A_562 = arith.constant 0 : index
    %get3A_563 = arith.constant 0 : index
    %get3A_564 = vector.load %arg30[%get3A_562, %get3A_563] : memref<1x64xf32, #tpu.memory_space<vmem>>, vector<1x64xf32>
    %add3A_565 = vector.broadcast %get3A_564 : vector<1x64xf32> to vector<512x64xf32>
    %add3A_566 = arith.addf %add3A_561, %add3A_565 : vector<512x64xf32>
    %max3A_567 = arith.constant 0.000000e+00 : f32
    %max3A_568 = vector.broadcast %max3A_567 : f32 to vector<512x64xf32>
    %max3A_569 = arith.maximumf %add3A_566, %max3A_568 : vector<512x64xf32>
    %get3A_570 = arith.constant 0 : index
    %get3A_571 = arith.constant 0 : index
    %get3A_572 = vector.load %arg31[%get3A_570, %get3A_571] : memref<8x64xf32, #tpu.memory_space<vmem>>, vector<8x64xf32>
    %get3A_573 = arith.constant 0 : index
    %get3A_574 = arith.constant 0 : index
    %get3A_575 = vector.load %arg32[%get3A_573, %get3A_574] : memref<1x8xf32, #tpu.memory_space<vmem>>, vector<1x8xf32>
    %dot_general3A_576 = arith.constant dense<0.000000e+00> : vector<512x8xf32>
    %dot_general3A_577 = tpu.matmul %max3A_569, %get3A_572, %dot_general3A_576 {dimension_numbers = #tpu.dot_dimension_numbers<[1], [1], [0], [0], [0, 0, 1, 0], [], []>, transpose_lhs_hint = false} : vector<512x64xf32>, vector<8x64xf32>, vector<512x8xf32> -> vector<512x8xf32>
    %add3A_578 = vector.broadcast %get3A_575 : vector<1x8xf32> to vector<512x8xf32>
    %add3A_579 = arith.addf %dot_general3A_577, %add3A_578 : vector<512x8xf32>
    %logistic3A = arith.negf %add3A_579 : vector<512x8xf32>
    %logistic3A_580 = math.exp %logistic3A : vector<512x8xf32>
    %logistic3A_581 = arith.constant 1.000000e+00 : f32
    %logistic3A_582 = vector.broadcast %logistic3A_581 : f32 to vector<512x8xf32>
    %logistic3A_583 = arith.addf %logistic3A_582, %logistic3A_580 : vector<512x8xf32>
    %logistic3A_584 = arith.divf %logistic3A_582, %logistic3A_583 : vector<512x8xf32>
    %mul3A_585 = arith.constant 1.002000e+00 : f32
    %mul3A_586 = vector.broadcast %mul3A_585 : f32 to vector<512x8xf32>
    %mul3A_587 = arith.mulf %logistic3A_584, %mul3A_586 : vector<512x8xf32>
    %sub3A_588 = arith.constant 1.000000e-03 : f32
    %sub3A_589 = vector.broadcast %sub3A_588 : f32 to vector<512x8xf32>
    %sub3A_590 = arith.subf %mul3A_587, %sub3A_589 : vector<512x8xf32>
    %swap3A_591 = arith.constant 0 : index
    %swap3A_592 = arith.constant 0 : index
    %swap3A_593 = vector.load %arg34[%swap3A_591, %swap3A_592] : memref<512x8xf32, #tpu.memory_space<vmem>>, vector<512x8xf32>
    tpu.vector_store %arg34[%swap3A_591, %swap3A_592], %sub3A_590 {strides = array<i32>} : memref<512x8xf32, #tpu.memory_space<vmem>>, vector<512x8xf32>,
    return
  }
  func.func @transform_0(%arg0: i32) -> (i32, i32) {
    %c0_i32 = arith.constant 0 : i32
    %c0_i32_0 = arith.constant 0 : i32
    return %arg0, %c0_i32 : i32, i32
  }
  func.func @transform_1(%arg0: i32) -> (i32, i32) {
    %c0_i32 = arith.constant 0 : i32
    %c0_i32_0 = arith.constant 0 : i32
    return %arg0, %c0_i32 : i32, i32
  }
  func.func @transform_2(%arg0: i32) -> (i32, i32) {
    %c0_i32 = arith.constant 0 : i32
    %c0_i32_0 = arith.constant 0 : i32
    return %arg0, %c0_i32 : i32, i32
  }
  func.func @transform_3(%arg0: i32) -> (i32, i32) {
    %c0_i32 = arith.constant 0 : i32
    %c0_i32_0 = arith.constant 0 : i32
    return %arg0, %c0_i32 : i32, i32
  }
  func.func @transform_4(%arg0: i32) -> (i32, i32, i32) {
    %mul3A = arith.constant 512 : i32
    %mul3A_0 = arith.muli %arg0, %mul3A : i32
    %jit3A = arith.constant 2048 : i32
    %div3A = arith.divsi %mul3A_0, %jit3A : i32
    %sign3A = arith.constant 0 : i32
    %sign3A_1 = arith.cmpi sgt, %mul3A_0, %sign3A : i32
    %sign3A_2 = arith.extui %sign3A_1 : i1 to i32
    %sign3A_3 = arith.constant 0 : i32
    %sign3A_4 = arith.cmpi slt, %mul3A_0, %sign3A_3 : i32
    %sign3A_5 = arith.extui %sign3A_4 : i1 to i32
    %sign3A_6 = arith.subi %sign3A_2, %sign3A_5 : i32
    %sign3A_7 = arith.constant 0 : i32
    %sign3A_8 = arith.cmpi sgt, %jit3A, %sign3A_7 : i32
    %sign3A_9 = arith.extui %sign3A_8 : i1 to i32
    %sign3A_10 = arith.constant 0 : i32
    %sign3A_11 = arith.cmpi slt, %jit3A, %sign3A_10 : i32
    %sign3A_12 = arith.extui %sign3A_11 : i1 to i32
    %sign3A_13 = arith.subi %sign3A_9, %sign3A_12 : i32
    %ne3A = arith.cmpi ne, %sign3A_6, %sign3A_13 : i32
    %rem3A = arith.remsi %mul3A_0, %jit3A : i32
    %ne3A_14 = arith.constant 0 : i32
    %ne3A_15 = arith.cmpi ne, %rem3A, %ne3A_14 : i32
    %and3A = arith.andi %ne3A, %ne3A_15 : i1
    %sub3A = arith.constant 1 : i32
    %sub3A_16 = arith.subi %div3A, %sub3A : i32
    %select_n3A = arith.select %and3A, %sub3A_16, %div3A : i32
    %c0_i32 = arith.constant 0 : i32
    %c0_i32_17 = arith.constant 0 : i32
    %c0_i32_18 = arith.constant 0 : i32
    return %select_n3A, %c0_i32, %c0_i32_17 : i32, i32, i32
  }
  func.func @transform_5(%arg0: i32) -> (i32, i32, i32) {
    %c0_i32 = arith.constant 0 : i32
    %c0_i32_0 = arith.constant 0 : i32
    %c0_i32_1 = arith.constant 0 : i32
    return %c0_i32, %arg0, %c0_i32_0 : i32, i32, i32
  }
  func.func @transform_6(%arg0: i32) -> (i32, i32, i32) {
    %c0_i32 = arith.constant 0 : i32
    %c0_i32_0 = arith.constant 0 : i32
    %c0_i32_1 = arith.constant 0 : i32
    return %c0_i32, %arg0, %c0_i32_0 : i32, i32, i32
  }
  func.func @transform_7(%arg0: i32) -> (i32, i32) {
    %c0_i32 = arith.constant 0 : i32
    %c0_i32_0 = arith.constant 0 : i32
    %c0_i32_1 = arith.constant 0 : i32
    return %c0_i32, %c0_i32_0 : i32, i32
  }
  func.func @transform_8(%arg0: i32) -> (i32, i32) {
    %c0_i32 = arith.constant 0 : i32
    %c0_i32_0 = arith.constant 0 : i32
    %c0_i32_1 = arith.constant 0 : i32
    return %c0_i32, %c0_i32_0 : i32, i32
  }
  func.func @transform_9(%arg0: i32) -> (i32, i32) {
    %c0_i32 = arith.constant 0 : i32
    %c0_i32_0 = arith.constant 0 : i32
    %c0_i32_1 = arith.constant 0 : i32
    return %c0_i32, %c0_i32_0 : i32, i32
  }
  func.func @transform_10(%arg0: i32) -> (i32, i32) {
    %c0_i32 = arith.constant 0 : i32
    %c0_i32_0 = arith.constant 0 : i32
    %c0_i32_1 = arith.constant 0 : i32
    return %c0_i32, %c0_i32_0 : i32, i32
  }
  func.func @transform_11(%arg0: i32) -> (i32, i32) {
    %c0_i32 = arith.constant 0 : i32
    %c0_i32_0 = arith.constant 0 : i32
    %c0_i32_1 = arith.constant 0 : i32
    return %c0_i32, %c0_i32_0 : i32, i32
  }
  func.func @transform_12(%arg0: i32) -> (i32, i32) {
    %c0_i32 = arith.constant 0 : i32
    %c0_i32_0 = arith.constant 0 : i32
    %c0_i32_1 = arith.constant 0 : i32
    return %c0_i32, %c0_i32_0 : i32, i32
  }
  func.func @transform_13(%arg0: i32) -> (i32, i32) {
    %c0_i32 = arith.constant 0 : i32
    %c0_i32_0 = arith.constant 0 : i32
    %c0_i32_1 = arith.constant 0 : i32
    return %c0_i32, %c0_i32_0 : i32, i32
  }
  func.func @transform_14(%arg0: i32) -> (i32, i32) {
    %c0_i32 = arith.constant 0 : i32
    %c0_i32_0 = arith.constant 0 : i32
    %c0_i32_1 = arith.constant 0 : i32
    return %c0_i32, %c0_i32_0 : i32, i32
  }
  func.func @transform_15(%arg0: i32) -> (i32, i32) {
    %c0_i32 = arith.constant 0 : i32
    %c0_i32_0 = arith.constant 0 : i32
    %c0_i32_1 = arith.constant 0 : i32
    return %c0_i32, %c0_i32_0 : i32, i32
  }
  func.func @transform_16(%arg0: i32) -> (i32, i32) {
    %c0_i32 = arith.constant 0 : i32
    %c0_i32_0 = arith.constant 0 : i32
    %c0_i32_1 = arith.constant 0 : i32
    return %c0_i32, %c0_i32_0 : i32, i32
  }
  func.func @transform_17(%arg0: i32) -> (i32, i32) {
    %c0_i32 = arith.constant 0 : i32
    %c0_i32_0 = arith.constant 0 : i32
    %c0_i32_1 = arith.constant 0 : i32
    return %c0_i32, %c0_i32_0 : i32, i32
  }
  func.func @transform_18(%arg0: i32) -> (i32, i32) {
    %c0_i32 = arith.constant 0 : i32
    %c0_i32_0 = arith.constant 0 : i32
    %c0_i32_1 = arith.constant 0 : i32
    return %c0_i32, %c0_i32_0 : i32, i32
  }
  func.func @transform_19(%arg0: i32) -> (i32, i32) {
    %c0_i32 = arith.constant 0 : i32
    %c0_i32_0 = arith.constant 0 : i32
    %c0_i32_1 = arith.constant 0 : i32
    return %c0_i32, %c0_i32_0 : i32, i32
  }
  func.func @transform_20(%arg0: i32) -> (i32, i32) {
    %c0_i32 = arith.constant 0 : i32
    %c0_i32_0 = arith.constant 0 : i32
    %c0_i32_1 = arith.constant 0 : i32
    return %c0_i32, %c0_i32_0 : i32, i32
  }
  func.func @transform_21(%arg0: i32) -> (i32, i32) {
    %c0_i32 = arith.constant 0 : i32
    %c0_i32_0 = arith.constant 0 : i32
    %c0_i32_1 = arith.constant 0 : i32
    return %c0_i32, %c0_i32_0 : i32, i32
  }
  func.func @transform_22(%arg0: i32) -> (i32, i32) {
    %c0_i32 = arith.constant 0 : i32
    %c0_i32_0 = arith.constant 0 : i32
    %c0_i32_1 = arith.constant 0 : i32
    return %c0_i32, %c0_i32_0 : i32, i32
  }
  func.func @transform_23(%arg0: i32) -> (i32, i32) {
    %c0_i32 = arith.constant 0 : i32
    %c0_i32_0 = arith.constant 0 : i32
    %c0_i32_1 = arith.constant 0 : i32
    return %c0_i32, %c0_i32_0 : i32, i32
  }
  func.func @transform_24(%arg0: i32) -> (i32, i32) {
    %c0_i32 = arith.constant 0 : i32
    %c0_i32_0 = arith.constant 0 : i32
    %c0_i32_1 = arith.constant 0 : i32
    return %c0_i32, %c0_i32_0 : i32, i32
  }
  func.func @transform_25(%arg0: i32) -> (i32, i32) {
    %c0_i32 = arith.constant 0 : i32
    %c0_i32_0 = arith.constant 0 : i32
    %c0_i32_1 = arith.constant 0 : i32
    return %c0_i32, %c0_i32_0 : i32, i32
  }
  func.func @transform_26(%arg0: i32) -> (i32, i32) {
    %c0_i32 = arith.constant 0 : i32
    %c0_i32_0 = arith.constant 0 : i32
    %c0_i32_1 = arith.constant 0 : i32
    return %c0_i32, %c0_i32_0 : i32, i32
  }
  func.func @transform_27(%arg0: i32) -> (i32, i32) {
    %c0_i32 = arith.constant 0 : i32
    %c0_i32_0 = arith.constant 0 : i32
    %c0_i32_1 = arith.constant 0 : i32
    return %c0_i32, %c0_i32_0 : i32, i32
  }
  func.func @transform_28(%arg0: i32) -> (i32, i32) {
    %c0_i32 = arith.constant 0 : i32
    %c0_i32_0 = arith.constant 0 : i32
    %c0_i32_1 = arith.constant 0 : i32
    return %c0_i32, %c0_i32_0 : i32, i32
  }
  func.func @transform_29(%arg0: i32) -> (i32, i32) {
    %c0_i32 = arith.constant 0 : i32
    %c0_i32_0 = arith.constant 0 : i32
    %c0_i32_1 = arith.constant 0 : i32
    return %c0_i32, %c0_i32_0 : i32, i32
  }
  func.func @transform_30(%arg0: i32) -> (i32, i32) {
    %c0_i32 = arith.constant 0 : i32
    %c0_i32_0 = arith.constant 0 : i32
    %c0_i32_1 = arith.constant 0 : i32
    return %c0_i32, %c0_i32_0 : i32, i32
  }
  func.func @transform_31(%arg0: i32) -> (i32, i32) {
    %c0_i32 = arith.constant 0 : i32
    %c0_i32_0 = arith.constant 0 : i32
    %c0_i32_1 = arith.constant 0 : i32
    return %c0_i32, %c0_i32_0 : i32, i32
  }
  func.func @transform_32(%arg0: i32) -> (i32, i32) {
    %c0_i32 = arith.constant 0 : i32
    %c0_i32_0 = arith.constant 0 : i32
    return %arg0, %c0_i32 : i32, i32
  }
  func.func @transform_33(%arg0: i32) -> (i32, i32) {
    %c0_i32 = arith.constant 0 : i32
    %c0_i32_0 = arith.constant 0 : i32
    return %arg0, %c0_i32 : i32, i32
  }
}

</mosaic_0001>

<sc_bundles>
// kernel: kernel.5.cloned.1.call-start
scs
__scs_entry_jumppad:
0x0: {  	(pc) =	sbr.rel $0x88, $3  }
0x1: {  	(tag) =	ssettag $0x0;
	lr =	simm.s32 $0x1  }
0x2: {  	[smem:$0x3F8C] =	sst lr;
	_ =	strace $0xD0000000  }
0x3: {  	_ = 	snop  }
0x4: {  	_ = 	snop  }
0x5: {  	_ = 	snop  }
0x6: {  	_ = 	snop  }
0x7: {  	_ = 	snop  }
__scs_overlays_trampoline_lowered:
0x8: {  	[smem:$0x3F9B] =	sst s0  }
0x9: {  	[smem:$0x3F9C] =	sst s1  }
0xa: {  	[smem:$0x3F9D] =	sst s2  }
0xb: {  	[smem:$0x3F9E] =	sst s3  }
0xc: {  	[smem:$0x3F9F] =	sst s4  }
0xd: {  	[smem:$0x3FA0] =	sst s5  }
0xe: {  	[smem:$0x3FA1] =	sst s6  }
0xf: {  	[smem:$0x3FA2] =	sst s7  }
0x10: {  	[smem:$0x3FA3] =	sst s8  }
0x11: {  	[smem:$0x3FA4] =	sst s9;
	s0 =	simm.s32 @!p0 $0x0  }
0x12: {  	s1 =	sld [smem:$0x3F8A];
	s0 =	simm.s32 @p0 $0x1  }
0x13: {  	[smem:$0x3FA5] =	sst s0;
	s0 =	simm.s32 @!p1 $0x0  }
0x14: {  	s2 =	sld [smem:$0x3F89];
	s0 =	simm.s32 @p1 $0x1  }
0x15: {  	[smem:$0x3FA6] =	sst s0;
	s0 =	simm.s32 @!p2 $0x0  }
0x16: {  	s3 =	sld [smem:$0x3FDB];
	s0 =	simm.s32 @p2 $0x1  }
0x17: {  	s4 =	simm.s32 $0x1BF5;
	[smem:$0x3FA8] =	sst s0  }
0x18: {  	s0 =	sld [smem:$0x3F8B];
	_ =	swait.ge [sflag:s4], $0x0  }
0x19: {  	s7 =	sld [smem:$0x3F8C]  }
0x1a: {  	s8 =	sadd.s32 $0xFFFFE003, lr  }
0x1b: {  	s9 =	sadd.s32 $0xFFFFFEF7, lr;
	s5 =	simm.s32 $0xFFFFFFFF;
	p2 =	slt.u32 s8, $0xFFFFF086  }
0x1c: {  	p1 =	slt.u32 s9, $0xF7A;
	s5 =	simm.s32 @!p2 $0x0  }
0x1d: {  	s5 =	simm.s32 @p1 $0x1;
	p0 =	seq.s32 s7, s2  }
0x1e: {  	s7 =	smul.u32 @!p0 $0xF7A, s2;
	p2 =	seq.s32 @!p0 s5, $0x0  }
0x1f: {  	s9 =	smul.u32 $0xF7A, s1;
	s8 =	simm.s32 @!p0 $0x1BF5;
	p2 =	por !p2, p0  }
0x20: {  	[sflag:s8] =	ssyncset.s32 @!p0 $0xFFFFF086;
	s6 =	sadd.s32 @!p0 s3, s7;
	s7 =	simm.s32 @!p0 $0x108  }
0x21: {  	s3 =	sadd.s32 s3, s9;
	s6 =	sadd.s32 @!p0 $0x88, s6;
	s7 =	simm.s32 @p2 $0x1082  }
0x22: {  	[simem:s7], [sflag:s8] =	dma.local @!p0 [hbm:s6], $0xF7A  }
0x23: {  	s9 =	sor.u32 $0xD0000000, s2;
	s6 =	simm.s32 $0x108;
	_ =	swait.ge @!p0 [sflag:s8], $0x0  }
0x24: {  	s3 =	sadd.s32 $0x88, s3;
	s6 =	simm.s32 @!p1 $0x1082;
	[sflag:s4] =	ssyncset.s32 $0xFFFFF086  }
0x25: {  	[simem:s6], [sflag:s4] =	dma.local [hbm:s3], $0xF7A  }
0x26: {  	[smem:$0x3F8C] =	sst s1;
	(tag) =	ssettag s2;
	_ =	strace s9  }
0x27: {  	s1 =	sld [smem:$0x3F9C]  }
0x28: {  	s2 =	sld [smem:$0x3F9D]  }
0x29: {  	s4 =	sld [smem:$0x3F9F]  }
0x2a: {  	p0 =	seq.s32 s5, $0x0;
	s5 =	sld [smem:$0x3FA0]  }
0x2b: {  	s6 =	sld [smem:$0x3FA1]  }
0x2c: {  	s7 =	sld [smem:$0x3FA2]  }
0x2d: {  	s3 =	simm.s32 $0x108;
	s8 =	sld [smem:$0x3FA3]  }
0x2e: {  	s3 =	simm.s32 @!p0 $0x1082;
	s9 =	sld [smem:$0x3FA4]  }
0x2f: {  	lr =	sadd.s32 s0, s3;
	s0 =	sld [smem:$0x3F9B]  }
0x30: {  	s3 =	sld [smem:$0x3F9E]  }
0x31: {  	[smem:$0x3FA7] =	sst s10  }
0x32: {  	s10 =	sld [smem:$0x3FA5];
	_ =	sdelay $0x3  }
0x33: {  	p0 =	seq.s32 s10, $0x1;
	s10 =	sld [smem:$0x3FA7];
	_ =	sdelay $0x3  }
0x34: {  	[smem:$0x3FA7] =	sst s10  }
0x35: {  	s10 =	sld [smem:$0x3FA6];
	_ =	sdelay $0x3  }
0x36: {  	p1 =	seq.s32 s10, $0x1;
	s10 =	sld [smem:$0x3FA7];
	_ =	sdelay $0x3  }
0x37: {  	[smem:$0x3FA7] =	sst s10  }
0x38: {  	s10 =	sld [smem:$0x3FA8]  }
0x39: {  	_ = 	snop;
	(pc) =	sbr.ind lr, $3  }
0x3a: {  	_ = 	snop  }
0x3b: {  	_ = 	snop  }
0x3c: {  	p2 =	seq.s32 s10, $0x1;
	s10 =	sld [smem:$0x3FA7]  }
0x3d: {  	_ =	shalt  }
0x3e: {  	_ =	shalt  }
0x3f: {  	_ =	shalt  }
0x40: {  	_ =	shalt  }
0x41: {  	_ =	shalt  }
0x42: {  	_ =	shalt  }
0x43: {  	_ =	shalt  }
0x44: {  	_ =	shalt  }
0x45: {  	_ =	shalt  }
0x46: {  	_ =	shalt  }
0x47: {  	_ =	shalt  }
0x48: {  	_ =	shalt  }
0x49: {  	_ =	shalt  }
0x4a: {  	_ =	shalt  }
0x4b: {  	_ =	shalt  }
0x4c: {  	_ =	shalt  }
0x4d: {  	_ =	shalt  }
0x4e: {  	_ =	shalt  }
0x4f: {  	_ =	shalt  }
0x50: {  	_ =	shalt  }
0x51: {  	_ =	shalt  }
0x52: {  	_ =	shalt  }
0x53: {  	_ =	shalt  }
0x54: {  	_ =	shalt  }
0x55: {  	_ =	shalt  }
0x56: {  	_ =	shalt  }
0x57: {  	_ =	shalt  }
0x58: {  	_ =	shalt  }
0x59: {  	_ =	shalt  }
0x5a: {  	_ =	shalt  }
0x5b: {  	_ =	shalt  }
0x5c: {  	_ =	shalt  }
0x5d: {  	_ =	shalt  }
0x5e: {  	_ =	shalt  }
0x5f: {  	_ =	shalt  }
0x60: {  	_ =	shalt  }
0x61: {  	_ =	shalt  }
0x62: {  	_ =	shalt  }
0x63: {  	_ =	shalt  }
0x64: {  	_ =	shalt  }
0x65: {  	_ =	shalt  }
0x66: {  	_ =	shalt  }
0x67: {  	_ =	shalt  }
0x68: {  	_ =	shalt  }
0x69: {  	_ =	shalt  }
0x6a: {  	_ =	shalt  }
0x6b: {  	_ =	shalt  }
0x6c: {  	_ =	shalt  }
0x6d: {  	_ =	shalt  }
0x6e: {  	_ =	shalt  }
0x6f: {  	_ =	shalt  }
0x70: {  	_ =	shalt  }
0x71: {  	_ =	shalt  }
0x72: {  	_ =	shalt  }
0x73: {  	_ =	shalt  }
0x74: {  	_ =	shalt  }
0x75: {  	_ =	shalt  }
0x76: {  	_ =	shalt  }
0x77: {  	_ =	shalt  }
0x78: {  	_ =	shalt  }
0x79: {  	_ =	shalt  }
0x7a: {  	_ =	shalt  }
0x7b: {  	_ =	shalt  }
0x7c: {  	_ =	shalt  }
0x7d: {  	_ =	shalt  }
0x7e: {  	_ =	shalt  }
0x7f: {  	_ =	shalt  }
0x80: {  	_ =	shalt  }
0x81: {  	_ =	shalt  }
0x82: {  	_ =	shalt  }
0x83: {  	_ =	shalt  }
0x84: {  	_ =	shalt  }
0x85: {  	_ =	shalt  }
0x86: {  	_ =	shalt  }
0x87: {  	_ =	shalt  }
.Lfunc_end0:
.L_simem_size_0:
called_computation.1_lowered:
.L_overlay_start_0:
0x88: {  	s2 =	sld [smem:$0x3FD9]  }
0x89: {  	s3 =	sld [smem:$0x3FFE];
	_ =	sdelay $0x1  }
0x8a: {  	s1 =	srdreg.scid  }
0x8b: {  	s0 =	sand.u32 $0x1, s1  }
0x8c: {  	s16 =	sshll.u32 s0, $0xA;
	s2 =	sadd.s32 s3, s2  }
0x8d: {  	s2 =	sadd.s32 s2, s16  }
0x8e: {  	[smem:$0x3FB3] =	sst s2  }
0x8f: {  	_ = 	snop  }
0x90: {  	(tm) =	ssettm $0x1  }
0x91: {  	s17 =	sld [smem:$0x3FFB];
	_ =	sdelay $0x3  }
0x92: {  	_ =	strace s17  }
0x93: {  	s2 =	sld [smem:$0x3FFC];
	_ =	sdelay $0x3  }
0x94: {  	_ =	strace s2  }
0x95: {  	s2 =	sld [smem:$0x3FFD];
	_ =	sdelay $0x3  }
0x96: {  	_ =	strace s2  }
0x97: {  	_ =	strace $0x8FFFFFFF  }
0x98: {  	s18 =	sld [smem:$0x3FDB];
	_ =	sdelay $0x1  }
0x99: {  	s19 =	simm.s32 $_scs_section_size  }
0x9a: {  	s4 =	simm.s32 $_size__tile_overlayer_lowered;
	s5 =	simm.s32 $_tile_overlayer_lowered  }
0x9b: {  	s22 =	simm.s32 $0x1BFF;
	s21 =	sshll.u32 s5, $0x1;
	s2 =	sadd.s32 s19, s18  }
0x9c: {  	s6 =	simm.s32 $0x0;
	s20 =	sshll.u32 s4, $0x1;
	s4 =	sadd.s32 s21, s2  }
0x9d: {  	[timem:s6], [sflag:s22] =	dma.local [hbm:s4], s20  }
0x9e: {  	_ =	swait.ge [sflag:s22], s20  }
0x9f: {  	s3 =	ssub.s32 $0x0, s20;
	[sflag:s22] =	ssyncset.done $0x0  }
0xa0: {  	[sflag:s22] =	ssyncadd.s32 s3;
	_ =	sdelay $0x1  }
0xa1: {  	s23 =	simm.s32 $0x1B8B  }
0xa2: {  	_ =	swait.ge [sflag:s23], $0x1  }
0xa3: {  	[sflag:s23] =	ssyncset.done $0x0  }
0xa4: {  	s25 =	simm.s32 $0x1B8E;
	s24 =	sld [smem:$0x3FFE];
	[sflag:s23] =	ssyncadd.s32 $0xFFFFFFFF  }
0xa5: {  	s26 =	simm.s32 $execute0_lowered;
	[smem:$0x3FD2] =	sst s25  }
0xa6: {  	s4 =	sshll.u32 s26, $0x1;
	_ =	strace $0x80000049;
	[dreg:$0x1] =	wrdreg $0xFFFFFFFF  }
0xa7: {  	s28 =	simm.s32 $_size_execute0_lowered;
	s2 =	sadd.s32 s2, s4;
	[dreg:$0x0] =	wrdreg $0x0  }
0xa8: {  	s4 =	sshll.u32 s28, $0x1;
	[dreg:$0x2] =	wrdreg s2  }
0xa9: {  	[dreg:$0x3] =	wrdreg s4  }
0xaa: {  	[dreg:$0x4] =	wrdreg $0xC0  }
0xab: {  	_ =	task [dreg:s6], $0x5FFFF  }
0xac: {  	[dreg:$0x1] =	wrdreg $0xFFFFFFFF  }
0xad: {  	[dreg:$0x0] =	wrdreg $0x60  }
0xae: {  	[dreg:$0x2] =	wrdreg s24  }
0xaf: {  	[dreg:$0x3] =	wrdreg $0x9  }
0xb0: {  	_ =	task.clear_ibuf [dreg:s6], $0x4FFFF;
	_ =	strace $0x90000049  }
0xb1: {  	s29 =	simm.s32 $0x9;
	_ =	strace $0x8000004B  }
0xb2: {  	_ =	swait.ge [sflag:s29], $0x1  }
0xb3: {  	[sflag:s29] =	ssyncadd.s32 $0xFFFFFFFF  }
0xb4: {  	_ =	strace $0x9000004B  }
0xb5: {  	_ =	sfence  }
0xb6: {  	s30 =	sld [smem:$0x0];
	_ =	sdelay $0x2  }
0xb7: {  	s31 =	sshll.u32 s1, $0xD;
	s1 =	sshrl.u32 s1, $0x2  }
0xb8: {  	s3 =	sand.u32 $0x4000, s31;
	s1 =	sadd.s32 s1, s30  }
0xb9: {  	s0 =	sor.u32 s3, s0;
	s1 =	sshll.u32 s1, $0x11  }
0xba: {  	s0 =	sor.u32 s1, s0  }
0xbb: {  	s0 =	sadd.s32 $0x8F2B, s0  }
0xbc: {  	[sflag:s0] =	ssyncadd.remote.s32 $0x1  }
0xbd: {  	_ =	sfence.sel $0xFFFF  }
0xbe: {  	[dreg:$0x0] =	wrdreg $0xFFFFFFFF;
	(pc) =	sbr.abs _section_cstart, $3  }
0xbf: {  	[dreg:$0x1] =	wrdreg $0xFFFFFFFF  }
0xc0: {  	_ =	task.clear_ibuf [dreg:s6], $0x2FFFF;
	_ =	strace $0x9FFFFFFF  }
0xc1: {  	(tm) =	ssettm $0x7FFFFFFF  }
tec
execute0_lowered:
.L_overlay_start_1:
0x0: {  	(tag) =	ssettag $0x1  }
0x1: {  	s0 =	srdreg.scid  }
0x2: {  	s1 =	stileid.u32;
	s3 =	sand.u32 $0x1, s0  }
0x3: {  	s7 =	sshll.u32 s1, $0x8;
	s2 =	sshll.u32 s3, $0x7  }
0x4: {  	s1 =	rddreg [dreg:$0x0];
	s0 =	sor.u32 s2, s7  }
0x5: {  	s2 =	simm.s32 $0x0;
	s6 =	sadd.s32 s0, s1  }
0x6: {  	[smem:$0x7FF] =	sst s2;
	s10 =	sadd.s32 $0x602E00, s6  }
0x7: {  	_ =	strace $0x8000004A;
	s11 =	sadd.s32 $0x602E10, s6;
	[dreg:$0x6] =	wrdreg s10  }
0x8: {  	s30 =	simm.s32 $0x100;
	s12 =	sadd.s32 $0x602E20, s6;
	[dreg:$0x7] =	wrdreg s11  }
0x9: {  	s31 =	simm.s32 $0x180;
	s13 =	sadd.s32 $0x602E30, s6;
	[dreg:$0x8] =	wrdreg s12  }
0xa: {  	s28 =	simm.s32 $0x380;
	s14 =	sadd.s32 $0x602E40, s6;
	[dreg:$0x9] =	wrdreg s13  }
0xb: {  	p0 =	por $0x0, $0x0;
	s15 =	sadd.s32 $0x602E50, s6;
	[dreg:$0xa] =	wrdreg s14  }
0xc: {  	s20 =	sadd.s32 $0x2E00, s1;
	s16 =	sadd.s32 $0x602E60, s6;
	[dreg:$0xb] =	wrdreg s15  }
0xd: {  	s29 =	sadd.s32 $0x605600, s1;
	s17 =	sadd.s32 $0x602E70, s6;
	[dreg:$0xc] =	wrdreg s16  }
0xe: {  	s3 =	ssub.s32 $0x2, s3;
	s18 =	sadd.s32 $0x603E00, s6;
	[dreg:$0xd] =	wrdreg s17  }
0xf: {  	s4 =	sshrl.u32 s0, $0x1;
	s19 =	sadd.s32 $0x603E10, s6;
	[dreg:$0xe] =	wrdreg s18  }
0x10: {  	s0 =	sshll.u32 s0, $0x4;
	s21 =	sadd.s32 $0x603E20, s6;
	[dreg:$0xf] =	wrdreg s19  }
0x11: {  	s4 =	sadd.s32 s4, s1;
	s22 =	sadd.s32 $0x603E30, s6;
	[dreg:$0x10] =	wrdreg s21  }
0x12: {  	s23 =	sadd.s32 s20, s0;
	s24 =	sor.u32 $0x10000, s0;
	[dreg:$0x11] =	wrdreg s22  }
0x13: {  	s7 =	sor.u32 $0x20000, s0;
	s5 =	sadd.s32 $0x604E00, s4;
	[dreg:$0x12] =	wrdreg s23  }
0x14: {  	s8 =	sadd.s32 $0x604E10, s4;
	s9 =	sadd.s32 $0x604E20, s4;
	[dreg:$0x2] =	wrdreg s5  }
0x15: {  	s4 =	sadd.s32 $0x604E30, s4;
	s25 =	sadd.s32 s20, s24;
	[dreg:$0x3] =	wrdreg s8  }
0x16: {  	s26 =	sadd.s32 s20, s7;
	s15 =	sshrl.u32 s3, $0x1;
	[dreg:$0x4] =	wrdreg s9  }
0x17: {  	s21 =	simm.s32 $0x480;
	s22 =	simm.s32 $0x500;
	[dreg:$0x5] =	wrdreg s4  }
0x18: {  	s23 =	simm.s32 $0x580;
	[dreg:$0x13] =	wrdreg s25;
	s8 =	sor.u32 $0x30000, s0  }
0x19: {  	s9 =	sadd.s32 $0x42E00, s1;
	[dreg:$0x14] =	wrdreg s26;
	s17 =	ssub.s32 s3, s15  }
0x1a: {  	s3 =	simm.s32 $0x2;
	s25 =	simm.s32 $0x280;
	s26 =	simm.s32 $0x300  }
0x1b: {  	s15 =	simm.s32 $0x600;
	s5 =	sadd.s32 s20, s8;
	s6 =	sadd.s32 s9, s24  }
0x1c: {  	s10 =	sadd.s32 s9, s7;
	s19 =	sadd.s32 s9, s0;
	s0 =	rddreg [dreg:$0x2]  }
0x1d: {  	s11 =	sadd.s32 s9, s8;
	s8 =	sadd.s32 $0x645600, s1;
	[dreg:$0x15] =	wrdreg s5  }
0x1e: {  	s18 =	smax.u32 s17, $0x1;
	s24 =	simm.s32 $0x200;
	[dreg:$0x16] =	wrdreg s6  }
0x1f: {  	s20 =	simm.s32 $0x400;
	s17 =	simm.s32 $0x700;
	[dreg:$0x17] =	wrdreg s10  }
0x20: {  	s9 =	simm.s32 $0xCA00;
	[dreg:$0x18] =	wrdreg s11;
	s12 =	sadd.s32 $0x40000, s19  }
0x21: {  	s13 =	sadd.s32 $0x50000, s19;
	s14 =	sadd.s32 $0x60000, s19;
	s16 =	sadd.s32 $0x70000, s19  }
0x22: {  	s7 =	sadd.s32 $0x80000, s19;
	s6 =	sadd.s32 $0x90000, s19;
	p1 =	sne.s32 s18, $0x1  }
.Ltmp0:
0x23: {  	s5 =	sadd.s32 $0xA0000, s19;
	[dreg:$0x19] =	wrdreg s12;
	(pc) =	sbr.rel @!p1 .LBB2_3-.Ltmp0, $4  }
0x24: {  	s4 =	sadd.s32 $0xB0000, s19;
	s11 =	simm.s32 $0x80;
	[dreg:$0x1a] =	wrdreg s13  }
0x25: {  	s1 =	sadd.s32 $0xFFFFFFFF, s18;
	s18 =	simm.s32 $0x780;
	[dreg:$0x1b] =	wrdreg s14  }
0x26: {  	s10 =	simm.s32 $0x8A00;
	[dreg:$0x1c] =	wrdreg s16;
	s16 =	simm.s32 $0x680  }
0x27: {  	s13 =	simm.s32 $0xA00;
	s12 =	simm.s32 $0x4A00;
	s14 =	simm.s32 $0x1  }
0x28: {  	[tilespmem:s2], [sflag:$0x2] =	stream.linear.gather [hbm4b:s0+s2], $0x80, $0x38;
	[tilespmem:$0x10A00] =	vst v63  }
0x29: {  	_ =	swait.ge [sflag:s3], $0x80  }
0x2a: {  	[sflag:s3] =	ssyncset.done $0x0  }
0x2b: {  	s0 =	rddreg [dreg:$0x3];
	[sflag:s3] =	ssyncadd.s32 $0xFFFFFF80  }
0x2c: {  	[tilespmem:s11], [sflag:$0x2] =	stream.linear.gather [hbm4b:s0+s2], $0x80, $0x38;
	[tilespmem:$0x10A00] =	vst v63  }
0x2d: {  	_ =	swait.ge [sflag:s3], $0x80  }
0x2e: {  	[sflag:s3] =	ssyncset.done $0x0  }
0x2f: {  	s0 =	rddreg [dreg:$0x4];
	[sflag:s3] =	ssyncadd.s32 $0xFFFFFF80  }
0x30: {  	[tilespmem:s30], [sflag:$0x2] =	stream.linear.gather [hbm4b:s0+s2], $0x80, $0x38;
	[tilespmem:$0x10A00] =	vst v63  }
0x31: {  	_ =	swait.ge [sflag:s3], $0x80  }
0x32: {  	[sflag:s3] =	ssyncset.done $0x0  }
0x33: {  	s0 =	rddreg [dreg:$0x5];
	[sflag:s3] =	ssyncadd.s32 $0xFFFFFF80  }
0x34: {  	[tilespmem:s31], [sflag:$0x2] =	stream.linear.gather [hbm4b:s0+s2], $0x80, $0x38;
	[tilespmem:$0x10A00] =	vst v63  }
0x35: {  	_ =	swait.ge [sflag:s3], $0x80  }
0x36: {  	[sflag:s3] =	ssyncset.done $0x0  }
0x37: {  	s0 =	rddreg [dreg:$0x6];
	[sflag:s3] =	ssyncadd.s32 $0xFFFFFF80  }
0x38: {  	[tilespmem:s24], [sflag:$0x2] =	stream.linear.gather [hbm4b:s0+s2], $0x80, $0x38;
	[tilespmem:$0x10A00] =	vst v63  }
0x39: {  	_ =	swait.ge [sflag:s3], $0x80  }
0x3a: {  	[sflag:s3] =	ssyncset.done $0x0  }
0x3b: {  	s0 =	rddreg [dreg:$0x7];
	[sflag:s3] =	ssyncadd.s32 $0xFFFFFF80  }
0x3c: {  	[tilespmem:s25], [sflag:$0x2] =	stream.linear.gather [hbm4b:s0+s2], $0x80, $0x38;
	[tilespmem:$0x10A00] =	vst v63  }
0x3d: {  	_ =	swait.ge [sflag:s3], $0x80  }
0x3e: {  	[sflag:s3] =	ssyncset.done $0x0  }
0x3f: {  	s0 =	rddreg [dreg:$0x8];
	[sflag:s3] =	ssyncadd.s32 $0xFFFFFF80  }
0x40: {  	[tilespmem:s26], [sflag:$0x2] =	stream.linear.gather [hbm4b:s0+s2], $0x80, $0x38;
	[tilespmem:$0x10A00] =	vst v63  }
0x41: {  	_ =	swait.ge [sflag:s3], $0x80  }
0x42: {  	[sflag:s3] =	ssyncset.done $0x0  }
0x43: {  	s0 =	rddreg [dreg:$0x9];
	[sflag:s3] =	ssyncadd.s32 $0xFFFFFF80  }
0x44: {  	[tilespmem:s28], [sflag:$0x2] =	stream.linear.gather [hbm4b:s0+s2], $0x80, $0x38;
	[tilespmem:$0x10A00] =	vst v63  }
0x45: {  	_ =	swait.ge [sflag:s3], $0x80  }
0x46: {  	[sflag:s3] =	ssyncset.done $0x0  }
0x47: {  	s0 =	rddreg [dreg:$0xa];
	[sflag:s3] =	ssyncadd.s32 $0xFFFFFF80  }
0x48: {  	[tilespmem:s20], [sflag:$0x2] =	stream.linear.gather [hbm4b:s0+s2], $0x80, $0x38;
	[tilespmem:$0x10A00] =	vst v63  }
0x49: {  	_ =	swait.ge [sflag:s3], $0x80  }
0x4a: {  	[sflag:s3] =	ssyncset.done $0x0  }
0x4b: {  	s0 =	rddreg [dreg:$0xb];
	[sflag:s3] =	ssyncadd.s32 $0xFFFFFF80  }
0x4c: {  	[tilespmem:s21], [sflag:$0x2] =	stream.linear.gather [hbm4b:s0+s2], $0x80, $0x38;
	[tilespmem:$0x10A00] =	vst v63  }
0x4d: {  	_ =	swait.ge [sflag:s3], $0x80  }
0x4e: {  	[sflag:s3] =	ssyncset.done $0x0  }
0x4f: {  	s0 =	rddreg [dreg:$0xc];
	[sflag:s3] =	ssyncadd.s32 $0xFFFFFF80  }
0x50: {  	[tilespmem:s22], [sflag:$0x2] =	stream.linear.gather [hbm4b:s0+s2], $0x80, $0x38;
	[tilespmem:$0x10A00] =	vst v63  }
0x51: {  	_ =	swait.ge [sflag:s3], $0x80  }
0x52: {  	[sflag:s3] =	ssyncset.done $0x0  }
0x53: {  	s0 =	rddreg [dreg:$0xd];
	[sflag:s3] =	ssyncadd.s32 $0xFFFFFF80  }
0x54: {  	[tilespmem:s23], [sflag:$0x2] =	stream.linear.gather [hbm4b:s0+s2], $0x80, $0x38;
	[tilespmem:$0x10A00] =	vst v63  }
0x55: {  	_ =	swait.ge [sflag:s3], $0x80  }
0x56: {  	[sflag:s3] =	ssyncset.done $0x0  }
0x57: {  	s0 =	rddreg [dreg:$0xe];
	[sflag:s3] =	ssyncadd.s32 $0xFFFFFF80  }
0x58: {  	[tilespmem:s15], [sflag:$0x2] =	stream.linear.gather [hbm4b:s0+s2], $0x80, $0x38;
	[tilespmem:$0x10A00] =	vst v63  }
0x59: {  	_ =	swait.ge [sflag:s3], $0x80  }
0x5a: {  	[sflag:s3] =	ssyncset.done $0x0  }
0x5b: {  	s0 =	rddreg [dreg:$0xf];
	[sflag:s3] =	ssyncadd.s32 $0xFFFFFF80  }
0x5c: {  	[tilespmem:s16], [sflag:$0x2] =	stream.linear.gather [hbm4b:s0+s2], $0x80, $0x38;
	[tilespmem:$0x10A00] =	vst v63  }
0x5d: {  	_ =	swait.ge [sflag:s3], $0x80  }
0x5e: {  	[sflag:s3] =	ssyncset.done $0x0  }
0x5f: {  	s0 =	rddreg [dreg:$0x10];
	[sflag:s3] =	ssyncadd.s32 $0xFFFFFF80  }
0x60: {  	[tilespmem:s17], [sflag:$0x2] =	stream.linear.gather [hbm4b:s0+s2], $0x80, $0x38;
	[tilespmem:$0x10A00] =	vst v63  }
0x61: {  	_ =	swait.ge [sflag:s3], $0x80  }
0x62: {  	[sflag:s3] =	ssyncset.done $0x0  }
0x63: {  	s0 =	rddreg [dreg:$0x11];
	[sflag:s3] =	ssyncadd.s32 $0xFFFFFF80  }
0x64: {  	[tilespmem:s18], [sflag:$0x2] =	stream.linear.gather [hbm4b:s0+s2], $0x80, $0x38;
	[tilespmem:$0x10A00] =	vst v63  }
0x65: {  	_ =	swait.ge [sflag:s3], $0x80  }
0x66: {  	[sflag:s3] =	ssyncset.done $0x0  }
0x67: {  	[sflag:s3] =	ssyncadd.s32 $0xFFFFFF80  }
0x68: {  	[tilespmem:s13], [sflag:$0x1] =	stream.indirect.gather [hbm4b:s29+s11], $0x80, s2, s11, $0xb8;
	[tilespmem:$0x10A00] =	vst v63  }
0x69: {  	_ = 	snop  }
0x6a: {  	[tilespmem:s12], [sflag:$0x1] =	stream.indirect.gather [hbm4b:s29+s11], $0x80, s11, s11, $0xb8;
	[tilespmem:$0x10A00] =	vst v63  }
0x6b: {  	_ = 	snop  }
0x6c: {  	[tilespmem:s10], [sflag:$0x1] =	stream.indirect.gather [hbm4b:s29+s11], $0x80, s30, s11, $0xb8;
	[tilespmem:$0x10A00] =	vst v63  }
0x6d: {  	_ = 	snop  }
0x6e: {  	[tilespmem:s9], [sflag:$0x1] =	stream.indirect.gather [hbm4b:s29+s11], $0x80, s31, s11, $0xb8;
	[tilespmem:$0x10A00] =	vst v63  }
0x6f: {  	_ =	swait.ge [sflag:s14], $0x4000  }
0x70: {  	[sflag:s14] =	ssyncset.done $0x0  }
0x71: {  	[sflag:s14] =	ssyncadd.s32 $0xFFFFC000  }
0x72: {  	_ =	swait.ge [sflag:s14], $0x4000  }
0x73: {  	[sflag:s14] =	ssyncset.done $0x0  }
0x74: {  	[sflag:s14] =	ssyncadd.s32 $0xFFFFC000  }
0x75: {  	_ =	swait.ge [sflag:s14], $0x4000  }
0x76: {  	[sflag:s14] =	ssyncset.done $0x0  }
0x77: {  	[sflag:s14] =	ssyncadd.s32 $0xFFFFC000  }
0x78: {  	_ =	swait.ge [sflag:s14], $0x4000  }
0x79: {  	[sflag:s14] =	ssyncset.done $0x0  }
0x7a: {  	s0 =	rddreg [dreg:$0x12];
	[sflag:s14] =	ssyncadd.s32 $0xFFFFC000  }
0x7b: {  	[hbm4b:s0+s2] =	stream.linear.scatter [tilespmem:s13], [sflag:$0x2], $0x4000, $0x38;
	[tilespmem:$0x10A00] =	vst v63  }
0x7c: {  	_ =	swait.ge [sflag:s3], $0x4000  }
0x7d: {  	[sflag:s3] =	ssyncset.done $0x0  }
0x7e: {  	s0 =	rddreg [dreg:$0x13];
	[sflag:s3] =	ssyncadd.s32 $0xFFFFC000  }
0x7f: {  	[hbm4b:s0+s2] =	stream.linear.scatter [tilespmem:s12], [sflag:$0x2], $0x4000, $0x38;
	[tilespmem:$0x10A00] =	vst v63  }
0x80: {  	_ =	swait.ge [sflag:s3], $0x4000  }
0x81: {  	[sflag:s3] =	ssyncset.done $0x0  }
0x82: {  	s0 =	rddreg [dreg:$0x14];
	[sflag:s3] =	ssyncadd.s32 $0xFFFFC000  }
0x83: {  	[hbm4b:s0+s2] =	stream.linear.scatter [tilespmem:s10], [sflag:$0x2], $0x4000, $0x38;
	[tilespmem:$0x10A00] =	vst v63  }
0x84: {  	_ =	swait.ge [sflag:s3], $0x4000  }
0x85: {  	[sflag:s3] =	ssyncset.done $0x0  }
0x86: {  	s0 =	rddreg [dreg:$0x15];
	[sflag:s3] =	ssyncadd.s32 $0xFFFFC000  }
0x87: {  	[hbm4b:s0+s2] =	stream.linear.scatter [tilespmem:s9], [sflag:$0x2], $0x4000, $0x38;
	[tilespmem:$0x10A00] =	vst v63  }
0x88: {  	_ =	swait.ge [sflag:s3], $0x4000  }
0x89: {  	[sflag:s3] =	ssyncset.done $0x0  }
0x8a: {  	[sflag:s3] =	ssyncadd.s32 $0xFFFFC000  }
0x8b: {  	[tilespmem:s13], [sflag:$0x1] =	stream.indirect.gather [hbm4b:s8+s11], $0x80, s24, s11, $0xb8;
	[tilespmem:$0x10A00] =	vst v63  }
0x8c: {  	_ = 	snop  }
0x8d: {  	[tilespmem:s12], [sflag:$0x1] =	stream.indirect.gather [hbm4b:s8+s11], $0x80, s25, s11, $0xb8;
	[tilespmem:$0x10A00] =	vst v63  }
0x8e: {  	_ = 	snop  }
0x8f: {  	[tilespmem:s10], [sflag:$0x1] =	stream.indirect.gather [hbm4b:s8+s11], $0x80, s26, s11, $0xb8;
	[tilespmem:$0x10A00] =	vst v63  }
0x90: {  	_ = 	snop  }
0x91: {  	[tilespmem:s9], [sflag:$0x1] =	stream.indirect.gather [hbm4b:s8+s11], $0x80, s28, s11, $0xb8;
	[tilespmem:$0x10A00] =	vst v63  }
0x92: {  	_ =	swait.ge [sflag:s14], $0x4000  }
0x93: {  	[sflag:s14] =	ssyncset.done $0x0  }
0x94: {  	[sflag:s14] =	ssyncadd.s32 $0xFFFFC000  }
0x95: {  	_ =	swait.ge [sflag:s14], $0x4000  }
0x96: {  	[sflag:s14] =	ssyncset.done $0x0  }
0x97: {  	[sflag:s14] =	ssyncadd.s32 $0xFFFFC000  }
0x98: {  	_ =	swait.ge [sflag:s14], $0x4000  }
0x99: {  	[sflag:s14] =	ssyncset.done $0x0  }
0x9a: {  	[sflag:s14] =	ssyncadd.s32 $0xFFFFC000  }
0x9b: {  	_ =	swait.ge [sflag:s14], $0x4000  }
0x9c: {  	[sflag:s14] =	ssyncset.done $0x0  }
0x9d: {  	[sflag:s14] =	ssyncadd.s32 $0xFFFFC000  }
0x9e: {  	[hbm4b:s19+s2] =	stream.linear.scatter [tilespmem:s13], [sflag:$0x2], $0x4000, $0x38;
	[tilespmem:$0x10A00] =	vst v63  }
0x9f: {  	_ =	swait.ge [sflag:s3], $0x4000  }
0xa0: {  	[sflag:s3] =	ssyncset.done $0x0  }
0xa1: {  	s0 =	rddreg [dreg:$0x16];
	[sflag:s3] =	ssyncadd.s32 $0xFFFFC000  }
0xa2: {  	[hbm4b:s0+s2] =	stream.linear.scatter [tilespmem:s12], [sflag:$0x2], $0x4000, $0x38;
	[tilespmem:$0x10A00] =	vst v63  }
0xa3: {  	_ =	swait.ge [sflag:s3], $0x4000  }
0xa4: {  	[sflag:s3] =	ssyncset.done $0x0  }
0xa5: {  	s0 =	rddreg [dreg:$0x17];
	[sflag:s3] =	ssyncadd.s32 $0xFFFFC000  }
0xa6: {  	[hbm4b:s0+s2] =	stream.linear.scatter [tilespmem:s10], [sflag:$0x2], $0x4000, $0x38;
	[tilespmem:$0x10A00] =	vst v63  }
0xa7: {  	_ =	swait.ge [sflag:s3], $0x4000  }
0xa8: {  	[sflag:s3] =	ssyncset.done $0x0  }
0xa9: {  	s0 =	rddreg [dreg:$0x18];
	[sflag:s3] =	ssyncadd.s32 $0xFFFFC000  }
0xaa: {  	[hbm4b:s0+s2] =	stream.linear.scatter [tilespmem:s9], [sflag:$0x2], $0x4000, $0x38;
	[tilespmem:$0x10A00] =	vst v63  }
0xab: {  	_ =	swait.ge [sflag:s3], $0x4000  }
0xac: {  	[sflag:s3] =	ssyncset.done $0x0  }
0xad: {  	[sflag:s3] =	ssyncadd.s32 $0xFFFFC000  }
0xae: {  	[tilespmem:s13], [sflag:$0x1] =	stream.indirect.gather [hbm4b:s8+s11], $0x80, s20, s11, $0xb8;
	[tilespmem:$0x10A00] =	vst v63  }
0xaf: {  	_ = 	snop  }
0xb0: {  	[tilespmem:s12], [sflag:$0x1] =	stream.indirect.gather [hbm4b:s8+s11], $0x80, s21, s11, $0xb8;
	[tilespmem:$0x10A00] =	vst v63  }
0xb1: {  	_ = 	snop  }
0xb2: {  	[tilespmem:s10], [sflag:$0x1] =	stream.indirect.gather [hbm4b:s8+s11], $0x80, s22, s11, $0xb8;
	[tilespmem:$0x10A00] =	vst v63  }
0xb3: {  	_ = 	snop  }
0xb4: {  	[tilespmem:s9], [sflag:$0x1] =	stream.indirect.gather [hbm4b:s8+s11], $0x80, s23, s11, $0xb8;
	[tilespmem:$0x10A00] =	vst v63  }
0xb5: {  	_ =	swait.ge [sflag:s14], $0x4000  }
0xb6: {  	[sflag:s14] =	ssyncset.done $0x0  }
0xb7: {  	[sflag:s14] =	ssyncadd.s32 $0xFFFFC000  }
0xb8: {  	_ =	swait.ge [sflag:s14], $0x4000  }
0xb9: {  	[sflag:s14] =	ssyncset.done $0x0  }
0xba: {  	[sflag:s14] =	ssyncadd.s32 $0xFFFFC000  }
0xbb: {  	_ =	swait.ge [sflag:s14], $0x4000  }
0xbc: {  	[sflag:s14] =	ssyncset.done $0x0  }
0xbd: {  	[sflag:s14] =	ssyncadd.s32 $0xFFFFC000  }
0xbe: {  	_ =	swait.ge [sflag:s14], $0x4000  }
0xbf: {  	[sflag:s14] =	ssyncset.done $0x0  }
0xc0: {  	s0 =	rddreg [dreg:$0x19];
	[sflag:s14] =	ssyncadd.s32 $0xFFFFC000  }
0xc1: {  	[hbm4b:s0+s2] =	stream.linear.scatter [tilespmem:s13], [sflag:$0x2], $0x4000, $0x38;
	[tilespmem:$0x10A00] =	vst v63  }
0xc2: {  	_ =	swait.ge [sflag:s3], $0x4000  }
0xc3: {  	[sflag:s3] =	ssyncset.done $0x0  }
0xc4: {  	s0 =	rddreg [dreg:$0x1a];
	[sflag:s3] =	ssyncadd.s32 $0xFFFFC000  }
0xc5: {  	[hbm4b:s0+s2] =	stream.linear.scatter [tilespmem:s12], [sflag:$0x2], $0x4000, $0x38;
	[tilespmem:$0x10A00] =	vst v63  }
0xc6: {  	_ =	swait.ge [sflag:s3], $0x4000  }
0xc7: {  	[sflag:s3] =	ssyncset.done $0x0  }
0xc8: {  	s0 =	rddreg [dreg:$0x1b];
	[sflag:s3] =	ssyncadd.s32 $0xFFFFC000  }
0xc9: {  	[hbm4b:s0+s2] =	stream.linear.scatter [tilespmem:s10], [sflag:$0x2], $0x4000, $0x38;
	[tilespmem:$0x10A00] =	vst v63  }
0xca: {  	_ =	swait.ge [sflag:s3], $0x4000  }
0xcb: {  	[sflag:s3] =	ssyncset.done $0x0  }
0xcc: {  	s0 =	rddreg [dreg:$0x1c];
	[sflag:s3] =	ssyncadd.s32 $0xFFFFC000  }
0xcd: {  	[hbm4b:s0+s2] =	stream.linear.scatter [tilespmem:s9], [sflag:$0x2], $0x4000, $0x38;
	[tilespmem:$0x10A00] =	vst v63  }
0xce: {  	_ =	swait.ge [sflag:s3], $0x4000  }
0xcf: {  	[sflag:s3] =	ssyncset.done $0x0  }
0xd0: {  	[sflag:s3] =	ssyncadd.s32 $0xFFFFC000  }
0xd1: {  	[tilespmem:s13], [sflag:$0x1] =	stream.indirect.gather [hbm4b:s8+s11], $0x80, s15, s11, $0xb8;
	[tilespmem:$0x10A00] =	vst v63  }
0xd2: {  	_ = 	snop  }
0xd3: {  	[tilespmem:s12], [sflag:$0x1] =	stream.indirect.gather [hbm4b:s8+s11], $0x80, s16, s11, $0xb8;
	[tilespmem:$0x10A00] =	vst v63  }
0xd4: {  	_ = 	snop  }
0xd5: {  	[tilespmem:s10], [sflag:$0x1] =	stream.indirect.gather [hbm4b:s8+s11], $0x80, s17, s11, $0xb8;
	[tilespmem:$0x10A00] =	vst v63  }
0xd6: {  	_ = 	snop  }
0xd7: {  	[tilespmem:s9], [sflag:$0x1] =	stream.indirect.gather [hbm4b:s8+s11], $0x80, s18, s11, $0xb8;
	[tilespmem:$0x10A00] =	vst v63  }
0xd8: {  	_ =	swait.ge [sflag:s14], $0x4000  }
0xd9: {  	[sflag:s14] =	ssyncset.done $0x0  }
0xda: {  	[sflag:s14] =	ssyncadd.s32 $0xFFFFC000  }
0xdb: {  	_ =	swait.ge [sflag:s14], $0x4000  }
0xdc: {  	[sflag:s14] =	ssyncset.done $0x0  }
0xdd: {  	[sflag:s14] =	ssyncadd.s32 $0xFFFFC000  }
0xde: {  	_ =	swait.ge [sflag:s14], $0x4000  }
0xdf: {  	[sflag:s14] =	ssyncset.done $0x0  }
0xe0: {  	[sflag:s14] =	ssyncadd.s32 $0xFFFFC000  }
0xe1: {  	_ =	swait.ge [sflag:s14], $0x4000  }
0xe2: {  	[sflag:s14] =	ssyncset.done $0x0  }
0xe3: {  	[sflag:s14] =	ssyncadd.s32 $0xFFFFC000  }
0xe4: {  	[hbm4b:s7+s2] =	stream.linear.scatter [tilespmem:s13], [sflag:$0x2], $0x4000, $0x38;
	[tilespmem:$0x10A00] =	vst v63  }
0xe5: {  	_ =	swait.ge [sflag:s3], $0x4000  }
0xe6: {  	[sflag:s3] =	ssyncset.done $0x0  }
0xe7: {  	[sflag:s3] =	ssyncadd.s32 $0xFFFFC000  }
0xe8: {  	[hbm4b:s6+s2] =	stream.linear.scatter [tilespmem:s12], [sflag:$0x2], $0x4000, $0x38;
	[tilespmem:$0x10A00] =	vst v63  }
0xe9: {  	_ =	swait.ge [sflag:s3], $0x4000  }
0xea: {  	[sflag:s3] =	ssyncset.done $0x0  }
0xeb: {  	[sflag:s3] =	ssyncadd.s32 $0xFFFFC000  }
0xec: {  	[hbm4b:s5+s2] =	stream.linear.scatter [tilespmem:s10], [sflag:$0x2], $0x4000, $0x38;
	[tilespmem:$0x10A00] =	vst v63  }
0xed: {  	p1 =	sne.s32 s1, $0x1;
	_ =	swait.ge [sflag:s3], $0x4000  }
.Ltmp1:
0xee: {  	[sflag:s3] =	ssyncset.done $0x0;
	(pc) =	sbr.rel @!p1 .LBB2_3-.Ltmp1, $4  }
0xef: {  	[sflag:s3] =	ssyncadd.s32 $0xFFFFC000  }
0xf0: {  	[hbm4b:s4+s2] =	stream.linear.scatter [tilespmem:s9], [sflag:$0x2], $0x4000, $0x38;
	[tilespmem:$0x10A00] =	vst v63  }
0xf1: {  	s1 =	sadd.s32 $0xFFFFFFFF, s1;
	_ =	swait.ge [sflag:s3], $0x4000  }
0xf2: {  	p0 =	por $0x1, $0x1;
	s0 =	rddreg [dreg:$0x2];
	[sflag:s3] =	ssyncset.done $0x0  }
.LBB2_2:
0xf3: {  	[sflag:s3] =	ssyncadd.s32 $0xFFFFC000  }
0xf4: {  	[tilespmem:s2], [sflag:$0x2] =	stream.linear.gather [hbm4b:s0+s2], $0x80, $0x38;
	[tilespmem:$0x10A00] =	vst v63  }
0xf5: {  	_ =	swait.ge [sflag:s3], $0x80  }
0xf6: {  	[sflag:s3] =	ssyncset.done $0x0  }
0xf7: {  	s0 =	rddreg [dreg:$0x3];
	[sflag:s3] =	ssyncadd.s32 $0xFFFFFF80  }
0xf8: {  	[tilespmem:s11], [sflag:$0x2] =	stream.linear.gather [hbm4b:s0+s2], $0x80, $0x38;
	[tilespmem:$0x10A00] =	vst v63  }
0xf9: {  	_ =	swait.ge [sflag:s3], $0x80  }
0xfa: {  	[sflag:s3] =	ssyncset.done $0x0  }
0xfb: {  	s0 =	rddreg [dreg:$0x4];
	[sflag:s3] =	ssyncadd.s32 $0xFFFFFF80  }
0xfc: {  	[tilespmem:s30], [sflag:$0x2] =	stream.linear.gather [hbm4b:s0+s2], $0x80, $0x38;
	[tilespmem:$0x10A00] =	vst v63  }
0xfd: {  	_ =	swait.ge [sflag:s3], $0x80  }
0xfe: {  	[sflag:s3] =	ssyncset.done $0x0  }
0xff: {  	s0 =	rddreg [dreg:$0x5];
	[sflag:s3] =	ssyncadd.s32 $0xFFFFFF80  }
0x100: {  	[tilespmem:s31], [sflag:$0x2] =	stream.linear.gather [hbm4b:s0+s2], $0x80, $0x38;
	[tilespmem:$0x10A00] =	vst v63  }
0x101: {  	_ =	swait.ge [sflag:s3], $0x80  }
0x102: {  	[sflag:s3] =	ssyncset.done $0x0  }
0x103: {  	s0 =	rddreg [dreg:$0x6];
	[sflag:s3] =	ssyncadd.s32 $0xFFFFFF80  }
0x104: {  	[tilespmem:s24], [sflag:$0x2] =	stream.linear.gather [hbm4b:s0+s2], $0x80, $0x38;
	[tilespmem:$0x10A00] =	vst v63  }
0x105: {  	_ =	swait.ge [sflag:s3], $0x80  }
0x106: {  	[sflag:s3] =	ssyncset.done $0x0  }
0x107: {  	s0 =	rddreg [dreg:$0x7];
	[sflag:s3] =	ssyncadd.s32 $0xFFFFFF80  }
0x108: {  	[tilespmem:s25], [sflag:$0x2] =	stream.linear.gather [hbm4b:s0+s2], $0x80, $0x38;
	[tilespmem:$0x10A00] =	vst v63  }
0x109: {  	_ =	swait.ge [sflag:s3], $0x80  }
0x10a: {  	[sflag:s3] =	ssyncset.done $0x0  }
0x10b: {  	s0 =	rddreg [dreg:$0x8];
	[sflag:s3] =	ssyncadd.s32 $0xFFFFFF80  }
0x10c: {  	[tilespmem:s26], [sflag:$0x2] =	stream.linear.gather [hbm4b:s0+s2], $0x80, $0x38;
	[tilespmem:$0x10A00] =	vst v63  }
0x10d: {  	_ =	swait.ge [sflag:s3], $0x80  }
0x10e: {  	[sflag:s3] =	ssyncset.done $0x0  }
0x10f: {  	s0 =	rddreg [dreg:$0x9];
	[sflag:s3] =	ssyncadd.s32 $0xFFFFFF80  }
0x110: {  	[tilespmem:s28], [sflag:$0x2] =	stream.linear.gather [hbm4b:s0+s2], $0x80, $0x38;
	[tilespmem:$0x10A00] =	vst v63  }
0x111: {  	_ =	swait.ge [sflag:s3], $0x80  }
0x112: {  	[sflag:s3] =	ssyncset.done $0x0  }
0x113: {  	s0 =	rddreg [dreg:$0xa];
	[sflag:s3] =	ssyncadd.s32 $0xFFFFFF80  }
0x114: {  	[tilespmem:s20], [sflag:$0x2] =	stream.linear.gather [hbm4b:s0+s2], $0x80, $0x38;
	[tilespmem:$0x10A00] =	vst v63  }
0x115: {  	_ =	swait.ge [sflag:s3], $0x80  }
0x116: {  	[sflag:s3] =	ssyncset.done $0x0  }
0x117: {  	s0 =	rddreg [dreg:$0xb];
	[sflag:s3] =	ssyncadd.s32 $0xFFFFFF80  }
0x118: {  	[tilespmem:s21], [sflag:$0x2] =	stream.linear.gather [hbm4b:s0+s2], $0x80, $0x38;
	[tilespmem:$0x10A00] =	vst v63  }
0x119: {  	_ =	swait.ge [sflag:s3], $0x80  }
0x11a: {  	[sflag:s3] =	ssyncset.done $0x0  }
0x11b: {  	s0 =	rddreg [dreg:$0xc];
	[sflag:s3] =	ssyncadd.s32 $0xFFFFFF80  }
0x11c: {  	[tilespmem:s22], [sflag:$0x2] =	stream.linear.gather [hbm4b:s0+s2], $0x80, $0x38;
	[tilespmem:$0x10A00] =	vst v63  }
0x11d: {  	_ =	swait.ge [sflag:s3], $0x80  }
0x11e: {  	[sflag:s3] =	ssyncset.done $0x0  }
0x11f: {  	s0 =	rddreg [dreg:$0xd];
	[sflag:s3] =	ssyncadd.s32 $0xFFFFFF80  }
0x120: {  	[tilespmem:s23], [sflag:$0x2] =	stream.linear.gather [hbm4b:s0+s2], $0x80, $0x38;
	[tilespmem:$0x10A00] =	vst v63  }
0x121: {  	_ =	swait.ge [sflag:s3], $0x80  }
0x122: {  	[sflag:s3] =	ssyncset.done $0x0  }
0x123: {  	s0 =	rddreg [dreg:$0xe];
	[sflag:s3] =	ssyncadd.s32 $0xFFFFFF80  }
0x124: {  	[tilespmem:s15], [sflag:$0x2] =	stream.linear.gather [hbm4b:s0+s2], $0x80, $0x38;
	[tilespmem:$0x10A00] =	vst v63  }
0x125: {  	_ =	swait.ge [sflag:s3], $0x80  }
0x126: {  	[sflag:s3] =	ssyncset.done $0x0  }
0x127: {  	s0 =	rddreg [dreg:$0xf];
	[sflag:s3] =	ssyncadd.s32 $0xFFFFFF80  }
0x128: {  	[tilespmem:s16], [sflag:$0x2] =	stream.linear.gather [hbm4b:s0+s2], $0x80, $0x38;
	[tilespmem:$0x10A00] =	vst v63  }
0x129: {  	_ =	swait.ge [sflag:s3], $0x80  }
0x12a: {  	[sflag:s3] =	ssyncset.done $0x0  }
0x12b: {  	s0 =	rddreg [dreg:$0x10];
	[sflag:s3] =	ssyncadd.s32 $0xFFFFFF80  }
0x12c: {  	[tilespmem:s17], [sflag:$0x2] =	stream.linear.gather [hbm4b:s0+s2], $0x80, $0x38;
	[tilespmem:$0x10A00] =	vst v63  }
0x12d: {  	_ =	swait.ge [sflag:s3], $0x80  }
0x12e: {  	[sflag:s3] =	ssyncset.done $0x0  }
0x12f: {  	s0 =	rddreg [dreg:$0x11];
	[sflag:s3] =	ssyncadd.s32 $0xFFFFFF80  }
0x130: {  	[tilespmem:s18], [sflag:$0x2] =	stream.linear.gather [hbm4b:s0+s2], $0x80, $0x38;
	[tilespmem:$0x10A00] =	vst v63  }
0x131: {  	_ =	swait.ge [sflag:s3], $0x80  }
0x132: {  	[sflag:s3] =	ssyncset.done $0x0  }
0x133: {  	[sflag:s3] =	ssyncadd.s32 $0xFFFFFF80  }
0x134: {  	[tilespmem:s13], [sflag:$0x1] =	stream.indirect.gather [hbm4b:s29+s11], $0x80, s2, s11, $0xb8;
	[tilespmem:$0x10A00] =	vst v63  }
0x135: {  	_ = 	snop  }
0x136: {  	[tilespmem:s12], [sflag:$0x1] =	stream.indirect.gather [hbm4b:s29+s11], $0x80, s11, s11, $0xb8;
	[tilespmem:$0x10A00] =	vst v63  }
0x137: {  	_ = 	snop  }
0x138: {  	[tilespmem:s10], [sflag:$0x1] =	stream.indirect.gather [hbm4b:s29+s11], $0x80, s30, s11, $0xb8;
	[tilespmem:$0x10A00] =	vst v63  }
0x139: {  	_ = 	snop  }
0x13a: {  	[tilespmem:s9], [sflag:$0x1] =	stream.indirect.gather [hbm4b:s29+s11], $0x80, s31, s11, $0xb8;
	[tilespmem:$0x10A00] =	vst v63  }
0x13b: {  	_ =	swait.ge [sflag:s14], $0x4000  }
0x13c: {  	[sflag:s14] =	ssyncset.done $0x0  }
0x13d: {  	[sflag:s14] =	ssyncadd.s32 $0xFFFFC000  }
0x13e: {  	_ =	swait.ge [sflag:s14], $0x4000  }
0x13f: {  	[sflag:s14] =	ssyncset.done $0x0  }
0x140: {  	[sflag:s14] =	ssyncadd.s32 $0xFFFFC000  }
0x141: {  	_ =	swait.ge [sflag:s14], $0x4000  }
0x142: {  	[sflag:s14] =	ssyncset.done $0x0  }
0x143: {  	[sflag:s14] =	ssyncadd.s32 $0xFFFFC000  }
0x144: {  	_ =	swait.ge [sflag:s14], $0x4000  }
0x145: {  	[sflag:s14] =	ssyncset.done $0x0  }
0x146: {  	s0 =	rddreg [dreg:$0x12];
	[sflag:s14] =	ssyncadd.s32 $0xFFFFC000  }
0x147: {  	[hbm4b:s0+s2] =	stream.linear.scatter [tilespmem:s13], [sflag:$0x2], $0x4000, $0x38;
	[tilespmem:$0x10A00] =	vst v63  }
0x148: {  	_ =	swait.ge [sflag:s3], $0x4000  }
0x149: {  	[sflag:s3] =	ssyncset.done $0x0  }
0x14a: {  	s0 =	rddreg [dreg:$0x13];
	[sflag:s3] =	ssyncadd.s32 $0xFFFFC000  }
0x14b: {  	[hbm4b:s0+s2] =	stream.linear.scatter [tilespmem:s12], [sflag:$0x2], $0x4000, $0x38;
	[tilespmem:$0x10A00] =	vst v63  }
0x14c: {  	_ =	swait.ge [sflag:s3], $0x4000  }
0x14d: {  	[sflag:s3] =	ssyncset.done $0x0  }
0x14e: {  	s0 =	rddreg [dreg:$0x14];
	[sflag:s3] =	ssyncadd.s32 $0xFFFFC000  }
0x14f: {  	[hbm4b:s0+s2] =	stream.linear.scatter [tilespmem:s10], [sflag:$0x2], $0x4000, $0x38;
	[tilespmem:$0x10A00] =	vst v63  }
0x150: {  	_ =	swait.ge [sflag:s3], $0x4000  }
0x151: {  	[sflag:s3] =	ssyncset.done $0x0  }
0x152: {  	s0 =	rddreg [dreg:$0x15];
	[sflag:s3] =	ssyncadd.s32 $0xFFFFC000  }
0x153: {  	[hbm4b:s0+s2] =	stream.linear.scatter [tilespmem:s9], [sflag:$0x2], $0x4000, $0x38;
	[tilespmem:$0x10A00] =	vst v63  }
0x154: {  	_ =	swait.ge [sflag:s3], $0x4000  }
0x155: {  	[sflag:s3] =	ssyncset.done $0x0  }
0x156: {  	[sflag:s3] =	ssyncadd.s32 $0xFFFFC000  }
0x157: {  	[tilespmem:s13], [sflag:$0x1] =	stream.indirect.gather [hbm4b:s8+s11], $0x80, s24, s11, $0xb8;
	[tilespmem:$0x10A00] =	vst v63  }
0x158: {  	_ = 	snop  }
0x159: {  	[tilespmem:s12], [sflag:$0x1] =	stream.indirect.gather [hbm4b:s8+s11], $0x80, s25, s11, $0xb8;
	[tilespmem:$0x10A00] =	vst v63  }
0x15a: {  	_ = 	snop  }
0x15b: {  	[tilespmem:s10], [sflag:$0x1] =	stream.indirect.gather [hbm4b:s8+s11], $0x80, s26, s11, $0xb8;
	[tilespmem:$0x10A00] =	vst v63  }
0x15c: {  	_ = 	snop  }
0x15d: {  	[tilespmem:s9], [sflag:$0x1] =	stream.indirect.gather [hbm4b:s8+s11], $0x80, s28, s11, $0xb8;
	[tilespmem:$0x10A00] =	vst v63  }
0x15e: {  	_ =	swait.ge [sflag:s14], $0x4000  }
0x15f: {  	[sflag:s14] =	ssyncset.done $0x0  }
0x160: {  	[sflag:s14] =	ssyncadd.s32 $0xFFFFC000  }
0x161: {  	_ =	swait.ge [sflag:s14], $0x4000  }
0x162: {  	[sflag:s14] =	ssyncset.done $0x0  }
0x163: {  	[sflag:s14] =	ssyncadd.s32 $0xFFFFC000  }
0x164: {  	_ =	swait.ge [sflag:s14], $0x4000  }
0x165: {  	[sflag:s14] =	ssyncset.done $0x0  }
0x166: {  	[sflag:s14] =	ssyncadd.s32 $0xFFFFC000  }
0x167: {  	_ =	swait.ge [sflag:s14], $0x4000  }
0x168: {  	[sflag:s14] =	ssyncset.done $0x0  }
0x169: {  	[sflag:s14] =	ssyncadd.s32 $0xFFFFC000  }
0x16a: {  	[hbm4b:s19+s2] =	stream.linear.scatter [tilespmem:s13], [sflag:$0x2], $0x4000, $0x38;
	[tilespmem:$0x10A00] =	vst v63  }
0x16b: {  	_ =	swait.ge [sflag:s3], $0x4000  }
0x16c: {  	[sflag:s3] =	ssyncset.done $0x0  }
0x16d: {  	s0 =	rddreg [dreg:$0x16];
	[sflag:s3] =	ssyncadd.s32 $0xFFFFC000  }
0x16e: {  	[hbm4b:s0+s2] =	stream.linear.scatter [tilespmem:s12], [sflag:$0x2], $0x4000, $0x38;
	[tilespmem:$0x10A00] =	vst v63  }
0x16f: {  	_ =	swait.ge [sflag:s3], $0x4000  }
0x170: {  	[sflag:s3] =	ssyncset.done $0x0  }
0x171: {  	s0 =	rddreg [dreg:$0x17];
	[sflag:s3] =	ssyncadd.s32 $0xFFFFC000  }
0x172: {  	[hbm4b:s0+s2] =	stream.linear.scatter [tilespmem:s10], [sflag:$0x2], $0x4000, $0x38;
	[tilespmem:$0x10A00] =	vst v63  }
0x173: {  	_ =	swait.ge [sflag:s3], $0x4000  }
0x174: {  	[sflag:s3] =	ssyncset.done $0x0  }
0x175: {  	s0 =	rddreg [dreg:$0x18];
	[sflag:s3] =	ssyncadd.s32 $0xFFFFC000  }
0x176: {  	[hbm4b:s0+s2] =	stream.linear.scatter [tilespmem:s9], [sflag:$0x2], $0x4000, $0x38;
	[tilespmem:$0x10A00] =	vst v63  }
0x177: {  	_ =	swait.ge [sflag:s3], $0x4000  }
0x178: {  	[sflag:s3] =	ssyncset.done $0x0  }
0x179: {  	[sflag:s3] =	ssyncadd.s32 $0xFFFFC000  }
0x17a: {  	[tilespmem:s13], [sflag:$0x1] =	stream.indirect.gather [hbm4b:s8+s11], $0x80, s20, s11, $0xb8;
	[tilespmem:$0x10A00] =	vst v63  }
0x17b: {  	_ = 	snop  }
0x17c: {  	[tilespmem:s12], [sflag:$0x1] =	stream.indirect.gather [hbm4b:s8+s11], $0x80, s21, s11, $0xb8;
	[tilespmem:$0x10A00] =	vst v63  }
0x17d: {  	_ = 	snop  }
0x17e: {  	[tilespmem:s10], [sflag:$0x1] =	stream.indirect.gather [hbm4b:s8+s11], $0x80, s22, s11, $0xb8;
	[tilespmem:$0x10A00] =	vst v63  }
0x17f: {  	_ = 	snop  }
0x180: {  	[tilespmem:s9], [sflag:$0x1] =	stream.indirect.gather [hbm4b:s8+s11], $0x80, s23, s11, $0xb8;
	[tilespmem:$0x10A00] =	vst v63  }
0x181: {  	_ =	swait.ge [sflag:s14], $0x4000  }
0x182: {  	[sflag:s14] =	ssyncset.done $0x0  }
0x183: {  	[sflag:s14] =	ssyncadd.s32 $0xFFFFC000  }
0x184: {  	_ =	swait.ge [sflag:s14], $0x4000  }
0x185: {  	[sflag:s14] =	ssyncset.done $0x0  }
0x186: {  	[sflag:s14] =	ssyncadd.s32 $0xFFFFC000  }
0x187: {  	_ =	swait.ge [sflag:s14], $0x4000  }
0x188: {  	[sflag:s14] =	ssyncset.done $0x0  }
0x189: {  	[sflag:s14] =	ssyncadd.s32 $0xFFFFC000  }
0x18a: {  	_ =	swait.ge [sflag:s14], $0x4000  }
0x18b: {  	[sflag:s14] =	ssyncset.done $0x0  }
0x18c: {  	s0 =	rddreg [dreg:$0x19];
	[sflag:s14] =	ssyncadd.s32 $0xFFFFC000  }
0x18d: {  	[hbm4b:s0+s2] =	stream.linear.scatter [tilespmem:s13], [sflag:$0x2], $0x4000, $0x38;
	[tilespmem:$0x10A00] =	vst v63  }
0x18e: {  	_ =	swait.ge [sflag:s3], $0x4000  }
0x18f: {  	[sflag:s3] =	ssyncset.done $0x0  }
0x190: {  	s0 =	rddreg [dreg:$0x1a];
	[sflag:s3] =	ssyncadd.s32 $0xFFFFC000  }
0x191: {  	[hbm4b:s0+s2] =	stream.linear.scatter [tilespmem:s12], [sflag:$0x2], $0x4000, $0x38;
	[tilespmem:$0x10A00] =	vst v63  }
0x192: {  	_ =	swait.ge [sflag:s3], $0x4000  }
0x193: {  	[sflag:s3] =	ssyncset.done $0x0  }
0x194: {  	s0 =	rddreg [dreg:$0x1b];
	[sflag:s3] =	ssyncadd.s32 $0xFFFFC000  }
0x195: {  	[hbm4b:s0+s2] =	stream.linear.scatter [tilespmem:s10], [sflag:$0x2], $0x4000, $0x38;
	[tilespmem:$0x10A00] =	vst v63  }
0x196: {  	_ =	swait.ge [sflag:s3], $0x4000  }
0x197: {  	[sflag:s3] =	ssyncset.done $0x0  }
0x198: {  	s0 =	rddreg [dreg:$0x1c];
	[sflag:s3] =	ssyncadd.s32 $0xFFFFC000  }
0x199: {  	[hbm4b:s0+s2] =	stream.linear.scatter [tilespmem:s9], [sflag:$0x2], $0x4000, $0x38;
	[tilespmem:$0x10A00] =	vst v63  }
0x19a: {  	_ =	swait.ge [sflag:s3], $0x4000  }
0x19b: {  	[sflag:s3] =	ssyncset.done $0x0  }
0x19c: {  	[sflag:s3] =	ssyncadd.s32 $0xFFFFC000  }
0x19d: {  	[tilespmem:s13], [sflag:$0x1] =	stream.indirect.gather [hbm4b:s8+s11], $0x80, s15, s11, $0xb8;
	[tilespmem:$0x10A00] =	vst v63  }
0x19e: {  	_ = 	snop  }
0x19f: {  	[tilespmem:s12], [sflag:$0x1] =	stream.indirect.gather [hbm4b:s8+s11], $0x80, s16, s11, $0xb8;
	[tilespmem:$0x10A00] =	vst v63  }
0x1a0: {  	_ = 	snop  }
0x1a1: {  	[tilespmem:s10], [sflag:$0x1] =	stream.indirect.gather [hbm4b:s8+s11], $0x80, s17, s11, $0xb8;
	[tilespmem:$0x10A00] =	vst v63  }
0x1a2: {  	_ = 	snop  }
0x1a3: {  	[tilespmem:s9], [sflag:$0x1] =	stream.indirect.gather [hbm4b:s8+s11], $0x80, s18, s11, $0xb8;
	[tilespmem:$0x10A00] =	vst v63  }
0x1a4: {  	_ =	swait.ge [sflag:s14], $0x4000  }
0x1a5: {  	[sflag:s14] =	ssyncset.done $0x0  }
0x1a6: {  	[sflag:s14] =	ssyncadd.s32 $0xFFFFC000  }
0x1a7: {  	_ =	swait.ge [sflag:s14], $0x4000  }
0x1a8: {  	[sflag:s14] =	ssyncset.done $0x0  }
0x1a9: {  	[sflag:s14] =	ssyncadd.s32 $0xFFFFC000  }
0x1aa: {  	_ =	swait.ge [sflag:s14], $0x4000  }
0x1ab: {  	[sflag:s14] =	ssyncset.done $0x0  }
0x1ac: {  	[sflag:s14] =	ssyncadd.s32 $0xFFFFC000  }
0x1ad: {  	_ =	swait.ge [sflag:s14], $0x4000  }
0x1ae: {  	[sflag:s14] =	ssyncset.done $0x0  }
0x1af: {  	[sflag:s14] =	ssyncadd.s32 $0xFFFFC000  }
0x1b0: {  	[hbm4b:s7+s2] =	stream.linear.scatter [tilespmem:s13], [sflag:$0x2], $0x4000, $0x38;
	[tilespmem:$0x10A00] =	vst v63  }
0x1b1: {  	_ =	swait.ge [sflag:s3], $0x4000  }
0x1b2: {  	[sflag:s3] =	ssyncset.done $0x0  }
0x1b3: {  	[sflag:s3] =	ssyncadd.s32 $0xFFFFC000  }
0x1b4: {  	[hbm4b:s6+s2] =	stream.linear.scatter [tilespmem:s12], [sflag:$0x2], $0x4000, $0x38;
	[tilespmem:$0x10A00] =	vst v63  }
0x1b5: {  	_ =	swait.ge [sflag:s3], $0x4000  }
0x1b6: {  	[sflag:s3] =	ssyncset.done $0x0  }
0x1b7: {  	[sflag:s3] =	ssyncadd.s32 $0xFFFFC000  }
0x1b8: {  	[hbm4b:s5+s2] =	stream.linear.scatter [tilespmem:s10], [sflag:$0x2], $0x4000, $0x38;
	[tilespmem:$0x10A00] =	vst v63  }
0x1b9: {  	p1 =	sne.s32 s1, $0x1;
	_ =	swait.ge [sflag:s3], $0x4000  }
.Ltmp2:
0x1ba: {  	[sflag:s3] =	ssyncset.done $0x0;
	(pc) =	sbr.rel @p1 .LBB2_2-.Ltmp2, $4  }
0x1bb: {  	[sflag:s3] =	ssyncadd.s32 $0xFFFFC000  }
0x1bc: {  	[hbm4b:s4+s2] =	stream.linear.scatter [tilespmem:s9], [sflag:$0x2], $0x4000, $0x38;
	[tilespmem:$0x10A00] =	vst v63  }
0x1bd: {  	_ =	swait.ge [sflag:s3], $0x4000  }
0x1be: {  	s1 =	sadd.s32 $0xFFFFFFFF, s1;
	s0 =	rddreg [dreg:$0x2];
	[sflag:s3] =	ssyncset.done $0x0  }
.LBB2_3:
0x1bf: {  	[sflag:s3] =	ssyncadd.s32 @p0 $0xFFFFC000  }
0x1c0: {  	[tilespmem:s2], [sflag:$0x2] =	stream.linear.gather [hbm4b:s0+s2], $0x80, $0x38;
	[tilespmem:$0x10A00] =	vst v63  }
0x1c1: {  	_ =	swait.ge [sflag:s3], $0x80  }
0x1c2: {  	[sflag:s3] =	ssyncset.done $0x0  }
0x1c3: {  	s1 =	rddreg [dreg:$0x3];
	[sflag:s3] =	ssyncadd.s32 $0xFFFFFF80  }
0x1c4: {  	[tilespmem:s11], [sflag:$0x2] =	stream.linear.gather [hbm4b:s1+s2], $0x80, $0x38;
	[tilespmem:$0x10A00] =	vst v63  }
0x1c5: {  	_ =	swait.ge [sflag:s3], $0x80  }
0x1c6: {  	[sflag:s3] =	ssyncset.done $0x0  }
0x1c7: {  	s1 =	rddreg [dreg:$0x4];
	[sflag:s3] =	ssyncadd.s32 $0xFFFFFF80  }
0x1c8: {  	[tilespmem:s30], [sflag:$0x2] =	stream.linear.gather [hbm4b:s1+s2], $0x80, $0x38;
	[tilespmem:$0x10A00] =	vst v63  }
0x1c9: {  	_ =	swait.ge [sflag:s3], $0x80  }
0x1ca: {  	[sflag:s3] =	ssyncset.done $0x0  }
0x1cb: {  	s1 =	rddreg [dreg:$0x5];
	[sflag:s3] =	ssyncadd.s32 $0xFFFFFF80  }
0x1cc: {  	[tilespmem:s31], [sflag:$0x2] =	stream.linear.gather [hbm4b:s1+s2], $0x80, $0x38;
	[tilespmem:$0x10A00] =	vst v63  }
0x1cd: {  	_ =	swait.ge [sflag:s3], $0x80  }
0x1ce: {  	[sflag:s3] =	ssyncset.done $0x0  }
0x1cf: {  	s1 =	rddreg [dreg:$0x6];
	[sflag:s3] =	ssyncadd.s32 $0xFFFFFF80  }
0x1d0: {  	[tilespmem:s24], [sflag:$0x2] =	stream.linear.gather [hbm4b:s1+s2], $0x80, $0x38;
	[tilespmem:$0x10A00] =	vst v63  }
0x1d1: {  	_ =	swait.ge [sflag:s3], $0x80  }
0x1d2: {  	[sflag:s3] =	ssyncset.done $0x0  }
0x1d3: {  	s1 =	rddreg [dreg:$0x7];
	[sflag:s3] =	ssyncadd.s32 $0xFFFFFF80  }
0x1d4: {  	[tilespmem:s25], [sflag:$0x2] =	stream.linear.gather [hbm4b:s1+s2], $0x80, $0x38;
	[tilespmem:$0x10A00] =	vst v63  }
0x1d5: {  	_ =	swait.ge [sflag:s3], $0x80  }
0x1d6: {  	[sflag:s3] =	ssyncset.done $0x0  }
0x1d7: {  	s1 =	rddreg [dreg:$0x8];
	[sflag:s3] =	ssyncadd.s32 $0xFFFFFF80  }
0x1d8: {  	[tilespmem:s26], [sflag:$0x2] =	stream.linear.gather [hbm4b:s1+s2], $0x80, $0x38;
	[tilespmem:$0x10A00] =	vst v63  }
0x1d9: {  	_ =	swait.ge [sflag:s3], $0x80  }
0x1da: {  	[sflag:s3] =	ssyncset.done $0x0  }
0x1db: {  	s1 =	rddreg [dreg:$0x9];
	[sflag:s3] =	ssyncadd.s32 $0xFFFFFF80  }
0x1dc: {  	[tilespmem:s28], [sflag:$0x2] =	stream.linear.gather [hbm4b:s1+s2], $0x80, $0x38;
	[tilespmem:$0x10A00] =	vst v63  }
0x1dd: {  	_ =	swait.ge [sflag:s3], $0x80  }
0x1de: {  	[sflag:s3] =	ssyncset.done $0x0  }
0x1df: {  	s1 =	rddreg [dreg:$0xa];
	[sflag:s3] =	ssyncadd.s32 $0xFFFFFF80  }
0x1e0: {  	[tilespmem:s20], [sflag:$0x2] =	stream.linear.gather [hbm4b:s1+s2], $0x80, $0x38;
	[tilespmem:$0x10A00] =	vst v63  }
0x1e1: {  	_ =	swait.ge [sflag:s3], $0x80  }
0x1e2: {  	[sflag:s3] =	ssyncset.done $0x0  }
0x1e3: {  	s1 =	rddreg [dreg:$0xb];
	[sflag:s3] =	ssyncadd.s32 $0xFFFFFF80  }
0x1e4: {  	[tilespmem:s21], [sflag:$0x2] =	stream.linear.gather [hbm4b:s1+s2], $0x80, $0x38;
	[tilespmem:$0x10A00] =	vst v63  }
0x1e5: {  	_ =	swait.ge [sflag:s3], $0x80  }
0x1e6: {  	[sflag:s3] =	ssyncset.done $0x0  }
0x1e7: {  	s1 =	rddreg [dreg:$0xc];
	[sflag:s3] =	ssyncadd.s32 $0xFFFFFF80  }
0x1e8: {  	[tilespmem:s22], [sflag:$0x2] =	stream.linear.gather [hbm4b:s1+s2], $0x80, $0x38;
	[tilespmem:$0x10A00] =	vst v63  }
0x1e9: {  	_ =	swait.ge [sflag:s3], $0x80  }
0x1ea: {  	[sflag:s3] =	ssyncset.done $0x0  }
0x1eb: {  	s1 =	rddreg [dreg:$0xd];
	[sflag:s3] =	ssyncadd.s32 $0xFFFFFF80  }
0x1ec: {  	[tilespmem:s23], [sflag:$0x2] =	stream.linear.gather [hbm4b:s1+s2], $0x80, $0x38;
	[tilespmem:$0x10A00] =	vst v63  }
0x1ed: {  	_ =	swait.ge [sflag:s3], $0x80  }
0x1ee: {  	[sflag:s3] =	ssyncset.done $0x0  }
0x1ef: {  	s1 =	rddreg [dreg:$0xe];
	[sflag:s3] =	ssyncadd.s32 $0xFFFFFF80  }
0x1f0: {  	[tilespmem:s15], [sflag:$0x2] =	stream.linear.gather [hbm4b:s1+s2], $0x80, $0x38;
	[tilespmem:$0x10A00] =	vst v63  }
0x1f1: {  	_ =	swait.ge [sflag:s3], $0x80  }
0x1f2: {  	[sflag:s3] =	ssyncset.done $0x0  }
0x1f3: {  	s1 =	rddreg [dreg:$0xf];
	[sflag:s3] =	ssyncadd.s32 $0xFFFFFF80  }
0x1f4: {  	[tilespmem:s16], [sflag:$0x2] =	stream.linear.gather [hbm4b:s1+s2], $0x80, $0x38;
	[tilespmem:$0x10A00] =	vst v63  }
0x1f5: {  	_ =	swait.ge [sflag:s3], $0x80  }
0x1f6: {  	[sflag:s3] =	ssyncset.done $0x0  }
0x1f7: {  	s1 =	rddreg [dreg:$0x10];
	[sflag:s3] =	ssyncadd.s32 $0xFFFFFF80  }
0x1f8: {  	[tilespmem:s17], [sflag:$0x2] =	stream.linear.gather [hbm4b:s1+s2], $0x80, $0x38;
	[tilespmem:$0x10A00] =	vst v63  }
0x1f9: {  	_ =	swait.ge [sflag:s3], $0x80  }
0x1fa: {  	[sflag:s3] =	ssyncset.done $0x0  }
0x1fb: {  	s1 =	rddreg [dreg:$0x11];
	[sflag:s3] =	ssyncadd.s32 $0xFFFFFF80  }
0x1fc: {  	[tilespmem:s18], [sflag:$0x2] =	stream.linear.gather [hbm4b:s1+s2], $0x80, $0x38;
	[tilespmem:$0x10A00] =	vst v63  }
0x1fd: {  	_ =	swait.ge [sflag:s3], $0x80  }
0x1fe: {  	[sflag:s3] =	ssyncset.done $0x0  }
0x1ff: {  	[sflag:s3] =	ssyncadd.s32 $0xFFFFFF80  }
0x200: {  	[tilespmem:s13], [sflag:$0x1] =	stream.indirect.gather [hbm4b:s29+s11], $0x80, s2, s11, $0xb8;
	[tilespmem:$0x10A00] =	vst v63  }
0x201: {  	_ = 	snop  }
0x202: {  	[tilespmem:s12], [sflag:$0x1] =	stream.indirect.gather [hbm4b:s29+s11], $0x80, s11, s11, $0xb8;
	[tilespmem:$0x10A00] =	vst v63  }
0x203: {  	_ = 	snop  }
0x204: {  	[tilespmem:s10], [sflag:$0x1] =	stream.indirect.gather [hbm4b:s29+s11], $0x80, s30, s11, $0xb8;
	[tilespmem:$0x10A00] =	vst v63  }
0x205: {  	_ = 	snop  }
0x206: {  	[tilespmem:s9], [sflag:$0x1] =	stream.indirect.gather [hbm4b:s29+s11], $0x80, s31, s11, $0xb8;
	[tilespmem:$0x10A00] =	vst v63  }
0x207: {  	_ =	swait.ge [sflag:s14], $0x4000  }
0x208: {  	[sflag:s14] =	ssyncset.done $0x0  }
0x209: {  	[sflag:s14] =	ssyncadd.s32 $0xFFFFC000  }
0x20a: {  	_ =	swait.ge [sflag:s14], $0x4000  }
0x20b: {  	[sflag:s14] =	ssyncset.done $0x0  }
0x20c: {  	[sflag:s14] =	ssyncadd.s32 $0xFFFFC000  }
0x20d: {  	_ =	swait.ge [sflag:s14], $0x4000  }
0x20e: {  	[sflag:s14] =	ssyncset.done $0x0  }
0x20f: {  	[sflag:s14] =	ssyncadd.s32 $0xFFFFC000  }
0x210: {  	_ =	swait.ge [sflag:s14], $0x4000  }
0x211: {  	[sflag:s14] =	ssyncset.done $0x0  }
0x212: {  	s29 =	rddreg [dreg:$0x12];
	[sflag:s14] =	ssyncadd.s32 $0xFFFFC000  }
0x213: {  	[hbm4b:s29+s2] =	stream.linear.scatter [tilespmem:s13], [sflag:$0x2], $0x4000, $0x38;
	[tilespmem:$0x10A00] =	vst v63  }
0x214: {  	_ =	swait.ge [sflag:s3], $0x4000  }
0x215: {  	[sflag:s3] =	ssyncset.done $0x0  }
0x216: {  	s30 =	rddreg [dreg:$0x13];
	[sflag:s3] =	ssyncadd.s32 $0xFFFFC000  }
0x217: {  	[hbm4b:s30+s2] =	stream.linear.scatter [tilespmem:s12], [sflag:$0x2], $0x4000, $0x38;
	[tilespmem:$0x10A00] =	vst v63  }
0x218: {  	_ =	swait.ge [sflag:s3], $0x4000  }
0x219: {  	[sflag:s3] =	ssyncset.done $0x0  }
0x21a: {  	s31 =	rddreg [dreg:$0x14];
	[sflag:s3] =	ssyncadd.s32 $0xFFFFC000  }
0x21b: {  	[hbm4b:s31+s2] =	stream.linear.scatter [tilespmem:s10], [sflag:$0x2], $0x4000, $0x38;
	[tilespmem:$0x10A00] =	vst v63  }
0x21c: {  	_ =	swait.ge [sflag:s3], $0x4000  }
0x21d: {  	[sflag:s3] =	ssyncset.done $0x0  }
0x21e: {  	s1 =	rddreg [dreg:$0x15];
	[sflag:s3] =	ssyncadd.s32 $0xFFFFC000  }
0x21f: {  	[hbm4b:s1+s2] =	stream.linear.scatter [tilespmem:s9], [sflag:$0x2], $0x4000, $0x38;
	[tilespmem:$0x10A00] =	vst v63  }
0x220: {  	_ =	swait.ge [sflag:s3], $0x4000  }
0x221: {  	[sflag:s3] =	ssyncset.done $0x0  }
0x222: {  	[sflag:s3] =	ssyncadd.s32 $0xFFFFC000  }
0x223: {  	[tilespmem:s13], [sflag:$0x1] =	stream.indirect.gather [hbm4b:s8+s11], $0x80, s24, s11, $0xb8;
	[tilespmem:$0x10A00] =	vst v63  }
0x224: {  	_ = 	snop  }
0x225: {  	[tilespmem:s12], [sflag:$0x1] =	stream.indirect.gather [hbm4b:s8+s11], $0x80, s25, s11, $0xb8;
	[tilespmem:$0x10A00] =	vst v63  }
0x226: {  	_ = 	snop  }
0x227: {  	[tilespmem:s10], [sflag:$0x1] =	stream.indirect.gather [hbm4b:s8+s11], $0x80, s26, s11, $0xb8;
	[tilespmem:$0x10A00] =	vst v63  }
0x228: {  	_ = 	snop  }
0x229: {  	[tilespmem:s9], [sflag:$0x1] =	stream.indirect.gather [hbm4b:s8+s11], $0x80, s28, s11, $0xb8;
	[tilespmem:$0x10A00] =	vst v63  }
0x22a: {  	_ =	swait.ge [sflag:s14], $0x4000  }
0x22b: {  	[sflag:s14] =	ssyncset.done $0x0  }
0x22c: {  	[sflag:s14] =	ssyncadd.s32 $0xFFFFC000  }
0x22d: {  	_ =	swait.ge [sflag:s14], $0x4000  }
0x22e: {  	[sflag:s14] =	ssyncset.done $0x0  }
0x22f: {  	[sflag:s14] =	ssyncadd.s32 $0xFFFFC000  }
0x230: {  	_ =	swait.ge [sflag:s14], $0x4000  }
0x231: {  	[sflag:s14] =	ssyncset.done $0x0  }
0x232: {  	[sflag:s14] =	ssyncadd.s32 $0xFFFFC000  }
0x233: {  	_ =	swait.ge [sflag:s14], $0x4000  }
0x234: {  	[sflag:s14] =	ssyncset.done $0x0  }
0x235: {  	[sflag:s14] =	ssyncadd.s32 $0xFFFFC000  }
0x236: {  	[hbm4b:s19+s2] =	stream.linear.scatter [tilespmem:s13], [sflag:$0x2], $0x4000, $0x38;
	[tilespmem:$0x10A00] =	vst v63  }
0x237: {  	_ =	swait.ge [sflag:s3], $0x4000  }
0x238: {  	[sflag:s3] =	ssyncset.done $0x0  }
0x239: {  	s19 =	rddreg [dreg:$0x16];
	[sflag:s3] =	ssyncadd.s32 $0xFFFFC000  }
0x23a: {  	[hbm4b:s19+s2] =	stream.linear.scatter [tilespmem:s12], [sflag:$0x2], $0x4000, $0x38;
	[tilespmem:$0x10A00] =	vst v63  }
0x23b: {  	_ =	swait.ge [sflag:s3], $0x4000  }
0x23c: {  	[sflag:s3] =	ssyncset.done $0x0  }
0x23d: {  	s24 =	rddreg [dreg:$0x17];
	[sflag:s3] =	ssyncadd.s32 $0xFFFFC000  }
0x23e: {  	[hbm4b:s24+s2] =	stream.linear.scatter [tilespmem:s10], [sflag:$0x2], $0x4000, $0x38;
	[tilespmem:$0x10A00] =	vst v63  }
0x23f: {  	_ =	swait.ge [sflag:s3], $0x4000  }
0x240: {  	[sflag:s3] =	ssyncset.done $0x0  }
0x241: {  	s25 =	rddreg [dreg:$0x18];
	[sflag:s3] =	ssyncadd.s32 $0xFFFFC000  }
0x242: {  	[hbm4b:s25+s2] =	stream.linear.scatter [tilespmem:s9], [sflag:$0x2], $0x4000, $0x38;
	[tilespmem:$0x10A00] =	vst v63  }
0x243: {  	_ =	swait.ge [sflag:s3], $0x4000  }
0x244: {  	[sflag:s3] =	ssyncset.done $0x0  }
0x245: {  	[sflag:s3] =	ssyncadd.s32 $0xFFFFC000  }
0x246: {  	[tilespmem:s13], [sflag:$0x1] =	stream.indirect.gather [hbm4b:s8+s11], $0x80, s20, s11, $0xb8;
	[tilespmem:$0x10A00] =	vst v63  }
0x247: {  	_ = 	snop  }
0x248: {  	[tilespmem:s12], [sflag:$0x1] =	stream.indirect.gather [hbm4b:s8+s11], $0x80, s21, s11, $0xb8;
	[tilespmem:$0x10A00] =	vst v63  }
0x249: {  	_ = 	snop  }
0x24a: {  	[tilespmem:s10], [sflag:$0x1] =	stream.indirect.gather [hbm4b:s8+s11], $0x80, s22, s11, $0xb8;
	[tilespmem:$0x10A00] =	vst v63  }
0x24b: {  	_ = 	snop  }
0x24c: {  	[tilespmem:s9], [sflag:$0x1] =	stream.indirect.gather [hbm4b:s8+s11], $0x80, s23, s11, $0xb8;
	[tilespmem:$0x10A00] =	vst v63  }
0x24d: {  	_ =	swait.ge [sflag:s14], $0x4000  }
0x24e: {  	[sflag:s14] =	ssyncset.done $0x0  }
0x24f: {  	[sflag:s14] =	ssyncadd.s32 $0xFFFFC000  }
0x250: {  	_ =	swait.ge [sflag:s14], $0x4000  }
0x251: {  	[sflag:s14] =	ssyncset.done $0x0  }
0x252: {  	[sflag:s14] =	ssyncadd.s32 $0xFFFFC000  }
0x253: {  	_ =	swait.ge [sflag:s14], $0x4000  }
0x254: {  	[sflag:s14] =	ssyncset.done $0x0  }
0x255: {  	[sflag:s14] =	ssyncadd.s32 $0xFFFFC000  }
0x256: {  	_ =	swait.ge [sflag:s14], $0x4000  }
0x257: {  	[sflag:s14] =	ssyncset.done $0x0  }
0x258: {  	s26 =	rddreg [dreg:$0x19];
	[sflag:s14] =	ssyncadd.s32 $0xFFFFC000  }
0x259: {  	[hbm4b:s26+s2] =	stream.linear.scatter [tilespmem:s13], [sflag:$0x2], $0x4000, $0x38;
	[tilespmem:$0x10A00] =	vst v63  }
0x25a: {  	_ =	swait.ge [sflag:s3], $0x4000  }
0x25b: {  	[sflag:s3] =	ssyncset.done $0x0  }
0x25c: {  	s28 =	rddreg [dreg:$0x1a];
	[sflag:s3] =	ssyncadd.s32 $0xFFFFC000  }
0x25d: {  	[hbm4b:s28+s2] =	stream.linear.scatter [tilespmem:s12], [sflag:$0x2], $0x4000, $0x38;
	[tilespmem:$0x10A00] =	vst v63  }
0x25e: {  	_ =	swait.ge [sflag:s3], $0x4000  }
0x25f: {  	[sflag:s3] =	ssyncset.done $0x0  }
0x260: {  	s29 =	rddreg [dreg:$0x1b];
	[sflag:s3] =	ssyncadd.s32 $0xFFFFC000  }
0x261: {  	[hbm4b:s29+s2] =	stream.linear.scatter [tilespmem:s10], [sflag:$0x2], $0x4000, $0x38;
	[tilespmem:$0x10A00] =	vst v63  }
0x262: {  	_ =	swait.ge [sflag:s3], $0x4000  }
0x263: {  	[sflag:s3] =	ssyncset.done $0x0  }
0x264: {  	s30 =	rddreg [dreg:$0x1c];
	[sflag:s3] =	ssyncadd.s32 $0xFFFFC000  }
0x265: {  	[hbm4b:s30+s2] =	stream.linear.scatter [tilespmem:s9], [sflag:$0x2], $0x4000, $0x38;
	[tilespmem:$0x10A00] =	vst v63  }
0x266: {  	_ =	swait.ge [sflag:s3], $0x4000  }
0x267: {  	[sflag:s3] =	ssyncset.done $0x0  }
0x268: {  	[sflag:s3] =	ssyncadd.s32 $0xFFFFC000  }
0x269: {  	[tilespmem:s13], [sflag:$0x1] =	stream.indirect.gather [hbm4b:s8+s11], $0x80, s15, s11, $0xb8;
	[tilespmem:$0x10A00] =	vst v63  }
0x26a: {  	_ = 	snop  }
0x26b: {  	[tilespmem:s12], [sflag:$0x1] =	stream.indirect.gather [hbm4b:s8+s11], $0x80, s16, s11, $0xb8;
	[tilespmem:$0x10A00] =	vst v63  }
0x26c: {  	_ = 	snop  }
0x26d: {  	[tilespmem:s10], [sflag:$0x1] =	stream.indirect.gather [hbm4b:s8+s11], $0x80, s17, s11, $0xb8;
	[tilespmem:$0x10A00] =	vst v63  }
0x26e: {  	_ = 	snop  }
0x26f: {  	[tilespmem:s9], [sflag:$0x1] =	stream.indirect.gather [hbm4b:s8+s11], $0x80, s18, s11, $0xb8;
	[tilespmem:$0x10A00] =	vst v63  }
0x270: {  	_ =	swait.ge [sflag:s14], $0x4000  }
0x271: {  	[sflag:s14] =	ssyncset.done $0x0  }
0x272: {  	[sflag:s14] =	ssyncadd.s32 $0xFFFFC000  }
0x273: {  	_ =	swait.ge [sflag:s14], $0x4000  }
0x274: {  	[sflag:s14] =	ssyncset.done $0x0  }
0x275: {  	[sflag:s14] =	ssyncadd.s32 $0xFFFFC000  }
0x276: {  	_ =	swait.ge [sflag:s14], $0x4000  }
0x277: {  	[sflag:s14] =	ssyncset.done $0x0  }
0x278: {  	[sflag:s14] =	ssyncadd.s32 $0xFFFFC000  }
0x279: {  	_ =	swait.ge [sflag:s14], $0x4000  }
0x27a: {  	[sflag:s14] =	ssyncset.done $0x0  }
0x27b: {  	[sflag:s14] =	ssyncadd.s32 $0xFFFFC000  }
0x27c: {  	[hbm4b:s7+s2] =	stream.linear.scatter [tilespmem:s13], [sflag:$0x2], $0x4000, $0x38;
	[tilespmem:$0x10A00] =	vst v63  }
0x27d: {  	_ =	swait.ge [sflag:s3], $0x4000  }
0x27e: {  	[sflag:s3] =	ssyncset.done $0x0  }
0x27f: {  	[sflag:s3] =	ssyncadd.s32 $0xFFFFC000  }
0x280: {  	[hbm4b:s6+s2] =	stream.linear.scatter [tilespmem:s12], [sflag:$0x2], $0x4000, $0x38;
	[tilespmem:$0x10A00] =	vst v63  }
0x281: {  	_ =	swait.ge [sflag:s3], $0x4000  }
0x282: {  	[sflag:s3] =	ssyncset.done $0x0  }
0x283: {  	[sflag:s3] =	ssyncadd.s32 $0xFFFFC000  }
0x284: {  	[hbm4b:s5+s2] =	stream.linear.scatter [tilespmem:s10], [sflag:$0x2], $0x4000, $0x38;
	[tilespmem:$0x10A00] =	vst v63  }
0x285: {  	_ =	swait.ge [sflag:s3], $0x4000  }
0x286: {  	[sflag:s3] =	ssyncset.done $0x0  }
0x287: {  	[sflag:s3] =	ssyncadd.s32 $0xFFFFC000  }
0x288: {  	[hbm4b:s4+s2] =	stream.linear.scatter [tilespmem:s9], [sflag:$0x2], $0x4000, $0x38;
	[tilespmem:$0x10A00] =	vst v63  }
0x289: {  	_ =	swait.ge [sflag:s3], $0x4000  }
0x28a: {  	[sflag:s3] =	ssyncset.done $0x0  }
0x28b: {  	[sflag:s3] =	ssyncadd.s32 $0xFFFFC000  }
0x28c: {  	_ =	sfence.sel $0x180000  }
0x28d: {  	[bflag:$0x0] =	sbarrier.arrive $0xFFFF  }
0x28e: {  	_ =	strace $0x9000004A  }
0x28f: {  	s31 =	stileid.u32;
	[bflag:$0x2] =	sbarrier.arrive $0xFFFF  }
0x290: {  	p0 =	sne.s32 s31, $0x0;
	s0 =	rddreg [dreg:$0x1]  }
0x291: {  	s0 =	sadd.s32 @!p0 $0x100000, s0  }
0x292: {  	[sflag:s0] =	ssyncadd.tile.s32 @!p0 $0x1;
	_ =	shalt  }
.Lfunc_end2:
_tile_overlayer_lowered:
.L_overlay_start_2:
0x293: {  	(tag) =	ssettag $0x2  }
0x294: {  	s0 =	rddreg [dreg:$0x0];
	s2 =	stileid.u32  }
0x295: {  	s1 =	rddreg [dreg:$0x1];
	p0 =	sne.s32 s2, $0x0  }
0x296: {  	s3 =	rddreg [dreg:$0x2];
	[bflag:$0x3] =	sbarrier.arrive $0xFFFF;
	s2 =	simm.s32 @!p0 $0x1C02  }
0x297: {  	[timem:s3], [sflag:s2] =	dma.local @!p0 [hbm:s0], s1  }
0x298: {  	s0 =	simm.s32 @!p0 $0x2  }
0x299: {  	_ =	swait.ge @!p0 [sflag:s0], s1  }
0x29a: {  	s1 =	ssub.s32 @!p0 $0x0, s1;
	[sflag:s0] =	ssyncset.done @!p0 $0x0  }
0x29b: {  	[sflag:s0] =	ssyncadd.s32 @!p0 s1  }
0x29c: {  	[bflag:$0x3] =	sbarrier.arrive $0xFFFF  }
0x29d: {  	_ =	shalt  }

// kernel: sparse-core-data-format-call.cloned.1.call-start
scs
called_computation_lowered:
.L_overlay_start_0:
0x0: {  	s2 =	sld [smem:$0x3FD9]  }
0x1: {  	s3 =	sld [smem:$0x3FFE];
	_ =	sdelay $0x1  }
0x2: {  	s1 =	srdreg.scid  }
0x3: {  	s0 =	sand.u32 $0x1, s1  }
0x4: {  	s18 =	sshll.u32 s0, $0xA;
	s2 =	sadd.s32 s3, s2  }
0x5: {  	s2 =	sadd.s32 s2, s18  }
0x6: {  	[smem:$0x3FB3] =	sst s2  }
0x7: {  	_ = 	snop  }
0x8: {  	s2 =	sld [smem:$0x3FC6];
	(tm) =	ssettm $0x1  }
0x9: {  	s19 =	sld [smem:$0x3FFB];
	_ =	sdelay $0x3  }
0xa: {  	_ =	strace s19  }
0xb: {  	s3 =	sld [smem:$0x3FFC];
	_ =	sdelay $0x3  }
0xc: {  	_ =	strace s3  }
0xd: {  	s3 =	sld [smem:$0x3FFD];
	_ =	sdelay $0x3  }
0xe: {  	_ =	strace s3  }
0xf: {  	_ =	strace $0x8FFFFFFF  }
0x10: {  	s20 =	sld [smem:$0x3FDB];
	_ =	sdelay $0x1  }
0x11: {  	s4 =	simm.s32 $_scs_section_size  }
0x12: {  	s5 =	simm.s32 $_size__tile_overlayer_lowered;
	s6 =	simm.s32 $_tile_overlayer_lowered  }
0x13: {  	s23 =	simm.s32 $0x1BFF;
	s22 =	sshll.u32 s6, $0x1;
	s3 =	sadd.s32 s4, s20  }
0x14: {  	s7 =	simm.s32 $0x0;
	s21 =	sshll.u32 s5, $0x1;
	s5 =	sadd.s32 s22, s3  }
0x15: {  	[timem:s7], [sflag:s23] =	dma.local [hbm:s5], s21  }
0x16: {  	_ =	swait.ge [sflag:s23], s21  }
0x17: {  	s4 =	ssub.s32 $0x0, s21;
	[sflag:s23] =	ssyncset.done $0x0  }
0x18: {  	[sflag:s23] =	ssyncadd.s32 s4;
	_ =	sdelay $0x1  }
0x19: {  	s24 =	simm.s32 $0x1B8B  }
0x1a: {  	_ =	swait.ge [sflag:s24], $0x1  }
0x1b: {  	[sflag:s24] =	ssyncset.done $0x0  }
0x1c: {  	s26 =	simm.s32 $0x1B8E;
	s25 =	sld [smem:$0x3FFE];
	[sflag:s24] =	ssyncadd.s32 $0xFFFFFFFF  }
0x1d: {  	s27 =	simm.s32 $execute0_lowered;
	[smem:$0x3FD2] =	sst s26  }
0x1e: {  	s5 =	sshll.u32 s27, $0x1;
	_ =	strace $0x80000046;
	[dreg:$0x1] =	wrdreg $0xFFFFFFFF  }
0x1f: {  	s28 =	simm.s32 $_size_execute0_lowered;
	s3 =	sadd.s32 s3, s5;
	[dreg:$0x0] =	wrdreg $0x0  }
0x20: {  	s5 =	sshll.u32 s28, $0x1;
	[dreg:$0x2] =	wrdreg s3  }
0x21: {  	[dreg:$0x3] =	wrdreg s5  }
0x22: {  	[dreg:$0x4] =	wrdreg $0xC0  }
0x23: {  	_ =	task [dreg:s7], $0x5FFFF  }
0x24: {  	[dreg:$0x1] =	wrdreg $0xFFFFFFFF  }
0x25: {  	[dreg:$0x0] =	wrdreg $0x60  }
0x26: {  	[dreg:$0x2] =	wrdreg s2  }
0x27: {  	[dreg:$0x3] =	wrdreg s25  }
0x28: {  	[dreg:$0x4] =	wrdreg $0x9  }
0x29: {  	_ =	task.clear_ibuf [dreg:s7], $0x5FFFF;
	_ =	strace $0x90000046  }
0x2a: {  	s29 =	simm.s32 $0x9;
	_ =	strace $0x80000048  }
0x2b: {  	_ =	swait.ge [sflag:s29], $0x1  }
0x2c: {  	[sflag:s29] =	ssyncadd.s32 $0xFFFFFFFF  }
0x2d: {  	_ =	strace $0x90000048  }
0x2e: {  	_ =	sfence  }
0x2f: {  	s30 =	sld [smem:$0x0];
	_ =	sdelay $0x2  }
0x30: {  	s31 =	sshll.u32 s1, $0xD;
	s1 =	sshrl.u32 s1, $0x2  }
0x31: {  	s3 =	sand.u32 $0x4000, s31;
	s1 =	sadd.s32 s1, s30  }
0x32: {  	s0 =	sor.u32 s3, s0;
	s1 =	sshll.u32 s1, $0x11  }
0x33: {  	s0 =	sor.u32 s1, s0  }
0x34: {  	s0 =	sadd.s32 $0x8F2B, s0  }
0x35: {  	[sflag:s0] =	ssyncadd.remote.s32 $0x1  }
0x36: {  	_ =	sfence.sel $0xFFFF  }
0x37: {  	[dreg:$0x0] =	wrdreg $0xFFFFFFFF;
	(pc) =	sbr.abs _section_cstart, $3  }
0x38: {  	[dreg:$0x1] =	wrdreg $0xFFFFFFFF  }
0x39: {  	_ =	task.clear_ibuf [dreg:s7], $0x2FFFF;
	_ =	strace $0x9FFFFFFF  }
0x3a: {  	(tm) =	ssettm $0x7FFFFFFF  }
0x3b: {  	_ =	shalt  }
tec
execute0_lowered:
.L_overlay_start_1:
0x0: {  	(tag) =	ssettag $0x1  }
0x1: {  	s1 =	rddreg [dreg:$0x0];
	s0 =	stileid.u32  }
0x2: {  	s2 =	srdreg.scid;
	s31 =	rddreg [dreg:$0x1];
	_ =	strace $0x80000047  }
0x3: {  	s3 =	sshll.u32 s2, $0x4;
	s2 =	sand.u32 $0x1, s0;
	s4 =	sshll.u32 s0, $0x2  }
0x4: {  	s5 =	sor.u32 s0, s3;
	s3 =	sand.u32 $0x18, s4;
	s27 =	ssub.s32 $0x2, s2  }
0x5: {  	s6 =	sshrl.u32 s27, $0x1;
	s7 =	sand.u32 $0x1, s27;
	s8 =	ssub.s32 $0x20, s3  }
0x6: {  	s4 =	sand.u32 $0x18, s5;
	s28 =	sadd.s32 s7, s6;
	s29 =	sand.u32 $0x18, s8  }
0x7: {  	s6 =	simm.s32 $0x1;
	s30 =	ssub.s32 $0x100, s4;
	p0 =	sne.s32 s29, $0x0  }
0x8: {  	s8 =	sshrl.u32 s8, $0x5;
	s9 =	sand.u32 $0x18, s30;
	s6 =	simm.s32 @!p0 $0x0  }
0x9: {  	p0 =	sne.s32 s9, $0x0;
	s6 =	sadd.s32 s6, s8;
	s8 =	simm.s32 $0x1  }
0xa: {  	s7 =	sshrl.u32 s30, $0x5;
	s8 =	simm.s32 @!p0 $0x0;
	s6 =	smul.u32 s6, s28  }
0xb: {  	s10 =	simm.s32 $0x2;
	s16 =	simm.s32 $0x0;
	s7 =	sadd.s32 s8, s7  }
0xc: {  	s17 =	simm.s32 $0x0;
	s18 =	simm.s32 $0x0;
	s7 =	smul.u32 s7, s6  }
.Ltmp0:
0xd: {  	s19 =	simm.s32 $0x0;
	s13 =	simm.s32 $0x0;
	(pc) =	sbr.rel .LBB1_1-.Ltmp0, $4  }
0xe: {  	s15 =	simm.s32 $0x0;
	s14 =	smov.u32 s2;
	s12 =	smov.u32 s3  }
0xf: {  	s11 =	smov.u32 s4;
	s6 =	simm.s32 $0x1;
	s7 =	smul.u32 $0x3, s7  }
0x10: {  	p0 =	por $0x0, $0x0;
	s8 =	sadd.s32 $0x2E00, s31;
	[sflag:s6] =	ssyncpa.u1 $0x0  }
0x11: {  	[sflag:s10] =	ssyncpa.u1 $0x0;
	s10 =	simm.s32 $0x80;
	s9 =	sadd.s32 $0x1, s7  }
.LBB1_7:
0x12: {  	s5 =	sadd.s32 $0x20, s11  }
0x13: {  	s16 =	sadd.s32 $0x20, s12;
	s20 =	smov.u32 s12;
	p2 =	sgt.s32 s5, $0xFF  }
0x14: {  	s20 =	smov.u32 @p2 s16  }
0x15: {  	s16 =	simm.s32 $0x1;
	p3 =	sgt.s32 s20, $0x1F  }
0x16: {  	s16 =	simm.s32 @!p3 $0x0  }
0x17: {  	s21 =	sadd.s32 s16, s13  }
0x18: {  	s22 =	smov.u32 s14;
	s16 =	sadd.s32 $0x2, s14;
	p4 =	sgt.s32 s21, $0x2  }
0x19: {  	p1 =	slt.u32 s15, $0x2;
	s22 =	smov.u32 @p4 s16  }
0x1a: {  	s17 =	smov.u32 s12;
	s5 =	smov.u32 @p2 s4;
	p2 =	sgt.s32 s22, $0x1  }
0x1b: {  	s23 =	simm.s32 @!p1 $0x2;
	s22 =	smov.u32 @p2 s2;
	p2 =	sne.s32 s15, s9  }
.Ltmp1:
0x1c: {  	s18 =	smov.u32 s13;
	_ =	swait.ge @!p1 [sflag:s23], $0x4000;
	(pc) =	sbr.rel @!p2 .LBB1_8-.Ltmp1, $4  }
0x1d: {  	s19 =	smov.u32 s14;
	[sflag:s23] =	ssyncset.done @!p1 $0x0;
	s20 =	smov.u32 @p3 s3  }
0x1e: {  	p0 =	por !p0, !p0;
	[sflag:s23] =	ssyncadd.s32 @!p1 $0xFFFFC000;
	s12 =	smov.u32 s20  }
0x1f: {  	s21 =	simm.s32 @p4 $0x0;
	s16 =	smov.u32 s11;
	s11 =	smov.u32 s5  }
0x20: {  	s13 =	smov.u32 s21;
	s15 =	sadd.s32 $0x1, s15;
	s14 =	smov.u32 s22  }
.LBB1_1:
0x21: {  	p1 =	sge.u32 s15, s7;
	s31 =	sadd.s32 $0xFFFFFFFF, s15  }
0x22: {  	s20 =	sxor.u32 @!p1 $0xFFFFFFFF, s15;
	s21 =	sshll.u32 @!p1 s11, $0x8;
	s22 =	smul.u32 @!p1 $0xC0000, s14  }
0x23: {  	s23 =	sshll.u32 @!p1 s11, $0x7;
	s24 =	sshll.u32 @!p1 s13, $0x12;
	s25 =	sshll.u32 @!p1 s12, $0xD  }
0x24: {  	s21 =	sand.u32 @!p1 $0xF800, s21;
	s23 =	sand.u32 @!p1 $0x380, s23;
	s22 =	sadd.s32 @!p1 s1, s22  }
0x25: {  	s20 =	sshll.u32 @!p1 s20, $0xE;
	s21 =	sor.u32 @!p1 s23, s21;
	s22 =	sadd.s32 @!p1 s24, s22  }
0x26: {  	s20 =	sand.u32 @!p1 $0x4000, s20;
	s21 =	sshrl.u32 @!p1 s21, $0x3;
	s22 =	sadd.s32 @!p1 s25, s22  }
0x27: {  	s23 =	simm.s32 @!p1 $0x10000;
	s21 =	sadd.s32 @!p1 s21, s22;
	s22 =	simm.s32 @!p1 $0x800  }
0x28: {  	[tilespmem:s20], [sflag:$0x1] =	stream.strided.gather @!p1 [hbm4b:s21+s22], $0x4000, s23, s22, $0x38;
	[tilespmem:$0x11000] =	vst v63  }
0x29: {  	p1 =	sge.u32 s31, s7  }
.Ltmp2:
0x2a: {  	_ = 	snop;
	(pc) =	sbr.rel @p1 .LBB1_7-.Ltmp2, $1  }
0x2b: {  	_ =	sdelay $0x3  }
0x2c: {  	s20 =	simm.s32 $0x1;
	s23 =	sand.u32 $0x1, s15  }
0x2d: {  	_ =	swait.ge [sflag:s6], $0x4000;
	s20 =	simm.s32 @!p0 $0x0;
	s24 =	smul.u32 $0x12000, s23  }
0x2e: {  	s25 =	simm.s32 $0x0;
	[sflag:s6] =	ssyncset.done $0x0;
	s21 =	smul.u32 $0x12000, s20  }
0x2f: {  	s23 =	sshll.u32 s23, $0xE;
	s20 =	sshll.u32 s20, $0xE;
	[sflag:s6] =	ssyncadd.s32 $0xFFFFC000  }
0x30: {  	s22 =	sor.u32 $0x410, s20;
	s31 =	sshrl.u32 s24, $0x2;
	s21 =	sshrl.u32 s21, $0x2  }
0x31: {  	s24 =	simm.s32 $0x0;
	s20 =	sor.u32 $0x8000, s31;
	s21 =	sor.u32 $0x8000, s21  }
.LBB1_3:
0x32: {  	s26 =	sshll.u32 s25, $0xB  }
0x33: {  	v2 =	vld [tilespmem:s22+$0xFFFFFBF0];
	v0 =	vmov s26  }
0x34: {  	v3 =	vld [tilespmem:s22+$0xFFFFFC00]  }
0x35: {  	s5 =	sand.u32 $0x300, s24;
	v4 =	vld [tilespmem:s22+$0xFFFFFC10]  }
0x36: {  	s27 =	sand.u32 $0x80, s24;
	v6 =	vld [tilespmem:s22+$0xFFFFFC20];
	s26 =	sadd.s32 s5, s23  }
0x37: {  	v7 =	vld [tilespmem:s22+$0xFFFFFC30];
	s26 =	sadd.s32 s27, s26  }
0x38: {  	v1 =	vld.idx.msk [tilespmem:v0+s26+$0x400 ss:$0x1], $0xffff;
	s26 =	sadd.s32 $0x0, s21  }
0x39: {  	v8 =	vld [tilespmem:s22+$0xFFFFFC40];
	[tilespmem:s26+$0x0 ss:$0x9] =	vst.msk $0xffff, v2  }
0x3a: {  	v9 =	vld [tilespmem:s22+$0xFFFFFC50];
	[tilespmem:s26+$0x90 ss:$0x9] =	vst.msk $0xffff, v3  }
0x3b: {  	v5 =	vld [tilespmem:s22+$0xFFFFFC60];
	[tilespmem:s26+$0x120 ss:$0x9] =	vst.msk $0xffff, v4  }
0x3c: {  	v4 =	vld [tilespmem:s22+$0x0];
	[tilespmem:s26+$0x1B0 ss:$0x9] =	vst.msk $0xffff, v6  }
0x3d: {  	v3 =	vld [tilespmem:s22+$0x10];
	[tilespmem:s26+$0x240 ss:$0x9] =	vst.msk $0xffff, v7  }
0x3e: {  	[tilespmem:s26+$0x2D0 ss:$0x9] =	vst.msk $0xffff, v8;
	v2 =	vld [tilespmem:s22+$0x30]  }
0x3f: {  	s29 =	simm.s32 $0x80;
	s30 =	simm.s32 $0x4800;
	[tilespmem:s26+$0x480 ss:$0x9] =	vst.msk $0xffff, v1;
	v1 =	vld [tilespmem:s22+$0x20]  }
0x40: {  	s28 =	smov.u32 s22;
	s31 =	sand.u32 $0x300, s29;
	s27 =	simm.s32 $0x2400;
	[tilespmem:s26+$0x360 ss:$0x9] =	vst.msk $0xffff, v9;
	v6 =	vld [tilespmem:s22+$0x40]  }
.LBB1_4:
0x41: {  	p1 =	sne.s32 s30, $0xFC00;
	s5 =	sand.u32 $0x80, s29;
	s31 =	sadd.s32 s31, s23;
	[tilespmem:s26+$0x3F0 ss:$0x9] =	vst.msk $0xffff, v5;
	v5 =	vld [tilespmem:s28+$0x50]  }
0x42: {  	s5 =	sadd.s32 s5, s31;
	[tilespmem:s26+$0x510 ss:$0x9] =	vst.msk $0xffff, v4;
	v4 =	vld [tilespmem:s28+$0x60]  }
0x43: {  	s28 =	sadd.s32 $0x80, s28;
	v7 =	vld.idx.msk [tilespmem:v0+s5+$0x400 ss:$0x1], $0xffff;
	[tilespmem:s26+$0x5A0 ss:$0x9] =	vst.msk $0xffff, v3  }
0x44: {  	v3 =	vld [tilespmem:s28+$0xFFFFFBF0];
	[tilespmem:s26+$0x630 ss:$0x9] =	vst.msk $0xffff, v1  }
0x45: {  	v1 =	vld [tilespmem:s28+$0xFFFFFC00];
	[tilespmem:s26+$0x6C0 ss:$0x9] =	vst.msk $0xffff, v2  }
0x46: {  	v2 =	vld [tilespmem:s28+$0xFFFFFC10];
	[tilespmem:s26+$0x750 ss:$0x9] =	vst.msk $0xffff, v6  }
0x47: {  	s5 =	sshra.s32 s27, $0x2;
	s27 =	smov.u32 s30;
	v6 =	vld [tilespmem:s28+$0xFFFFFC20];
	[tilespmem:s26+$0x7E0 ss:$0x9] =	vst.msk $0xffff, v5  }
0x48: {  	v8 =	vld [tilespmem:s28+$0xFFFFFC30];
	[tilespmem:s26+$0x870 ss:$0x9] =	vst.msk $0xffff, v4;
	s26 =	sadd.s32 s5, s21  }
0x49: {  	v9 =	vld [tilespmem:s28+$0xFFFFFC40];
	[tilespmem:s26+$0x480 ss:$0x9] =	vst.msk $0xffff, v7  }
0x4a: {  	[tilespmem:s26+$0x0 ss:$0x9] =	vst.msk $0xffff, v3;
	v7 =	vld [tilespmem:s28+$0xFFFFFC50]  }
0x4b: {  	[tilespmem:s26+$0x90 ss:$0x9] =	vst.msk $0xffff, v1;
	v5 =	vld [tilespmem:s28+$0xFFFFFC60]  }
.Ltmp3:
0x4c: {  	[tilespmem:s26+$0x120 ss:$0x9] =	vst.msk $0xffff, v2;
	v4 =	vld [tilespmem:s28+$0x0];
	(pc) =	sbr.rel @p1 .LBB1_4-.Ltmp3, $4  }
0x4d: {  	[tilespmem:s26+$0x1B0 ss:$0x9] =	vst.msk $0xffff, v6;
	v3 =	vld [tilespmem:s28+$0x10]  }
0x4e: {  	[tilespmem:s26+$0x240 ss:$0x9] =	vst.msk $0xffff, v8;
	v1 =	vld [tilespmem:s28+$0x20]  }
0x4f: {  	s29 =	sadd.s32 $0x80, s29;
	[tilespmem:s26+$0x2D0 ss:$0x9] =	vst.msk $0xffff, v9;
	v2 =	vld [tilespmem:s28+$0x30]  }
0x50: {  	s31 =	sand.u32 $0x300, s29;
	s30 =	sadd.s32 $0x2400, s30;
	[tilespmem:s26+$0x360 ss:$0x9] =	vst.msk $0xffff, v7;
	v6 =	vld [tilespmem:s28+$0x40]  }
0x51: {  	[tilespmem:s26+$0x3F0 ss:$0x9] =	vst.msk $0xffff, v5  }
0x52: {  	v47 =	vld [tilespmem:s28+$0x50];
	[tilespmem:s26+$0x510 ss:$0x9] =	vst.msk $0xffff, v4  }
0x53: {  	s30 =	sadd.s32 s31, s23;
	v48 =	vld [tilespmem:s28+$0x60];
	s31 =	sadd.s32 $0x80, s28;
	[tilespmem:s26+$0x5A0 ss:$0x9] =	vst.msk $0xffff, v3  }
0x54: {  	v49 =	vld [tilespmem:s31+$0xFFFFFBF0];
	[tilespmem:s26+$0x630 ss:$0x9] =	vst.msk $0xffff, v1  }
0x55: {  	v50 =	vld [tilespmem:s31+$0xFFFFFC00];
	[tilespmem:s26+$0x6C0 ss:$0x9] =	vst.msk $0xffff, v2  }
0x56: {  	v51 =	vld [tilespmem:s31+$0xFFFFFC10];
	[tilespmem:s26+$0x750 ss:$0x9] =	vst.msk $0xffff, v6  }
0x57: {  	s27 =	sshra.s32 s27, $0x2;
	v52 =	vld [tilespmem:s31+$0xFFFFFC20];
	[tilespmem:s26+$0x7E0 ss:$0x9] =	vst.msk $0xffff, v47  }
0x58: {  	s27 =	sadd.s32 s27, s21;
	v53 =	vld [tilespmem:s31+$0xFFFFFC30];
	[tilespmem:s26+$0x870 ss:$0x9] =	vst.msk $0xffff, v48  }
0x59: {  	v54 =	vld [tilespmem:s31+$0xFFFFFC40];
	[tilespmem:s27+$0x0 ss:$0x9] =	vst.msk $0xffff, v49  }
0x5a: {  	v55 =	vld [tilespmem:s31+$0xFFFFFC50];
	[tilespmem:s27+$0x90 ss:$0x9] =	vst.msk $0xffff, v50  }
0x5b: {  	v56 =	vld [tilespmem:s31+$0xFFFFFC60];
	[tilespmem:s27+$0x120 ss:$0x9] =	vst.msk $0xffff, v51  }
0x5c: {  	v57 =	vld [tilespmem:s31+$0x0];
	[tilespmem:s27+$0x1B0 ss:$0x9] =	vst.msk $0xffff, v52  }
0x5d: {  	v58 =	vld [tilespmem:s31+$0x10];
	[tilespmem:s27+$0x240 ss:$0x9] =	vst.msk $0xffff, v53  }
0x5e: {  	v59 =	vld [tilespmem:s31+$0x20];
	[tilespmem:s27+$0x2D0 ss:$0x9] =	vst.msk $0xffff, v54  }
0x5f: {  	v60 =	vld [tilespmem:s31+$0x30];
	[tilespmem:s27+$0x360 ss:$0x9] =	vst.msk $0xffff, v55  }
0x60: {  	v61 =	vld [tilespmem:s31+$0x40];
	[tilespmem:s27+$0x3F0 ss:$0x9] =	vst.msk $0xffff, v56  }
0x61: {  	s5 =	sand.u32 $0x80, s29;
	v62 =	vld [tilespmem:s31+$0x50];
	[tilespmem:s27+$0x510 ss:$0x9] =	vst.msk $0xffff, v57  }
0x62: {  	s25 =	sadd.s32 $0x1, s25;
	s5 =	sadd.s32 s5, s30;
	v63 =	vld [tilespmem:s31+$0x60];
	[tilespmem:s27+$0x5A0 ss:$0x9] =	vst.msk $0xffff, v58  }
0x63: {  	p1 =	sne.s32 s25, $0x8;
	v0 =	vld.idx.msk [tilespmem:v0+s5+$0x400 ss:$0x1], $0xffff;
	[tilespmem:s27+$0x630 ss:$0x9] =	vst.msk $0xffff, v59  }
.Ltmp4:
0x64: {  	[tilespmem:s27+$0x6C0 ss:$0x9] =	vst.msk $0xffff, v60;
	(pc) =	sbr.rel @p1 .LBB1_3-.Ltmp4, $4  }
0x65: {  	[tilespmem:s27+$0x750 ss:$0x9] =	vst.msk $0xffff, v61  }
0x66: {  	[tilespmem:s27+$0x7E0 ss:$0x9] =	vst.msk $0xffff, v62  }
0x67: {  	[tilespmem:s27+$0x870 ss:$0x9] =	vst.msk $0xffff, v63  }
0x68: {  	s22 =	sadd.s32 $0x800, s22;
	s21 =	sadd.s32 $0x1, s21;
	[tilespmem:s27+$0x480 ss:$0x9] =	vst.msk $0xffff, v0  }
0x69: {  	s5 =	smul.u32 $0x300000, s19;
	_ =	sdelay $0x1  }
0x6a: {  	s18 =	sshll.u32 s18, $0x14;
	s28 =	sand.u32 $0xF80, s17;
	s5 =	sadd.s32 s8, s5  }
.Ltmp5:
0x6b: {  	s16 =	sshll.u32 s16, $0xC;
	s5 =	sadd.s32 s18, s5;
	(pc) =	sbr.rel .LBB1_7-.Ltmp5, $4  }
0x6c: {  	s29 =	sshrl.u32 s17, $0x3;
	s30 =	sand.u32 $0x7, s17;
	s5 =	sadd.s32 s28, s5  }
0x6d: {  	s31 =	sshll.u32 s30, $0x12;
	s18 =	sand.u32 $0xF, s29;
	s5 =	sadd.s32 s16, s5  }
0x6e: {  	s16 =	sor.u32 $0x8, s31;
	s5 =	sadd.s32 s18, s5  }
0x6f: {  	[hbm4b:s5+s16] =	stream.strided.scatter [tilespmem:s20], [sflag:$0x2], $0x4000, s10, s16, $0x0;
	[tilespmem:$0x11000] =	vst v63  }
.LBB1_8:
0x70: {  	_ =	sfence.sel $0x180000  }
0x71: {  	s1 =	simm.s32 $0x1;
	[bflag:$0x0] =	sbarrier.arrive $0xFFFF  }
0x72: {  	s31 =	simm.s32 $0x2;
	[sflag:s1] =	ssyncpa.u1 $0x1  }
0x73: {  	[sflag:s31] =	ssyncpa.u1 $0x1  }
0x74: {  	_ =	strace $0x90000047  }
0x75: {  	[bflag:$0x2] =	sbarrier.arrive $0xFFFF  }
0x76: {  	p0 =	sne.s32 s0, $0x0;
	s0 =	rddreg [dreg:$0x2]  }
0x77: {  	s0 =	sadd.s32 @!p0 $0x100000, s0  }
0x78: {  	[sflag:s0] =	ssyncadd.tile.s32 @!p0 $0x1;
	_ =	shalt  }
.Lfunc_end1:
_tile_overlayer_lowered:
.L_overlay_start_2:
0x79: {  	(tag) =	ssettag $0x2  }
0x7a: {  	s0 =	rddreg [dreg:$0x0];
	s2 =	stileid.u32  }
0x7b: {  	s1 =	rddreg [dreg:$0x1];
	p0 =	sne.s32 s2, $0x0  }
0x7c: {  	s3 =	rddreg [dreg:$0x2];
	[bflag:$0x3] =	sbarrier.arrive $0xFFFF;
	s2 =	simm.s32 @!p0 $0x1C01  }
0x7d: {  	[timem:s3], [sflag:s2] =	dma.local @!p0 [hbm:s0], s1  }
0x7e: {  	s0 =	simm.s32 @!p0 $0x1  }
0x7f: {  	_ =	swait.ge @!p0 [sflag:s0], s1  }
0x80: {  	s1 =	ssub.s32 @!p0 $0x0, s1;
	[sflag:s0] =	ssyncset.done @!p0 $0x0  }
0x81: {  	[sflag:s0] =	ssyncadd.s32 @!p0 s1  }
0x82: {  	[bflag:$0x3] =	sbarrier.arrive $0xFFFF  }
0x83: {  	_ =	shalt  }

</sc_bundles>
